<compile_context>
chip_gen: v7x
topology: tpu7x:2x2x1
jax: 0.10.2.dev20260603
libtpu: 0.0.44.dev20260713+nightly
codegen_flags: <defaults>
</compile_context>

<pallas_src>
import functools

import jax
import jax.numpy as jnp
from jax import lax
from jax.experimental import pallas as pl
from jax.experimental.pallas import tpu as pltpu
from jax.experimental.pallas import tpu_sc as plsc

B = 4096
D = 768
E = 8
D_ADAPT = 256
D_PROJ = 1024

BLK = 1024


def _logits_body(x_ref, Wr_ref, br_ref, out_ref):
    lg = (jnp.dot(x_ref[...], Wr_ref[...],
                  preferred_element_type=jnp.float32) + br_ref[...])
    out_ref[...] = lg.T


def _router_logits(x, W_router, b_router):
    return pl.pallas_call(
        _logits_body,
        grid=(4,),
        in_specs=[
            pl.BlockSpec((B // 4, D), lambda i: (i, 0)),
            pl.BlockSpec((D, E), lambda i: (0, 0)),
            pl.BlockSpec((1, E), lambda i: (0, 0)),
        ],
        out_specs=pl.BlockSpec((E, B // 4), lambda i: (0, i)),
        out_shape=jax.ShapeDtypeStruct((E, B), jnp.float32),
    )(x, W_router, b_router.reshape(1, E))


_NW = 32
_TOK_W = B // _NW
_GRP = _TOK_W // 16


def _route_body(logits_hbm, w_hbm, l_v, w_v):
    wid = lax.axis_index("s") * 2 + lax.axis_index("c")
    base = wid * _TOK_W
    for e in range(E):
        pltpu.sync_copy(logits_hbm.at[e, pl.ds(base, _TOK_W)],
                        l_v.at[e, :])
    i16 = jnp.int32
    for g in range(_GRP):
        sl = pl.ds(g * 16, 16)
        p = [l_v[e, sl] for e in range(E)]
        m = p[0]
        for e in range(1, E):
            m = jnp.maximum(m, p[e])
        p = [jnp.exp(v - m) for v in p]
        s = p[0]
        for e in range(1, E):
            s = s + p[e]
        p = [v / s for v in p]
        t1 = p[0]
        for e in range(1, E):
            t1 = jnp.maximum(t1, p[e])
        i1 = jnp.full((16,), E, dtype=i16)
        for e in range(E - 1, -1, -1):
            i1 = jnp.where(p[e] == t1, jnp.full((16,), e, dtype=i16), i1)
        neg = jnp.full((16,), jnp.float32(-3.0e38))
        p2 = [jnp.where(i1 == jnp.full((16,), e, dtype=i16), neg, p[e])
              for e in range(E)]
        t2 = p2[0]
        for e in range(1, E):
            t2 = jnp.maximum(t2, p2[e])
        i2 = jnp.full((16,), E, dtype=i16)
        for e in range(E - 1, -1, -1):
            i2 = jnp.where(p2[e] == t2, jnp.full((16,), e, dtype=i16), i2)
        zero = jnp.zeros((16,), jnp.float32)
        ev = [jnp.full((16,), e, dtype=i16) for e in range(E)]
        wv = [jnp.where((i1 == ev[e]) | (i2 == ev[e]), p[e], zero)
              for e in range(E)]
        s2 = wv[0]
        for e in range(1, E):
            s2 = s2 + wv[e]
        s2 = s2 + jnp.full((16,), jnp.float32(1e-9))
        for e in range(E):
            w_v[e, sl] = wv[e] / s2
    for e in range(E):
        pltpu.sync_copy(w_v.at[e, :],
                        w_hbm.at[e, pl.ds(base, _TOK_W)])


def _route_weights(logitsT):
    mesh = plsc.VectorSubcoreMesh(core_axis_name="c", subcore_axis_name="s")
    k = functools.partial(
        pl.kernel,
        mesh=mesh,
        out_type=jax.ShapeDtypeStruct((E, B), jnp.float32),
        scratch_types=[
            pltpu.VMEM((E, _TOK_W), jnp.float32),
            pltpu.VMEM((E, _TOK_W), jnp.float32),
        ],
    )(_route_body)
    return k(logitsT)


def _main_body(x_ref, wT_ref, We1_ref, be1_ref, We2_ref, be2_ref,
               Wp1_ref, bp1_ref, lng_ref, lnb_ref, Wp2_ref, bp2_ref, out_ref):
    f32 = jnp.float32
    x = x_ref[...]
    w = wT_ref[...].T
    sw = jnp.sum(w, axis=-1, keepdims=True)

    acc = jnp.zeros((BLK, D), dtype=f32)
    for e in range(E):
        h = jnp.dot(x, We1_ref[e], preferred_element_type=f32) + be1_ref[e]
        h = jnp.maximum(h, 0.0)
        eo = jnp.dot(h, We2_ref[e], preferred_element_type=f32) + be2_ref[e]
        acc = acc + w[:, e:e + 1] * eo
    fused = acc + sw * x

    p = jnp.dot(fused, Wp1_ref[...], preferred_element_type=f32) + bp1_ref[...]
    mu = jnp.mean(p, axis=-1, keepdims=True)
    var = jnp.mean((p - mu) ** 2, axis=-1, keepdims=True)
    p = (p - mu) / jnp.sqrt(var + 1e-5) * lng_ref[...] + lnb_ref[...]
    p = jnp.maximum(p, 0.0)
    out_ref[...] = (jnp.dot(p, Wp2_ref[...], preferred_element_type=f32)
                    + bp2_ref[...])


@jax.jit
def kernel(x, W_router, b_router, W_e1, b_e1, W_e2, b_e2,
           W_p1, b_p1, ln_g, ln_b, W_p2, b_p2):
    logitsT = _router_logits(x, W_router, b_router)
    wT = _route_weights(logitsT)

    grid = (B // BLK,)
    fixed = lambda shape: pl.BlockSpec(shape, lambda i: (0,) * len(shape))
    return pl.pallas_call(
        _main_body,
        grid=grid,
        in_specs=[
            pl.BlockSpec((BLK, D), lambda i: (i, 0)),
            pl.BlockSpec((E, BLK), lambda i: (0, i)),
            fixed((E, D, D_ADAPT)),
            fixed((E, 1, D_ADAPT)),
            fixed((E, D_ADAPT, D)),
            fixed((E, 1, D)),
            fixed((D, D_PROJ)),
            fixed((1, D_PROJ)),
            fixed((1, D_PROJ)),
            fixed((1, D_PROJ)),
            fixed((D_PROJ, D)),
            fixed((1, D)),
        ],
        out_specs=pl.BlockSpec((BLK, D), lambda i: (i, 0)),
        out_shape=jax.ShapeDtypeStruct((B, D), jnp.float32),
        compiler_params=pltpu.CompilerParams(
            dimension_semantics=("parallel",),
        ),
    )(x, wT,
      W_e1, b_e1.reshape(E, 1, D_ADAPT), W_e2, b_e2.reshape(E, 1, D),
      W_p1, b_p1.reshape(1, D_PROJ), ln_g.reshape(1, D_PROJ),
      ln_b.reshape(1, D_PROJ), W_p2, b_p2.reshape(1, D))

# --- scband reference (transcript-rebuilt; emitter-appended) ---
"""Pipeline reference for scband-dynamic-embedding-model-40501541601674 (READ-ONLY COPY).

The authoritative reference and input builder live on the scoring server;
editing this copy changes nothing except your own understanding.
"""

import jax, jax.numpy as jnp
import numpy as np

B = 4096
D = 768
E = 8
TOP_K = 2
D_ADAPT = 256
D_PROJ = 1024

def setup_inputs(seed: int = 0) -> dict:
    key = jax.random.key(seed)
    ks = jax.random.split(key, 12)
    x = jax.random.normal(ks[0], (B, D), dtype=jnp.float32)
    W_router = jax.random.normal(ks[1], (D, E), dtype=jnp.float32) * (1.0 / np.sqrt(D))
    b_router = jnp.zeros((E,), dtype=jnp.float32)
    W_e1 = jax.random.normal(ks[2], (E, D, D_ADAPT), dtype=jnp.float32) * (1.0 / np.sqrt(D))
    b_e1 = jnp.zeros((E, D_ADAPT), dtype=jnp.float32)
    W_e2 = jax.random.normal(ks[3], (E, D_ADAPT, D), dtype=jnp.float32) * (1.0 / np.sqrt(D_ADAPT))
    b_e2 = jnp.zeros((E, D), dtype=jnp.float32)
    W_p1 = jax.random.normal(ks[4], (D, D_PROJ), dtype=jnp.float32) * (1.0 / np.sqrt(D))
    b_p1 = jnp.zeros((D_PROJ,), dtype=jnp.float32)
    ln_g = jnp.ones((D_PROJ,), dtype=jnp.float32)
    ln_b = jnp.zeros((D_PROJ,), dtype=jnp.float32)
    W_p2 = jax.random.normal(ks[5], (D_PROJ, D), dtype=jnp.float32) * (1.0 / np.sqrt(D_PROJ))
    b_p2 = jnp.zeros((D,), dtype=jnp.float32)
    return {"x": x, "W_router": W_router, "b_router": b_router,
            "W_e1": W_e1, "b_e1": b_e1, "W_e2": W_e2, "b_e2": b_e2,
            "W_p1": W_p1, "b_p1": b_p1, "ln_g": ln_g, "ln_b": ln_b,
            "W_p2": W_p2, "b_p2": b_p2}

def _layernorm(h, g, b, eps=1e-5):
    mu = jnp.mean(h, axis=-1, keepdims=True)
    var = jnp.mean((h - mu) ** 2, axis=-1, keepdims=True)
    return (h - mu) / jnp.sqrt(var + eps) * g + b

def reference(x, W_router, b_router, W_e1, b_e1, W_e2, b_e2, W_p1, b_p1, ln_g, ln_b, W_p2, b_p2):
    # LearnedMoERouter: softmax over experts, top-k mask, renormalize
    logits = x @ W_router + b_router                      # [B, E]
    probs = jax.nn.softmax(logits, axis=-1)
    top_v, top_i = jax.lax.top_k(probs, TOP_K)            # [B, K]
    mask = jnp.sum(jax.nn.one_hot(top_i, E, dtype=probs.dtype), axis=1)  # [B, E]
    routing_weights = probs * mask
    routing_weights = routing_weights / (jnp.sum(routing_weights, axis=-1, keepdims=True) + 1e-9)
    # ExpertPool: each expert is a bottleneck adapter with residual connection
    h = jnp.einsum('bd,edh->ebh', x, W_e1) + b_e1[:, None, :]   # [E, B, D_ADAPT]
    h = jax.nn.relu(h)
    expert_out = jnp.einsum('ebh,ehd->ebd', h, W_e2) + b_e2[:, None, :]  # [E, B, D]
    expert_out = expert_out + x[None, :, :]
    # HierarchicalAdapterFusion: routing-weighted combination of expert embeddings
    fused = jnp.einsum('be,ebd->bd', routing_weights, expert_out)        # [B, D]
    # output_projection: Linear -> LayerNorm -> ReLU -> (Dropout=id in eval) -> Linear
    p = fused @ W_p1 + b_p1
    p = _layernorm(p, ln_g, ln_b)
    p = jax.nn.relu(p)
    out = p @ W_p2 + b_p2                                  # [B, D]
    return out

if __name__ == "__main__":
    import jax
    _d = setup_inputs()
    print(jax.jit(kernel)(*tuple(_d.values())))

</pallas_src>

<mosaic_0001>
#map = affine_map<(d0, d1) -> (0, 0)>
module attributes {stable_mosaic.version = 14 : i64} {
  func.func @_route_body(%arg0: i32, %arg1: i32, %arg2: memref<8x4096xf32, #tpu.memory_space<hbm>>, %arg3: memref<8x4096xf32, #tpu.memory_space<hbm>>, %arg4: memref<8x128xf32, #tpu.memory_space<vmem>>, %arg5: memref<8x128xf32, #tpu.memory_space<vmem>>) attributes {dimension_semantics = [#tpu.dimension_semantics<core_parallel>, #tpu.dimension_semantics<subcore_parallel>], iteration_bounds = array<i64: 2, 16>, scalar_prefetch = 0 : i64, scratch_operands = 2 : i64, tpu.core_type = #tpu.core_type<sc_vector_subcore>, window_params = [{transform_indices = #map}, {transform_indices = #map}]} {
    %mul3A = arith.constant 2 : i32
    %mul3A_0 = arith.muli %arg1, %mul3A : i32
    %add3A = arith.addi %mul3A_0, %arg0 : i32
    %mul3A_1 = arith.constant 128 : i32
    %mul3A_2 = arith.muli %add3A, %mul3A_1 : i32
    %run_scoped3A = arith.constant 0 : i32
    %run_scoped3A_3 = arith.constant 0 : i32
    "tpu.region"() ({
      %run_scoped3A_2504 = tpu.sem_alloc : memref<!tpu.dma_semaphore, #tpu.memory_space<semaphore_mem>>
      %dma_start3A = arith.constant 0 : i32
      %dma_start3A_2505 = tpu.memref_slice %arg4[%run_scoped3A_3, %dma_start3A] : memref<8x128xf32, #tpu.memory_space<vmem>> -> memref<1x128xf32, #tpu.memory_space<vmem>>
      %dma_start3A_2506 = tpu.memref_squeeze %dma_start3A_2505 : memref<1x128xf32, #tpu.memory_space<vmem>> -> memref<128xf32, #tpu.memory_space<vmem>>
      %dma_start3A_2507 = tpu.memref_slice %arg2[%run_scoped3A, %mul3A_2] : memref<8x4096xf32, #tpu.memory_space<hbm>> -> memref<1x128xf32, #tpu.memory_space<hbm>>
      %dma_start3A_2508 = tpu.memref_squeeze %dma_start3A_2507 : memref<1x128xf32, #tpu.memory_space<hbm>> -> memref<128xf32, #tpu.memory_space<hbm>>
      %dma_start3A_2509 = arith.constant 0 : i32
      %dma_start3A_2510 = tpu.memref_slice %arg4[%run_scoped3A_3, %dma_start3A_2509] : memref<8x128xf32, #tpu.memory_space<vmem>> -> memref<1x128xf32, #tpu.memory_space<vmem>>
      %dma_start3A_2511 = tpu.memref_squeeze %dma_start3A_2510 : memref<1x128xf32, #tpu.memory_space<vmem>> -> memref<128xf32, #tpu.memory_space<vmem>>
      %dma_start3A_2512 = tpu.memref_slice %arg2[%run_scoped3A, %mul3A_2] : memref<8x4096xf32, #tpu.memory_space<hbm>> -> memref<1x128xf32, #tpu.memory_space<hbm>>
      %dma_start3A_2513 = tpu.memref_squeeze %dma_start3A_2512 : memref<1x128xf32, #tpu.memory_space<hbm>> -> memref<128xf32, #tpu.memory_space<hbm>>
      tpu.enqueue_dma source(%dma_start3A_2513 : memref<128xf32, #tpu.memory_space<hbm>>) target(%dma_start3A_2511 : memref<128xf32, #tpu.memory_space<vmem>>) target_semaphore(%run_scoped3A_2504 : memref<!tpu.dma_semaphore, #tpu.memory_space<semaphore_mem>>)
      %dma_wait3A = arith.constant 0 : i32
      %dma_wait3A_2514 = tpu.memref_slice %arg4[%run_scoped3A_3, %dma_wait3A] : memref<8x128xf32, #tpu.memory_space<vmem>> -> memref<1x128xf32, #tpu.memory_space<vmem>>
      %dma_wait3A_2515 = tpu.memref_squeeze %dma_wait3A_2514 : memref<1x128xf32, #tpu.memory_space<vmem>> -> memref<128xf32, #tpu.memory_space<vmem>>
      %dma_wait3A_2516 = tpu.memref_slice %arg2[%run_scoped3A, %mul3A_2] : memref<8x4096xf32, #tpu.memory_space<hbm>> -> memref<1x128xf32, #tpu.memory_space<hbm>>
      %dma_wait3A_2517 = tpu.memref_squeeze %dma_wait3A_2516 : memref<1x128xf32, #tpu.memory_space<hbm>> -> memref<128xf32, #tpu.memory_space<hbm>>
      %dma_wait3A_2518 = arith.constant 0 : i32
      %dma_wait3A_2519 = tpu.memref_slice %arg4[%run_scoped3A_3, %dma_wait3A_2518] : memref<8x128xf32, #tpu.memory_space<vmem>> -> memref<1x128xf32, #tpu.memory_space<vmem>>
      %dma_wait3A_2520 = tpu.memref_squeeze %dma_wait3A_2519 : memref<1x128xf32, #tpu.memory_space<vmem>> -> memref<128xf32, #tpu.memory_space<vmem>>
      %dma_wait3A_2521 = tpu.memref_slice %arg2[%run_scoped3A, %mul3A_2] : memref<8x4096xf32, #tpu.memory_space<hbm>> -> memref<1x128xf32, #tpu.memory_space<hbm>>
      %dma_wait3A_2522 = tpu.memref_squeeze %dma_wait3A_2521 : memref<1x128xf32, #tpu.memory_space<hbm>> -> memref<128xf32, #tpu.memory_space<hbm>>
      tpu.wait_dma2 semaphore(%run_scoped3A_2504 : memref<!tpu.dma_semaphore, #tpu.memory_space<semaphore_mem>>) src(%dma_wait3A_2522 : memref<128xf32, #tpu.memory_space<hbm>>) dst(%dma_wait3A_2520 : memref<128xf32, #tpu.memory_space<vmem>>)
      tpu.yield
    }) : () -> ()
    %run_scoped3A_4 = arith.constant 1 : i32
    %run_scoped3A_5 = arith.constant 1 : i32
    "tpu.region"() ({
      %run_scoped3A_2504 = tpu.sem_alloc : memref<!tpu.dma_semaphore, #tpu.memory_space<semaphore_mem>>
      %dma_start3A = arith.constant 0 : i32
      %dma_start3A_2505 = tpu.memref_slice %arg4[%run_scoped3A_5, %dma_start3A] : memref<8x128xf32, #tpu.memory_space<vmem>> -> memref<1x128xf32, #tpu.memory_space<vmem>>
      %dma_start3A_2506 = tpu.memref_squeeze %dma_start3A_2505 : memref<1x128xf32, #tpu.memory_space<vmem>> -> memref<128xf32, #tpu.memory_space<vmem>>
      %dma_start3A_2507 = tpu.memref_slice %arg2[%run_scoped3A_4, %mul3A_2] : memref<8x4096xf32, #tpu.memory_space<hbm>> -> memref<1x128xf32, #tpu.memory_space<hbm>>
      %dma_start3A_2508 = tpu.memref_squeeze %dma_start3A_2507 : memref<1x128xf32, #tpu.memory_space<hbm>> -> memref<128xf32, #tpu.memory_space<hbm>>
      %dma_start3A_2509 = arith.constant 0 : i32
      %dma_start3A_2510 = tpu.memref_slice %arg4[%run_scoped3A_5, %dma_start3A_2509] : memref<8x128xf32, #tpu.memory_space<vmem>> -> memref<1x128xf32, #tpu.memory_space<vmem>>
      %dma_start3A_2511 = tpu.memref_squeeze %dma_start3A_2510 : memref<1x128xf32, #tpu.memory_space<vmem>> -> memref<128xf32, #tpu.memory_space<vmem>>
      %dma_start3A_2512 = tpu.memref_slice %arg2[%run_scoped3A_4, %mul3A_2] : memref<8x4096xf32, #tpu.memory_space<hbm>> -> memref<1x128xf32, #tpu.memory_space<hbm>>
      %dma_start3A_2513 = tpu.memref_squeeze %dma_start3A_2512 : memref<1x128xf32, #tpu.memory_space<hbm>> -> memref<128xf32, #tpu.memory_space<hbm>>
      tpu.enqueue_dma source(%dma_start3A_2513 : memref<128xf32, #tpu.memory_space<hbm>>) target(%dma_start3A_2511 : memref<128xf32, #tpu.memory_space<vmem>>) target_semaphore(%run_scoped3A_2504 : memref<!tpu.dma_semaphore, #tpu.memory_space<semaphore_mem>>)
      %dma_wait3A = arith.constant 0 : i32
      %dma_wait3A_2514 = tpu.memref_slice %arg4[%run_scoped3A_5, %dma_wait3A] : memref<8x128xf32, #tpu.memory_space<vmem>> -> memref<1x128xf32, #tpu.memory_space<vmem>>
      %dma_wait3A_2515 = tpu.memref_squeeze %dma_wait3A_2514 : memref<1x128xf32, #tpu.memory_space<vmem>> -> memref<128xf32, #tpu.memory_space<vmem>>
      %dma_wait3A_2516 = tpu.memref_slice %arg2[%run_scoped3A_4, %mul3A_2] : memref<8x4096xf32, #tpu.memory_space<hbm>> -> memref<1x128xf32, #tpu.memory_space<hbm>>
      %dma_wait3A_2517 = tpu.memref_squeeze %dma_wait3A_2516 : memref<1x128xf32, #tpu.memory_space<hbm>> -> memref<128xf32, #tpu.memory_space<hbm>>
      %dma_wait3A_2518 = arith.constant 0 : i32
      %dma_wait3A_2519 = tpu.memref_slice %arg4[%run_scoped3A_5, %dma_wait3A_2518] : memref<8x128xf32, #tpu.memory_space<vmem>> -> memref<1x128xf32, #tpu.memory_space<vmem>>
      %dma_wait3A_2520 = tpu.memref_squeeze %dma_wait3A_2519 : memref<1x128xf32, #tpu.memory_space<vmem>> -> memref<128xf32, #tpu.memory_space<vmem>>
      %dma_wait3A_2521 = tpu.memref_slice %arg2[%run_scoped3A_4, %mul3A_2] : memref<8x4096xf32, #tpu.memory_space<hbm>> -> memref<1x128xf32, #tpu.memory_space<hbm>>
      %dma_wait3A_2522 = tpu.memref_squeeze %dma_wait3A_2521 : memref<1x128xf32, #tpu.memory_space<hbm>> -> memref<128xf32, #tpu.memory_space<hbm>>
      tpu.wait_dma2 semaphore(%run_scoped3A_2504 : memref<!tpu.dma_semaphore, #tpu.memory_space<semaphore_mem>>) src(%dma_wait3A_2522 : memref<128xf32, #tpu.memory_space<hbm>>) dst(%dma_wait3A_2520 : memref<128xf32, #tpu.memory_space<vmem>>)
      tpu.yield
    }) : () -> ()
    %run_scoped3A_6 = arith.constant 2 : i32
    %run_scoped3A_7 = arith.constant 2 : i32
    "tpu.region"() ({
      %run_scoped3A_2504 = tpu.sem_alloc : memref<!tpu.dma_semaphore, #tpu.memory_space<semaphore_mem>>
      %dma_start3A = arith.constant 0 : i32
      %dma_start3A_2505 = tpu.memref_slice %arg4[%run_scoped3A_7, %dma_start3A] : memref<8x128xf32, #tpu.memory_space<vmem>> -> memref<1x128xf32, #tpu.memory_space<vmem>>
      %dma_start3A_2506 = tpu.memref_squeeze %dma_start3A_2505 : memref<1x128xf32, #tpu.memory_space<vmem>> -> memref<128xf32, #tpu.memory_space<vmem>>
      %dma_start3A_2507 = tpu.memref_slice %arg2[%run_scoped3A_6, %mul3A_2] : memref<8x4096xf32, #tpu.memory_space<hbm>> -> memref<1x128xf32, #tpu.memory_space<hbm>>
      %dma_start3A_2508 = tpu.memref_squeeze %dma_start3A_2507 : memref<1x128xf32, #tpu.memory_space<hbm>> -> memref<128xf32, #tpu.memory_space<hbm>>
      %dma_start3A_2509 = arith.constant 0 : i32
      %dma_start3A_2510 = tpu.memref_slice %arg4[%run_scoped3A_7, %dma_start3A_2509] : memref<8x128xf32, #tpu.memory_space<vmem>> -> memref<1x128xf32, #tpu.memory_space<vmem>>
      %dma_start3A_2511 = tpu.memref_squeeze %dma_start3A_2510 : memref<1x128xf32, #tpu.memory_space<vmem>> -> memref<128xf32, #tpu.memory_space<vmem>>
      %dma_start3A_2512 = tpu.memref_slice %arg2[%run_scoped3A_6, %mul3A_2] : memref<8x4096xf32, #tpu.memory_space<hbm>> -> memref<1x128xf32, #tpu.memory_space<hbm>>
      %dma_start3A_2513 = tpu.memref_squeeze %dma_start3A_2512 : memref<1x128xf32, #tpu.memory_space<hbm>> -> memref<128xf32, #tpu.memory_space<hbm>>
      tpu.enqueue_dma source(%dma_start3A_2513 : memref<128xf32, #tpu.memory_space<hbm>>) target(%dma_start3A_2511 : memref<128xf32, #tpu.memory_space<vmem>>) target_semaphore(%run_scoped3A_2504 : memref<!tpu.dma_semaphore, #tpu.memory_space<semaphore_mem>>)
      %dma_wait3A = arith.constant 0 : i32
      %dma_wait3A_2514 = tpu.memref_slice %arg4[%run_scoped3A_7, %dma_wait3A] : memref<8x128xf32, #tpu.memory_space<vmem>> -> memref<1x128xf32, #tpu.memory_space<vmem>>
      %dma_wait3A_2515 = tpu.memref_squeeze %dma_wait3A_2514 : memref<1x128xf32, #tpu.memory_space<vmem>> -> memref<128xf32, #tpu.memory_space<vmem>>
      %dma_wait3A_2516 = tpu.memref_slice %arg2[%run_scoped3A_6, %mul3A_2] : memref<8x4096xf32, #tpu.memory_space<hbm>> -> memref<1x128xf32, #tpu.memory_space<hbm>>
      %dma_wait3A_2517 = tpu.memref_squeeze %dma_wait3A_2516 : memref<1x128xf32, #tpu.memory_space<hbm>> -> memref<128xf32, #tpu.memory_space<hbm>>
      %dma_wait3A_2518 = arith.constant 0 : i32
      %dma_wait3A_2519 = tpu.memref_slice %arg4[%run_scoped3A_7, %dma_wait3A_2518] : memref<8x128xf32, #tpu.memory_space<vmem>> -> memref<1x128xf32, #tpu.memory_space<vmem>>
      %dma_wait3A_2520 = tpu.memref_squeeze %dma_wait3A_2519 : memref<1x128xf32, #tpu.memory_space<vmem>> -> memref<128xf32, #tpu.memory_space<vmem>>
      %dma_wait3A_2521 = tpu.memref_slice %arg2[%run_scoped3A_6, %mul3A_2] : memref<8x4096xf32, #tpu.memory_space<hbm>> -> memref<1x128xf32, #tpu.memory_space<hbm>>
      %dma_wait3A_2522 = tpu.memref_squeeze %dma_wait3A_2521 : memref<1x128xf32, #tpu.memory_space<hbm>> -> memref<128xf32, #tpu.memory_space<hbm>>
      tpu.wait_dma2 semaphore(%run_scoped3A_2504 : memref<!tpu.dma_semaphore, #tpu.memory_space<semaphore_mem>>) src(%dma_wait3A_2522 : memref<128xf32, #tpu.memory_space<hbm>>) dst(%dma_wait3A_2520 : memref<128xf32, #tpu.memory_space<vmem>>)
      tpu.yield
    }) : () -> ()
    %run_scoped3A_8 = arith.constant 3 : i32
    %run_scoped3A_9 = arith.constant 3 : i32
    "tpu.region"() ({
      %run_scoped3A_2504 = tpu.sem_alloc : memref<!tpu.dma_semaphore, #tpu.memory_space<semaphore_mem>>
      %dma_start3A = arith.constant 0 : i32
      %dma_start3A_2505 = tpu.memref_slice %arg4[%run_scoped3A_9, %dma_start3A] : memref<8x128xf32, #tpu.memory_space<vmem>> -> memref<1x128xf32, #tpu.memory_space<vmem>>
      %dma_start3A_2506 = tpu.memref_squeeze %dma_start3A_2505 : memref<1x128xf32, #tpu.memory_space<vmem>> -> memref<128xf32, #tpu.memory_space<vmem>>
      %dma_start3A_2507 = tpu.memref_slice %arg2[%run_scoped3A_8, %mul3A_2] : memref<8x4096xf32, #tpu.memory_space<hbm>> -> memref<1x128xf32, #tpu.memory_space<hbm>>
      %dma_start3A_2508 = tpu.memref_squeeze %dma_start3A_2507 : memref<1x128xf32, #tpu.memory_space<hbm>> -> memref<128xf32, #tpu.memory_space<hbm>>
      %dma_start3A_2509 = arith.constant 0 : i32
      %dma_start3A_2510 = tpu.memref_slice %arg4[%run_scoped3A_9, %dma_start3A_2509] : memref<8x128xf32, #tpu.memory_space<vmem>> -> memref<1x128xf32, #tpu.memory_space<vmem>>
      %dma_start3A_2511 = tpu.memref_squeeze %dma_start3A_2510 : memref<1x128xf32, #tpu.memory_space<vmem>> -> memref<128xf32, #tpu.memory_space<vmem>>
      %dma_start3A_2512 = tpu.memref_slice %arg2[%run_scoped3A_8, %mul3A_2] : memref<8x4096xf32, #tpu.memory_space<hbm>> -> memref<1x128xf32, #tpu.memory_space<hbm>>
      %dma_start3A_2513 = tpu.memref_squeeze %dma_start3A_2512 : memref<1x128xf32, #tpu.memory_space<hbm>> -> memref<128xf32, #tpu.memory_space<hbm>>
      tpu.enqueue_dma source(%dma_start3A_2513 : memref<128xf32, #tpu.memory_space<hbm>>) target(%dma_start3A_2511 : memref<128xf32, #tpu.memory_space<vmem>>) target_semaphore(%run_scoped3A_2504 : memref<!tpu.dma_semaphore, #tpu.memory_space<semaphore_mem>>)
      %dma_wait3A = arith.constant 0 : i32
      %dma_wait3A_2514 = tpu.memref_slice %arg4[%run_scoped3A_9, %dma_wait3A] : memref<8x128xf32, #tpu.memory_space<vmem>> -> memref<1x128xf32, #tpu.memory_space<vmem>>
      %dma_wait3A_2515 = tpu.memref_squeeze %dma_wait3A_2514 : memref<1x128xf32, #tpu.memory_space<vmem>> -> memref<128xf32, #tpu.memory_space<vmem>>
      %dma_wait3A_2516 = tpu.memref_slice %arg2[%run_scoped3A_8, %mul3A_2] : memref<8x4096xf32, #tpu.memory_space<hbm>> -> memref<1x128xf32, #tpu.memory_space<hbm>>
      %dma_wait3A_2517 = tpu.memref_squeeze %dma_wait3A_2516 : memref<1x128xf32, #tpu.memory_space<hbm>> -> memref<128xf32, #tpu.memory_space<hbm>>
      %dma_wait3A_2518 = arith.constant 0 : i32
      %dma_wait3A_2519 = tpu.memref_slice %arg4[%run_scoped3A_9, %dma_wait3A_2518] : memref<8x128xf32, #tpu.memory_space<vmem>> -> memref<1x128xf32, #tpu.memory_space<vmem>>
      %dma_wait3A_2520 = tpu.memref_squeeze %dma_wait3A_2519 : memref<1x128xf32, #tpu.memory_space<vmem>> -> memref<128xf32, #tpu.memory_space<vmem>>
      %dma_wait3A_2521 = tpu.memref_slice %arg2[%run_scoped3A_8, %mul3A_2] : memref<8x4096xf32, #tpu.memory_space<hbm>> -> memref<1x128xf32, #tpu.memory_space<hbm>>
      %dma_wait3A_2522 = tpu.memref_squeeze %dma_wait3A_2521 : memref<1x128xf32, #tpu.memory_space<hbm>> -> memref<128xf32, #tpu.memory_space<hbm>>
      tpu.wait_dma2 semaphore(%run_scoped3A_2504 : memref<!tpu.dma_semaphore, #tpu.memory_space<semaphore_mem>>) src(%dma_wait3A_2522 : memref<128xf32, #tpu.memory_space<hbm>>) dst(%dma_wait3A_2520 : memref<128xf32, #tpu.memory_space<vmem>>)
      tpu.yield
    }) : () -> ()
    %run_scoped3A_10 = arith.constant 4 : i32
    %run_scoped3A_11 = arith.constant 4 : i32
    "tpu.region"() ({
      %run_scoped3A_2504 = tpu.sem_alloc : memref<!tpu.dma_semaphore, #tpu.memory_space<semaphore_mem>>
      %dma_start3A = arith.constant 0 : i32
      %dma_start3A_2505 = tpu.memref_slice %arg4[%run_scoped3A_11, %dma_start3A] : memref<8x128xf32, #tpu.memory_space<vmem>> -> memref<1x128xf32, #tpu.memory_space<vmem>>
      %dma_start3A_2506 = tpu.memref_squeeze %dma_start3A_2505 : memref<1x128xf32, #tpu.memory_space<vmem>> -> memref<128xf32, #tpu.memory_space<vmem>>
      %dma_start3A_2507 = tpu.memref_slice %arg2[%run_scoped3A_10, %mul3A_2] : memref<8x4096xf32, #tpu.memory_space<hbm>> -> memref<1x128xf32, #tpu.memory_space<hbm>>
      %dma_start3A_2508 = tpu.memref_squeeze %dma_start3A_2507 : memref<1x128xf32, #tpu.memory_space<hbm>> -> memref<128xf32, #tpu.memory_space<hbm>>
      %dma_start3A_2509 = arith.constant 0 : i32
      %dma_start3A_2510 = tpu.memref_slice %arg4[%run_scoped3A_11, %dma_start3A_2509] : memref<8x128xf32, #tpu.memory_space<vmem>> -> memref<1x128xf32, #tpu.memory_space<vmem>>
      %dma_start3A_2511 = tpu.memref_squeeze %dma_start3A_2510 : memref<1x128xf32, #tpu.memory_space<vmem>> -> memref<128xf32, #tpu.memory_space<vmem>>
      %dma_start3A_2512 = tpu.memref_slice %arg2[%run_scoped3A_10, %mul3A_2] : memref<8x4096xf32, #tpu.memory_space<hbm>> -> memref<1x128xf32, #tpu.memory_space<hbm>>
      %dma_start3A_2513 = tpu.memref_squeeze %dma_start3A_2512 : memref<1x128xf32, #tpu.memory_space<hbm>> -> memref<128xf32, #tpu.memory_space<hbm>>
      tpu.enqueue_dma source(%dma_start3A_2513 : memref<128xf32, #tpu.memory_space<hbm>>) target(%dma_start3A_2511 : memref<128xf32, #tpu.memory_space<vmem>>) target_semaphore(%run_scoped3A_2504 : memref<!tpu.dma_semaphore, #tpu.memory_space<semaphore_mem>>)
      %dma_wait3A = arith.constant 0 : i32
      %dma_wait3A_2514 = tpu.memref_slice %arg4[%run_scoped3A_11, %dma_wait3A] : memref<8x128xf32, #tpu.memory_space<vmem>> -> memref<1x128xf32, #tpu.memory_space<vmem>>
      %dma_wait3A_2515 = tpu.memref_squeeze %dma_wait3A_2514 : memref<1x128xf32, #tpu.memory_space<vmem>> -> memref<128xf32, #tpu.memory_space<vmem>>
      %dma_wait3A_2516 = tpu.memref_slice %arg2[%run_scoped3A_10, %mul3A_2] : memref<8x4096xf32, #tpu.memory_space<hbm>> -> memref<1x128xf32, #tpu.memory_space<hbm>>
      %dma_wait3A_2517 = tpu.memref_squeeze %dma_wait3A_2516 : memref<1x128xf32, #tpu.memory_space<hbm>> -> memref<128xf32, #tpu.memory_space<hbm>>
      %dma_wait3A_2518 = arith.constant 0 : i32
      %dma_wait3A_2519 = tpu.memref_slice %arg4[%run_scoped3A_11, %dma_wait3A_2518] : memref<8x128xf32, #tpu.memory_space<vmem>> -> memref<1x128xf32, #tpu.memory_space<vmem>>
      %dma_wait3A_2520 = tpu.memref_squeeze %dma_wait3A_2519 : memref<1x128xf32, #tpu.memory_space<vmem>> -> memref<128xf32, #tpu.memory_space<vmem>>
      %dma_wait3A_2521 = tpu.memref_slice %arg2[%run_scoped3A_10, %mul3A_2] : memref<8x4096xf32, #tpu.memory_space<hbm>> -> memref<1x128xf32, #tpu.memory_space<hbm>>
      %dma_wait3A_2522 = tpu.memref_squeeze %dma_wait3A_2521 : memref<1x128xf32, #tpu.memory_space<hbm>> -> memref<128xf32, #tpu.memory_space<hbm>>
      tpu.wait_dma2 semaphore(%run_scoped3A_2504 : memref<!tpu.dma_semaphore, #tpu.memory_space<semaphore_mem>>) src(%dma_wait3A_2522 : memref<128xf32, #tpu.memory_space<hbm>>) dst(%dma_wait3A_2520 : memref<128xf32, #tpu.memory_space<vmem>>)
      tpu.yield
    }) : () -> ()
    %run_scoped3A_12 = arith.constant 5 : i32
    %run_scoped3A_13 = arith.constant 5 : i32
    "tpu.region"() ({
      %run_scoped3A_2504 = tpu.sem_alloc : memref<!tpu.dma_semaphore, #tpu.memory_space<semaphore_mem>>
      %dma_start3A = arith.constant 0 : i32
      %dma_start3A_2505 = tpu.memref_slice %arg4[%run_scoped3A_13, %dma_start3A] : memref<8x128xf32, #tpu.memory_space<vmem>> -> memref<1x128xf32, #tpu.memory_space<vmem>>
      %dma_start3A_2506 = tpu.memref_squeeze %dma_start3A_2505 : memref<1x128xf32, #tpu.memory_space<vmem>> -> memref<128xf32, #tpu.memory_space<vmem>>
      %dma_start3A_2507 = tpu.memref_slice %arg2[%run_scoped3A_12, %mul3A_2] : memref<8x4096xf32, #tpu.memory_space<hbm>> -> memref<1x128xf32, #tpu.memory_space<hbm>>
      %dma_start3A_2508 = tpu.memref_squeeze %dma_start3A_2507 : memref<1x128xf32, #tpu.memory_space<hbm>> -> memref<128xf32, #tpu.memory_space<hbm>>
      %dma_start3A_2509 = arith.constant 0 : i32
      %dma_start3A_2510 = tpu.memref_slice %arg4[%run_scoped3A_13, %dma_start3A_2509] : memref<8x128xf32, #tpu.memory_space<vmem>> -> memref<1x128xf32, #tpu.memory_space<vmem>>
      %dma_start3A_2511 = tpu.memref_squeeze %dma_start3A_2510 : memref<1x128xf32, #tpu.memory_space<vmem>> -> memref<128xf32, #tpu.memory_space<vmem>>
      %dma_start3A_2512 = tpu.memref_slice %arg2[%run_scoped3A_12, %mul3A_2] : memref<8x4096xf32, #tpu.memory_space<hbm>> -> memref<1x128xf32, #tpu.memory_space<hbm>>
      %dma_start3A_2513 = tpu.memref_squeeze %dma_start3A_2512 : memref<1x128xf32, #tpu.memory_space<hbm>> -> memref<128xf32, #tpu.memory_space<hbm>>
      tpu.enqueue_dma source(%dma_start3A_2513 : memref<128xf32, #tpu.memory_space<hbm>>) target(%dma_start3A_2511 : memref<128xf32, #tpu.memory_space<vmem>>) target_semaphore(%run_scoped3A_2504 : memref<!tpu.dma_semaphore, #tpu.memory_space<semaphore_mem>>)
      %dma_wait3A = arith.constant 0 : i32
      %dma_wait3A_2514 = tpu.memref_slice %arg4[%run_scoped3A_13, %dma_wait3A] : memref<8x128xf32, #tpu.memory_space<vmem>> -> memref<1x128xf32, #tpu.memory_space<vmem>>
      %dma_wait3A_2515 = tpu.memref_squeeze %dma_wait3A_2514 : memref<1x128xf32, #tpu.memory_space<vmem>> -> memref<128xf32, #tpu.memory_space<vmem>>
      %dma_wait3A_2516 = tpu.memref_slice %arg2[%run_scoped3A_12, %mul3A_2] : memref<8x4096xf32, #tpu.memory_space<hbm>> -> memref<1x128xf32, #tpu.memory_space<hbm>>
      %dma_wait3A_2517 = tpu.memref_squeeze %dma_wait3A_2516 : memref<1x128xf32, #tpu.memory_space<hbm>> -> memref<128xf32, #tpu.memory_space<hbm>>
      %dma_wait3A_2518 = arith.constant 0 : i32
      %dma_wait3A_2519 = tpu.memref_slice %arg4[%run_scoped3A_13, %dma_wait3A_2518] : memref<8x128xf32, #tpu.memory_space<vmem>> -> memref<1x128xf32, #tpu.memory_space<vmem>>
      %dma_wait3A_2520 = tpu.memref_squeeze %dma_wait3A_2519 : memref<1x128xf32, #tpu.memory_space<vmem>> -> memref<128xf32, #tpu.memory_space<vmem>>
      %dma_wait3A_2521 = tpu.memref_slice %arg2[%run_scoped3A_12, %mul3A_2] : memref<8x4096xf32, #tpu.memory_space<hbm>> -> memref<1x128xf32, #tpu.memory_space<hbm>>
      %dma_wait3A_2522 = tpu.memref_squeeze %dma_wait3A_2521 : memref<1x128xf32, #tpu.memory_space<hbm>> -> memref<128xf32, #tpu.memory_space<hbm>>
      tpu.wait_dma2 semaphore(%run_scoped3A_2504 : memref<!tpu.dma_semaphore, #tpu.memory_space<semaphore_mem>>) src(%dma_wait3A_2522 : memref<128xf32, #tpu.memory_space<hbm>>) dst(%dma_wait3A_2520 : memref<128xf32, #tpu.memory_space<vmem>>)
      tpu.yield
    }) : () -> ()
    %run_scoped3A_14 = arith.constant 6 : i32
    %run_scoped3A_15 = arith.constant 6 : i32
    "tpu.region"() ({
      %run_scoped3A_2504 = tpu.sem_alloc : memref<!tpu.dma_semaphore, #tpu.memory_space<semaphore_mem>>
      %dma_start3A = arith.constant 0 : i32
      %dma_start3A_2505 = tpu.memref_slice %arg4[%run_scoped3A_15, %dma_start3A] : memref<8x128xf32, #tpu.memory_space<vmem>> -> memref<1x128xf32, #tpu.memory_space<vmem>>
      %dma_start3A_2506 = tpu.memref_squeeze %dma_start3A_2505 : memref<1x128xf32, #tpu.memory_space<vmem>> -> memref<128xf32, #tpu.memory_space<vmem>>
      %dma_start3A_2507 = tpu.memref_slice %arg2[%run_scoped3A_14, %mul3A_2] : memref<8x4096xf32, #tpu.memory_space<hbm>> -> memref<1x128xf32, #tpu.memory_space<hbm>>
      %dma_start3A_2508 = tpu.memref_squeeze %dma_start3A_2507 : memref<1x128xf32, #tpu.memory_space<hbm>> -> memref<128xf32, #tpu.memory_space<hbm>>
      %dma_start3A_2509 = arith.constant 0 : i32
      %dma_start3A_2510 = tpu.memref_slice %arg4[%run_scoped3A_15, %dma_start3A_2509] : memref<8x128xf32, #tpu.memory_space<vmem>> -> memref<1x128xf32, #tpu.memory_space<vmem>>
      %dma_start3A_2511 = tpu.memref_squeeze %dma_start3A_2510 : memref<1x128xf32, #tpu.memory_space<vmem>> -> memref<128xf32, #tpu.memory_space<vmem>>
      %dma_start3A_2512 = tpu.memref_slice %arg2[%run_scoped3A_14, %mul3A_2] : memref<8x4096xf32, #tpu.memory_space<hbm>> -> memref<1x128xf32, #tpu.memory_space<hbm>>
      %dma_start3A_2513 = tpu.memref_squeeze %dma_start3A_2512 : memref<1x128xf32, #tpu.memory_space<hbm>> -> memref<128xf32, #tpu.memory_space<hbm>>
      tpu.enqueue_dma source(%dma_start3A_2513 : memref<128xf32, #tpu.memory_space<hbm>>) target(%dma_start3A_2511 : memref<128xf32, #tpu.memory_space<vmem>>) target_semaphore(%run_scoped3A_2504 : memref<!tpu.dma_semaphore, #tpu.memory_space<semaphore_mem>>)
      %dma_wait3A = arith.constant 0 : i32
      %dma_wait3A_2514 = tpu.memref_slice %arg4[%run_scoped3A_15, %dma_wait3A] : memref<8x128xf32, #tpu.memory_space<vmem>> -> memref<1x128xf32, #tpu.memory_space<vmem>>
      %dma_wait3A_2515 = tpu.memref_squeeze %dma_wait3A_2514 : memref<1x128xf32, #tpu.memory_space<vmem>> -> memref<128xf32, #tpu.memory_space<vmem>>
      %dma_wait3A_2516 = tpu.memref_slice %arg2[%run_scoped3A_14, %mul3A_2] : memref<8x4096xf32, #tpu.memory_space<hbm>> -> memref<1x128xf32, #tpu.memory_space<hbm>>
      %dma_wait3A_2517 = tpu.memref_squeeze %dma_wait3A_2516 : memref<1x128xf32, #tpu.memory_space<hbm>> -> memref<128xf32, #tpu.memory_space<hbm>>
      %dma_wait3A_2518 = arith.constant 0 : i32
      %dma_wait3A_2519 = tpu.memref_slice %arg4[%run_scoped3A_15, %dma_wait3A_2518] : memref<8x128xf32, #tpu.memory_space<vmem>> -> memref<1x128xf32, #tpu.memory_space<vmem>>
      %dma_wait3A_2520 = tpu.memref_squeeze %dma_wait3A_2519 : memref<1x128xf32, #tpu.memory_space<vmem>> -> memref<128xf32, #tpu.memory_space<vmem>>
      %dma_wait3A_2521 = tpu.memref_slice %arg2[%run_scoped3A_14, %mul3A_2] : memref<8x4096xf32, #tpu.memory_space<hbm>> -> memref<1x128xf32, #tpu.memory_space<hbm>>
      %dma_wait3A_2522 = tpu.memref_squeeze %dma_wait3A_2521 : memref<1x128xf32, #tpu.memory_space<hbm>> -> memref<128xf32, #tpu.memory_space<hbm>>
      tpu.wait_dma2 semaphore(%run_scoped3A_2504 : memref<!tpu.dma_semaphore, #tpu.memory_space<semaphore_mem>>) src(%dma_wait3A_2522 : memref<128xf32, #tpu.memory_space<hbm>>) dst(%dma_wait3A_2520 : memref<128xf32, #tpu.memory_space<vmem>>)
      tpu.yield
    }) : () -> ()
    %run_scoped3A_16 = arith.constant 7 : i32
    %run_scoped3A_17 = arith.constant 7 : i32
    "tpu.region"() ({
      %run_scoped3A_2504 = tpu.sem_alloc : memref<!tpu.dma_semaphore, #tpu.memory_space<semaphore_mem>>
      %dma_start3A = arith.constant 0 : i32
      %dma_start3A_2505 = tpu.memref_slice %arg4[%run_scoped3A_17, %dma_start3A] : memref<8x128xf32, #tpu.memory_space<vmem>> -> memref<1x128xf32, #tpu.memory_space<vmem>>
      %dma_start3A_2506 = tpu.memref_squeeze %dma_start3A_2505 : memref<1x128xf32, #tpu.memory_space<vmem>> -> memref<128xf32, #tpu.memory_space<vmem>>
      %dma_start3A_2507 = tpu.memref_slice %arg2[%run_scoped3A_16, %mul3A_2] : memref<8x4096xf32, #tpu.memory_space<hbm>> -> memref<1x128xf32, #tpu.memory_space<hbm>>
      %dma_start3A_2508 = tpu.memref_squeeze %dma_start3A_2507 : memref<1x128xf32, #tpu.memory_space<hbm>> -> memref<128xf32, #tpu.memory_space<hbm>>
      %dma_start3A_2509 = arith.constant 0 : i32
      %dma_start3A_2510 = tpu.memref_slice %arg4[%run_scoped3A_17, %dma_start3A_2509] : memref<8x128xf32, #tpu.memory_space<vmem>> -> memref<1x128xf32, #tpu.memory_space<vmem>>
      %dma_start3A_2511 = tpu.memref_squeeze %dma_start3A_2510 : memref<1x128xf32, #tpu.memory_space<vmem>> -> memref<128xf32, #tpu.memory_space<vmem>>
      %dma_start3A_2512 = tpu.memref_slice %arg2[%run_scoped3A_16, %mul3A_2] : memref<8x4096xf32, #tpu.memory_space<hbm>> -> memref<1x128xf32, #tpu.memory_space<hbm>>
      %dma_start3A_2513 = tpu.memref_squeeze %dma_start3A_2512 : memref<1x128xf32, #tpu.memory_space<hbm>> -> memref<128xf32, #tpu.memory_space<hbm>>
      tpu.enqueue_dma source(%dma_start3A_2513 : memref<128xf32, #tpu.memory_space<hbm>>) target(%dma_start3A_2511 : memref<128xf32, #tpu.memory_space<vmem>>) target_semaphore(%run_scoped3A_2504 : memref<!tpu.dma_semaphore, #tpu.memory_space<semaphore_mem>>)
      %dma_wait3A = arith.constant 0 : i32
      %dma_wait3A_2514 = tpu.memref_slice %arg4[%run_scoped3A_17, %dma_wait3A] : memref<8x128xf32, #tpu.memory_space<vmem>> -> memref<1x128xf32, #tpu.memory_space<vmem>>
      %dma_wait3A_2515 = tpu.memref_squeeze %dma_wait3A_2514 : memref<1x128xf32, #tpu.memory_space<vmem>> -> memref<128xf32, #tpu.memory_space<vmem>>
      %dma_wait3A_2516 = tpu.memref_slice %arg2[%run_scoped3A_16, %mul3A_2] : memref<8x4096xf32, #tpu.memory_space<hbm>> -> memref<1x128xf32, #tpu.memory_space<hbm>>
      %dma_wait3A_2517 = tpu.memref_squeeze %dma_wait3A_2516 : memref<1x128xf32, #tpu.memory_space<hbm>> -> memref<128xf32, #tpu.memory_space<hbm>>
      %dma_wait3A_2518 = arith.constant 0 : i32
      %dma_wait3A_2519 = tpu.memref_slice %arg4[%run_scoped3A_17, %dma_wait3A_2518] : memref<8x128xf32, #tpu.memory_space<vmem>> -> memref<1x128xf32, #tpu.memory_space<vmem>>
      %dma_wait3A_2520 = tpu.memref_squeeze %dma_wait3A_2519 : memref<1x128xf32, #tpu.memory_space<vmem>> -> memref<128xf32, #tpu.memory_space<vmem>>
      %dma_wait3A_2521 = tpu.memref_slice %arg2[%run_scoped3A_16, %mul3A_2] : memref<8x4096xf32, #tpu.memory_space<hbm>> -> memref<1x128xf32, #tpu.memory_space<hbm>>
      %dma_wait3A_2522 = tpu.memref_squeeze %dma_wait3A_2521 : memref<1x128xf32, #tpu.memory_space<hbm>> -> memref<128xf32, #tpu.memory_space<hbm>>
      tpu.wait_dma2 semaphore(%run_scoped3A_2504 : memref<!tpu.dma_semaphore, #tpu.memory_space<semaphore_mem>>) src(%dma_wait3A_2522 : memref<128xf32, #tpu.memory_space<hbm>>) dst(%dma_wait3A_2520 : memref<128xf32, #tpu.memory_space<vmem>>)
      tpu.yield
    }) : () -> ()
    %get3A = arith.constant 0 : i32
    %get3A_18 = arith.index_cast %get3A : i32 to index
    %get3A_19 = arith.constant 0 : index
    %get3A_20 = tpu.vector_load %arg4[%get3A_18, %get3A_19] {strides = array<i32>} : memref<8x128xf32, #tpu.memory_space<vmem>>, vector<1x16xf32>,
    %get3A_21 = vector.shape_cast %get3A_20 : vector<1x16xf32> to vector<16xf32>
    %get3A_22 = arith.constant 1 : i32
    %get3A_23 = arith.index_cast %get3A_22 : i32 to index
    %get3A_24 = arith.constant 0 : index
    %get3A_25 = tpu.vector_load %arg4[%get3A_23, %get3A_24] {strides = array<i32>} : memref<8x128xf32, #tpu.memory_space<vmem>>, vector<1x16xf32>,
    %get3A_26 = vector.shape_cast %get3A_25 : vector<1x16xf32> to vector<16xf32>
    %get3A_27 = arith.constant 2 : i32
    %get3A_28 = arith.index_cast %get3A_27 : i32 to index
    %get3A_29 = arith.constant 0 : index
    %get3A_30 = tpu.vector_load %arg4[%get3A_28, %get3A_29] {strides = array<i32>} : memref<8x128xf32, #tpu.memory_space<vmem>>, vector<1x16xf32>,
    %get3A_31 = vector.shape_cast %get3A_30 : vector<1x16xf32> to vector<16xf32>
    %get3A_32 = arith.constant 3 : i32
    %get3A_33 = arith.index_cast %get3A_32 : i32 to index
    %get3A_34 = arith.constant 0 : index
    %get3A_35 = tpu.vector_load %arg4[%get3A_33, %get3A_34] {strides = array<i32>} : memref<8x128xf32, #tpu.memory_space<vmem>>, vector<1x16xf32>,
    %get3A_36 = vector.shape_cast %get3A_35 : vector<1x16xf32> to vector<16xf32>
    %get3A_37 = arith.constant 4 : i32
    %get3A_38 = arith.index_cast %get3A_37 : i32 to index
    %get3A_39 = arith.constant 0 : index
    %get3A_40 = tpu.vector_load %arg4[%get3A_38, %get3A_39] {strides = array<i32>} : memref<8x128xf32, #tpu.memory_space<vmem>>, vector<1x16xf32>,
    %get3A_41 = vector.shape_cast %get3A_40 : vector<1x16xf32> to vector<16xf32>
    %get3A_42 = arith.constant 5 : i32
    %get3A_43 = arith.index_cast %get3A_42 : i32 to index
    %get3A_44 = arith.constant 0 : index
    %get3A_45 = tpu.vector_load %arg4[%get3A_43, %get3A_44] {strides = array<i32>} : memref<8x128xf32, #tpu.memory_space<vmem>>, vector<1x16xf32>,
    %get3A_46 = vector.shape_cast %get3A_45 : vector<1x16xf32> to vector<16xf32>
    %get3A_47 = arith.constant 6 : i32
    %get3A_48 = arith.index_cast %get3A_47 : i32 to index
    %get3A_49 = arith.constant 0 : index
    %get3A_50 = tpu.vector_load %arg4[%get3A_48, %get3A_49] {strides = array<i32>} : memref<8x128xf32, #tpu.memory_space<vmem>>, vector<1x16xf32>,
    %get3A_51 = vector.shape_cast %get3A_50 : vector<1x16xf32> to vector<16xf32>
    %get3A_52 = arith.constant 7 : i32
    %get3A_53 = arith.index_cast %get3A_52 : i32 to index
    %get3A_54 = arith.constant 0 : index
    %get3A_55 = tpu.vector_load %arg4[%get3A_53, %get3A_54] {strides = array<i32>} : memref<8x128xf32, #tpu.memory_space<vmem>>, vector<1x16xf32>,
    %get3A_56 = vector.shape_cast %get3A_55 : vector<1x16xf32> to vector<16xf32>
    %max3A = arith.maximumf %get3A_21, %get3A_26 : vector<16xf32>
    %max3A_57 = arith.maximumf %max3A, %get3A_31 : vector<16xf32>
    %max3A_58 = arith.maximumf %max3A_57, %get3A_36 : vector<16xf32>
    %max3A_59 = arith.maximumf %max3A_58, %get3A_41 : vector<16xf32>
    %max3A_60 = arith.maximumf %max3A_59, %get3A_46 : vector<16xf32>
    %max3A_61 = arith.maximumf %max3A_60, %get3A_51 : vector<16xf32>
    %max3A_62 = arith.maximumf %max3A_61, %get3A_56 : vector<16xf32>
    %sub3A = arith.subf %get3A_21, %max3A_62 : vector<16xf32>
    %exp3A = math.exp %sub3A : vector<16xf32>
    %sub3A_63 = arith.subf %get3A_26, %max3A_62 : vector<16xf32>
    %exp3A_64 = math.exp %sub3A_63 : vector<16xf32>
    %sub3A_65 = arith.subf %get3A_31, %max3A_62 : vector<16xf32>
    %exp3A_66 = math.exp %sub3A_65 : vector<16xf32>
    %sub3A_67 = arith.subf %get3A_36, %max3A_62 : vector<16xf32>
    %exp3A_68 = math.exp %sub3A_67 : vector<16xf32>
    %sub3A_69 = arith.subf %get3A_41, %max3A_62 : vector<16xf32>
    %exp3A_70 = math.exp %sub3A_69 : vector<16xf32>
    %sub3A_71 = arith.subf %get3A_46, %max3A_62 : vector<16xf32>
    %exp3A_72 = math.exp %sub3A_71 : vector<16xf32>
    %sub3A_73 = arith.subf %get3A_51, %max3A_62 : vector<16xf32>
    %exp3A_74 = math.exp %sub3A_73 : vector<16xf32>
    %sub3A_75 = arith.subf %get3A_56, %max3A_62 : vector<16xf32>
    %exp3A_76 = math.exp %sub3A_75 : vector<16xf32>
    %add3A_77 = arith.addf %exp3A, %exp3A_64 : vector<16xf32>
    %add3A_78 = arith.addf %add3A_77, %exp3A_66 : vector<16xf32>
    %add3A_79 = arith.addf %add3A_78, %exp3A_68 : vector<16xf32>
    %add3A_80 = arith.addf %add3A_79, %exp3A_70 : vector<16xf32>
    %add3A_81 = arith.addf %add3A_80, %exp3A_72 : vector<16xf32>
    %add3A_82 = arith.addf %add3A_81, %exp3A_74 : vector<16xf32>
    %add3A_83 = arith.addf %add3A_82, %exp3A_76 : vector<16xf32>
    %div3A = arith.divf %exp3A, %add3A_83 : vector<16xf32>
    %div3A_84 = arith.divf %exp3A_64, %add3A_83 : vector<16xf32>
    %div3A_85 = arith.divf %exp3A_66, %add3A_83 : vector<16xf32>
    %div3A_86 = arith.divf %exp3A_68, %add3A_83 : vector<16xf32>
    %div3A_87 = arith.divf %exp3A_70, %add3A_83 : vector<16xf32>
    %div3A_88 = arith.divf %exp3A_72, %add3A_83 : vector<16xf32>
    %div3A_89 = arith.divf %exp3A_74, %add3A_83 : vector<16xf32>
    %div3A_90 = arith.divf %exp3A_76, %add3A_83 : vector<16xf32>
    %max3A_91 = arith.maximumf %div3A, %div3A_84 : vector<16xf32>
    %max3A_92 = arith.maximumf %max3A_91, %div3A_85 : vector<16xf32>
    %max3A_93 = arith.maximumf %max3A_92, %div3A_86 : vector<16xf32>
    %max3A_94 = arith.maximumf %max3A_93, %div3A_87 : vector<16xf32>
    %max3A_95 = arith.maximumf %max3A_94, %div3A_88 : vector<16xf32>
    %max3A_96 = arith.maximumf %max3A_95, %div3A_89 : vector<16xf32>
    %max3A_97 = arith.maximumf %max3A_96, %div3A_90 : vector<16xf32>
    %broadcast_in_dim3A = arith.constant 8 : i32
    %broadcast_in_dim3A_98 = vector.broadcast %broadcast_in_dim3A : i32 to vector<16xi32>
    %eq3A = arith.cmpf oeq, %div3A_90, %max3A_97 : vector<16xf32>
    %broadcast_in_dim3A_99 = arith.constant 7 : i32
    %broadcast_in_dim3A_100 = vector.broadcast %broadcast_in_dim3A_99 : i32 to vector<16xi32>
    %select_n3A = arith.select %eq3A, %broadcast_in_dim3A_100, %broadcast_in_dim3A_98 : vector<16xi1>, vector<16xi32>
    %eq3A_101 = arith.cmpf oeq, %div3A_89, %max3A_97 : vector<16xf32>
    %broadcast_in_dim3A_102 = arith.constant 6 : i32
    %broadcast_in_dim3A_103 = vector.broadcast %broadcast_in_dim3A_102 : i32 to vector<16xi32>
    %select_n3A_104 = arith.select %eq3A_101, %broadcast_in_dim3A_103, %select_n3A : vector<16xi1>, vector<16xi32>
    %eq3A_105 = arith.cmpf oeq, %div3A_88, %max3A_97 : vector<16xf32>
    %broadcast_in_dim3A_106 = arith.constant 5 : i32
    %broadcast_in_dim3A_107 = vector.broadcast %broadcast_in_dim3A_106 : i32 to vector<16xi32>
    %select_n3A_108 = arith.select %eq3A_105, %broadcast_in_dim3A_107, %select_n3A_104 : vector<16xi1>, vector<16xi32>
    %eq3A_109 = arith.cmpf oeq, %div3A_87, %max3A_97 : vector<16xf32>
    %broadcast_in_dim3A_110 = arith.constant 4 : i32
    %broadcast_in_dim3A_111 = vector.broadcast %broadcast_in_dim3A_110 : i32 to vector<16xi32>
    %select_n3A_112 = arith.select %eq3A_109, %broadcast_in_dim3A_111, %select_n3A_108 : vector<16xi1>, vector<16xi32>
    %eq3A_113 = arith.cmpf oeq, %div3A_86, %max3A_97 : vector<16xf32>
    %broadcast_in_dim3A_114 = arith.constant 3 : i32
    %broadcast_in_dim3A_115 = vector.broadcast %broadcast_in_dim3A_114 : i32 to vector<16xi32>
    %select_n3A_116 = arith.select %eq3A_113, %broadcast_in_dim3A_115, %select_n3A_112 : vector<16xi1>, vector<16xi32>
    %eq3A_117 = arith.cmpf oeq, %div3A_85, %max3A_97 : vector<16xf32>
    %broadcast_in_dim3A_118 = arith.constant 2 : i32
    %broadcast_in_dim3A_119 = vector.broadcast %broadcast_in_dim3A_118 : i32 to vector<16xi32>
    %select_n3A_120 = arith.select %eq3A_117, %broadcast_in_dim3A_119, %select_n3A_116 : vector<16xi1>, vector<16xi32>
    %eq3A_121 = arith.cmpf oeq, %div3A_84, %max3A_97 : vector<16xf32>
    %broadcast_in_dim3A_122 = arith.constant 1 : i32
    %broadcast_in_dim3A_123 = vector.broadcast %broadcast_in_dim3A_122 : i32 to vector<16xi32>
    %select_n3A_124 = arith.select %eq3A_121, %broadcast_in_dim3A_123, %select_n3A_120 : vector<16xi1>, vector<16xi32>
    %eq3A_125 = arith.cmpf oeq, %div3A, %max3A_97 : vector<16xf32>
    %broadcast_in_dim3A_126 = arith.constant 0 : i32
    %broadcast_in_dim3A_127 = vector.broadcast %broadcast_in_dim3A_126 : i32 to vector<16xi32>
    %select_n3A_128 = arith.select %eq3A_125, %broadcast_in_dim3A_127, %select_n3A_124 : vector<16xi1>, vector<16xi32>
    %broadcast_in_dim3A_129 = arith.constant -3.000000e+38 : f32
    %broadcast_in_dim3A_130 = vector.broadcast %broadcast_in_dim3A_129 : f32 to vector<16xf32>
    %broadcast_in_dim3A_131 = arith.constant 0 : i32
    %broadcast_in_dim3A_132 = vector.broadcast %broadcast_in_dim3A_131 : i32 to vector<16xi32>
    %eq3A_133 = arith.cmpi eq, %select_n3A_128, %broadcast_in_dim3A_132 : vector<16xi32>
    %select_n3A_134 = arith.select %eq3A_133, %broadcast_in_dim3A_130, %div3A : vector<16xi1>, vector<16xf32>
    %broadcast_in_dim3A_135 = arith.constant 1 : i32
    %broadcast_in_dim3A_136 = vector.broadcast %broadcast_in_dim3A_135 : i32 to vector<16xi32>
    %eq3A_137 = arith.cmpi eq, %select_n3A_128, %broadcast_in_dim3A_136 : vector<16xi32>
    %select_n3A_138 = arith.select %eq3A_137, %broadcast_in_dim3A_130, %div3A_84 : vector<16xi1>, vector<16xf32>
    %broadcast_in_dim3A_139 = arith.constant 2 : i32
    %broadcast_in_dim3A_140 = vector.broadcast %broadcast_in_dim3A_139 : i32 to vector<16xi32>
    %eq3A_141 = arith.cmpi eq, %select_n3A_128, %broadcast_in_dim3A_140 : vector<16xi32>
    %select_n3A_142 = arith.select %eq3A_141, %broadcast_in_dim3A_130, %div3A_85 : vector<16xi1>, vector<16xf32>
    %broadcast_in_dim3A_143 = arith.constant 3 : i32
    %broadcast_in_dim3A_144 = vector.broadcast %broadcast_in_dim3A_143 : i32 to vector<16xi32>
    %eq3A_145 = arith.cmpi eq, %select_n3A_128, %broadcast_in_dim3A_144 : vector<16xi32>
    %select_n3A_146 = arith.select %eq3A_145, %broadcast_in_dim3A_130, %div3A_86 : vector<16xi1>, vector<16xf32>
    %broadcast_in_dim3A_147 = arith.constant 4 : i32
    %broadcast_in_dim3A_148 = vector.broadcast %broadcast_in_dim3A_147 : i32 to vector<16xi32>
    %eq3A_149 = arith.cmpi eq, %select_n3A_128, %broadcast_in_dim3A_148 : vector<16xi32>
    %select_n3A_150 = arith.select %eq3A_149, %broadcast_in_dim3A_130, %div3A_87 : vector<16xi1>, vector<16xf32>
    %broadcast_in_dim3A_151 = arith.constant 5 : i32
    %broadcast_in_dim3A_152 = vector.broadcast %broadcast_in_dim3A_151 : i32 to vector<16xi32>
    %eq3A_153 = arith.cmpi eq, %select_n3A_128, %broadcast_in_dim3A_152 : vector<16xi32>
    %select_n3A_154 = arith.select %eq3A_153, %broadcast_in_dim3A_130, %div3A_88 : vector<16xi1>, vector<16xf32>
    %broadcast_in_dim3A_155 = arith.constant 6 : i32
    %broadcast_in_dim3A_156 = vector.broadcast %broadcast_in_dim3A_155 : i32 to vector<16xi32>
    %eq3A_157 = arith.cmpi eq, %select_n3A_128, %broadcast_in_dim3A_156 : vector<16xi32>
    %select_n3A_158 = arith.select %eq3A_157, %broadcast_in_dim3A_130, %div3A_89 : vector<16xi1>, vector<16xf32>
    %broadcast_in_dim3A_159 = arith.constant 7 : i32
    %broadcast_in_dim3A_160 = vector.broadcast %broadcast_in_dim3A_159 : i32 to vector<16xi32>
    %eq3A_161 = arith.cmpi eq, %select_n3A_128, %broadcast_in_dim3A_160 : vector<16xi32>
    %select_n3A_162 = arith.select %eq3A_161, %broadcast_in_dim3A_130, %div3A_90 : vector<16xi1>, vector<16xf32>
    %max3A_163 = arith.maximumf %select_n3A_134, %select_n3A_138 : vector<16xf32>
    %max3A_164 = arith.maximumf %max3A_163, %select_n3A_142 : vector<16xf32>
    %max3A_165 = arith.maximumf %max3A_164, %select_n3A_146 : vector<16xf32>
    %max3A_166 = arith.maximumf %max3A_165, %select_n3A_150 : vector<16xf32>
    %max3A_167 = arith.maximumf %max3A_166, %select_n3A_154 : vector<16xf32>
    %max3A_168 = arith.maximumf %max3A_167, %select_n3A_158 : vector<16xf32>
    %max3A_169 = arith.maximumf %max3A_168, %select_n3A_162 : vector<16xf32>
    %broadcast_in_dim3A_170 = arith.constant 8 : i32
    %broadcast_in_dim3A_171 = vector.broadcast %broadcast_in_dim3A_170 : i32 to vector<16xi32>
    %eq3A_172 = arith.cmpf oeq, %select_n3A_162, %max3A_169 : vector<16xf32>
    %broadcast_in_dim3A_173 = arith.constant 7 : i32
    %broadcast_in_dim3A_174 = vector.broadcast %broadcast_in_dim3A_173 : i32 to vector<16xi32>
    %select_n3A_175 = arith.select %eq3A_172, %broadcast_in_dim3A_174, %broadcast_in_dim3A_171 : vector<16xi1>, vector<16xi32>
    %eq3A_176 = arith.cmpf oeq, %select_n3A_158, %max3A_169 : vector<16xf32>
    %broadcast_in_dim3A_177 = arith.constant 6 : i32
    %broadcast_in_dim3A_178 = vector.broadcast %broadcast_in_dim3A_177 : i32 to vector<16xi32>
    %select_n3A_179 = arith.select %eq3A_176, %broadcast_in_dim3A_178, %select_n3A_175 : vector<16xi1>, vector<16xi32>
    %eq3A_180 = arith.cmpf oeq, %select_n3A_154, %max3A_169 : vector<16xf32>
    %broadcast_in_dim3A_181 = arith.constant 5 : i32
    %broadcast_in_dim3A_182 = vector.broadcast %broadcast_in_dim3A_181 : i32 to vector<16xi32>
    %select_n3A_183 = arith.select %eq3A_180, %broadcast_in_dim3A_182, %select_n3A_179 : vector<16xi1>, vector<16xi32>
    %eq3A_184 = arith.cmpf oeq, %select_n3A_150, %max3A_169 : vector<16xf32>
    %broadcast_in_dim3A_185 = arith.constant 4 : i32
    %broadcast_in_dim3A_186 = vector.broadcast %broadcast_in_dim3A_185 : i32 to vector<16xi32>
    %select_n3A_187 = arith.select %eq3A_184, %broadcast_in_dim3A_186, %select_n3A_183 : vector<16xi1>, vector<16xi32>
    %eq3A_188 = arith.cmpf oeq, %select_n3A_146, %max3A_169 : vector<16xf32>
    %broadcast_in_dim3A_189 = arith.constant 3 : i32
    %broadcast_in_dim3A_190 = vector.broadcast %broadcast_in_dim3A_189 : i32 to vector<16xi32>
    %select_n3A_191 = arith.select %eq3A_188, %broadcast_in_dim3A_190, %select_n3A_187 : vector<16xi1>, vector<16xi32>
    %eq3A_192 = arith.cmpf oeq, %select_n3A_142, %max3A_169 : vector<16xf32>
    %broadcast_in_dim3A_193 = arith.constant 2 : i32
    %broadcast_in_dim3A_194 = vector.broadcast %broadcast_in_dim3A_193 : i32 to vector<16xi32>
    %select_n3A_195 = arith.select %eq3A_192, %broadcast_in_dim3A_194, %select_n3A_191 : vector<16xi1>, vector<16xi32>
    %eq3A_196 = arith.cmpf oeq, %select_n3A_138, %max3A_169 : vector<16xf32>
    %broadcast_in_dim3A_197 = arith.constant 1 : i32
    %broadcast_in_dim3A_198 = vector.broadcast %broadcast_in_dim3A_197 : i32 to vector<16xi32>
    %select_n3A_199 = arith.select %eq3A_196, %broadcast_in_dim3A_198, %select_n3A_195 : vector<16xi1>, vector<16xi32>
    %eq3A_200 = arith.cmpf oeq, %select_n3A_134, %max3A_169 : vector<16xf32>
    %broadcast_in_dim3A_201 = arith.constant 0 : i32
    %broadcast_in_dim3A_202 = vector.broadcast %broadcast_in_dim3A_201 : i32 to vector<16xi32>
    %select_n3A_203 = arith.select %eq3A_200, %broadcast_in_dim3A_202, %select_n3A_199 : vector<16xi1>, vector<16xi32>
    %broadcast_in_dim3A_204 = arith.constant 0.000000e+00 : f32
    %broadcast_in_dim3A_205 = vector.broadcast %broadcast_in_dim3A_204 : f32 to vector<16xf32>
    %broadcast_in_dim3A_206 = arith.constant 0 : i32
    %broadcast_in_dim3A_207 = vector.broadcast %broadcast_in_dim3A_206 : i32 to vector<16xi32>
    %broadcast_in_dim3A_208 = arith.constant 1 : i32
    %broadcast_in_dim3A_209 = vector.broadcast %broadcast_in_dim3A_208 : i32 to vector<16xi32>
    %broadcast_in_dim3A_210 = arith.constant 2 : i32
    %broadcast_in_dim3A_211 = vector.broadcast %broadcast_in_dim3A_210 : i32 to vector<16xi32>
    %broadcast_in_dim3A_212 = arith.constant 3 : i32
    %broadcast_in_dim3A_213 = vector.broadcast %broadcast_in_dim3A_212 : i32 to vector<16xi32>
    %broadcast_in_dim3A_214 = arith.constant 4 : i32
    %broadcast_in_dim3A_215 = vector.broadcast %broadcast_in_dim3A_214 : i32 to vector<16xi32>
    %broadcast_in_dim3A_216 = arith.constant 5 : i32
    %broadcast_in_dim3A_217 = vector.broadcast %broadcast_in_dim3A_216 : i32 to vector<16xi32>
    %broadcast_in_dim3A_218 = arith.constant 6 : i32
    %broadcast_in_dim3A_219 = vector.broadcast %broadcast_in_dim3A_218 : i32 to vector<16xi32>
    %broadcast_in_dim3A_220 = arith.constant 7 : i32
    %broadcast_in_dim3A_221 = vector.broadcast %broadcast_in_dim3A_220 : i32 to vector<16xi32>
    %eq3A_222 = arith.cmpi eq, %select_n3A_128, %broadcast_in_dim3A_207 : vector<16xi32>
    %eq3A_223 = arith.cmpi eq, %select_n3A_203, %broadcast_in_dim3A_207 : vector<16xi32>
    %or3A = arith.ori %eq3A_222, %eq3A_223 : vector<16xi1>
    %select_n3A_224 = arith.select %or3A, %div3A, %broadcast_in_dim3A_205 : vector<16xi1>, vector<16xf32>
    %eq3A_225 = arith.cmpi eq, %select_n3A_128, %broadcast_in_dim3A_209 : vector<16xi32>
    %eq3A_226 = arith.cmpi eq, %select_n3A_203, %broadcast_in_dim3A_209 : vector<16xi32>
    %or3A_227 = arith.ori %eq3A_225, %eq3A_226 : vector<16xi1>
    %select_n3A_228 = arith.select %or3A_227, %div3A_84, %broadcast_in_dim3A_205 : vector<16xi1>, vector<16xf32>
    %eq3A_229 = arith.cmpi eq, %select_n3A_128, %broadcast_in_dim3A_211 : vector<16xi32>
    %eq3A_230 = arith.cmpi eq, %select_n3A_203, %broadcast_in_dim3A_211 : vector<16xi32>
    %or3A_231 = arith.ori %eq3A_229, %eq3A_230 : vector<16xi1>
    %select_n3A_232 = arith.select %or3A_231, %div3A_85, %broadcast_in_dim3A_205 : vector<16xi1>, vector<16xf32>
    %eq3A_233 = arith.cmpi eq, %select_n3A_128, %broadcast_in_dim3A_213 : vector<16xi32>
    %eq3A_234 = arith.cmpi eq, %select_n3A_203, %broadcast_in_dim3A_213 : vector<16xi32>
    %or3A_235 = arith.ori %eq3A_233, %eq3A_234 : vector<16xi1>
    %select_n3A_236 = arith.select %or3A_235, %div3A_86, %broadcast_in_dim3A_205 : vector<16xi1>, vector<16xf32>
    %eq3A_237 = arith.cmpi eq, %select_n3A_128, %broadcast_in_dim3A_215 : vector<16xi32>
    %eq3A_238 = arith.cmpi eq, %select_n3A_203, %broadcast_in_dim3A_215 : vector<16xi32>
    %or3A_239 = arith.ori %eq3A_237, %eq3A_238 : vector<16xi1>
    %select_n3A_240 = arith.select %or3A_239, %div3A_87, %broadcast_in_dim3A_205 : vector<16xi1>, vector<16xf32>
    %eq3A_241 = arith.cmpi eq, %select_n3A_128, %broadcast_in_dim3A_217 : vector<16xi32>
    %eq3A_242 = arith.cmpi eq, %select_n3A_203, %broadcast_in_dim3A_217 : vector<16xi32>
    %or3A_243 = arith.ori %eq3A_241, %eq3A_242 : vector<16xi1>
    %select_n3A_244 = arith.select %or3A_243, %div3A_88, %broadcast_in_dim3A_205 : vector<16xi1>, vector<16xf32>
    %eq3A_245 = arith.cmpi eq, %select_n3A_128, %broadcast_in_dim3A_219 : vector<16xi32>
    %eq3A_246 = arith.cmpi eq, %select_n3A_203, %broadcast_in_dim3A_219 : vector<16xi32>
    %or3A_247 = arith.ori %eq3A_245, %eq3A_246 : vector<16xi1>
    %select_n3A_248 = arith.select %or3A_247, %div3A_89, %broadcast_in_dim3A_205 : vector<16xi1>, vector<16xf32>
    %eq3A_249 = arith.cmpi eq, %select_n3A_128, %broadcast_in_dim3A_221 : vector<16xi32>
    %eq3A_250 = arith.cmpi eq, %select_n3A_203, %broadcast_in_dim3A_221 : vector<16xi32>
    %or3A_251 = arith.ori %eq3A_249, %eq3A_250 : vector<16xi1>
    %select_n3A_252 = arith.select %or3A_251, %div3A_90, %broadcast_in_dim3A_205 : vector<16xi1>, vector<16xf32>
    %add3A_253 = arith.addf %select_n3A_224, %select_n3A_228 : vector<16xf32>
    %add3A_254 = arith.addf %add3A_253, %select_n3A_232 : vector<16xf32>
    %add3A_255 = arith.addf %add3A_254, %select_n3A_236 : vector<16xf32>
    %add3A_256 = arith.addf %add3A_255, %select_n3A_240 : vector<16xf32>
    %add3A_257 = arith.addf %add3A_256, %select_n3A_244 : vector<16xf32>
    %add3A_258 = arith.addf %add3A_257, %select_n3A_248 : vector<16xf32>
    %add3A_259 = arith.addf %add3A_258, %select_n3A_252 : vector<16xf32>
    %broadcast_in_dim3A_260 = arith.constant 9.99999971E-10 : f32
    %broadcast_in_dim3A_261 = vector.broadcast %broadcast_in_dim3A_260 : f32 to vector<16xf32>
    %add3A_262 = arith.addf %add3A_259, %broadcast_in_dim3A_261 : vector<16xf32>
    %div3A_263 = arith.divf %select_n3A_224, %add3A_262 : vector<16xf32>
    %swap3A = arith.constant 0 : i32
    %swap3A_264 = arith.index_cast %swap3A : i32 to index
    %swap3A_265 = arith.constant 0 : index
    %swap3A_266 = tpu.vector_load %arg5[%swap3A_264, %swap3A_265] {strides = array<i32>} : memref<8x128xf32, #tpu.memory_space<vmem>>, vector<1x16xf32>,
    %swap3A_267 = vector.shape_cast %swap3A_266 : vector<1x16xf32> to vector<16xf32>
    %swap3A_268 = vector.shape_cast %div3A_263 : vector<16xf32> to vector<1x16xf32>
    tpu.vector_store %arg5[%swap3A_264, %swap3A_265], %swap3A_268 {strides = array<i32>} : memref<8x128xf32, #tpu.memory_space<vmem>>, vector<1x16xf32>,
    %div3A_269 = arith.divf %select_n3A_228, %add3A_262 : vector<16xf32>
    %swap3A_270 = arith.constant 1 : i32
    %swap3A_271 = arith.index_cast %swap3A_270 : i32 to index
    %swap3A_272 = arith.constant 0 : index
    %swap3A_273 = tpu.vector_load %arg5[%swap3A_271, %swap3A_272] {strides = array<i32>} : memref<8x128xf32, #tpu.memory_space<vmem>>, vector<1x16xf32>,
    %swap3A_274 = vector.shape_cast %swap3A_273 : vector<1x16xf32> to vector<16xf32>
    %swap3A_275 = vector.shape_cast %div3A_269 : vector<16xf32> to vector<1x16xf32>
    tpu.vector_store %arg5[%swap3A_271, %swap3A_272], %swap3A_275 {strides = array<i32>} : memref<8x128xf32, #tpu.memory_space<vmem>>, vector<1x16xf32>,
    %div3A_276 = arith.divf %select_n3A_232, %add3A_262 : vector<16xf32>
    %swap3A_277 = arith.constant 2 : i32
    %swap3A_278 = arith.index_cast %swap3A_277 : i32 to index
    %swap3A_279 = arith.constant 0 : index
    %swap3A_280 = tpu.vector_load %arg5[%swap3A_278, %swap3A_279] {strides = array<i32>} : memref<8x128xf32, #tpu.memory_space<vmem>>, vector<1x16xf32>,
    %swap3A_281 = vector.shape_cast %swap3A_280 : vector<1x16xf32> to vector<16xf32>
    %swap3A_282 = vector.shape_cast %div3A_276 : vector<16xf32> to vector<1x16xf32>
    tpu.vector_store %arg5[%swap3A_278, %swap3A_279], %swap3A_282 {strides = array<i32>} : memref<8x128xf32, #tpu.memory_space<vmem>>, vector<1x16xf32>,
    %div3A_283 = arith.divf %select_n3A_236, %add3A_262 : vector<16xf32>
    %swap3A_284 = arith.constant 3 : i32
    %swap3A_285 = arith.index_cast %swap3A_284 : i32 to index
    %swap3A_286 = arith.constant 0 : index
    %swap3A_287 = tpu.vector_load %arg5[%swap3A_285, %swap3A_286] {strides = array<i32>} : memref<8x128xf32, #tpu.memory_space<vmem>>, vector<1x16xf32>,
    %swap3A_288 = vector.shape_cast %swap3A_287 : vector<1x16xf32> to vector<16xf32>
    %swap3A_289 = vector.shape_cast %div3A_283 : vector<16xf32> to vector<1x16xf32>
    tpu.vector_store %arg5[%swap3A_285, %swap3A_286], %swap3A_289 {strides = array<i32>} : memref<8x128xf32, #tpu.memory_space<vmem>>, vector<1x16xf32>,
    %div3A_290 = arith.divf %select_n3A_240, %add3A_262 : vector<16xf32>
    %swap3A_291 = arith.constant 4 : i32
    %swap3A_292 = arith.index_cast %swap3A_291 : i32 to index
    %swap3A_293 = arith.constant 0 : index
    %swap3A_294 = tpu.vector_load %arg5[%swap3A_292, %swap3A_293] {strides = array<i32>} : memref<8x128xf32, #tpu.memory_space<vmem>>, vector<1x16xf32>,
    %swap3A_295 = vector.shape_cast %swap3A_294 : vector<1x16xf32> to vector<16xf32>
    %swap3A_296 = vector.shape_cast %div3A_290 : vector<16xf32> to vector<1x16xf32>
    tpu.vector_store %arg5[%swap3A_292, %swap3A_293], %swap3A_296 {strides = array<i32>} : memref<8x128xf32, #tpu.memory_space<vmem>>, vector<1x16xf32>,
    %div3A_297 = arith.divf %select_n3A_244, %add3A_262 : vector<16xf32>
    %swap3A_298 = arith.constant 5 : i32
    %swap3A_299 = arith.index_cast %swap3A_298 : i32 to index
    %swap3A_300 = arith.constant 0 : index
    %swap3A_301 = tpu.vector_load %arg5[%swap3A_299, %swap3A_300] {strides = array<i32>} : memref<8x128xf32, #tpu.memory_space<vmem>>, vector<1x16xf32>,
    %swap3A_302 = vector.shape_cast %swap3A_301 : vector<1x16xf32> to vector<16xf32>
    %swap3A_303 = vector.shape_cast %div3A_297 : vector<16xf32> to vector<1x16xf32>
    tpu.vector_store %arg5[%swap3A_299, %swap3A_300], %swap3A_303 {strides = array<i32>} : memref<8x128xf32, #tpu.memory_space<vmem>>, vector<1x16xf32>,
    %div3A_304 = arith.divf %select_n3A_248, %add3A_262 : vector<16xf32>
    %swap3A_305 = arith.constant 6 : i32
    %swap3A_306 = arith.index_cast %swap3A_305 : i32 to index
    %swap3A_307 = arith.constant 0 : index
    %swap3A_308 = tpu.vector_load %arg5[%swap3A_306, %swap3A_307] {strides = array<i32>} : memref<8x128xf32, #tpu.memory_space<vmem>>, vector<1x16xf32>,
    %swap3A_309 = vector.shape_cast %swap3A_308 : vector<1x16xf32> to vector<16xf32>
    %swap3A_310 = vector.shape_cast %div3A_304 : vector<16xf32> to vector<1x16xf32>
    tpu.vector_store %arg5[%swap3A_306, %swap3A_307], %swap3A_310 {strides = array<i32>} : memref<8x128xf32, #tpu.memory_space<vmem>>, vector<1x16xf32>,
    %div3A_311 = arith.divf %select_n3A_252, %add3A_262 : vector<16xf32>
    %swap3A_312 = arith.constant 7 : i32
    %swap3A_313 = arith.index_cast %swap3A_312 : i32 to index
    %swap3A_314 = arith.constant 0 : index
    %swap3A_315 = tpu.vector_load %arg5[%swap3A_313, %swap3A_314] {strides = array<i32>} : memref<8x128xf32, #tpu.memory_space<vmem>>, vector<1x16xf32>,
    %swap3A_316 = vector.shape_cast %swap3A_315 : vector<1x16xf32> to vector<16xf32>
    %swap3A_317 = vector.shape_cast %div3A_311 : vector<16xf32> to vector<1x16xf32>
    tpu.vector_store %arg5[%swap3A_313, %swap3A_314], %swap3A_317 {strides = array<i32>} : memref<8x128xf32, #tpu.memory_space<vmem>>, vector<1x16xf32>,
    %get3A_318 = arith.constant 0 : i32
    %get3A_319 = arith.index_cast %get3A_318 : i32 to index
    %get3A_320 = arith.constant 16 : index
    %get3A_321 = tpu.vector_load %arg4[%get3A_319, %get3A_320] {strides = array<i32>} : memref<8x128xf32, #tpu.memory_space<vmem>>, vector<1x16xf32>,
    %get3A_322 = vector.shape_cast %get3A_321 : vector<1x16xf32> to vector<16xf32>
    %get3A_323 = arith.constant 1 : i32
    %get3A_324 = arith.index_cast %get3A_323 : i32 to index
    %get3A_325 = arith.constant 16 : index
    %get3A_326 = tpu.vector_load %arg4[%get3A_324, %get3A_325] {strides = array<i32>} : memref<8x128xf32, #tpu.memory_space<vmem>>, vector<1x16xf32>,
    %get3A_327 = vector.shape_cast %get3A_326 : vector<1x16xf32> to vector<16xf32>
    %get3A_328 = arith.constant 2 : i32
    %get3A_329 = arith.index_cast %get3A_328 : i32 to index
    %get3A_330 = arith.constant 16 : index
    %get3A_331 = tpu.vector_load %arg4[%get3A_329, %get3A_330] {strides = array<i32>} : memref<8x128xf32, #tpu.memory_space<vmem>>, vector<1x16xf32>,
    %get3A_332 = vector.shape_cast %get3A_331 : vector<1x16xf32> to vector<16xf32>
    %get3A_333 = arith.constant 3 : i32
    %get3A_334 = arith.index_cast %get3A_333 : i32 to index
    %get3A_335 = arith.constant 16 : index
    %get3A_336 = tpu.vector_load %arg4[%get3A_334, %get3A_335] {strides = array<i32>} : memref<8x128xf32, #tpu.memory_space<vmem>>, vector<1x16xf32>,
    %get3A_337 = vector.shape_cast %get3A_336 : vector<1x16xf32> to vector<16xf32>
    %get3A_338 = arith.constant 4 : i32
    %get3A_339 = arith.index_cast %get3A_338 : i32 to index
    %get3A_340 = arith.constant 16 : index
    %get3A_341 = tpu.vector_load %arg4[%get3A_339, %get3A_340] {strides = array<i32>} : memref<8x128xf32, #tpu.memory_space<vmem>>, vector<1x16xf32>,
    %get3A_342 = vector.shape_cast %get3A_341 : vector<1x16xf32> to vector<16xf32>
    %get3A_343 = arith.constant 5 : i32
    %get3A_344 = arith.index_cast %get3A_343 : i32 to index
    %get3A_345 = arith.constant 16 : index
    %get3A_346 = tpu.vector_load %arg4[%get3A_344, %get3A_345] {strides = array<i32>} : memref<8x128xf32, #tpu.memory_space<vmem>>, vector<1x16xf32>,
    %get3A_347 = vector.shape_cast %get3A_346 : vector<1x16xf32> to vector<16xf32>
    %get3A_348 = arith.constant 6 : i32
    %get3A_349 = arith.index_cast %get3A_348 : i32 to index
    %get3A_350 = arith.constant 16 : index
    %get3A_351 = tpu.vector_load %arg4[%get3A_349, %get3A_350] {strides = array<i32>} : memref<8x128xf32, #tpu.memory_space<vmem>>, vector<1x16xf32>,
    %get3A_352 = vector.shape_cast %get3A_351 : vector<1x16xf32> to vector<16xf32>
    %get3A_353 = arith.constant 7 : i32
    %get3A_354 = arith.index_cast %get3A_353 : i32 to index
    %get3A_355 = arith.constant 16 : index
    %get3A_356 = tpu.vector_load %arg4[%get3A_354, %get3A_355] {strides = array<i32>} : memref<8x128xf32, #tpu.memory_space<vmem>>, vector<1x16xf32>,
    %get3A_357 = vector.shape_cast %get3A_356 : vector<1x16xf32> to vector<16xf32>
    %max3A_358 = arith.maximumf %get3A_322, %get3A_327 : vector<16xf32>
    %max3A_359 = arith.maximumf %max3A_358, %get3A_332 : vector<16xf32>
    %max3A_360 = arith.maximumf %max3A_359, %get3A_337 : vector<16xf32>
    %max3A_361 = arith.maximumf %max3A_360, %get3A_342 : vector<16xf32>
    %max3A_362 = arith.maximumf %max3A_361, %get3A_347 : vector<16xf32>
    %max3A_363 = arith.maximumf %max3A_362, %get3A_352 : vector<16xf32>
    %max3A_364 = arith.maximumf %max3A_363, %get3A_357 : vector<16xf32>
    %sub3A_365 = arith.subf %get3A_322, %max3A_364 : vector<16xf32>
    %exp3A_366 = math.exp %sub3A_365 : vector<16xf32>
    %sub3A_367 = arith.subf %get3A_327, %max3A_364 : vector<16xf32>
    %exp3A_368 = math.exp %sub3A_367 : vector<16xf32>
    %sub3A_369 = arith.subf %get3A_332, %max3A_364 : vector<16xf32>
    %exp3A_370 = math.exp %sub3A_369 : vector<16xf32>
    %sub3A_371 = arith.subf %get3A_337, %max3A_364 : vector<16xf32>
    %exp3A_372 = math.exp %sub3A_371 : vector<16xf32>
    %sub3A_373 = arith.subf %get3A_342, %max3A_364 : vector<16xf32>
    %exp3A_374 = math.exp %sub3A_373 : vector<16xf32>
    %sub3A_375 = arith.subf %get3A_347, %max3A_364 : vector<16xf32>
    %exp3A_376 = math.exp %sub3A_375 : vector<16xf32>
    %sub3A_377 = arith.subf %get3A_352, %max3A_364 : vector<16xf32>
    %exp3A_378 = math.exp %sub3A_377 : vector<16xf32>
    %sub3A_379 = arith.subf %get3A_357, %max3A_364 : vector<16xf32>
    %exp3A_380 = math.exp %sub3A_379 : vector<16xf32>
    %add3A_381 = arith.addf %exp3A_366, %exp3A_368 : vector<16xf32>
    %add3A_382 = arith.addf %add3A_381, %exp3A_370 : vector<16xf32>
    %add3A_383 = arith.addf %add3A_382, %exp3A_372 : vector<16xf32>
    %add3A_384 = arith.addf %add3A_383, %exp3A_374 : vector<16xf32>
    %add3A_385 = arith.addf %add3A_384, %exp3A_376 : vector<16xf32>
    %add3A_386 = arith.addf %add3A_385, %exp3A_378 : vector<16xf32>
    %add3A_387 = arith.addf %add3A_386, %exp3A_380 : vector<16xf32>
    %div3A_388 = arith.divf %exp3A_366, %add3A_387 : vector<16xf32>
    %div3A_389 = arith.divf %exp3A_368, %add3A_387 : vector<16xf32>
    %div3A_390 = arith.divf %exp3A_370, %add3A_387 : vector<16xf32>
    %div3A_391 = arith.divf %exp3A_372, %add3A_387 : vector<16xf32>
    %div3A_392 = arith.divf %exp3A_374, %add3A_387 : vector<16xf32>
    %div3A_393 = arith.divf %exp3A_376, %add3A_387 : vector<16xf32>
    %div3A_394 = arith.divf %exp3A_378, %add3A_387 : vector<16xf32>
    %div3A_395 = arith.divf %exp3A_380, %add3A_387 : vector<16xf32>
    %max3A_396 = arith.maximumf %div3A_388, %div3A_389 : vector<16xf32>
    %max3A_397 = arith.maximumf %max3A_396, %div3A_390 : vector<16xf32>
    %max3A_398 = arith.maximumf %max3A_397, %div3A_391 : vector<16xf32>
    %max3A_399 = arith.maximumf %max3A_398, %div3A_392 : vector<16xf32>
    %max3A_400 = arith.maximumf %max3A_399, %div3A_393 : vector<16xf32>
    %max3A_401 = arith.maximumf %max3A_400, %div3A_394 : vector<16xf32>
    %max3A_402 = arith.maximumf %max3A_401, %div3A_395 : vector<16xf32>
    %broadcast_in_dim3A_403 = arith.constant 8 : i32
    %broadcast_in_dim3A_404 = vector.broadcast %broadcast_in_dim3A_403 : i32 to vector<16xi32>
    %eq3A_405 = arith.cmpf oeq, %div3A_395, %max3A_402 : vector<16xf32>
    %broadcast_in_dim3A_406 = arith.constant 7 : i32
    %broadcast_in_dim3A_407 = vector.broadcast %broadcast_in_dim3A_406 : i32 to vector<16xi32>
    %select_n3A_408 = arith.select %eq3A_405, %broadcast_in_dim3A_407, %broadcast_in_dim3A_404 : vector<16xi1>, vector<16xi32>
    %eq3A_409 = arith.cmpf oeq, %div3A_394, %max3A_402 : vector<16xf32>
    %broadcast_in_dim3A_410 = arith.constant 6 : i32
    %broadcast_in_dim3A_411 = vector.broadcast %broadcast_in_dim3A_410 : i32 to vector<16xi32>
    %select_n3A_412 = arith.select %eq3A_409, %broadcast_in_dim3A_411, %select_n3A_408 : vector<16xi1>, vector<16xi32>
    %eq3A_413 = arith.cmpf oeq, %div3A_393, %max3A_402 : vector<16xf32>
    %broadcast_in_dim3A_414 = arith.constant 5 : i32
    %broadcast_in_dim3A_415 = vector.broadcast %broadcast_in_dim3A_414 : i32 to vector<16xi32>
    %select_n3A_416 = arith.select %eq3A_413, %broadcast_in_dim3A_415, %select_n3A_412 : vector<16xi1>, vector<16xi32>
    %eq3A_417 = arith.cmpf oeq, %div3A_392, %max3A_402 : vector<16xf32>
    %broadcast_in_dim3A_418 = arith.constant 4 : i32
    %broadcast_in_dim3A_419 = vector.broadcast %broadcast_in_dim3A_418 : i32 to vector<16xi32>
    %select_n3A_420 = arith.select %eq3A_417, %broadcast_in_dim3A_419, %select_n3A_416 : vector<16xi1>, vector<16xi32>
    %eq3A_421 = arith.cmpf oeq, %div3A_391, %max3A_402 : vector<16xf32>
    %broadcast_in_dim3A_422 = arith.constant 3 : i32
    %broadcast_in_dim3A_423 = vector.broadcast %broadcast_in_dim3A_422 : i32 to vector<16xi32>
    %select_n3A_424 = arith.select %eq3A_421, %broadcast_in_dim3A_423, %select_n3A_420 : vector<16xi1>, vector<16xi32>
    %eq3A_425 = arith.cmpf oeq, %div3A_390, %max3A_402 : vector<16xf32>
    %broadcast_in_dim3A_426 = arith.constant 2 : i32
    %broadcast_in_dim3A_427 = vector.broadcast %broadcast_in_dim3A_426 : i32 to vector<16xi32>
    %select_n3A_428 = arith.select %eq3A_425, %broadcast_in_dim3A_427, %select_n3A_424 : vector<16xi1>, vector<16xi32>
    %eq3A_429 = arith.cmpf oeq, %div3A_389, %max3A_402 : vector<16xf32>
    %broadcast_in_dim3A_430 = arith.constant 1 : i32
    %broadcast_in_dim3A_431 = vector.broadcast %broadcast_in_dim3A_430 : i32 to vector<16xi32>
    %select_n3A_432 = arith.select %eq3A_429, %broadcast_in_dim3A_431, %select_n3A_428 : vector<16xi1>, vector<16xi32>
    %eq3A_433 = arith.cmpf oeq, %div3A_388, %max3A_402 : vector<16xf32>
    %broadcast_in_dim3A_434 = arith.constant 0 : i32
    %broadcast_in_dim3A_435 = vector.broadcast %broadcast_in_dim3A_434 : i32 to vector<16xi32>
    %select_n3A_436 = arith.select %eq3A_433, %broadcast_in_dim3A_435, %select_n3A_432 : vector<16xi1>, vector<16xi32>
    %broadcast_in_dim3A_437 = arith.constant -3.000000e+38 : f32
    %broadcast_in_dim3A_438 = vector.broadcast %broadcast_in_dim3A_437 : f32 to vector<16xf32>
    %broadcast_in_dim3A_439 = arith.constant 0 : i32
    %broadcast_in_dim3A_440 = vector.broadcast %broadcast_in_dim3A_439 : i32 to vector<16xi32>
    %eq3A_441 = arith.cmpi eq, %select_n3A_436, %broadcast_in_dim3A_440 : vector<16xi32>
    %select_n3A_442 = arith.select %eq3A_441, %broadcast_in_dim3A_438, %div3A_388 : vector<16xi1>, vector<16xf32>
    %broadcast_in_dim3A_443 = arith.constant 1 : i32
    %broadcast_in_dim3A_444 = vector.broadcast %broadcast_in_dim3A_443 : i32 to vector<16xi32>
    %eq3A_445 = arith.cmpi eq, %select_n3A_436, %broadcast_in_dim3A_444 : vector<16xi32>
    %select_n3A_446 = arith.select %eq3A_445, %broadcast_in_dim3A_438, %div3A_389 : vector<16xi1>, vector<16xf32>
    %broadcast_in_dim3A_447 = arith.constant 2 : i32
    %broadcast_in_dim3A_448 = vector.broadcast %broadcast_in_dim3A_447 : i32 to vector<16xi32>
    %eq3A_449 = arith.cmpi eq, %select_n3A_436, %broadcast_in_dim3A_448 : vector<16xi32>
    %select_n3A_450 = arith.select %eq3A_449, %broadcast_in_dim3A_438, %div3A_390 : vector<16xi1>, vector<16xf32>
    %broadcast_in_dim3A_451 = arith.constant 3 : i32
    %broadcast_in_dim3A_452 = vector.broadcast %broadcast_in_dim3A_451 : i32 to vector<16xi32>
    %eq3A_453 = arith.cmpi eq, %select_n3A_436, %broadcast_in_dim3A_452 : vector<16xi32>
    %select_n3A_454 = arith.select %eq3A_453, %broadcast_in_dim3A_438, %div3A_391 : vector<16xi1>, vector<16xf32>
    %broadcast_in_dim3A_455 = arith.constant 4 : i32
    %broadcast_in_dim3A_456 = vector.broadcast %broadcast_in_dim3A_455 : i32 to vector<16xi32>
    %eq3A_457 = arith.cmpi eq, %select_n3A_436, %broadcast_in_dim3A_456 : vector<16xi32>
    %select_n3A_458 = arith.select %eq3A_457, %broadcast_in_dim3A_438, %div3A_392 : vector<16xi1>, vector<16xf32>
    %broadcast_in_dim3A_459 = arith.constant 5 : i32
    %broadcast_in_dim3A_460 = vector.broadcast %broadcast_in_dim3A_459 : i32 to vector<16xi32>
    %eq3A_461 = arith.cmpi eq, %select_n3A_436, %broadcast_in_dim3A_460 : vector<16xi32>
    %select_n3A_462 = arith.select %eq3A_461, %broadcast_in_dim3A_438, %div3A_393 : vector<16xi1>, vector<16xf32>
    %broadcast_in_dim3A_463 = arith.constant 6 : i32
    %broadcast_in_dim3A_464 = vector.broadcast %broadcast_in_dim3A_463 : i32 to vector<16xi32>
    %eq3A_465 = arith.cmpi eq, %select_n3A_436, %broadcast_in_dim3A_464 : vector<16xi32>
    %select_n3A_466 = arith.select %eq3A_465, %broadcast_in_dim3A_438, %div3A_394 : vector<16xi1>, vector<16xf32>
    %broadcast_in_dim3A_467 = arith.constant 7 : i32
    %broadcast_in_dim3A_468 = vector.broadcast %broadcast_in_dim3A_467 : i32 to vector<16xi32>
    %eq3A_469 = arith.cmpi eq, %select_n3A_436, %broadcast_in_dim3A_468 : vector<16xi32>
    %select_n3A_470 = arith.select %eq3A_469, %broadcast_in_dim3A_438, %div3A_395 : vector<16xi1>, vector<16xf32>
    %max3A_471 = arith.maximumf %select_n3A_442, %select_n3A_446 : vector<16xf32>
    %max3A_472 = arith.maximumf %max3A_471, %select_n3A_450 : vector<16xf32>
    %max3A_473 = arith.maximumf %max3A_472, %select_n3A_454 : vector<16xf32>
    %max3A_474 = arith.maximumf %max3A_473, %select_n3A_458 : vector<16xf32>
    %max3A_475 = arith.maximumf %max3A_474, %select_n3A_462 : vector<16xf32>
    %max3A_476 = arith.maximumf %max3A_475, %select_n3A_466 : vector<16xf32>
    %max3A_477 = arith.maximumf %max3A_476, %select_n3A_470 : vector<16xf32>
    %broadcast_in_dim3A_478 = arith.constant 8 : i32
    %broadcast_in_dim3A_479 = vector.broadcast %broadcast_in_dim3A_478 : i32 to vector<16xi32>
    %eq3A_480 = arith.cmpf oeq, %select_n3A_470, %max3A_477 : vector<16xf32>
    %broadcast_in_dim3A_481 = arith.constant 7 : i32
    %broadcast_in_dim3A_482 = vector.broadcast %broadcast_in_dim3A_481 : i32 to vector<16xi32>
    %select_n3A_483 = arith.select %eq3A_480, %broadcast_in_dim3A_482, %broadcast_in_dim3A_479 : vector<16xi1>, vector<16xi32>
    %eq3A_484 = arith.cmpf oeq, %select_n3A_466, %max3A_477 : vector<16xf32>
    %broadcast_in_dim3A_485 = arith.constant 6 : i32
    %broadcast_in_dim3A_486 = vector.broadcast %broadcast_in_dim3A_485 : i32 to vector<16xi32>
    %select_n3A_487 = arith.select %eq3A_484, %broadcast_in_dim3A_486, %select_n3A_483 : vector<16xi1>, vector<16xi32>
    %eq3A_488 = arith.cmpf oeq, %select_n3A_462, %max3A_477 : vector<16xf32>
    %broadcast_in_dim3A_489 = arith.constant 5 : i32
    %broadcast_in_dim3A_490 = vector.broadcast %broadcast_in_dim3A_489 : i32 to vector<16xi32>
    %select_n3A_491 = arith.select %eq3A_488, %broadcast_in_dim3A_490, %select_n3A_487 : vector<16xi1>, vector<16xi32>
    %eq3A_492 = arith.cmpf oeq, %select_n3A_458, %max3A_477 : vector<16xf32>
    %broadcast_in_dim3A_493 = arith.constant 4 : i32
    %broadcast_in_dim3A_494 = vector.broadcast %broadcast_in_dim3A_493 : i32 to vector<16xi32>
    %select_n3A_495 = arith.select %eq3A_492, %broadcast_in_dim3A_494, %select_n3A_491 : vector<16xi1>, vector<16xi32>
    %eq3A_496 = arith.cmpf oeq, %select_n3A_454, %max3A_477 : vector<16xf32>
    %broadcast_in_dim3A_497 = arith.constant 3 : i32
    %broadcast_in_dim3A_498 = vector.broadcast %broadcast_in_dim3A_497 : i32 to vector<16xi32>
    %select_n3A_499 = arith.select %eq3A_496, %broadcast_in_dim3A_498, %select_n3A_495 : vector<16xi1>, vector<16xi32>
    %eq3A_500 = arith.cmpf oeq, %select_n3A_450, %max3A_477 : vector<16xf32>
    %broadcast_in_dim3A_501 = arith.constant 2 : i32
    %broadcast_in_dim3A_502 = vector.broadcast %broadcast_in_dim3A_501 : i32 to vector<16xi32>
    %select_n3A_503 = arith.select %eq3A_500, %broadcast_in_dim3A_502, %select_n3A_499 : vector<16xi1>, vector<16xi32>
    %eq3A_504 = arith.cmpf oeq, %select_n3A_446, %max3A_477 : vector<16xf32>
    %broadcast_in_dim3A_505 = arith.constant 1 : i32
    %broadcast_in_dim3A_506 = vector.broadcast %broadcast_in_dim3A_505 : i32 to vector<16xi32>
    %select_n3A_507 = arith.select %eq3A_504, %broadcast_in_dim3A_506, %select_n3A_503 : vector<16xi1>, vector<16xi32>
    %eq3A_508 = arith.cmpf oeq, %select_n3A_442, %max3A_477 : vector<16xf32>
    %broadcast_in_dim3A_509 = arith.constant 0 : i32
    %broadcast_in_dim3A_510 = vector.broadcast %broadcast_in_dim3A_509 : i32 to vector<16xi32>
    %select_n3A_511 = arith.select %eq3A_508, %broadcast_in_dim3A_510, %select_n3A_507 : vector<16xi1>, vector<16xi32>
    %broadcast_in_dim3A_512 = arith.constant 0.000000e+00 : f32
    %broadcast_in_dim3A_513 = vector.broadcast %broadcast_in_dim3A_512 : f32 to vector<16xf32>
    %broadcast_in_dim3A_514 = arith.constant 0 : i32
    %broadcast_in_dim3A_515 = vector.broadcast %broadcast_in_dim3A_514 : i32 to vector<16xi32>
    %broadcast_in_dim3A_516 = arith.constant 1 : i32
    %broadcast_in_dim3A_517 = vector.broadcast %broadcast_in_dim3A_516 : i32 to vector<16xi32>
    %broadcast_in_dim3A_518 = arith.constant 2 : i32
    %broadcast_in_dim3A_519 = vector.broadcast %broadcast_in_dim3A_518 : i32 to vector<16xi32>
    %broadcast_in_dim3A_520 = arith.constant 3 : i32
    %broadcast_in_dim3A_521 = vector.broadcast %broadcast_in_dim3A_520 : i32 to vector<16xi32>
    %broadcast_in_dim3A_522 = arith.constant 4 : i32
    %broadcast_in_dim3A_523 = vector.broadcast %broadcast_in_dim3A_522 : i32 to vector<16xi32>
    %broadcast_in_dim3A_524 = arith.constant 5 : i32
    %broadcast_in_dim3A_525 = vector.broadcast %broadcast_in_dim3A_524 : i32 to vector<16xi32>
    %broadcast_in_dim3A_526 = arith.constant 6 : i32
    %broadcast_in_dim3A_527 = vector.broadcast %broadcast_in_dim3A_526 : i32 to vector<16xi32>
    %broadcast_in_dim3A_528 = arith.constant 7 : i32
    %broadcast_in_dim3A_529 = vector.broadcast %broadcast_in_dim3A_528 : i32 to vector<16xi32>
    %eq3A_530 = arith.cmpi eq, %select_n3A_436, %broadcast_in_dim3A_515 : vector<16xi32>
    %eq3A_531 = arith.cmpi eq, %select_n3A_511, %broadcast_in_dim3A_515 : vector<16xi32>
    %or3A_532 = arith.ori %eq3A_530, %eq3A_531 : vector<16xi1>
    %select_n3A_533 = arith.select %or3A_532, %div3A_388, %broadcast_in_dim3A_513 : vector<16xi1>, vector<16xf32>
    %eq3A_534 = arith.cmpi eq, %select_n3A_436, %broadcast_in_dim3A_517 : vector<16xi32>
    %eq3A_535 = arith.cmpi eq, %select_n3A_511, %broadcast_in_dim3A_517 : vector<16xi32>
    %or3A_536 = arith.ori %eq3A_534, %eq3A_535 : vector<16xi1>
    %select_n3A_537 = arith.select %or3A_536, %div3A_389, %broadcast_in_dim3A_513 : vector<16xi1>, vector<16xf32>
    %eq3A_538 = arith.cmpi eq, %select_n3A_436, %broadcast_in_dim3A_519 : vector<16xi32>
    %eq3A_539 = arith.cmpi eq, %select_n3A_511, %broadcast_in_dim3A_519 : vector<16xi32>
    %or3A_540 = arith.ori %eq3A_538, %eq3A_539 : vector<16xi1>
    %select_n3A_541 = arith.select %or3A_540, %div3A_390, %broadcast_in_dim3A_513 : vector<16xi1>, vector<16xf32>
    %eq3A_542 = arith.cmpi eq, %select_n3A_436, %broadcast_in_dim3A_521 : vector<16xi32>
    %eq3A_543 = arith.cmpi eq, %select_n3A_511, %broadcast_in_dim3A_521 : vector<16xi32>
    %or3A_544 = arith.ori %eq3A_542, %eq3A_543 : vector<16xi1>
    %select_n3A_545 = arith.select %or3A_544, %div3A_391, %broadcast_in_dim3A_513 : vector<16xi1>, vector<16xf32>
    %eq3A_546 = arith.cmpi eq, %select_n3A_436, %broadcast_in_dim3A_523 : vector<16xi32>
    %eq3A_547 = arith.cmpi eq, %select_n3A_511, %broadcast_in_dim3A_523 : vector<16xi32>
    %or3A_548 = arith.ori %eq3A_546, %eq3A_547 : vector<16xi1>
    %select_n3A_549 = arith.select %or3A_548, %div3A_392, %broadcast_in_dim3A_513 : vector<16xi1>, vector<16xf32>
    %eq3A_550 = arith.cmpi eq, %select_n3A_436, %broadcast_in_dim3A_525 : vector<16xi32>
    %eq3A_551 = arith.cmpi eq, %select_n3A_511, %broadcast_in_dim3A_525 : vector<16xi32>
    %or3A_552 = arith.ori %eq3A_550, %eq3A_551 : vector<16xi1>
    %select_n3A_553 = arith.select %or3A_552, %div3A_393, %broadcast_in_dim3A_513 : vector<16xi1>, vector<16xf32>
    %eq3A_554 = arith.cmpi eq, %select_n3A_436, %broadcast_in_dim3A_527 : vector<16xi32>
    %eq3A_555 = arith.cmpi eq, %select_n3A_511, %broadcast_in_dim3A_527 : vector<16xi32>
    %or3A_556 = arith.ori %eq3A_554, %eq3A_555 : vector<16xi1>
    %select_n3A_557 = arith.select %or3A_556, %div3A_394, %broadcast_in_dim3A_513 : vector<16xi1>, vector<16xf32>
    %eq3A_558 = arith.cmpi eq, %select_n3A_436, %broadcast_in_dim3A_529 : vector<16xi32>
    %eq3A_559 = arith.cmpi eq, %select_n3A_511, %broadcast_in_dim3A_529 : vector<16xi32>
    %or3A_560 = arith.ori %eq3A_558, %eq3A_559 : vector<16xi1>
    %select_n3A_561 = arith.select %or3A_560, %div3A_395, %broadcast_in_dim3A_513 : vector<16xi1>, vector<16xf32>
    %add3A_562 = arith.addf %select_n3A_533, %select_n3A_537 : vector<16xf32>
    %add3A_563 = arith.addf %add3A_562, %select_n3A_541 : vector<16xf32>
    %add3A_564 = arith.addf %add3A_563, %select_n3A_545 : vector<16xf32>
    %add3A_565 = arith.addf %add3A_564, %select_n3A_549 : vector<16xf32>
    %add3A_566 = arith.addf %add3A_565, %select_n3A_553 : vector<16xf32>
    %add3A_567 = arith.addf %add3A_566, %select_n3A_557 : vector<16xf32>
    %add3A_568 = arith.addf %add3A_567, %select_n3A_561 : vector<16xf32>
    %broadcast_in_dim3A_569 = arith.constant 9.99999971E-10 : f32
    %broadcast_in_dim3A_570 = vector.broadcast %broadcast_in_dim3A_569 : f32 to vector<16xf32>
    %add3A_571 = arith.addf %add3A_568, %broadcast_in_dim3A_570 : vector<16xf32>
    %div3A_572 = arith.divf %select_n3A_533, %add3A_571 : vector<16xf32>
    %swap3A_573 = arith.constant 0 : i32
    %swap3A_574 = arith.index_cast %swap3A_573 : i32 to index
    %swap3A_575 = arith.constant 16 : index
    %swap3A_576 = tpu.vector_load %arg5[%swap3A_574, %swap3A_575] {strides = array<i32>} : memref<8x128xf32, #tpu.memory_space<vmem>>, vector<1x16xf32>,
    %swap3A_577 = vector.shape_cast %swap3A_576 : vector<1x16xf32> to vector<16xf32>
    %swap3A_578 = vector.shape_cast %div3A_572 : vector<16xf32> to vector<1x16xf32>
    tpu.vector_store %arg5[%swap3A_574, %swap3A_575], %swap3A_578 {strides = array<i32>} : memref<8x128xf32, #tpu.memory_space<vmem>>, vector<1x16xf32>,
    %div3A_579 = arith.divf %select_n3A_537, %add3A_571 : vector<16xf32>
    %swap3A_580 = arith.constant 1 : i32
    %swap3A_581 = arith.index_cast %swap3A_580 : i32 to index
    %swap3A_582 = arith.constant 16 : index
    %swap3A_583 = tpu.vector_load %arg5[%swap3A_581, %swap3A_582] {strides = array<i32>} : memref<8x128xf32, #tpu.memory_space<vmem>>, vector<1x16xf32>,
    %swap3A_584 = vector.shape_cast %swap3A_583 : vector<1x16xf32> to vector<16xf32>
    %swap3A_585 = vector.shape_cast %div3A_579 : vector<16xf32> to vector<1x16xf32>
    tpu.vector_store %arg5[%swap3A_581, %swap3A_582], %swap3A_585 {strides = array<i32>} : memref<8x128xf32, #tpu.memory_space<vmem>>, vector<1x16xf32>,
    %div3A_586 = arith.divf %select_n3A_541, %add3A_571 : vector<16xf32>
    %swap3A_587 = arith.constant 2 : i32
    %swap3A_588 = arith.index_cast %swap3A_587 : i32 to index
    %swap3A_589 = arith.constant 16 : index
    %swap3A_590 = tpu.vector_load %arg5[%swap3A_588, %swap3A_589] {strides = array<i32>} : memref<8x128xf32, #tpu.memory_space<vmem>>, vector<1x16xf32>,
    %swap3A_591 = vector.shape_cast %swap3A_590 : vector<1x16xf32> to vector<16xf32>
    %swap3A_592 = vector.shape_cast %div3A_586 : vector<16xf32> to vector<1x16xf32>
    tpu.vector_store %arg5[%swap3A_588, %swap3A_589], %swap3A_592 {strides = array<i32>} : memref<8x128xf32, #tpu.memory_space<vmem>>, vector<1x16xf32>,
    %div3A_593 = arith.divf %select_n3A_545, %add3A_571 : vector<16xf32>
    %swap3A_594 = arith.constant 3 : i32
    %swap3A_595 = arith.index_cast %swap3A_594 : i32 to index
    %swap3A_596 = arith.constant 16 : index
    %swap3A_597 = tpu.vector_load %arg5[%swap3A_595, %swap3A_596] {strides = array<i32>} : memref<8x128xf32, #tpu.memory_space<vmem>>, vector<1x16xf32>,
    %swap3A_598 = vector.shape_cast %swap3A_597 : vector<1x16xf32> to vector<16xf32>
    %swap3A_599 = vector.shape_cast %div3A_593 : vector<16xf32> to vector<1x16xf32>
    tpu.vector_store %arg5[%swap3A_595, %swap3A_596], %swap3A_599 {strides = array<i32>} : memref<8x128xf32, #tpu.memory_space<vmem>>, vector<1x16xf32>,
    %div3A_600 = arith.divf %select_n3A_549, %add3A_571 : vector<16xf32>
    %swap3A_601 = arith.constant 4 : i32
    %swap3A_602 = arith.index_cast %swap3A_601 : i32 to index
    %swap3A_603 = arith.constant 16 : index
    %swap3A_604 = tpu.vector_load %arg5[%swap3A_602, %swap3A_603] {strides = array<i32>} : memref<8x128xf32, #tpu.memory_space<vmem>>, vector<1x16xf32>,
    %swap3A_605 = vector.shape_cast %swap3A_604 : vector<1x16xf32> to vector<16xf32>
    %swap3A_606 = vector.shape_cast %div3A_600 : vector<16xf32> to vector<1x16xf32>
    tpu.vector_store %arg5[%swap3A_602, %swap3A_603], %swap3A_606 {strides = array<i32>} : memref<8x128xf32, #tpu.memory_space<vmem>>, vector<1x16xf32>,
    %div3A_607 = arith.divf %select_n3A_553, %add3A_571 : vector<16xf32>
    %swap3A_608 = arith.constant 5 : i32
    %swap3A_609 = arith.index_cast %swap3A_608 : i32 to index
    %swap3A_610 = arith.constant 16 : index
    %swap3A_611 = tpu.vector_load %arg5[%swap3A_609, %swap3A_610] {strides = array<i32>} : memref<8x128xf32, #tpu.memory_space<vmem>>, vector<1x16xf32>,
    %swap3A_612 = vector.shape_cast %swap3A_611 : vector<1x16xf32> to vector<16xf32>
    %swap3A_613 = vector.shape_cast %div3A_607 : vector<16xf32> to vector<1x16xf32>
    tpu.vector_store %arg5[%swap3A_609, %swap3A_610], %swap3A_613 {strides = array<i32>} : memref<8x128xf32, #tpu.memory_space<vmem>>, vector<1x16xf32>,
    %div3A_614 = arith.divf %select_n3A_557, %add3A_571 : vector<16xf32>
    %swap3A_615 = arith.constant 6 : i32
    %swap3A_616 = arith.index_cast %swap3A_615 : i32 to index
    %swap3A_617 = arith.constant 16 : index
    %swap3A_618 = tpu.vector_load %arg5[%swap3A_616, %swap3A_617] {strides = array<i32>} : memref<8x128xf32, #tpu.memory_space<vmem>>, vector<1x16xf32>,
    %swap3A_619 = vector.shape_cast %swap3A_618 : vector<1x16xf32> to vector<16xf32>
    %swap3A_620 = vector.shape_cast %div3A_614 : vector<16xf32> to vector<1x16xf32>
    tpu.vector_store %arg5[%swap3A_616, %swap3A_617], %swap3A_620 {strides = array<i32>} : memref<8x128xf32, #tpu.memory_space<vmem>>, vector<1x16xf32>,
    %div3A_621 = arith.divf %select_n3A_561, %add3A_571 : vector<16xf32>
    %swap3A_622 = arith.constant 7 : i32
    %swap3A_623 = arith.index_cast %swap3A_622 : i32 to index
    %swap3A_624 = arith.constant 16 : index
    %swap3A_625 = tpu.vector_load %arg5[%swap3A_623, %swap3A_624] {strides = array<i32>} : memref<8x128xf32, #tpu.memory_space<vmem>>, vector<1x16xf32>,
    %swap3A_626 = vector.shape_cast %swap3A_625 : vector<1x16xf32> to vector<16xf32>
    %swap3A_627 = vector.shape_cast %div3A_621 : vector<16xf32> to vector<1x16xf32>
    tpu.vector_store %arg5[%swap3A_623, %swap3A_624], %swap3A_627 {strides = array<i32>} : memref<8x128xf32, #tpu.memory_space<vmem>>, vector<1x16xf32>,
    %get3A_628 = arith.constant 0 : i32
    %get3A_629 = arith.index_cast %get3A_628 : i32 to index
    %get3A_630 = arith.constant 32 : index
    %get3A_631 = tpu.vector_load %arg4[%get3A_629, %get3A_630] {strides = array<i32>} : memref<8x128xf32, #tpu.memory_space<vmem>>, vector<1x16xf32>,
    %get3A_632 = vector.shape_cast %get3A_631 : vector<1x16xf32> to vector<16xf32>
    %get3A_633 = arith.constant 1 : i32
    %get3A_634 = arith.index_cast %get3A_633 : i32 to index
    %get3A_635 = arith.constant 32 : index
    %get3A_636 = tpu.vector_load %arg4[%get3A_634, %get3A_635] {strides = array<i32>} : memref<8x128xf32, #tpu.memory_space<vmem>>, vector<1x16xf32>,
    %get3A_637 = vector.shape_cast %get3A_636 : vector<1x16xf32> to vector<16xf32>
    %get3A_638 = arith.constant 2 : i32
    %get3A_639 = arith.index_cast %get3A_638 : i32 to index
    %get3A_640 = arith.constant 32 : index
    %get3A_641 = tpu.vector_load %arg4[%get3A_639, %get3A_640] {strides = array<i32>} : memref<8x128xf32, #tpu.memory_space<vmem>>, vector<1x16xf32>,
    %get3A_642 = vector.shape_cast %get3A_641 : vector<1x16xf32> to vector<16xf32>
    %get3A_643 = arith.constant 3 : i32
    %get3A_644 = arith.index_cast %get3A_643 : i32 to index
    %get3A_645 = arith.constant 32 : index
    %get3A_646 = tpu.vector_load %arg4[%get3A_644, %get3A_645] {strides = array<i32>} : memref<8x128xf32, #tpu.memory_space<vmem>>, vector<1x16xf32>,
    %get3A_647 = vector.shape_cast %get3A_646 : vector<1x16xf32> to vector<16xf32>
    %get3A_648 = arith.constant 4 : i32
    %get3A_649 = arith.index_cast %get3A_648 : i32 to index
    %get3A_650 = arith.constant 32 : index
    %get3A_651 = tpu.vector_load %arg4[%get3A_649, %get3A_650] {strides = array<i32>} : memref<8x128xf32, #tpu.memory_space<vmem>>, vector<1x16xf32>,
    %get3A_652 = vector.shape_cast %get3A_651 : vector<1x16xf32> to vector<16xf32>
    %get3A_653 = arith.constant 5 : i32
    %get3A_654 = arith.index_cast %get3A_653 : i32 to index
    %get3A_655 = arith.constant 32 : index
    %get3A_656 = tpu.vector_load %arg4[%get3A_654, %get3A_655] {strides = array<i32>} : memref<8x128xf32, #tpu.memory_space<vmem>>, vector<1x16xf32>,
    %get3A_657 = vector.shape_cast %get3A_656 : vector<1x16xf32> to vector<16xf32>
    %get3A_658 = arith.constant 6 : i32
    %get3A_659 = arith.index_cast %get3A_658 : i32 to index
    %get3A_660 = arith.constant 32 : index
    %get3A_661 = tpu.vector_load %arg4[%get3A_659, %get3A_660] {strides = array<i32>} : memref<8x128xf32, #tpu.memory_space<vmem>>, vector<1x16xf32>,
    %get3A_662 = vector.shape_cast %get3A_661 : vector<1x16xf32> to vector<16xf32>
    %get3A_663 = arith.constant 7 : i32
    %get3A_664 = arith.index_cast %get3A_663 : i32 to index
    %get3A_665 = arith.constant 32 : index
    %get3A_666 = tpu.vector_load %arg4[%get3A_664, %get3A_665] {strides = array<i32>} : memref<8x128xf32, #tpu.memory_space<vmem>>, vector<1x16xf32>,
    %get3A_667 = vector.shape_cast %get3A_666 : vector<1x16xf32> to vector<16xf32>
    %max3A_668 = arith.maximumf %get3A_632, %get3A_637 : vector<16xf32>
    %max3A_669 = arith.maximumf %max3A_668, %get3A_642 : vector<16xf32>
    %max3A_670 = arith.maximumf %max3A_669, %get3A_647 : vector<16xf32>
    %max3A_671 = arith.maximumf %max3A_670, %get3A_652 : vector<16xf32>
    %max3A_672 = arith.maximumf %max3A_671, %get3A_657 : vector<16xf32>
    %max3A_673 = arith.maximumf %max3A_672, %get3A_662 : vector<16xf32>
    %max3A_674 = arith.maximumf %max3A_673, %get3A_667 : vector<16xf32>
    %sub3A_675 = arith.subf %get3A_632, %max3A_674 : vector<16xf32>
    %exp3A_676 = math.exp %sub3A_675 : vector<16xf32>
    %sub3A_677 = arith.subf %get3A_637, %max3A_674 : vector<16xf32>
    %exp3A_678 = math.exp %sub3A_677 : vector<16xf32>
    %sub3A_679 = arith.subf %get3A_642, %max3A_674 : vector<16xf32>
    %exp3A_680 = math.exp %sub3A_679 : vector<16xf32>
    %sub3A_681 = arith.subf %get3A_647, %max3A_674 : vector<16xf32>
    %exp3A_682 = math.exp %sub3A_681 : vector<16xf32>
    %sub3A_683 = arith.subf %get3A_652, %max3A_674 : vector<16xf32>
    %exp3A_684 = math.exp %sub3A_683 : vector<16xf32>
    %sub3A_685 = arith.subf %get3A_657, %max3A_674 : vector<16xf32>
    %exp3A_686 = math.exp %sub3A_685 : vector<16xf32>
    %sub3A_687 = arith.subf %get3A_662, %max3A_674 : vector<16xf32>
    %exp3A_688 = math.exp %sub3A_687 : vector<16xf32>
    %sub3A_689 = arith.subf %get3A_667, %max3A_674 : vector<16xf32>
    %exp3A_690 = math.exp %sub3A_689 : vector<16xf32>
    %add3A_691 = arith.addf %exp3A_676, %exp3A_678 : vector<16xf32>
    %add3A_692 = arith.addf %add3A_691, %exp3A_680 : vector<16xf32>
    %add3A_693 = arith.addf %add3A_692, %exp3A_682 : vector<16xf32>
    %add3A_694 = arith.addf %add3A_693, %exp3A_684 : vector<16xf32>
    %add3A_695 = arith.addf %add3A_694, %exp3A_686 : vector<16xf32>
    %add3A_696 = arith.addf %add3A_695, %exp3A_688 : vector<16xf32>
    %add3A_697 = arith.addf %add3A_696, %exp3A_690 : vector<16xf32>
    %div3A_698 = arith.divf %exp3A_676, %add3A_697 : vector<16xf32>
    %div3A_699 = arith.divf %exp3A_678, %add3A_697 : vector<16xf32>
    %div3A_700 = arith.divf %exp3A_680, %add3A_697 : vector<16xf32>
    %div3A_701 = arith.divf %exp3A_682, %add3A_697 : vector<16xf32>
    %div3A_702 = arith.divf %exp3A_684, %add3A_697 : vector<16xf32>
    %div3A_703 = arith.divf %exp3A_686, %add3A_697 : vector<16xf32>
    %div3A_704 = arith.divf %exp3A_688, %add3A_697 : vector<16xf32>
    %div3A_705 = arith.divf %exp3A_690, %add3A_697 : vector<16xf32>
    %max3A_706 = arith.maximumf %div3A_698, %div3A_699 : vector<16xf32>
    %max3A_707 = arith.maximumf %max3A_706, %div3A_700 : vector<16xf32>
    %max3A_708 = arith.maximumf %max3A_707, %div3A_701 : vector<16xf32>
    %max3A_709 = arith.maximumf %max3A_708, %div3A_702 : vector<16xf32>
    %max3A_710 = arith.maximumf %max3A_709, %div3A_703 : vector<16xf32>
    %max3A_711 = arith.maximumf %max3A_710, %div3A_704 : vector<16xf32>
    %max3A_712 = arith.maximumf %max3A_711, %div3A_705 : vector<16xf32>
    %broadcast_in_dim3A_713 = arith.constant 8 : i32
    %broadcast_in_dim3A_714 = vector.broadcast %broadcast_in_dim3A_713 : i32 to vector<16xi32>
    %eq3A_715 = arith.cmpf oeq, %div3A_705, %max3A_712 : vector<16xf32>
    %broadcast_in_dim3A_716 = arith.constant 7 : i32
    %broadcast_in_dim3A_717 = vector.broadcast %broadcast_in_dim3A_716 : i32 to vector<16xi32>
    %select_n3A_718 = arith.select %eq3A_715, %broadcast_in_dim3A_717, %broadcast_in_dim3A_714 : vector<16xi1>, vector<16xi32>
    %eq3A_719 = arith.cmpf oeq, %div3A_704, %max3A_712 : vector<16xf32>
    %broadcast_in_dim3A_720 = arith.constant 6 : i32
    %broadcast_in_dim3A_721 = vector.broadcast %broadcast_in_dim3A_720 : i32 to vector<16xi32>
    %select_n3A_722 = arith.select %eq3A_719, %broadcast_in_dim3A_721, %select_n3A_718 : vector<16xi1>, vector<16xi32>
    %eq3A_723 = arith.cmpf oeq, %div3A_703, %max3A_712 : vector<16xf32>
    %broadcast_in_dim3A_724 = arith.constant 5 : i32
    %broadcast_in_dim3A_725 = vector.broadcast %broadcast_in_dim3A_724 : i32 to vector<16xi32>
    %select_n3A_726 = arith.select %eq3A_723, %broadcast_in_dim3A_725, %select_n3A_722 : vector<16xi1>, vector<16xi32>
    %eq3A_727 = arith.cmpf oeq, %div3A_702, %max3A_712 : vector<16xf32>
    %broadcast_in_dim3A_728 = arith.constant 4 : i32
    %broadcast_in_dim3A_729 = vector.broadcast %broadcast_in_dim3A_728 : i32 to vector<16xi32>
    %select_n3A_730 = arith.select %eq3A_727, %broadcast_in_dim3A_729, %select_n3A_726 : vector<16xi1>, vector<16xi32>
    %eq3A_731 = arith.cmpf oeq, %div3A_701, %max3A_712 : vector<16xf32>
    %broadcast_in_dim3A_732 = arith.constant 3 : i32
    %broadcast_in_dim3A_733 = vector.broadcast %broadcast_in_dim3A_732 : i32 to vector<16xi32>
    %select_n3A_734 = arith.select %eq3A_731, %broadcast_in_dim3A_733, %select_n3A_730 : vector<16xi1>, vector<16xi32>
    %eq3A_735 = arith.cmpf oeq, %div3A_700, %max3A_712 : vector<16xf32>
    %broadcast_in_dim3A_736 = arith.constant 2 : i32
    %broadcast_in_dim3A_737 = vector.broadcast %broadcast_in_dim3A_736 : i32 to vector<16xi32>
    %select_n3A_738 = arith.select %eq3A_735, %broadcast_in_dim3A_737, %select_n3A_734 : vector<16xi1>, vector<16xi32>
    %eq3A_739 = arith.cmpf oeq, %div3A_699, %max3A_712 : vector<16xf32>
    %broadcast_in_dim3A_740 = arith.constant 1 : i32
    %broadcast_in_dim3A_741 = vector.broadcast %broadcast_in_dim3A_740 : i32 to vector<16xi32>
    %select_n3A_742 = arith.select %eq3A_739, %broadcast_in_dim3A_741, %select_n3A_738 : vector<16xi1>, vector<16xi32>
    %eq3A_743 = arith.cmpf oeq, %div3A_698, %max3A_712 : vector<16xf32>
    %broadcast_in_dim3A_744 = arith.constant 0 : i32
    %broadcast_in_dim3A_745 = vector.broadcast %broadcast_in_dim3A_744 : i32 to vector<16xi32>
    %select_n3A_746 = arith.select %eq3A_743, %broadcast_in_dim3A_745, %select_n3A_742 : vector<16xi1>, vector<16xi32>
    %broadcast_in_dim3A_747 = arith.constant -3.000000e+38 : f32
    %broadcast_in_dim3A_748 = vector.broadcast %broadcast_in_dim3A_747 : f32 to vector<16xf32>
    %broadcast_in_dim3A_749 = arith.constant 0 : i32
    %broadcast_in_dim3A_750 = vector.broadcast %broadcast_in_dim3A_749 : i32 to vector<16xi32>
    %eq3A_751 = arith.cmpi eq, %select_n3A_746, %broadcast_in_dim3A_750 : vector<16xi32>
    %select_n3A_752 = arith.select %eq3A_751, %broadcast_in_dim3A_748, %div3A_698 : vector<16xi1>, vector<16xf32>
    %broadcast_in_dim3A_753 = arith.constant 1 : i32
    %broadcast_in_dim3A_754 = vector.broadcast %broadcast_in_dim3A_753 : i32 to vector<16xi32>
    %eq3A_755 = arith.cmpi eq, %select_n3A_746, %broadcast_in_dim3A_754 : vector<16xi32>
    %select_n3A_756 = arith.select %eq3A_755, %broadcast_in_dim3A_748, %div3A_699 : vector<16xi1>, vector<16xf32>
    %broadcast_in_dim3A_757 = arith.constant 2 : i32
    %broadcast_in_dim3A_758 = vector.broadcast %broadcast_in_dim3A_757 : i32 to vector<16xi32>
    %eq3A_759 = arith.cmpi eq, %select_n3A_746, %broadcast_in_dim3A_758 : vector<16xi32>
    %select_n3A_760 = arith.select %eq3A_759, %broadcast_in_dim3A_748, %div3A_700 : vector<16xi1>, vector<16xf32>
    %broadcast_in_dim3A_761 = arith.constant 3 : i32
    %broadcast_in_dim3A_762 = vector.broadcast %broadcast_in_dim3A_761 : i32 to vector<16xi32>
    %eq3A_763 = arith.cmpi eq, %select_n3A_746, %broadcast_in_dim3A_762 : vector<16xi32>
    %select_n3A_764 = arith.select %eq3A_763, %broadcast_in_dim3A_748, %div3A_701 : vector<16xi1>, vector<16xf32>
    %broadcast_in_dim3A_765 = arith.constant 4 : i32
    %broadcast_in_dim3A_766 = vector.broadcast %broadcast_in_dim3A_765 : i32 to vector<16xi32>
    %eq3A_767 = arith.cmpi eq, %select_n3A_746, %broadcast_in_dim3A_766 : vector<16xi32>
    %select_n3A_768 = arith.select %eq3A_767, %broadcast_in_dim3A_748, %div3A_702 : vector<16xi1>, vector<16xf32>
    %broadcast_in_dim3A_769 = arith.constant 5 : i32
    %broadcast_in_dim3A_770 = vector.broadcast %broadcast_in_dim3A_769 : i32 to vector<16xi32>
    %eq3A_771 = arith.cmpi eq, %select_n3A_746, %broadcast_in_dim3A_770 : vector<16xi32>
    %select_n3A_772 = arith.select %eq3A_771, %broadcast_in_dim3A_748, %div3A_703 : vector<16xi1>, vector<16xf32>
    %broadcast_in_dim3A_773 = arith.constant 6 : i32
    %broadcast_in_dim3A_774 = vector.broadcast %broadcast_in_dim3A_773 : i32 to vector<16xi32>
    %eq3A_775 = arith.cmpi eq, %select_n3A_746, %broadcast_in_dim3A_774 : vector<16xi32>
    %select_n3A_776 = arith.select %eq3A_775, %broadcast_in_dim3A_748, %div3A_704 : vector<16xi1>, vector<16xf32>
    %broadcast_in_dim3A_777 = arith.constant 7 : i32
    %broadcast_in_dim3A_778 = vector.broadcast %broadcast_in_dim3A_777 : i32 to vector<16xi32>
    %eq3A_779 = arith.cmpi eq, %select_n3A_746, %broadcast_in_dim3A_778 : vector<16xi32>
    %select_n3A_780 = arith.select %eq3A_779, %broadcast_in_dim3A_748, %div3A_705 : vector<16xi1>, vector<16xf32>
    %max3A_781 = arith.maximumf %select_n3A_752, %select_n3A_756 : vector<16xf32>
    %max3A_782 = arith.maximumf %max3A_781, %select_n3A_760 : vector<16xf32>
    %max3A_783 = arith.maximumf %max3A_782, %select_n3A_764 : vector<16xf32>
    %max3A_784 = arith.maximumf %max3A_783, %select_n3A_768 : vector<16xf32>
    %max3A_785 = arith.maximumf %max3A_784, %select_n3A_772 : vector<16xf32>
    %max3A_786 = arith.maximumf %max3A_785, %select_n3A_776 : vector<16xf32>
    %max3A_787 = arith.maximumf %max3A_786, %select_n3A_780 : vector<16xf32>
    %broadcast_in_dim3A_788 = arith.constant 8 : i32
    %broadcast_in_dim3A_789 = vector.broadcast %broadcast_in_dim3A_788 : i32 to vector<16xi32>
    %eq3A_790 = arith.cmpf oeq, %select_n3A_780, %max3A_787 : vector<16xf32>
    %broadcast_in_dim3A_791 = arith.constant 7 : i32
    %broadcast_in_dim3A_792 = vector.broadcast %broadcast_in_dim3A_791 : i32 to vector<16xi32>
    %select_n3A_793 = arith.select %eq3A_790, %broadcast_in_dim3A_792, %broadcast_in_dim3A_789 : vector<16xi1>, vector<16xi32>
    %eq3A_794 = arith.cmpf oeq, %select_n3A_776, %max3A_787 : vector<16xf32>
    %broadcast_in_dim3A_795 = arith.constant 6 : i32
    %broadcast_in_dim3A_796 = vector.broadcast %broadcast_in_dim3A_795 : i32 to vector<16xi32>
    %select_n3A_797 = arith.select %eq3A_794, %broadcast_in_dim3A_796, %select_n3A_793 : vector<16xi1>, vector<16xi32>
    %eq3A_798 = arith.cmpf oeq, %select_n3A_772, %max3A_787 : vector<16xf32>
    %broadcast_in_dim3A_799 = arith.constant 5 : i32
    %broadcast_in_dim3A_800 = vector.broadcast %broadcast_in_dim3A_799 : i32 to vector<16xi32>
    %select_n3A_801 = arith.select %eq3A_798, %broadcast_in_dim3A_800, %select_n3A_797 : vector<16xi1>, vector<16xi32>
    %eq3A_802 = arith.cmpf oeq, %select_n3A_768, %max3A_787 : vector<16xf32>
    %broadcast_in_dim3A_803 = arith.constant 4 : i32
    %broadcast_in_dim3A_804 = vector.broadcast %broadcast_in_dim3A_803 : i32 to vector<16xi32>
    %select_n3A_805 = arith.select %eq3A_802, %broadcast_in_dim3A_804, %select_n3A_801 : vector<16xi1>, vector<16xi32>
    %eq3A_806 = arith.cmpf oeq, %select_n3A_764, %max3A_787 : vector<16xf32>
    %broadcast_in_dim3A_807 = arith.constant 3 : i32
    %broadcast_in_dim3A_808 = vector.broadcast %broadcast_in_dim3A_807 : i32 to vector<16xi32>
    %select_n3A_809 = arith.select %eq3A_806, %broadcast_in_dim3A_808, %select_n3A_805 : vector<16xi1>, vector<16xi32>
    %eq3A_810 = arith.cmpf oeq, %select_n3A_760, %max3A_787 : vector<16xf32>
    %broadcast_in_dim3A_811 = arith.constant 2 : i32
    %broadcast_in_dim3A_812 = vector.broadcast %broadcast_in_dim3A_811 : i32 to vector<16xi32>
    %select_n3A_813 = arith.select %eq3A_810, %broadcast_in_dim3A_812, %select_n3A_809 : vector<16xi1>, vector<16xi32>
    %eq3A_814 = arith.cmpf oeq, %select_n3A_756, %max3A_787 : vector<16xf32>
    %broadcast_in_dim3A_815 = arith.constant 1 : i32
    %broadcast_in_dim3A_816 = vector.broadcast %broadcast_in_dim3A_815 : i32 to vector<16xi32>
    %select_n3A_817 = arith.select %eq3A_814, %broadcast_in_dim3A_816, %select_n3A_813 : vector<16xi1>, vector<16xi32>
    %eq3A_818 = arith.cmpf oeq, %select_n3A_752, %max3A_787 : vector<16xf32>
    %broadcast_in_dim3A_819 = arith.constant 0 : i32
    %broadcast_in_dim3A_820 = vector.broadcast %broadcast_in_dim3A_819 : i32 to vector<16xi32>
    %select_n3A_821 = arith.select %eq3A_818, %broadcast_in_dim3A_820, %select_n3A_817 : vector<16xi1>, vector<16xi32>
    %broadcast_in_dim3A_822 = arith.constant 0.000000e+00 : f32
    %broadcast_in_dim3A_823 = vector.broadcast %broadcast_in_dim3A_822 : f32 to vector<16xf32>
    %broadcast_in_dim3A_824 = arith.constant 0 : i32
    %broadcast_in_dim3A_825 = vector.broadcast %broadcast_in_dim3A_824 : i32 to vector<16xi32>
    %broadcast_in_dim3A_826 = arith.constant 1 : i32
    %broadcast_in_dim3A_827 = vector.broadcast %broadcast_in_dim3A_826 : i32 to vector<16xi32>
    %broadcast_in_dim3A_828 = arith.constant 2 : i32
    %broadcast_in_dim3A_829 = vector.broadcast %broadcast_in_dim3A_828 : i32 to vector<16xi32>
    %broadcast_in_dim3A_830 = arith.constant 3 : i32
    %broadcast_in_dim3A_831 = vector.broadcast %broadcast_in_dim3A_830 : i32 to vector<16xi32>
    %broadcast_in_dim3A_832 = arith.constant 4 : i32
    %broadcast_in_dim3A_833 = vector.broadcast %broadcast_in_dim3A_832 : i32 to vector<16xi32>
    %broadcast_in_dim3A_834 = arith.constant 5 : i32
    %broadcast_in_dim3A_835 = vector.broadcast %broadcast_in_dim3A_834 : i32 to vector<16xi32>
    %broadcast_in_dim3A_836 = arith.constant 6 : i32
    %broadcast_in_dim3A_837 = vector.broadcast %broadcast_in_dim3A_836 : i32 to vector<16xi32>
    %broadcast_in_dim3A_838 = arith.constant 7 : i32
    %broadcast_in_dim3A_839 = vector.broadcast %broadcast_in_dim3A_838 : i32 to vector<16xi32>
    %eq3A_840 = arith.cmpi eq, %select_n3A_746, %broadcast_in_dim3A_825 : vector<16xi32>
    %eq3A_841 = arith.cmpi eq, %select_n3A_821, %broadcast_in_dim3A_825 : vector<16xi32>
    %or3A_842 = arith.ori %eq3A_840, %eq3A_841 : vector<16xi1>
    %select_n3A_843 = arith.select %or3A_842, %div3A_698, %broadcast_in_dim3A_823 : vector<16xi1>, vector<16xf32>
    %eq3A_844 = arith.cmpi eq, %select_n3A_746, %broadcast_in_dim3A_827 : vector<16xi32>
    %eq3A_845 = arith.cmpi eq, %select_n3A_821, %broadcast_in_dim3A_827 : vector<16xi32>
    %or3A_846 = arith.ori %eq3A_844, %eq3A_845 : vector<16xi1>
    %select_n3A_847 = arith.select %or3A_846, %div3A_699, %broadcast_in_dim3A_823 : vector<16xi1>, vector<16xf32>
    %eq3A_848 = arith.cmpi eq, %select_n3A_746, %broadcast_in_dim3A_829 : vector<16xi32>
    %eq3A_849 = arith.cmpi eq, %select_n3A_821, %broadcast_in_dim3A_829 : vector<16xi32>
    %or3A_850 = arith.ori %eq3A_848, %eq3A_849 : vector<16xi1>
    %select_n3A_851 = arith.select %or3A_850, %div3A_700, %broadcast_in_dim3A_823 : vector<16xi1>, vector<16xf32>
    %eq3A_852 = arith.cmpi eq, %select_n3A_746, %broadcast_in_dim3A_831 : vector<16xi32>
    %eq3A_853 = arith.cmpi eq, %select_n3A_821, %broadcast_in_dim3A_831 : vector<16xi32>
    %or3A_854 = arith.ori %eq3A_852, %eq3A_853 : vector<16xi1>
    %select_n3A_855 = arith.select %or3A_854, %div3A_701, %broadcast_in_dim3A_823 : vector<16xi1>, vector<16xf32>
    %eq3A_856 = arith.cmpi eq, %select_n3A_746, %broadcast_in_dim3A_833 : vector<16xi32>
    %eq3A_857 = arith.cmpi eq, %select_n3A_821, %broadcast_in_dim3A_833 : vector<16xi32>
    %or3A_858 = arith.ori %eq3A_856, %eq3A_857 : vector<16xi1>
    %select_n3A_859 = arith.select %or3A_858, %div3A_702, %broadcast_in_dim3A_823 : vector<16xi1>, vector<16xf32>
    %eq3A_860 = arith.cmpi eq, %select_n3A_746, %broadcast_in_dim3A_835 : vector<16xi32>
    %eq3A_861 = arith.cmpi eq, %select_n3A_821, %broadcast_in_dim3A_835 : vector<16xi32>
    %or3A_862 = arith.ori %eq3A_860, %eq3A_861 : vector<16xi1>
    %select_n3A_863 = arith.select %or3A_862, %div3A_703, %broadcast_in_dim3A_823 : vector<16xi1>, vector<16xf32>
    %eq3A_864 = arith.cmpi eq, %select_n3A_746, %broadcast_in_dim3A_837 : vector<16xi32>
    %eq3A_865 = arith.cmpi eq, %select_n3A_821, %broadcast_in_dim3A_837 : vector<16xi32>
    %or3A_866 = arith.ori %eq3A_864, %eq3A_865 : vector<16xi1>
    %select_n3A_867 = arith.select %or3A_866, %div3A_704, %broadcast_in_dim3A_823 : vector<16xi1>, vector<16xf32>
    %eq3A_868 = arith.cmpi eq, %select_n3A_746, %broadcast_in_dim3A_839 : vector<16xi32>
    %eq3A_869 = arith.cmpi eq, %select_n3A_821, %broadcast_in_dim3A_839 : vector<16xi32>
    %or3A_870 = arith.ori %eq3A_868, %eq3A_869 : vector<16xi1>
    %select_n3A_871 = arith.select %or3A_870, %div3A_705, %broadcast_in_dim3A_823 : vector<16xi1>, vector<16xf32>
    %add3A_872 = arith.addf %select_n3A_843, %select_n3A_847 : vector<16xf32>
    %add3A_873 = arith.addf %add3A_872, %select_n3A_851 : vector<16xf32>
    %add3A_874 = arith.addf %add3A_873, %select_n3A_855 : vector<16xf32>
    %add3A_875 = arith.addf %add3A_874, %select_n3A_859 : vector<16xf32>
    %add3A_876 = arith.addf %add3A_875, %select_n3A_863 : vector<16xf32>
    %add3A_877 = arith.addf %add3A_876, %select_n3A_867 : vector<16xf32>
    %add3A_878 = arith.addf %add3A_877, %select_n3A_871 : vector<16xf32>
    %broadcast_in_dim3A_879 = arith.constant 9.99999971E-10 : f32
    %broadcast_in_dim3A_880 = vector.broadcast %broadcast_in_dim3A_879 : f32 to vector<16xf32>
    %add3A_881 = arith.addf %add3A_878, %broadcast_in_dim3A_880 : vector<16xf32>
    %div3A_882 = arith.divf %select_n3A_843, %add3A_881 : vector<16xf32>
    %swap3A_883 = arith.constant 0 : i32
    %swap3A_884 = arith.index_cast %swap3A_883 : i32 to index
    %swap3A_885 = arith.constant 32 : index
    %swap3A_886 = tpu.vector_load %arg5[%swap3A_884, %swap3A_885] {strides = array<i32>} : memref<8x128xf32, #tpu.memory_space<vmem>>, vector<1x16xf32>,
    %swap3A_887 = vector.shape_cast %swap3A_886 : vector<1x16xf32> to vector<16xf32>
    %swap3A_888 = vector.shape_cast %div3A_882 : vector<16xf32> to vector<1x16xf32>
    tpu.vector_store %arg5[%swap3A_884, %swap3A_885], %swap3A_888 {strides = array<i32>} : memref<8x128xf32, #tpu.memory_space<vmem>>, vector<1x16xf32>,
    %div3A_889 = arith.divf %select_n3A_847, %add3A_881 : vector<16xf32>
    %swap3A_890 = arith.constant 1 : i32
    %swap3A_891 = arith.index_cast %swap3A_890 : i32 to index
    %swap3A_892 = arith.constant 32 : index
    %swap3A_893 = tpu.vector_load %arg5[%swap3A_891, %swap3A_892] {strides = array<i32>} : memref<8x128xf32, #tpu.memory_space<vmem>>, vector<1x16xf32>,
    %swap3A_894 = vector.shape_cast %swap3A_893 : vector<1x16xf32> to vector<16xf32>
    %swap3A_895 = vector.shape_cast %div3A_889 : vector<16xf32> to vector<1x16xf32>
    tpu.vector_store %arg5[%swap3A_891, %swap3A_892], %swap3A_895 {strides = array<i32>} : memref<8x128xf32, #tpu.memory_space<vmem>>, vector<1x16xf32>,
    %div3A_896 = arith.divf %select_n3A_851, %add3A_881 : vector<16xf32>
    %swap3A_897 = arith.constant 2 : i32
    %swap3A_898 = arith.index_cast %swap3A_897 : i32 to index
    %swap3A_899 = arith.constant 32 : index
    %swap3A_900 = tpu.vector_load %arg5[%swap3A_898, %swap3A_899] {strides = array<i32>} : memref<8x128xf32, #tpu.memory_space<vmem>>, vector<1x16xf32>,
    %swap3A_901 = vector.shape_cast %swap3A_900 : vector<1x16xf32> to vector<16xf32>
    %swap3A_902 = vector.shape_cast %div3A_896 : vector<16xf32> to vector<1x16xf32>
    tpu.vector_store %arg5[%swap3A_898, %swap3A_899], %swap3A_902 {strides = array<i32>} : memref<8x128xf32, #tpu.memory_space<vmem>>, vector<1x16xf32>,
    %div3A_903 = arith.divf %select_n3A_855, %add3A_881 : vector<16xf32>
    %swap3A_904 = arith.constant 3 : i32
    %swap3A_905 = arith.index_cast %swap3A_904 : i32 to index
    %swap3A_906 = arith.constant 32 : index
    %swap3A_907 = tpu.vector_load %arg5[%swap3A_905, %swap3A_906] {strides = array<i32>} : memref<8x128xf32, #tpu.memory_space<vmem>>, vector<1x16xf32>,
    %swap3A_908 = vector.shape_cast %swap3A_907 : vector<1x16xf32> to vector<16xf32>
    %swap3A_909 = vector.shape_cast %div3A_903 : vector<16xf32> to vector<1x16xf32>
    tpu.vector_store %arg5[%swap3A_905, %swap3A_906], %swap3A_909 {strides = array<i32>} : memref<8x128xf32, #tpu.memory_space<vmem>>, vector<1x16xf32>,
    %div3A_910 = arith.divf %select_n3A_859, %add3A_881 : vector<16xf32>
    %swap3A_911 = arith.constant 4 : i32
    %swap3A_912 = arith.index_cast %swap3A_911 : i32 to index
    %swap3A_913 = arith.constant 32 : index
    %swap3A_914 = tpu.vector_load %arg5[%swap3A_912, %swap3A_913] {strides = array<i32>} : memref<8x128xf32, #tpu.memory_space<vmem>>, vector<1x16xf32>,
    %swap3A_915 = vector.shape_cast %swap3A_914 : vector<1x16xf32> to vector<16xf32>
    %swap3A_916 = vector.shape_cast %div3A_910 : vector<16xf32> to vector<1x16xf32>
    tpu.vector_store %arg5[%swap3A_912, %swap3A_913], %swap3A_916 {strides = array<i32>} : memref<8x128xf32, #tpu.memory_space<vmem>>, vector<1x16xf32>,
    %div3A_917 = arith.divf %select_n3A_863, %add3A_881 : vector<16xf32>
    %swap3A_918 = arith.constant 5 : i32
    %swap3A_919 = arith.index_cast %swap3A_918 : i32 to index
    %swap3A_920 = arith.constant 32 : index
    %swap3A_921 = tpu.vector_load %arg5[%swap3A_919, %swap3A_920] {strides = array<i32>} : memref<8x128xf32, #tpu.memory_space<vmem>>, vector<1x16xf32>,
    %swap3A_922 = vector.shape_cast %swap3A_921 : vector<1x16xf32> to vector<16xf32>
    %swap3A_923 = vector.shape_cast %div3A_917 : vector<16xf32> to vector<1x16xf32>
    tpu.vector_store %arg5[%swap3A_919, %swap3A_920], %swap3A_923 {strides = array<i32>} : memref<8x128xf32, #tpu.memory_space<vmem>>, vector<1x16xf32>,
    %div3A_924 = arith.divf %select_n3A_867, %add3A_881 : vector<16xf32>
    %swap3A_925 = arith.constant 6 : i32
    %swap3A_926 = arith.index_cast %swap3A_925 : i32 to index
    %swap3A_927 = arith.constant 32 : index
    %swap3A_928 = tpu.vector_load %arg5[%swap3A_926, %swap3A_927] {strides = array<i32>} : memref<8x128xf32, #tpu.memory_space<vmem>>, vector<1x16xf32>,
    %swap3A_929 = vector.shape_cast %swap3A_928 : vector<1x16xf32> to vector<16xf32>
    %swap3A_930 = vector.shape_cast %div3A_924 : vector<16xf32> to vector<1x16xf32>
    tpu.vector_store %arg5[%swap3A_926, %swap3A_927], %swap3A_930 {strides = array<i32>} : memref<8x128xf32, #tpu.memory_space<vmem>>, vector<1x16xf32>,
    %div3A_931 = arith.divf %select_n3A_871, %add3A_881 : vector<16xf32>
    %swap3A_932 = arith.constant 7 : i32
    %swap3A_933 = arith.index_cast %swap3A_932 : i32 to index
    %swap3A_934 = arith.constant 32 : index
    %swap3A_935 = tpu.vector_load %arg5[%swap3A_933, %swap3A_934] {strides = array<i32>} : memref<8x128xf32, #tpu.memory_space<vmem>>, vector<1x16xf32>,
    %swap3A_936 = vector.shape_cast %swap3A_935 : vector<1x16xf32> to vector<16xf32>
    %swap3A_937 = vector.shape_cast %div3A_931 : vector<16xf32> to vector<1x16xf32>
    tpu.vector_store %arg5[%swap3A_933, %swap3A_934], %swap3A_937 {strides = array<i32>} : memref<8x128xf32, #tpu.memory_space<vmem>>, vector<1x16xf32>,
    %get3A_938 = arith.constant 0 : i32
    %get3A_939 = arith.index_cast %get3A_938 : i32 to index
    %get3A_940 = arith.constant 48 : index
    %get3A_941 = tpu.vector_load %arg4[%get3A_939, %get3A_940] {strides = array<i32>} : memref<8x128xf32, #tpu.memory_space<vmem>>, vector<1x16xf32>,
    %get3A_942 = vector.shape_cast %get3A_941 : vector<1x16xf32> to vector<16xf32>
    %get3A_943 = arith.constant 1 : i32
    %get3A_944 = arith.index_cast %get3A_943 : i32 to index
    %get3A_945 = arith.constant 48 : index
    %get3A_946 = tpu.vector_load %arg4[%get3A_944, %get3A_945] {strides = array<i32>} : memref<8x128xf32, #tpu.memory_space<vmem>>, vector<1x16xf32>,
    %get3A_947 = vector.shape_cast %get3A_946 : vector<1x16xf32> to vector<16xf32>
    %get3A_948 = arith.constant 2 : i32
    %get3A_949 = arith.index_cast %get3A_948 : i32 to index
    %get3A_950 = arith.constant 48 : index
    %get3A_951 = tpu.vector_load %arg4[%get3A_949, %get3A_950] {strides = array<i32>} : memref<8x128xf32, #tpu.memory_space<vmem>>, vector<1x16xf32>,
    %get3A_952 = vector.shape_cast %get3A_951 : vector<1x16xf32> to vector<16xf32>
    %get3A_953 = arith.constant 3 : i32
    %get3A_954 = arith.index_cast %get3A_953 : i32 to index
    %get3A_955 = arith.constant 48 : index
    %get3A_956 = tpu.vector_load %arg4[%get3A_954, %get3A_955] {strides = array<i32>} : memref<8x128xf32, #tpu.memory_space<vmem>>, vector<1x16xf32>,
    %get3A_957 = vector.shape_cast %get3A_956 : vector<1x16xf32> to vector<16xf32>
    %get3A_958 = arith.constant 4 : i32
    %get3A_959 = arith.index_cast %get3A_958 : i32 to index
    %get3A_960 = arith.constant 48 : index
    %get3A_961 = tpu.vector_load %arg4[%get3A_959, %get3A_960] {strides = array<i32>} : memref<8x128xf32, #tpu.memory_space<vmem>>, vector<1x16xf32>,
    %get3A_962 = vector.shape_cast %get3A_961 : vector<1x16xf32> to vector<16xf32>
    %get3A_963 = arith.constant 5 : i32
    %get3A_964 = arith.index_cast %get3A_963 : i32 to index
    %get3A_965 = arith.constant 48 : index
    %get3A_966 = tpu.vector_load %arg4[%get3A_964, %get3A_965] {strides = array<i32>} : memref<8x128xf32, #tpu.memory_space<vmem>>, vector<1x16xf32>,
    %get3A_967 = vector.shape_cast %get3A_966 : vector<1x16xf32> to vector<16xf32>
    %get3A_968 = arith.constant 6 : i32
    %get3A_969 = arith.index_cast %get3A_968 : i32 to index
    %get3A_970 = arith.constant 48 : index
    %get3A_971 = tpu.vector_load %arg4[%get3A_969, %get3A_970] {strides = array<i32>} : memref<8x128xf32, #tpu.memory_space<vmem>>, vector<1x16xf32>,
    %get3A_972 = vector.shape_cast %get3A_971 : vector<1x16xf32> to vector<16xf32>
    %get3A_973 = arith.constant 7 : i32
    %get3A_974 = arith.index_cast %get3A_973 : i32 to index
    %get3A_975 = arith.constant 48 : index
    %get3A_976 = tpu.vector_load %arg4[%get3A_974, %get3A_975] {strides = array<i32>} : memref<8x128xf32, #tpu.memory_space<vmem>>, vector<1x16xf32>,
    %get3A_977 = vector.shape_cast %get3A_976 : vector<1x16xf32> to vector<16xf32>
    %max3A_978 = arith.maximumf %get3A_942, %get3A_947 : vector<16xf32>
    %max3A_979 = arith.maximumf %max3A_978, %get3A_952 : vector<16xf32>
    %max3A_980 = arith.maximumf %max3A_979, %get3A_957 : vector<16xf32>
    %max3A_981 = arith.maximumf %max3A_980, %get3A_962 : vector<16xf32>
    %max3A_982 = arith.maximumf %max3A_981, %get3A_967 : vector<16xf32>
    %max3A_983 = arith.maximumf %max3A_982, %get3A_972 : vector<16xf32>
    %max3A_984 = arith.maximumf %max3A_983, %get3A_977 : vector<16xf32>
    %sub3A_985 = arith.subf %get3A_942, %max3A_984 : vector<16xf32>
    %exp3A_986 = math.exp %sub3A_985 : vector<16xf32>
    %sub3A_987 = arith.subf %get3A_947, %max3A_984 : vector<16xf32>
    %exp3A_988 = math.exp %sub3A_987 : vector<16xf32>
    %sub3A_989 = arith.subf %get3A_952, %max3A_984 : vector<16xf32>
    %exp3A_990 = math.exp %sub3A_989 : vector<16xf32>
    %sub3A_991 = arith.subf %get3A_957, %max3A_984 : vector<16xf32>
    %exp3A_992 = math.exp %sub3A_991 : vector<16xf32>
    %sub3A_993 = arith.subf %get3A_962, %max3A_984 : vector<16xf32>
    %exp3A_994 = math.exp %sub3A_993 : vector<16xf32>
    %sub3A_995 = arith.subf %get3A_967, %max3A_984 : vector<16xf32>
    %exp3A_996 = math.exp %sub3A_995 : vector<16xf32>
    %sub3A_997 = arith.subf %get3A_972, %max3A_984 : vector<16xf32>
    %exp3A_998 = math.exp %sub3A_997 : vector<16xf32>
    %sub3A_999 = arith.subf %get3A_977, %max3A_984 : vector<16xf32>
    %exp3A_1000 = math.exp %sub3A_999 : vector<16xf32>
    %add3A_1001 = arith.addf %exp3A_986, %exp3A_988 : vector<16xf32>
    %add3A_1002 = arith.addf %add3A_1001, %exp3A_990 : vector<16xf32>
    %add3A_1003 = arith.addf %add3A_1002, %exp3A_992 : vector<16xf32>
    %add3A_1004 = arith.addf %add3A_1003, %exp3A_994 : vector<16xf32>
    %add3A_1005 = arith.addf %add3A_1004, %exp3A_996 : vector<16xf32>
    %add3A_1006 = arith.addf %add3A_1005, %exp3A_998 : vector<16xf32>
    %add3A_1007 = arith.addf %add3A_1006, %exp3A_1000 : vector<16xf32>
    %div3A_1008 = arith.divf %exp3A_986, %add3A_1007 : vector<16xf32>
    %div3A_1009 = arith.divf %exp3A_988, %add3A_1007 : vector<16xf32>
    %div3A_1010 = arith.divf %exp3A_990, %add3A_1007 : vector<16xf32>
    %div3A_1011 = arith.divf %exp3A_992, %add3A_1007 : vector<16xf32>
    %div3A_1012 = arith.divf %exp3A_994, %add3A_1007 : vector<16xf32>
    %div3A_1013 = arith.divf %exp3A_996, %add3A_1007 : vector<16xf32>
    %div3A_1014 = arith.divf %exp3A_998, %add3A_1007 : vector<16xf32>
    %div3A_1015 = arith.divf %exp3A_1000, %add3A_1007 : vector<16xf32>
    %max3A_1016 = arith.maximumf %div3A_1008, %div3A_1009 : vector<16xf32>
    %max3A_1017 = arith.maximumf %max3A_1016, %div3A_1010 : vector<16xf32>
    %max3A_1018 = arith.maximumf %max3A_1017, %div3A_1011 : vector<16xf32>
    %max3A_1019 = arith.maximumf %max3A_1018, %div3A_1012 : vector<16xf32>
    %max3A_1020 = arith.maximumf %max3A_1019, %div3A_1013 : vector<16xf32>
    %max3A_1021 = arith.maximumf %max3A_1020, %div3A_1014 : vector<16xf32>
    %max3A_1022 = arith.maximumf %max3A_1021, %div3A_1015 : vector<16xf32>
    %broadcast_in_dim3A_1023 = arith.constant 8 : i32
    %broadcast_in_dim3A_1024 = vector.broadcast %broadcast_in_dim3A_1023 : i32 to vector<16xi32>
    %eq3A_1025 = arith.cmpf oeq, %div3A_1015, %max3A_1022 : vector<16xf32>
    %broadcast_in_dim3A_1026 = arith.constant 7 : i32
    %broadcast_in_dim3A_1027 = vector.broadcast %broadcast_in_dim3A_1026 : i32 to vector<16xi32>
    %select_n3A_1028 = arith.select %eq3A_1025, %broadcast_in_dim3A_1027, %broadcast_in_dim3A_1024 : vector<16xi1>, vector<16xi32>
    %eq3A_1029 = arith.cmpf oeq, %div3A_1014, %max3A_1022 : vector<16xf32>
    %broadcast_in_dim3A_1030 = arith.constant 6 : i32
    %broadcast_in_dim3A_1031 = vector.broadcast %broadcast_in_dim3A_1030 : i32 to vector<16xi32>
    %select_n3A_1032 = arith.select %eq3A_1029, %broadcast_in_dim3A_1031, %select_n3A_1028 : vector<16xi1>, vector<16xi32>
    %eq3A_1033 = arith.cmpf oeq, %div3A_1013, %max3A_1022 : vector<16xf32>
    %broadcast_in_dim3A_1034 = arith.constant 5 : i32
    %broadcast_in_dim3A_1035 = vector.broadcast %broadcast_in_dim3A_1034 : i32 to vector<16xi32>
    %select_n3A_1036 = arith.select %eq3A_1033, %broadcast_in_dim3A_1035, %select_n3A_1032 : vector<16xi1>, vector<16xi32>
    %eq3A_1037 = arith.cmpf oeq, %div3A_1012, %max3A_1022 : vector<16xf32>
    %broadcast_in_dim3A_1038 = arith.constant 4 : i32
    %broadcast_in_dim3A_1039 = vector.broadcast %broadcast_in_dim3A_1038 : i32 to vector<16xi32>
    %select_n3A_1040 = arith.select %eq3A_1037, %broadcast_in_dim3A_1039, %select_n3A_1036 : vector<16xi1>, vector<16xi32>
    %eq3A_1041 = arith.cmpf oeq, %div3A_1011, %max3A_1022 : vector<16xf32>
    %broadcast_in_dim3A_1042 = arith.constant 3 : i32
    %broadcast_in_dim3A_1043 = vector.broadcast %broadcast_in_dim3A_1042 : i32 to vector<16xi32>
    %select_n3A_1044 = arith.select %eq3A_1041, %broadcast_in_dim3A_1043, %select_n3A_1040 : vector<16xi1>, vector<16xi32>
    %eq3A_1045 = arith.cmpf oeq, %div3A_1010, %max3A_1022 : vector<16xf32>
    %broadcast_in_dim3A_1046 = arith.constant 2 : i32
    %broadcast_in_dim3A_1047 = vector.broadcast %broadcast_in_dim3A_1046 : i32 to vector<16xi32>
    %select_n3A_1048 = arith.select %eq3A_1045, %broadcast_in_dim3A_1047, %select_n3A_1044 : vector<16xi1>, vector<16xi32>
    %eq3A_1049 = arith.cmpf oeq, %div3A_1009, %max3A_1022 : vector<16xf32>
    %broadcast_in_dim3A_1050 = arith.constant 1 : i32
    %broadcast_in_dim3A_1051 = vector.broadcast %broadcast_in_dim3A_1050 : i32 to vector<16xi32>
    %select_n3A_1052 = arith.select %eq3A_1049, %broadcast_in_dim3A_1051, %select_n3A_1048 : vector<16xi1>, vector<16xi32>
    %eq3A_1053 = arith.cmpf oeq, %div3A_1008, %max3A_1022 : vector<16xf32>
    %broadcast_in_dim3A_1054 = arith.constant 0 : i32
    %broadcast_in_dim3A_1055 = vector.broadcast %broadcast_in_dim3A_1054 : i32 to vector<16xi32>
    %select_n3A_1056 = arith.select %eq3A_1053, %broadcast_in_dim3A_1055, %select_n3A_1052 : vector<16xi1>, vector<16xi32>
    %broadcast_in_dim3A_1057 = arith.constant -3.000000e+38 : f32
    %broadcast_in_dim3A_1058 = vector.broadcast %broadcast_in_dim3A_1057 : f32 to vector<16xf32>
    %broadcast_in_dim3A_1059 = arith.constant 0 : i32
    %broadcast_in_dim3A_1060 = vector.broadcast %broadcast_in_dim3A_1059 : i32 to vector<16xi32>
    %eq3A_1061 = arith.cmpi eq, %select_n3A_1056, %broadcast_in_dim3A_1060 : vector<16xi32>
    %select_n3A_1062 = arith.select %eq3A_1061, %broadcast_in_dim3A_1058, %div3A_1008 : vector<16xi1>, vector<16xf32>
    %broadcast_in_dim3A_1063 = arith.constant 1 : i32
    %broadcast_in_dim3A_1064 = vector.broadcast %broadcast_in_dim3A_1063 : i32 to vector<16xi32>
    %eq3A_1065 = arith.cmpi eq, %select_n3A_1056, %broadcast_in_dim3A_1064 : vector<16xi32>
    %select_n3A_1066 = arith.select %eq3A_1065, %broadcast_in_dim3A_1058, %div3A_1009 : vector<16xi1>, vector<16xf32>
    %broadcast_in_dim3A_1067 = arith.constant 2 : i32
    %broadcast_in_dim3A_1068 = vector.broadcast %broadcast_in_dim3A_1067 : i32 to vector<16xi32>
    %eq3A_1069 = arith.cmpi eq, %select_n3A_1056, %broadcast_in_dim3A_1068 : vector<16xi32>
    %select_n3A_1070 = arith.select %eq3A_1069, %broadcast_in_dim3A_1058, %div3A_1010 : vector<16xi1>, vector<16xf32>
    %broadcast_in_dim3A_1071 = arith.constant 3 : i32
    %broadcast_in_dim3A_1072 = vector.broadcast %broadcast_in_dim3A_1071 : i32 to vector<16xi32>
    %eq3A_1073 = arith.cmpi eq, %select_n3A_1056, %broadcast_in_dim3A_1072 : vector<16xi32>
    %select_n3A_1074 = arith.select %eq3A_1073, %broadcast_in_dim3A_1058, %div3A_1011 : vector<16xi1>, vector<16xf32>
    %broadcast_in_dim3A_1075 = arith.constant 4 : i32
    %broadcast_in_dim3A_1076 = vector.broadcast %broadcast_in_dim3A_1075 : i32 to vector<16xi32>
    %eq3A_1077 = arith.cmpi eq, %select_n3A_1056, %broadcast_in_dim3A_1076 : vector<16xi32>
    %select_n3A_1078 = arith.select %eq3A_1077, %broadcast_in_dim3A_1058, %div3A_1012 : vector<16xi1>, vector<16xf32>
    %broadcast_in_dim3A_1079 = arith.constant 5 : i32
    %broadcast_in_dim3A_1080 = vector.broadcast %broadcast_in_dim3A_1079 : i32 to vector<16xi32>
    %eq3A_1081 = arith.cmpi eq, %select_n3A_1056, %broadcast_in_dim3A_1080 : vector<16xi32>
    %select_n3A_1082 = arith.select %eq3A_1081, %broadcast_in_dim3A_1058, %div3A_1013 : vector<16xi1>, vector<16xf32>
    %broadcast_in_dim3A_1083 = arith.constant 6 : i32
    %broadcast_in_dim3A_1084 = vector.broadcast %broadcast_in_dim3A_1083 : i32 to vector<16xi32>
    %eq3A_1085 = arith.cmpi eq, %select_n3A_1056, %broadcast_in_dim3A_1084 : vector<16xi32>
    %select_n3A_1086 = arith.select %eq3A_1085, %broadcast_in_dim3A_1058, %div3A_1014 : vector<16xi1>, vector<16xf32>
    %broadcast_in_dim3A_1087 = arith.constant 7 : i32
    %broadcast_in_dim3A_1088 = vector.broadcast %broadcast_in_dim3A_1087 : i32 to vector<16xi32>
    %eq3A_1089 = arith.cmpi eq, %select_n3A_1056, %broadcast_in_dim3A_1088 : vector<16xi32>
    %select_n3A_1090 = arith.select %eq3A_1089, %broadcast_in_dim3A_1058, %div3A_1015 : vector<16xi1>, vector<16xf32>
    %max3A_1091 = arith.maximumf %select_n3A_1062, %select_n3A_1066 : vector<16xf32>
    %max3A_1092 = arith.maximumf %max3A_1091, %select_n3A_1070 : vector<16xf32>
    %max3A_1093 = arith.maximumf %max3A_1092, %select_n3A_1074 : vector<16xf32>
    %max3A_1094 = arith.maximumf %max3A_1093, %select_n3A_1078 : vector<16xf32>
    %max3A_1095 = arith.maximumf %max3A_1094, %select_n3A_1082 : vector<16xf32>
    %max3A_1096 = arith.maximumf %max3A_1095, %select_n3A_1086 : vector<16xf32>
    %max3A_1097 = arith.maximumf %max3A_1096, %select_n3A_1090 : vector<16xf32>
    %broadcast_in_dim3A_1098 = arith.constant 8 : i32
    %broadcast_in_dim3A_1099 = vector.broadcast %broadcast_in_dim3A_1098 : i32 to vector<16xi32>
    %eq3A_1100 = arith.cmpf oeq, %select_n3A_1090, %max3A_1097 : vector<16xf32>
    %broadcast_in_dim3A_1101 = arith.constant 7 : i32
    %broadcast_in_dim3A_1102 = vector.broadcast %broadcast_in_dim3A_1101 : i32 to vector<16xi32>
    %select_n3A_1103 = arith.select %eq3A_1100, %broadcast_in_dim3A_1102, %broadcast_in_dim3A_1099 : vector<16xi1>, vector<16xi32>
    %eq3A_1104 = arith.cmpf oeq, %select_n3A_1086, %max3A_1097 : vector<16xf32>
    %broadcast_in_dim3A_1105 = arith.constant 6 : i32
    %broadcast_in_dim3A_1106 = vector.broadcast %broadcast_in_dim3A_1105 : i32 to vector<16xi32>
    %select_n3A_1107 = arith.select %eq3A_1104, %broadcast_in_dim3A_1106, %select_n3A_1103 : vector<16xi1>, vector<16xi32>
    %eq3A_1108 = arith.cmpf oeq, %select_n3A_1082, %max3A_1097 : vector<16xf32>
    %broadcast_in_dim3A_1109 = arith.constant 5 : i32
    %broadcast_in_dim3A_1110 = vector.broadcast %broadcast_in_dim3A_1109 : i32 to vector<16xi32>
    %select_n3A_1111 = arith.select %eq3A_1108, %broadcast_in_dim3A_1110, %select_n3A_1107 : vector<16xi1>, vector<16xi32>
    %eq3A_1112 = arith.cmpf oeq, %select_n3A_1078, %max3A_1097 : vector<16xf32>
    %broadcast_in_dim3A_1113 = arith.constant 4 : i32
    %broadcast_in_dim3A_1114 = vector.broadcast %broadcast_in_dim3A_1113 : i32 to vector<16xi32>
    %select_n3A_1115 = arith.select %eq3A_1112, %broadcast_in_dim3A_1114, %select_n3A_1111 : vector<16xi1>, vector<16xi32>
    %eq3A_1116 = arith.cmpf oeq, %select_n3A_1074, %max3A_1097 : vector<16xf32>
    %broadcast_in_dim3A_1117 = arith.constant 3 : i32
    %broadcast_in_dim3A_1118 = vector.broadcast %broadcast_in_dim3A_1117 : i32 to vector<16xi32>
    %select_n3A_1119 = arith.select %eq3A_1116, %broadcast_in_dim3A_1118, %select_n3A_1115 : vector<16xi1>, vector<16xi32>
    %eq3A_1120 = arith.cmpf oeq, %select_n3A_1070, %max3A_1097 : vector<16xf32>
    %broadcast_in_dim3A_1121 = arith.constant 2 : i32
    %broadcast_in_dim3A_1122 = vector.broadcast %broadcast_in_dim3A_1121 : i32 to vector<16xi32>
    %select_n3A_1123 = arith.select %eq3A_1120, %broadcast_in_dim3A_1122, %select_n3A_1119 : vector<16xi1>, vector<16xi32>
    %eq3A_1124 = arith.cmpf oeq, %select_n3A_1066, %max3A_1097 : vector<16xf32>
    %broadcast_in_dim3A_1125 = arith.constant 1 : i32
    %broadcast_in_dim3A_1126 = vector.broadcast %broadcast_in_dim3A_1125 : i32 to vector<16xi32>
    %select_n3A_1127 = arith.select %eq3A_1124, %broadcast_in_dim3A_1126, %select_n3A_1123 : vector<16xi1>, vector<16xi32>
    %eq3A_1128 = arith.cmpf oeq, %select_n3A_1062, %max3A_1097 : vector<16xf32>
    %broadcast_in_dim3A_1129 = arith.constant 0 : i32
    %broadcast_in_dim3A_1130 = vector.broadcast %broadcast_in_dim3A_1129 : i32 to vector<16xi32>
    %select_n3A_1131 = arith.select %eq3A_1128, %broadcast_in_dim3A_1130, %select_n3A_1127 : vector<16xi1>, vector<16xi32>
    %broadcast_in_dim3A_1132 = arith.constant 0.000000e+00 : f32
    %broadcast_in_dim3A_1133 = vector.broadcast %broadcast_in_dim3A_1132 : f32 to vector<16xf32>
    %broadcast_in_dim3A_1134 = arith.constant 0 : i32
    %broadcast_in_dim3A_1135 = vector.broadcast %broadcast_in_dim3A_1134 : i32 to vector<16xi32>
    %broadcast_in_dim3A_1136 = arith.constant 1 : i32
    %broadcast_in_dim3A_1137 = vector.broadcast %broadcast_in_dim3A_1136 : i32 to vector<16xi32>
    %broadcast_in_dim3A_1138 = arith.constant 2 : i32
    %broadcast_in_dim3A_1139 = vector.broadcast %broadcast_in_dim3A_1138 : i32 to vector<16xi32>
    %broadcast_in_dim3A_1140 = arith.constant 3 : i32
    %broadcast_in_dim3A_1141 = vector.broadcast %broadcast_in_dim3A_1140 : i32 to vector<16xi32>
    %broadcast_in_dim3A_1142 = arith.constant 4 : i32
    %broadcast_in_dim3A_1143 = vector.broadcast %broadcast_in_dim3A_1142 : i32 to vector<16xi32>
    %broadcast_in_dim3A_1144 = arith.constant 5 : i32
    %broadcast_in_dim3A_1145 = vector.broadcast %broadcast_in_dim3A_1144 : i32 to vector<16xi32>
    %broadcast_in_dim3A_1146 = arith.constant 6 : i32
    %broadcast_in_dim3A_1147 = vector.broadcast %broadcast_in_dim3A_1146 : i32 to vector<16xi32>
    %broadcast_in_dim3A_1148 = arith.constant 7 : i32
    %broadcast_in_dim3A_1149 = vector.broadcast %broadcast_in_dim3A_1148 : i32 to vector<16xi32>
    %eq3A_1150 = arith.cmpi eq, %select_n3A_1056, %broadcast_in_dim3A_1135 : vector<16xi32>
    %eq3A_1151 = arith.cmpi eq, %select_n3A_1131, %broadcast_in_dim3A_1135 : vector<16xi32>
    %or3A_1152 = arith.ori %eq3A_1150, %eq3A_1151 : vector<16xi1>
    %select_n3A_1153 = arith.select %or3A_1152, %div3A_1008, %broadcast_in_dim3A_1133 : vector<16xi1>, vector<16xf32>
    %eq3A_1154 = arith.cmpi eq, %select_n3A_1056, %broadcast_in_dim3A_1137 : vector<16xi32>
    %eq3A_1155 = arith.cmpi eq, %select_n3A_1131, %broadcast_in_dim3A_1137 : vector<16xi32>
    %or3A_1156 = arith.ori %eq3A_1154, %eq3A_1155 : vector<16xi1>
    %select_n3A_1157 = arith.select %or3A_1156, %div3A_1009, %broadcast_in_dim3A_1133 : vector<16xi1>, vector<16xf32>
    %eq3A_1158 = arith.cmpi eq, %select_n3A_1056, %broadcast_in_dim3A_1139 : vector<16xi32>
    %eq3A_1159 = arith.cmpi eq, %select_n3A_1131, %broadcast_in_dim3A_1139 : vector<16xi32>
    %or3A_1160 = arith.ori %eq3A_1158, %eq3A_1159 : vector<16xi1>
    %select_n3A_1161 = arith.select %or3A_1160, %div3A_1010, %broadcast_in_dim3A_1133 : vector<16xi1>, vector<16xf32>
    %eq3A_1162 = arith.cmpi eq, %select_n3A_1056, %broadcast_in_dim3A_1141 : vector<16xi32>
    %eq3A_1163 = arith.cmpi eq, %select_n3A_1131, %broadcast_in_dim3A_1141 : vector<16xi32>
    %or3A_1164 = arith.ori %eq3A_1162, %eq3A_1163 : vector<16xi1>
    %select_n3A_1165 = arith.select %or3A_1164, %div3A_1011, %broadcast_in_dim3A_1133 : vector<16xi1>, vector<16xf32>
    %eq3A_1166 = arith.cmpi eq, %select_n3A_1056, %broadcast_in_dim3A_1143 : vector<16xi32>
    %eq3A_1167 = arith.cmpi eq, %select_n3A_1131, %broadcast_in_dim3A_1143 : vector<16xi32>
    %or3A_1168 = arith.ori %eq3A_1166, %eq3A_1167 : vector<16xi1>
    %select_n3A_1169 = arith.select %or3A_1168, %div3A_1012, %broadcast_in_dim3A_1133 : vector<16xi1>, vector<16xf32>
    %eq3A_1170 = arith.cmpi eq, %select_n3A_1056, %broadcast_in_dim3A_1145 : vector<16xi32>
    %eq3A_1171 = arith.cmpi eq, %select_n3A_1131, %broadcast_in_dim3A_1145 : vector<16xi32>
    %or3A_1172 = arith.ori %eq3A_1170, %eq3A_1171 : vector<16xi1>
    %select_n3A_1173 = arith.select %or3A_1172, %div3A_1013, %broadcast_in_dim3A_1133 : vector<16xi1>, vector<16xf32>
    %eq3A_1174 = arith.cmpi eq, %select_n3A_1056, %broadcast_in_dim3A_1147 : vector<16xi32>
    %eq3A_1175 = arith.cmpi eq, %select_n3A_1131, %broadcast_in_dim3A_1147 : vector<16xi32>
    %or3A_1176 = arith.ori %eq3A_1174, %eq3A_1175 : vector<16xi1>
    %select_n3A_1177 = arith.select %or3A_1176, %div3A_1014, %broadcast_in_dim3A_1133 : vector<16xi1>, vector<16xf32>
    %eq3A_1178 = arith.cmpi eq, %select_n3A_1056, %broadcast_in_dim3A_1149 : vector<16xi32>
    %eq3A_1179 = arith.cmpi eq, %select_n3A_1131, %broadcast_in_dim3A_1149 : vector<16xi32>
    %or3A_1180 = arith.ori %eq3A_1178, %eq3A_1179 : vector<16xi1>
    %select_n3A_1181 = arith.select %or3A_1180, %div3A_1015, %broadcast_in_dim3A_1133 : vector<16xi1>, vector<16xf32>
    %add3A_1182 = arith.addf %select_n3A_1153, %select_n3A_1157 : vector<16xf32>
    %add3A_1183 = arith.addf %add3A_1182, %select_n3A_1161 : vector<16xf32>
    %add3A_1184 = arith.addf %add3A_1183, %select_n3A_1165 : vector<16xf32>
    %add3A_1185 = arith.addf %add3A_1184, %select_n3A_1169 : vector<16xf32>
    %add3A_1186 = arith.addf %add3A_1185, %select_n3A_1173 : vector<16xf32>
    %add3A_1187 = arith.addf %add3A_1186, %select_n3A_1177 : vector<16xf32>
    %add3A_1188 = arith.addf %add3A_1187, %select_n3A_1181 : vector<16xf32>
    %broadcast_in_dim3A_1189 = arith.constant 9.99999971E-10 : f32
    %broadcast_in_dim3A_1190 = vector.broadcast %broadcast_in_dim3A_1189 : f32 to vector<16xf32>
    %add3A_1191 = arith.addf %add3A_1188, %broadcast_in_dim3A_1190 : vector<16xf32>
    %div3A_1192 = arith.divf %select_n3A_1153, %add3A_1191 : vector<16xf32>
    %swap3A_1193 = arith.constant 0 : i32
    %swap3A_1194 = arith.index_cast %swap3A_1193 : i32 to index
    %swap3A_1195 = arith.constant 48 : index
    %swap3A_1196 = tpu.vector_load %arg5[%swap3A_1194, %swap3A_1195] {strides = array<i32>} : memref<8x128xf32, #tpu.memory_space<vmem>>, vector<1x16xf32>,
    %swap3A_1197 = vector.shape_cast %swap3A_1196 : vector<1x16xf32> to vector<16xf32>
    %swap3A_1198 = vector.shape_cast %div3A_1192 : vector<16xf32> to vector<1x16xf32>
    tpu.vector_store %arg5[%swap3A_1194, %swap3A_1195], %swap3A_1198 {strides = array<i32>} : memref<8x128xf32, #tpu.memory_space<vmem>>, vector<1x16xf32>,
    %div3A_1199 = arith.divf %select_n3A_1157, %add3A_1191 : vector<16xf32>
    %swap3A_1200 = arith.constant 1 : i32
    %swap3A_1201 = arith.index_cast %swap3A_1200 : i32 to index
    %swap3A_1202 = arith.constant 48 : index
    %swap3A_1203 = tpu.vector_load %arg5[%swap3A_1201, %swap3A_1202] {strides = array<i32>} : memref<8x128xf32, #tpu.memory_space<vmem>>, vector<1x16xf32>,
    %swap3A_1204 = vector.shape_cast %swap3A_1203 : vector<1x16xf32> to vector<16xf32>
    %swap3A_1205 = vector.shape_cast %div3A_1199 : vector<16xf32> to vector<1x16xf32>
    tpu.vector_store %arg5[%swap3A_1201, %swap3A_1202], %swap3A_1205 {strides = array<i32>} : memref<8x128xf32, #tpu.memory_space<vmem>>, vector<1x16xf32>,
    %div3A_1206 = arith.divf %select_n3A_1161, %add3A_1191 : vector<16xf32>
    %swap3A_1207 = arith.constant 2 : i32
    %swap3A_1208 = arith.index_cast %swap3A_1207 : i32 to index
    %swap3A_1209 = arith.constant 48 : index
    %swap3A_1210 = tpu.vector_load %arg5[%swap3A_1208, %swap3A_1209] {strides = array<i32>} : memref<8x128xf32, #tpu.memory_space<vmem>>, vector<1x16xf32>,
    %swap3A_1211 = vector.shape_cast %swap3A_1210 : vector<1x16xf32> to vector<16xf32>
    %swap3A_1212 = vector.shape_cast %div3A_1206 : vector<16xf32> to vector<1x16xf32>
    tpu.vector_store %arg5[%swap3A_1208, %swap3A_1209], %swap3A_1212 {strides = array<i32>} : memref<8x128xf32, #tpu.memory_space<vmem>>, vector<1x16xf32>,
    %div3A_1213 = arith.divf %select_n3A_1165, %add3A_1191 : vector<16xf32>
    %swap3A_1214 = arith.constant 3 : i32
    %swap3A_1215 = arith.index_cast %swap3A_1214 : i32 to index
    %swap3A_1216 = arith.constant 48 : index
    %swap3A_1217 = tpu.vector_load %arg5[%swap3A_1215, %swap3A_1216] {strides = array<i32>} : memref<8x128xf32, #tpu.memory_space<vmem>>, vector<1x16xf32>,
    %swap3A_1218 = vector.shape_cast %swap3A_1217 : vector<1x16xf32> to vector<16xf32>
    %swap3A_1219 = vector.shape_cast %div3A_1213 : vector<16xf32> to vector<1x16xf32>
    tpu.vector_store %arg5[%swap3A_1215, %swap3A_1216], %swap3A_1219 {strides = array<i32>} : memref<8x128xf32, #tpu.memory_space<vmem>>, vector<1x16xf32>,
    %div3A_1220 = arith.divf %select_n3A_1169, %add3A_1191 : vector<16xf32>
    %swap3A_1221 = arith.constant 4 : i32
    %swap3A_1222 = arith.index_cast %swap3A_1221 : i32 to index
    %swap3A_1223 = arith.constant 48 : index
    %swap3A_1224 = tpu.vector_load %arg5[%swap3A_1222, %swap3A_1223] {strides = array<i32>} : memref<8x128xf32, #tpu.memory_space<vmem>>, vector<1x16xf32>,
    %swap3A_1225 = vector.shape_cast %swap3A_1224 : vector<1x16xf32> to vector<16xf32>
    %swap3A_1226 = vector.shape_cast %div3A_1220 : vector<16xf32> to vector<1x16xf32>
    tpu.vector_store %arg5[%swap3A_1222, %swap3A_1223], %swap3A_1226 {strides = array<i32>} : memref<8x128xf32, #tpu.memory_space<vmem>>, vector<1x16xf32>,
    %div3A_1227 = arith.divf %select_n3A_1173, %add3A_1191 : vector<16xf32>
    %swap3A_1228 = arith.constant 5 : i32
    %swap3A_1229 = arith.index_cast %swap3A_1228 : i32 to index
    %swap3A_1230 = arith.constant 48 : index
    %swap3A_1231 = tpu.vector_load %arg5[%swap3A_1229, %swap3A_1230] {strides = array<i32>} : memref<8x128xf32, #tpu.memory_space<vmem>>, vector<1x16xf32>,
    %swap3A_1232 = vector.shape_cast %swap3A_1231 : vector<1x16xf32> to vector<16xf32>
    %swap3A_1233 = vector.shape_cast %div3A_1227 : vector<16xf32> to vector<1x16xf32>
    tpu.vector_store %arg5[%swap3A_1229, %swap3A_1230], %swap3A_1233 {strides = array<i32>} : memref<8x128xf32, #tpu.memory_space<vmem>>, vector<1x16xf32>,
    %div3A_1234 = arith.divf %select_n3A_1177, %add3A_1191 : vector<16xf32>
    %swap3A_1235 = arith.constant 6 : i32
    %swap3A_1236 = arith.index_cast %swap3A_1235 : i32 to index
    %swap3A_1237 = arith.constant 48 : index
    %swap3A_1238 = tpu.vector_load %arg5[%swap3A_1236, %swap3A_1237] {strides = array<i32>} : memref<8x128xf32, #tpu.memory_space<vmem>>, vector<1x16xf32>,
    %swap3A_1239 = vector.shape_cast %swap3A_1238 : vector<1x16xf32> to vector<16xf32>
    %swap3A_1240 = vector.shape_cast %div3A_1234 : vector<16xf32> to vector<1x16xf32>
    tpu.vector_store %arg5[%swap3A_1236, %swap3A_1237], %swap3A_1240 {strides = array<i32>} : memref<8x128xf32, #tpu.memory_space<vmem>>, vector<1x16xf32>,
    %div3A_1241 = arith.divf %select_n3A_1181, %add3A_1191 : vector<16xf32>
    %swap3A_1242 = arith.constant 7 : i32
    %swap3A_1243 = arith.index_cast %swap3A_1242 : i32 to index
    %swap3A_1244 = arith.constant 48 : index
    %swap3A_1245 = tpu.vector_load %arg5[%swap3A_1243, %swap3A_1244] {strides = array<i32>} : memref<8x128xf32, #tpu.memory_space<vmem>>, vector<1x16xf32>,
    %swap3A_1246 = vector.shape_cast %swap3A_1245 : vector<1x16xf32> to vector<16xf32>
    %swap3A_1247 = vector.shape_cast %div3A_1241 : vector<16xf32> to vector<1x16xf32>
    tpu.vector_store %arg5[%swap3A_1243, %swap3A_1244], %swap3A_1247 {strides = array<i32>} : memref<8x128xf32, #tpu.memory_space<vmem>>, vector<1x16xf32>,
    %get3A_1248 = arith.constant 0 : i32
    %get3A_1249 = arith.index_cast %get3A_1248 : i32 to index
    %get3A_1250 = arith.constant 64 : index
    %get3A_1251 = tpu.vector_load %arg4[%get3A_1249, %get3A_1250] {strides = array<i32>} : memref<8x128xf32, #tpu.memory_space<vmem>>, vector<1x16xf32>,
    %get3A_1252 = vector.shape_cast %get3A_1251 : vector<1x16xf32> to vector<16xf32>
    %get3A_1253 = arith.constant 1 : i32
    %get3A_1254 = arith.index_cast %get3A_1253 : i32 to index
    %get3A_1255 = arith.constant 64 : index
    %get3A_1256 = tpu.vector_load %arg4[%get3A_1254, %get3A_1255] {strides = array<i32>} : memref<8x128xf32, #tpu.memory_space<vmem>>, vector<1x16xf32>,
    %get3A_1257 = vector.shape_cast %get3A_1256 : vector<1x16xf32> to vector<16xf32>
    %get3A_1258 = arith.constant 2 : i32
    %get3A_1259 = arith.index_cast %get3A_1258 : i32 to index
    %get3A_1260 = arith.constant 64 : index
    %get3A_1261 = tpu.vector_load %arg4[%get3A_1259, %get3A_1260] {strides = array<i32>} : memref<8x128xf32, #tpu.memory_space<vmem>>, vector<1x16xf32>,
    %get3A_1262 = vector.shape_cast %get3A_1261 : vector<1x16xf32> to vector<16xf32>
    %get3A_1263 = arith.constant 3 : i32
    %get3A_1264 = arith.index_cast %get3A_1263 : i32 to index
    %get3A_1265 = arith.constant 64 : index
    %get3A_1266 = tpu.vector_load %arg4[%get3A_1264, %get3A_1265] {strides = array<i32>} : memref<8x128xf32, #tpu.memory_space<vmem>>, vector<1x16xf32>,
    %get3A_1267 = vector.shape_cast %get3A_1266 : vector<1x16xf32> to vector<16xf32>
    %get3A_1268 = arith.constant 4 : i32
    %get3A_1269 = arith.index_cast %get3A_1268 : i32 to index
    %get3A_1270 = arith.constant 64 : index
    %get3A_1271 = tpu.vector_load %arg4[%get3A_1269, %get3A_1270] {strides = array<i32>} : memref<8x128xf32, #tpu.memory_space<vmem>>, vector<1x16xf32>,
    %get3A_1272 = vector.shape_cast %get3A_1271 : vector<1x16xf32> to vector<16xf32>
    %get3A_1273 = arith.constant 5 : i32
    %get3A_1274 = arith.index_cast %get3A_1273 : i32 to index
    %get3A_1275 = arith.constant 64 : index
    %get3A_1276 = tpu.vector_load %arg4[%get3A_1274, %get3A_1275] {strides = array<i32>} : memref<8x128xf32, #tpu.memory_space<vmem>>, vector<1x16xf32>,
    %get3A_1277 = vector.shape_cast %get3A_1276 : vector<1x16xf32> to vector<16xf32>
    %get3A_1278 = arith.constant 6 : i32
    %get3A_1279 = arith.index_cast %get3A_1278 : i32 to index
    %get3A_1280 = arith.constant 64 : index
    %get3A_1281 = tpu.vector_load %arg4[%get3A_1279, %get3A_1280] {strides = array<i32>} : memref<8x128xf32, #tpu.memory_space<vmem>>, vector<1x16xf32>,
    %get3A_1282 = vector.shape_cast %get3A_1281 : vector<1x16xf32> to vector<16xf32>
    %get3A_1283 = arith.constant 7 : i32
    %get3A_1284 = arith.index_cast %get3A_1283 : i32 to index
    %get3A_1285 = arith.constant 64 : index
    %get3A_1286 = tpu.vector_load %arg4[%get3A_1284, %get3A_1285] {strides = array<i32>} : memref<8x128xf32, #tpu.memory_space<vmem>>, vector<1x16xf32>,
    %get3A_1287 = vector.shape_cast %get3A_1286 : vector<1x16xf32> to vector<16xf32>
    %max3A_1288 = arith.maximumf %get3A_1252, %get3A_1257 : vector<16xf32>
    %max3A_1289 = arith.maximumf %max3A_1288, %get3A_1262 : vector<16xf32>
    %max3A_1290 = arith.maximumf %max3A_1289, %get3A_1267 : vector<16xf32>
    %max3A_1291 = arith.maximumf %max3A_1290, %get3A_1272 : vector<16xf32>
    %max3A_1292 = arith.maximumf %max3A_1291, %get3A_1277 : vector<16xf32>
    %max3A_1293 = arith.maximumf %max3A_1292, %get3A_1282 : vector<16xf32>
    %max3A_1294 = arith.maximumf %max3A_1293, %get3A_1287 : vector<16xf32>
    %sub3A_1295 = arith.subf %get3A_1252, %max3A_1294 : vector<16xf32>
    %exp3A_1296 = math.exp %sub3A_1295 : vector<16xf32>
    %sub3A_1297 = arith.subf %get3A_1257, %max3A_1294 : vector<16xf32>
    %exp3A_1298 = math.exp %sub3A_1297 : vector<16xf32>
    %sub3A_1299 = arith.subf %get3A_1262, %max3A_1294 : vector<16xf32>
    %exp3A_1300 = math.exp %sub3A_1299 : vector<16xf32>
    %sub3A_1301 = arith.subf %get3A_1267, %max3A_1294 : vector<16xf32>
    %exp3A_1302 = math.exp %sub3A_1301 : vector<16xf32>
    %sub3A_1303 = arith.subf %get3A_1272, %max3A_1294 : vector<16xf32>
    %exp3A_1304 = math.exp %sub3A_1303 : vector<16xf32>
    %sub3A_1305 = arith.subf %get3A_1277, %max3A_1294 : vector<16xf32>
    %exp3A_1306 = math.exp %sub3A_1305 : vector<16xf32>
    %sub3A_1307 = arith.subf %get3A_1282, %max3A_1294 : vector<16xf32>
    %exp3A_1308 = math.exp %sub3A_1307 : vector<16xf32>
    %sub3A_1309 = arith.subf %get3A_1287, %max3A_1294 : vector<16xf32>
    %exp3A_1310 = math.exp %sub3A_1309 : vector<16xf32>
    %add3A_1311 = arith.addf %exp3A_1296, %exp3A_1298 : vector<16xf32>
    %add3A_1312 = arith.addf %add3A_1311, %exp3A_1300 : vector<16xf32>
    %add3A_1313 = arith.addf %add3A_1312, %exp3A_1302 : vector<16xf32>
    %add3A_1314 = arith.addf %add3A_1313, %exp3A_1304 : vector<16xf32>
    %add3A_1315 = arith.addf %add3A_1314, %exp3A_1306 : vector<16xf32>
    %add3A_1316 = arith.addf %add3A_1315, %exp3A_1308 : vector<16xf32>
    %add3A_1317 = arith.addf %add3A_1316, %exp3A_1310 : vector<16xf32>
    %div3A_1318 = arith.divf %exp3A_1296, %add3A_1317 : vector<16xf32>
    %div3A_1319 = arith.divf %exp3A_1298, %add3A_1317 : vector<16xf32>
    %div3A_1320 = arith.divf %exp3A_1300, %add3A_1317 : vector<16xf32>
    %div3A_1321 = arith.divf %exp3A_1302, %add3A_1317 : vector<16xf32>
    %div3A_1322 = arith.divf %exp3A_1304, %add3A_1317 : vector<16xf32>
    %div3A_1323 = arith.divf %exp3A_1306, %add3A_1317 : vector<16xf32>
    %div3A_1324 = arith.divf %exp3A_1308, %add3A_1317 : vector<16xf32>
    %div3A_1325 = arith.divf %exp3A_1310, %add3A_1317 : vector<16xf32>
    %max3A_1326 = arith.maximumf %div3A_1318, %div3A_1319 : vector<16xf32>
    %max3A_1327 = arith.maximumf %max3A_1326, %div3A_1320 : vector<16xf32>
    %max3A_1328 = arith.maximumf %max3A_1327, %div3A_1321 : vector<16xf32>
    %max3A_1329 = arith.maximumf %max3A_1328, %div3A_1322 : vector<16xf32>
    %max3A_1330 = arith.maximumf %max3A_1329, %div3A_1323 : vector<16xf32>
    %max3A_1331 = arith.maximumf %max3A_1330, %div3A_1324 : vector<16xf32>
    %max3A_1332 = arith.maximumf %max3A_1331, %div3A_1325 : vector<16xf32>
    %broadcast_in_dim3A_1333 = arith.constant 8 : i32
    %broadcast_in_dim3A_1334 = vector.broadcast %broadcast_in_dim3A_1333 : i32 to vector<16xi32>
    %eq3A_1335 = arith.cmpf oeq, %div3A_1325, %max3A_1332 : vector<16xf32>
    %broadcast_in_dim3A_1336 = arith.constant 7 : i32
    %broadcast_in_dim3A_1337 = vector.broadcast %broadcast_in_dim3A_1336 : i32 to vector<16xi32>
    %select_n3A_1338 = arith.select %eq3A_1335, %broadcast_in_dim3A_1337, %broadcast_in_dim3A_1334 : vector<16xi1>, vector<16xi32>
    %eq3A_1339 = arith.cmpf oeq, %div3A_1324, %max3A_1332 : vector<16xf32>
    %broadcast_in_dim3A_1340 = arith.constant 6 : i32
    %broadcast_in_dim3A_1341 = vector.broadcast %broadcast_in_dim3A_1340 : i32 to vector<16xi32>
    %select_n3A_1342 = arith.select %eq3A_1339, %broadcast_in_dim3A_1341, %select_n3A_1338 : vector<16xi1>, vector<16xi32>
    %eq3A_1343 = arith.cmpf oeq, %div3A_1323, %max3A_1332 : vector<16xf32>
    %broadcast_in_dim3A_1344 = arith.constant 5 : i32
    %broadcast_in_dim3A_1345 = vector.broadcast %broadcast_in_dim3A_1344 : i32 to vector<16xi32>
    %select_n3A_1346 = arith.select %eq3A_1343, %broadcast_in_dim3A_1345, %select_n3A_1342 : vector<16xi1>, vector<16xi32>
    %eq3A_1347 = arith.cmpf oeq, %div3A_1322, %max3A_1332 : vector<16xf32>
    %broadcast_in_dim3A_1348 = arith.constant 4 : i32
    %broadcast_in_dim3A_1349 = vector.broadcast %broadcast_in_dim3A_1348 : i32 to vector<16xi32>
    %select_n3A_1350 = arith.select %eq3A_1347, %broadcast_in_dim3A_1349, %select_n3A_1346 : vector<16xi1>, vector<16xi32>
    %eq3A_1351 = arith.cmpf oeq, %div3A_1321, %max3A_1332 : vector<16xf32>
    %broadcast_in_dim3A_1352 = arith.constant 3 : i32
    %broadcast_in_dim3A_1353 = vector.broadcast %broadcast_in_dim3A_1352 : i32 to vector<16xi32>
    %select_n3A_1354 = arith.select %eq3A_1351, %broadcast_in_dim3A_1353, %select_n3A_1350 : vector<16xi1>, vector<16xi32>
    %eq3A_1355 = arith.cmpf oeq, %div3A_1320, %max3A_1332 : vector<16xf32>
    %broadcast_in_dim3A_1356 = arith.constant 2 : i32
    %broadcast_in_dim3A_1357 = vector.broadcast %broadcast_in_dim3A_1356 : i32 to vector<16xi32>
    %select_n3A_1358 = arith.select %eq3A_1355, %broadcast_in_dim3A_1357, %select_n3A_1354 : vector<16xi1>, vector<16xi32>
    %eq3A_1359 = arith.cmpf oeq, %div3A_1319, %max3A_1332 : vector<16xf32>
    %broadcast_in_dim3A_1360 = arith.constant 1 : i32
    %broadcast_in_dim3A_1361 = vector.broadcast %broadcast_in_dim3A_1360 : i32 to vector<16xi32>
    %select_n3A_1362 = arith.select %eq3A_1359, %broadcast_in_dim3A_1361, %select_n3A_1358 : vector<16xi1>, vector<16xi32>
    %eq3A_1363 = arith.cmpf oeq, %div3A_1318, %max3A_1332 : vector<16xf32>
    %broadcast_in_dim3A_1364 = arith.constant 0 : i32
    %broadcast_in_dim3A_1365 = vector.broadcast %broadcast_in_dim3A_1364 : i32 to vector<16xi32>
    %select_n3A_1366 = arith.select %eq3A_1363, %broadcast_in_dim3A_1365, %select_n3A_1362 : vector<16xi1>, vector<16xi32>
    %broadcast_in_dim3A_1367 = arith.constant -3.000000e+38 : f32
    %broadcast_in_dim3A_1368 = vector.broadcast %broadcast_in_dim3A_1367 : f32 to vector<16xf32>
    %broadcast_in_dim3A_1369 = arith.constant 0 : i32
    %broadcast_in_dim3A_1370 = vector.broadcast %broadcast_in_dim3A_1369 : i32 to vector<16xi32>
    %eq3A_1371 = arith.cmpi eq, %select_n3A_1366, %broadcast_in_dim3A_1370 : vector<16xi32>
    %select_n3A_1372 = arith.select %eq3A_1371, %broadcast_in_dim3A_1368, %div3A_1318 : vector<16xi1>, vector<16xf32>
    %broadcast_in_dim3A_1373 = arith.constant 1 : i32
    %broadcast_in_dim3A_1374 = vector.broadcast %broadcast_in_dim3A_1373 : i32 to vector<16xi32>
    %eq3A_1375 = arith.cmpi eq, %select_n3A_1366, %broadcast_in_dim3A_1374 : vector<16xi32>
    %select_n3A_1376 = arith.select %eq3A_1375, %broadcast_in_dim3A_1368, %div3A_1319 : vector<16xi1>, vector<16xf32>
    %broadcast_in_dim3A_1377 = arith.constant 2 : i32
    %broadcast_in_dim3A_1378 = vector.broadcast %broadcast_in_dim3A_1377 : i32 to vector<16xi32>
    %eq3A_1379 = arith.cmpi eq, %select_n3A_1366, %broadcast_in_dim3A_1378 : vector<16xi32>
    %select_n3A_1380 = arith.select %eq3A_1379, %broadcast_in_dim3A_1368, %div3A_1320 : vector<16xi1>, vector<16xf32>
    %broadcast_in_dim3A_1381 = arith.constant 3 : i32
    %broadcast_in_dim3A_1382 = vector.broadcast %broadcast_in_dim3A_1381 : i32 to vector<16xi32>
    %eq3A_1383 = arith.cmpi eq, %select_n3A_1366, %broadcast_in_dim3A_1382 : vector<16xi32>
    %select_n3A_1384 = arith.select %eq3A_1383, %broadcast_in_dim3A_1368, %div3A_1321 : vector<16xi1>, vector<16xf32>
    %broadcast_in_dim3A_1385 = arith.constant 4 : i32
    %broadcast_in_dim3A_1386 = vector.broadcast %broadcast_in_dim3A_1385 : i32 to vector<16xi32>
    %eq3A_1387 = arith.cmpi eq, %select_n3A_1366, %broadcast_in_dim3A_1386 : vector<16xi32>
    %select_n3A_1388 = arith.select %eq3A_1387, %broadcast_in_dim3A_1368, %div3A_1322 : vector<16xi1>, vector<16xf32>
    %broadcast_in_dim3A_1389 = arith.constant 5 : i32
    %broadcast_in_dim3A_1390 = vector.broadcast %broadcast_in_dim3A_1389 : i32 to vector<16xi32>
    %eq3A_1391 = arith.cmpi eq, %select_n3A_1366, %broadcast_in_dim3A_1390 : vector<16xi32>
    %select_n3A_1392 = arith.select %eq3A_1391, %broadcast_in_dim3A_1368, %div3A_1323 : vector<16xi1>, vector<16xf32>
    %broadcast_in_dim3A_1393 = arith.constant 6 : i32
    %broadcast_in_dim3A_1394 = vector.broadcast %broadcast_in_dim3A_1393 : i32 to vector<16xi32>
    %eq3A_1395 = arith.cmpi eq, %select_n3A_1366, %broadcast_in_dim3A_1394 : vector<16xi32>
    %select_n3A_1396 = arith.select %eq3A_1395, %broadcast_in_dim3A_1368, %div3A_1324 : vector<16xi1>, vector<16xf32>
    %broadcast_in_dim3A_1397 = arith.constant 7 : i32
    %broadcast_in_dim3A_1398 = vector.broadcast %broadcast_in_dim3A_1397 : i32 to vector<16xi32>
    %eq3A_1399 = arith.cmpi eq, %select_n3A_1366, %broadcast_in_dim3A_1398 : vector<16xi32>
    %select_n3A_1400 = arith.select %eq3A_1399, %broadcast_in_dim3A_1368, %div3A_1325 : vector<16xi1>, vector<16xf32>
    %max3A_1401 = arith.maximumf %select_n3A_1372, %select_n3A_1376 : vector<16xf32>
    %max3A_1402 = arith.maximumf %max3A_1401, %select_n3A_1380 : vector<16xf32>
    %max3A_1403 = arith.maximumf %max3A_1402, %select_n3A_1384 : vector<16xf32>
    %max3A_1404 = arith.maximumf %max3A_1403, %select_n3A_1388 : vector<16xf32>
    %max3A_1405 = arith.maximumf %max3A_1404, %select_n3A_1392 : vector<16xf32>
    %max3A_1406 = arith.maximumf %max3A_1405, %select_n3A_1396 : vector<16xf32>
    %max3A_1407 = arith.maximumf %max3A_1406, %select_n3A_1400 : vector<16xf32>
    %broadcast_in_dim3A_1408 = arith.constant 8 : i32
    %broadcast_in_dim3A_1409 = vector.broadcast %broadcast_in_dim3A_1408 : i32 to vector<16xi32>
    %eq3A_1410 = arith.cmpf oeq, %select_n3A_1400, %max3A_1407 : vector<16xf32>
    %broadcast_in_dim3A_1411 = arith.constant 7 : i32
    %broadcast_in_dim3A_1412 = vector.broadcast %broadcast_in_dim3A_1411 : i32 to vector<16xi32>
    %select_n3A_1413 = arith.select %eq3A_1410, %broadcast_in_dim3A_1412, %broadcast_in_dim3A_1409 : vector<16xi1>, vector<16xi32>
    %eq3A_1414 = arith.cmpf oeq, %select_n3A_1396, %max3A_1407 : vector<16xf32>
    %broadcast_in_dim3A_1415 = arith.constant 6 : i32
    %broadcast_in_dim3A_1416 = vector.broadcast %broadcast_in_dim3A_1415 : i32 to vector<16xi32>
    %select_n3A_1417 = arith.select %eq3A_1414, %broadcast_in_dim3A_1416, %select_n3A_1413 : vector<16xi1>, vector<16xi32>
    %eq3A_1418 = arith.cmpf oeq, %select_n3A_1392, %max3A_1407 : vector<16xf32>
    %broadcast_in_dim3A_1419 = arith.constant 5 : i32
    %broadcast_in_dim3A_1420 = vector.broadcast %broadcast_in_dim3A_1419 : i32 to vector<16xi32>
    %select_n3A_1421 = arith.select %eq3A_1418, %broadcast_in_dim3A_1420, %select_n3A_1417 : vector<16xi1>, vector<16xi32>
    %eq3A_1422 = arith.cmpf oeq, %select_n3A_1388, %max3A_1407 : vector<16xf32>
    %broadcast_in_dim3A_1423 = arith.constant 4 : i32
    %broadcast_in_dim3A_1424 = vector.broadcast %broadcast_in_dim3A_1423 : i32 to vector<16xi32>
    %select_n3A_1425 = arith.select %eq3A_1422, %broadcast_in_dim3A_1424, %select_n3A_1421 : vector<16xi1>, vector<16xi32>
    %eq3A_1426 = arith.cmpf oeq, %select_n3A_1384, %max3A_1407 : vector<16xf32>
    %broadcast_in_dim3A_1427 = arith.constant 3 : i32
    %broadcast_in_dim3A_1428 = vector.broadcast %broadcast_in_dim3A_1427 : i32 to vector<16xi32>
    %select_n3A_1429 = arith.select %eq3A_1426, %broadcast_in_dim3A_1428, %select_n3A_1425 : vector<16xi1>, vector<16xi32>
    %eq3A_1430 = arith.cmpf oeq, %select_n3A_1380, %max3A_1407 : vector<16xf32>
    %broadcast_in_dim3A_1431 = arith.constant 2 : i32
    %broadcast_in_dim3A_1432 = vector.broadcast %broadcast_in_dim3A_1431 : i32 to vector<16xi32>
    %select_n3A_1433 = arith.select %eq3A_1430, %broadcast_in_dim3A_1432, %select_n3A_1429 : vector<16xi1>, vector<16xi32>
    %eq3A_1434 = arith.cmpf oeq, %select_n3A_1376, %max3A_1407 : vector<16xf32>
    %broadcast_in_dim3A_1435 = arith.constant 1 : i32
    %broadcast_in_dim3A_1436 = vector.broadcast %broadcast_in_dim3A_1435 : i32 to vector<16xi32>
    %select_n3A_1437 = arith.select %eq3A_1434, %broadcast_in_dim3A_1436, %select_n3A_1433 : vector<16xi1>, vector<16xi32>
    %eq3A_1438 = arith.cmpf oeq, %select_n3A_1372, %max3A_1407 : vector<16xf32>
    %broadcast_in_dim3A_1439 = arith.constant 0 : i32
    %broadcast_in_dim3A_1440 = vector.broadcast %broadcast_in_dim3A_1439 : i32 to vector<16xi32>
    %select_n3A_1441 = arith.select %eq3A_1438, %broadcast_in_dim3A_1440, %select_n3A_1437 : vector<16xi1>, vector<16xi32>
    %broadcast_in_dim3A_1442 = arith.constant 0.000000e+00 : f32
    %broadcast_in_dim3A_1443 = vector.broadcast %broadcast_in_dim3A_1442 : f32 to vector<16xf32>
    %broadcast_in_dim3A_1444 = arith.constant 0 : i32
    %broadcast_in_dim3A_1445 = vector.broadcast %broadcast_in_dim3A_1444 : i32 to vector<16xi32>
    %broadcast_in_dim3A_1446 = arith.constant 1 : i32
    %broadcast_in_dim3A_1447 = vector.broadcast %broadcast_in_dim3A_1446 : i32 to vector<16xi32>
    %broadcast_in_dim3A_1448 = arith.constant 2 : i32
    %broadcast_in_dim3A_1449 = vector.broadcast %broadcast_in_dim3A_1448 : i32 to vector<16xi32>
    %broadcast_in_dim3A_1450 = arith.constant 3 : i32
    %broadcast_in_dim3A_1451 = vector.broadcast %broadcast_in_dim3A_1450 : i32 to vector<16xi32>
    %broadcast_in_dim3A_1452 = arith.constant 4 : i32
    %broadcast_in_dim3A_1453 = vector.broadcast %broadcast_in_dim3A_1452 : i32 to vector<16xi32>
    %broadcast_in_dim3A_1454 = arith.constant 5 : i32
    %broadcast_in_dim3A_1455 = vector.broadcast %broadcast_in_dim3A_1454 : i32 to vector<16xi32>
    %broadcast_in_dim3A_1456 = arith.constant 6 : i32
    %broadcast_in_dim3A_1457 = vector.broadcast %broadcast_in_dim3A_1456 : i32 to vector<16xi32>
    %broadcast_in_dim3A_1458 = arith.constant 7 : i32
    %broadcast_in_dim3A_1459 = vector.broadcast %broadcast_in_dim3A_1458 : i32 to vector<16xi32>
    %eq3A_1460 = arith.cmpi eq, %select_n3A_1366, %broadcast_in_dim3A_1445 : vector<16xi32>
    %eq3A_1461 = arith.cmpi eq, %select_n3A_1441, %broadcast_in_dim3A_1445 : vector<16xi32>
    %or3A_1462 = arith.ori %eq3A_1460, %eq3A_1461 : vector<16xi1>
    %select_n3A_1463 = arith.select %or3A_1462, %div3A_1318, %broadcast_in_dim3A_1443 : vector<16xi1>, vector<16xf32>
    %eq3A_1464 = arith.cmpi eq, %select_n3A_1366, %broadcast_in_dim3A_1447 : vector<16xi32>
    %eq3A_1465 = arith.cmpi eq, %select_n3A_1441, %broadcast_in_dim3A_1447 : vector<16xi32>
    %or3A_1466 = arith.ori %eq3A_1464, %eq3A_1465 : vector<16xi1>
    %select_n3A_1467 = arith.select %or3A_1466, %div3A_1319, %broadcast_in_dim3A_1443 : vector<16xi1>, vector<16xf32>
    %eq3A_1468 = arith.cmpi eq, %select_n3A_1366, %broadcast_in_dim3A_1449 : vector<16xi32>
    %eq3A_1469 = arith.cmpi eq, %select_n3A_1441, %broadcast_in_dim3A_1449 : vector<16xi32>
    %or3A_1470 = arith.ori %eq3A_1468, %eq3A_1469 : vector<16xi1>
    %select_n3A_1471 = arith.select %or3A_1470, %div3A_1320, %broadcast_in_dim3A_1443 : vector<16xi1>, vector<16xf32>
    %eq3A_1472 = arith.cmpi eq, %select_n3A_1366, %broadcast_in_dim3A_1451 : vector<16xi32>
    %eq3A_1473 = arith.cmpi eq, %select_n3A_1441, %broadcast_in_dim3A_1451 : vector<16xi32>
    %or3A_1474 = arith.ori %eq3A_1472, %eq3A_1473 : vector<16xi1>
    %select_n3A_1475 = arith.select %or3A_1474, %div3A_1321, %broadcast_in_dim3A_1443 : vector<16xi1>, vector<16xf32>
    %eq3A_1476 = arith.cmpi eq, %select_n3A_1366, %broadcast_in_dim3A_1453 : vector<16xi32>
    %eq3A_1477 = arith.cmpi eq, %select_n3A_1441, %broadcast_in_dim3A_1453 : vector<16xi32>
    %or3A_1478 = arith.ori %eq3A_1476, %eq3A_1477 : vector<16xi1>
    %select_n3A_1479 = arith.select %or3A_1478, %div3A_1322, %broadcast_in_dim3A_1443 : vector<16xi1>, vector<16xf32>
    %eq3A_1480 = arith.cmpi eq, %select_n3A_1366, %broadcast_in_dim3A_1455 : vector<16xi32>
    %eq3A_1481 = arith.cmpi eq, %select_n3A_1441, %broadcast_in_dim3A_1455 : vector<16xi32>
    %or3A_1482 = arith.ori %eq3A_1480, %eq3A_1481 : vector<16xi1>
    %select_n3A_1483 = arith.select %or3A_1482, %div3A_1323, %broadcast_in_dim3A_1443 : vector<16xi1>, vector<16xf32>
    %eq3A_1484 = arith.cmpi eq, %select_n3A_1366, %broadcast_in_dim3A_1457 : vector<16xi32>
    %eq3A_1485 = arith.cmpi eq, %select_n3A_1441, %broadcast_in_dim3A_1457 : vector<16xi32>
    %or3A_1486 = arith.ori %eq3A_1484, %eq3A_1485 : vector<16xi1>
    %select_n3A_1487 = arith.select %or3A_1486, %div3A_1324, %broadcast_in_dim3A_1443 : vector<16xi1>, vector<16xf32>
    %eq3A_1488 = arith.cmpi eq, %select_n3A_1366, %broadcast_in_dim3A_1459 : vector<16xi32>
    %eq3A_1489 = arith.cmpi eq, %select_n3A_1441, %broadcast_in_dim3A_1459 : vector<16xi32>
    %or3A_1490 = arith.ori %eq3A_1488, %eq3A_1489 : vector<16xi1>
    %select_n3A_1491 = arith.select %or3A_1490, %div3A_1325, %broadcast_in_dim3A_1443 : vector<16xi1>, vector<16xf32>
    %add3A_1492 = arith.addf %select_n3A_1463, %select_n3A_1467 : vector<16xf32>
    %add3A_1493 = arith.addf %add3A_1492, %select_n3A_1471 : vector<16xf32>
    %add3A_1494 = arith.addf %add3A_1493, %select_n3A_1475 : vector<16xf32>
    %add3A_1495 = arith.addf %add3A_1494, %select_n3A_1479 : vector<16xf32>
    %add3A_1496 = arith.addf %add3A_1495, %select_n3A_1483 : vector<16xf32>
    %add3A_1497 = arith.addf %add3A_1496, %select_n3A_1487 : vector<16xf32>
    %add3A_1498 = arith.addf %add3A_1497, %select_n3A_1491 : vector<16xf32>
    %broadcast_in_dim3A_1499 = arith.constant 9.99999971E-10 : f32
    %broadcast_in_dim3A_1500 = vector.broadcast %broadcast_in_dim3A_1499 : f32 to vector<16xf32>
    %add3A_1501 = arith.addf %add3A_1498, %broadcast_in_dim3A_1500 : vector<16xf32>
    %div3A_1502 = arith.divf %select_n3A_1463, %add3A_1501 : vector<16xf32>
    %swap3A_1503 = arith.constant 0 : i32
    %swap3A_1504 = arith.index_cast %swap3A_1503 : i32 to index
    %swap3A_1505 = arith.constant 64 : index
    %swap3A_1506 = tpu.vector_load %arg5[%swap3A_1504, %swap3A_1505] {strides = array<i32>} : memref<8x128xf32, #tpu.memory_space<vmem>>, vector<1x16xf32>,
    %swap3A_1507 = vector.shape_cast %swap3A_1506 : vector<1x16xf32> to vector<16xf32>
    %swap3A_1508 = vector.shape_cast %div3A_1502 : vector<16xf32> to vector<1x16xf32>
    tpu.vector_store %arg5[%swap3A_1504, %swap3A_1505], %swap3A_1508 {strides = array<i32>} : memref<8x128xf32, #tpu.memory_space<vmem>>, vector<1x16xf32>,
    %div3A_1509 = arith.divf %select_n3A_1467, %add3A_1501 : vector<16xf32>
    %swap3A_1510 = arith.constant 1 : i32
    %swap3A_1511 = arith.index_cast %swap3A_1510 : i32 to index
    %swap3A_1512 = arith.constant 64 : index
    %swap3A_1513 = tpu.vector_load %arg5[%swap3A_1511, %swap3A_1512] {strides = array<i32>} : memref<8x128xf32, #tpu.memory_space<vmem>>, vector<1x16xf32>,
    %swap3A_1514 = vector.shape_cast %swap3A_1513 : vector<1x16xf32> to vector<16xf32>
    %swap3A_1515 = vector.shape_cast %div3A_1509 : vector<16xf32> to vector<1x16xf32>
    tpu.vector_store %arg5[%swap3A_1511, %swap3A_1512], %swap3A_1515 {strides = array<i32>} : memref<8x128xf32, #tpu.memory_space<vmem>>, vector<1x16xf32>,
    %div3A_1516 = arith.divf %select_n3A_1471, %add3A_1501 : vector<16xf32>
    %swap3A_1517 = arith.constant 2 : i32
    %swap3A_1518 = arith.index_cast %swap3A_1517 : i32 to index
    %swap3A_1519 = arith.constant 64 : index
    %swap3A_1520 = tpu.vector_load %arg5[%swap3A_1518, %swap3A_1519] {strides = array<i32>} : memref<8x128xf32, #tpu.memory_space<vmem>>, vector<1x16xf32>,
    %swap3A_1521 = vector.shape_cast %swap3A_1520 : vector<1x16xf32> to vector<16xf32>
    %swap3A_1522 = vector.shape_cast %div3A_1516 : vector<16xf32> to vector<1x16xf32>
    tpu.vector_store %arg5[%swap3A_1518, %swap3A_1519], %swap3A_1522 {strides = array<i32>} : memref<8x128xf32, #tpu.memory_space<vmem>>, vector<1x16xf32>,
    %div3A_1523 = arith.divf %select_n3A_1475, %add3A_1501 : vector<16xf32>
    %swap3A_1524 = arith.constant 3 : i32
    %swap3A_1525 = arith.index_cast %swap3A_1524 : i32 to index
    %swap3A_1526 = arith.constant 64 : index
    %swap3A_1527 = tpu.vector_load %arg5[%swap3A_1525, %swap3A_1526] {strides = array<i32>} : memref<8x128xf32, #tpu.memory_space<vmem>>, vector<1x16xf32>,
    %swap3A_1528 = vector.shape_cast %swap3A_1527 : vector<1x16xf32> to vector<16xf32>
    %swap3A_1529 = vector.shape_cast %div3A_1523 : vector<16xf32> to vector<1x16xf32>
    tpu.vector_store %arg5[%swap3A_1525, %swap3A_1526], %swap3A_1529 {strides = array<i32>} : memref<8x128xf32, #tpu.memory_space<vmem>>, vector<1x16xf32>,
    %div3A_1530 = arith.divf %select_n3A_1479, %add3A_1501 : vector<16xf32>
    %swap3A_1531 = arith.constant 4 : i32
    %swap3A_1532 = arith.index_cast %swap3A_1531 : i32 to index
    %swap3A_1533 = arith.constant 64 : index
    %swap3A_1534 = tpu.vector_load %arg5[%swap3A_1532, %swap3A_1533] {strides = array<i32>} : memref<8x128xf32, #tpu.memory_space<vmem>>, vector<1x16xf32>,
    %swap3A_1535 = vector.shape_cast %swap3A_1534 : vector<1x16xf32> to vector<16xf32>
    %swap3A_1536 = vector.shape_cast %div3A_1530 : vector<16xf32> to vector<1x16xf32>
    tpu.vector_store %arg5[%swap3A_1532, %swap3A_1533], %swap3A_1536 {strides = array<i32>} : memref<8x128xf32, #tpu.memory_space<vmem>>, vector<1x16xf32>,
    %div3A_1537 = arith.divf %select_n3A_1483, %add3A_1501 : vector<16xf32>
    %swap3A_1538 = arith.constant 5 : i32
    %swap3A_1539 = arith.index_cast %swap3A_1538 : i32 to index
    %swap3A_1540 = arith.constant 64 : index
    %swap3A_1541 = tpu.vector_load %arg5[%swap3A_1539, %swap3A_1540] {strides = array<i32>} : memref<8x128xf32, #tpu.memory_space<vmem>>, vector<1x16xf32>,
    %swap3A_1542 = vector.shape_cast %swap3A_1541 : vector<1x16xf32> to vector<16xf32>
    %swap3A_1543 = vector.shape_cast %div3A_1537 : vector<16xf32> to vector<1x16xf32>
    tpu.vector_store %arg5[%swap3A_1539, %swap3A_1540], %swap3A_1543 {strides = array<i32>} : memref<8x128xf32, #tpu.memory_space<vmem>>, vector<1x16xf32>,
    %div3A_1544 = arith.divf %select_n3A_1487, %add3A_1501 : vector<16xf32>
    %swap3A_1545 = arith.constant 6 : i32
    %swap3A_1546 = arith.index_cast %swap3A_1545 : i32 to index
    %swap3A_1547 = arith.constant 64 : index
    %swap3A_1548 = tpu.vector_load %arg5[%swap3A_1546, %swap3A_1547] {strides = array<i32>} : memref<8x128xf32, #tpu.memory_space<vmem>>, vector<1x16xf32>,
    %swap3A_1549 = vector.shape_cast %swap3A_1548 : vector<1x16xf32> to vector<16xf32>
    %swap3A_1550 = vector.shape_cast %div3A_1544 : vector<16xf32> to vector<1x16xf32>
    tpu.vector_store %arg5[%swap3A_1546, %swap3A_1547], %swap3A_1550 {strides = array<i32>} : memref<8x128xf32, #tpu.memory_space<vmem>>, vector<1x16xf32>,
    %div3A_1551 = arith.divf %select_n3A_1491, %add3A_1501 : vector<16xf32>
    %swap3A_1552 = arith.constant 7 : i32
    %swap3A_1553 = arith.index_cast %swap3A_1552 : i32 to index
    %swap3A_1554 = arith.constant 64 : index
    %swap3A_1555 = tpu.vector_load %arg5[%swap3A_1553, %swap3A_1554] {strides = array<i32>} : memref<8x128xf32, #tpu.memory_space<vmem>>, vector<1x16xf32>,
    %swap3A_1556 = vector.shape_cast %swap3A_1555 : vector<1x16xf32> to vector<16xf32>
    %swap3A_1557 = vector.shape_cast %div3A_1551 : vector<16xf32> to vector<1x16xf32>
    tpu.vector_store %arg5[%swap3A_1553, %swap3A_1554], %swap3A_1557 {strides = array<i32>} : memref<8x128xf32, #tpu.memory_space<vmem>>, vector<1x16xf32>,
    %get3A_1558 = arith.constant 0 : i32
    %get3A_1559 = arith.index_cast %get3A_1558 : i32 to index
    %get3A_1560 = arith.constant 80 : index
    %get3A_1561 = tpu.vector_load %arg4[%get3A_1559, %get3A_1560] {strides = array<i32>} : memref<8x128xf32, #tpu.memory_space<vmem>>, vector<1x16xf32>,
    %get3A_1562 = vector.shape_cast %get3A_1561 : vector<1x16xf32> to vector<16xf32>
    %get3A_1563 = arith.constant 1 : i32
    %get3A_1564 = arith.index_cast %get3A_1563 : i32 to index
    %get3A_1565 = arith.constant 80 : index
    %get3A_1566 = tpu.vector_load %arg4[%get3A_1564, %get3A_1565] {strides = array<i32>} : memref<8x128xf32, #tpu.memory_space<vmem>>, vector<1x16xf32>,
    %get3A_1567 = vector.shape_cast %get3A_1566 : vector<1x16xf32> to vector<16xf32>
    %get3A_1568 = arith.constant 2 : i32
    %get3A_1569 = arith.index_cast %get3A_1568 : i32 to index
    %get3A_1570 = arith.constant 80 : index
    %get3A_1571 = tpu.vector_load %arg4[%get3A_1569, %get3A_1570] {strides = array<i32>} : memref<8x128xf32, #tpu.memory_space<vmem>>, vector<1x16xf32>,
    %get3A_1572 = vector.shape_cast %get3A_1571 : vector<1x16xf32> to vector<16xf32>
    %get3A_1573 = arith.constant 3 : i32
    %get3A_1574 = arith.index_cast %get3A_1573 : i32 to index
    %get3A_1575 = arith.constant 80 : index
    %get3A_1576 = tpu.vector_load %arg4[%get3A_1574, %get3A_1575] {strides = array<i32>} : memref<8x128xf32, #tpu.memory_space<vmem>>, vector<1x16xf32>,
    %get3A_1577 = vector.shape_cast %get3A_1576 : vector<1x16xf32> to vector<16xf32>
    %get3A_1578 = arith.constant 4 : i32
    %get3A_1579 = arith.index_cast %get3A_1578 : i32 to index
    %get3A_1580 = arith.constant 80 : index
    %get3A_1581 = tpu.vector_load %arg4[%get3A_1579, %get3A_1580] {strides = array<i32>} : memref<8x128xf32, #tpu.memory_space<vmem>>, vector<1x16xf32>,
    %get3A_1582 = vector.shape_cast %get3A_1581 : vector<1x16xf32> to vector<16xf32>
    %get3A_1583 = arith.constant 5 : i32
    %get3A_1584 = arith.index_cast %get3A_1583 : i32 to index
    %get3A_1585 = arith.constant 80 : index
    %get3A_1586 = tpu.vector_load %arg4[%get3A_1584, %get3A_1585] {strides = array<i32>} : memref<8x128xf32, #tpu.memory_space<vmem>>, vector<1x16xf32>,
    %get3A_1587 = vector.shape_cast %get3A_1586 : vector<1x16xf32> to vector<16xf32>
    %get3A_1588 = arith.constant 6 : i32
    %get3A_1589 = arith.index_cast %get3A_1588 : i32 to index
    %get3A_1590 = arith.constant 80 : index
    %get3A_1591 = tpu.vector_load %arg4[%get3A_1589, %get3A_1590] {strides = array<i32>} : memref<8x128xf32, #tpu.memory_space<vmem>>, vector<1x16xf32>,
    %get3A_1592 = vector.shape_cast %get3A_1591 : vector<1x16xf32> to vector<16xf32>
    %get3A_1593 = arith.constant 7 : i32
    %get3A_1594 = arith.index_cast %get3A_1593 : i32 to index
    %get3A_1595 = arith.constant 80 : index
    %get3A_1596 = tpu.vector_load %arg4[%get3A_1594, %get3A_1595] {strides = array<i32>} : memref<8x128xf32, #tpu.memory_space<vmem>>, vector<1x16xf32>,
    %get3A_1597 = vector.shape_cast %get3A_1596 : vector<1x16xf32> to vector<16xf32>
    %max3A_1598 = arith.maximumf %get3A_1562, %get3A_1567 : vector<16xf32>
    %max3A_1599 = arith.maximumf %max3A_1598, %get3A_1572 : vector<16xf32>
    %max3A_1600 = arith.maximumf %max3A_1599, %get3A_1577 : vector<16xf32>
    %max3A_1601 = arith.maximumf %max3A_1600, %get3A_1582 : vector<16xf32>
    %max3A_1602 = arith.maximumf %max3A_1601, %get3A_1587 : vector<16xf32>
    %max3A_1603 = arith.maximumf %max3A_1602, %get3A_1592 : vector<16xf32>
    %max3A_1604 = arith.maximumf %max3A_1603, %get3A_1597 : vector<16xf32>
    %sub3A_1605 = arith.subf %get3A_1562, %max3A_1604 : vector<16xf32>
    %exp3A_1606 = math.exp %sub3A_1605 : vector<16xf32>
    %sub3A_1607 = arith.subf %get3A_1567, %max3A_1604 : vector<16xf32>
    %exp3A_1608 = math.exp %sub3A_1607 : vector<16xf32>
    %sub3A_1609 = arith.subf %get3A_1572, %max3A_1604 : vector<16xf32>
    %exp3A_1610 = math.exp %sub3A_1609 : vector<16xf32>
    %sub3A_1611 = arith.subf %get3A_1577, %max3A_1604 : vector<16xf32>
    %exp3A_1612 = math.exp %sub3A_1611 : vector<16xf32>
    %sub3A_1613 = arith.subf %get3A_1582, %max3A_1604 : vector<16xf32>
    %exp3A_1614 = math.exp %sub3A_1613 : vector<16xf32>
    %sub3A_1615 = arith.subf %get3A_1587, %max3A_1604 : vector<16xf32>
    %exp3A_1616 = math.exp %sub3A_1615 : vector<16xf32>
    %sub3A_1617 = arith.subf %get3A_1592, %max3A_1604 : vector<16xf32>
    %exp3A_1618 = math.exp %sub3A_1617 : vector<16xf32>
    %sub3A_1619 = arith.subf %get3A_1597, %max3A_1604 : vector<16xf32>
    %exp3A_1620 = math.exp %sub3A_1619 : vector<16xf32>
    %add3A_1621 = arith.addf %exp3A_1606, %exp3A_1608 : vector<16xf32>
    %add3A_1622 = arith.addf %add3A_1621, %exp3A_1610 : vector<16xf32>
    %add3A_1623 = arith.addf %add3A_1622, %exp3A_1612 : vector<16xf32>
    %add3A_1624 = arith.addf %add3A_1623, %exp3A_1614 : vector<16xf32>
    %add3A_1625 = arith.addf %add3A_1624, %exp3A_1616 : vector<16xf32>
    %add3A_1626 = arith.addf %add3A_1625, %exp3A_1618 : vector<16xf32>
    %add3A_1627 = arith.addf %add3A_1626, %exp3A_1620 : vector<16xf32>
    %div3A_1628 = arith.divf %exp3A_1606, %add3A_1627 : vector<16xf32>
    %div3A_1629 = arith.divf %exp3A_1608, %add3A_1627 : vector<16xf32>
    %div3A_1630 = arith.divf %exp3A_1610, %add3A_1627 : vector<16xf32>
    %div3A_1631 = arith.divf %exp3A_1612, %add3A_1627 : vector<16xf32>
    %div3A_1632 = arith.divf %exp3A_1614, %add3A_1627 : vector<16xf32>
    %div3A_1633 = arith.divf %exp3A_1616, %add3A_1627 : vector<16xf32>
    %div3A_1634 = arith.divf %exp3A_1618, %add3A_1627 : vector<16xf32>
    %div3A_1635 = arith.divf %exp3A_1620, %add3A_1627 : vector<16xf32>
    %max3A_1636 = arith.maximumf %div3A_1628, %div3A_1629 : vector<16xf32>
    %max3A_1637 = arith.maximumf %max3A_1636, %div3A_1630 : vector<16xf32>
    %max3A_1638 = arith.maximumf %max3A_1637, %div3A_1631 : vector<16xf32>
    %max3A_1639 = arith.maximumf %max3A_1638, %div3A_1632 : vector<16xf32>
    %max3A_1640 = arith.maximumf %max3A_1639, %div3A_1633 : vector<16xf32>
    %max3A_1641 = arith.maximumf %max3A_1640, %div3A_1634 : vector<16xf32>
    %max3A_1642 = arith.maximumf %max3A_1641, %div3A_1635 : vector<16xf32>
    %broadcast_in_dim3A_1643 = arith.constant 8 : i32
    %broadcast_in_dim3A_1644 = vector.broadcast %broadcast_in_dim3A_1643 : i32 to vector<16xi32>
    %eq3A_1645 = arith.cmpf oeq, %div3A_1635, %max3A_1642 : vector<16xf32>
    %broadcast_in_dim3A_1646 = arith.constant 7 : i32
    %broadcast_in_dim3A_1647 = vector.broadcast %broadcast_in_dim3A_1646 : i32 to vector<16xi32>
    %select_n3A_1648 = arith.select %eq3A_1645, %broadcast_in_dim3A_1647, %broadcast_in_dim3A_1644 : vector<16xi1>, vector<16xi32>
    %eq3A_1649 = arith.cmpf oeq, %div3A_1634, %max3A_1642 : vector<16xf32>
    %broadcast_in_dim3A_1650 = arith.constant 6 : i32
    %broadcast_in_dim3A_1651 = vector.broadcast %broadcast_in_dim3A_1650 : i32 to vector<16xi32>
    %select_n3A_1652 = arith.select %eq3A_1649, %broadcast_in_dim3A_1651, %select_n3A_1648 : vector<16xi1>, vector<16xi32>
    %eq3A_1653 = arith.cmpf oeq, %div3A_1633, %max3A_1642 : vector<16xf32>
    %broadcast_in_dim3A_1654 = arith.constant 5 : i32
    %broadcast_in_dim3A_1655 = vector.broadcast %broadcast_in_dim3A_1654 : i32 to vector<16xi32>
    %select_n3A_1656 = arith.select %eq3A_1653, %broadcast_in_dim3A_1655, %select_n3A_1652 : vector<16xi1>, vector<16xi32>
    %eq3A_1657 = arith.cmpf oeq, %div3A_1632, %max3A_1642 : vector<16xf32>
    %broadcast_in_dim3A_1658 = arith.constant 4 : i32
    %broadcast_in_dim3A_1659 = vector.broadcast %broadcast_in_dim3A_1658 : i32 to vector<16xi32>
    %select_n3A_1660 = arith.select %eq3A_1657, %broadcast_in_dim3A_1659, %select_n3A_1656 : vector<16xi1>, vector<16xi32>
    %eq3A_1661 = arith.cmpf oeq, %div3A_1631, %max3A_1642 : vector<16xf32>
    %broadcast_in_dim3A_1662 = arith.constant 3 : i32
    %broadcast_in_dim3A_1663 = vector.broadcast %broadcast_in_dim3A_1662 : i32 to vector<16xi32>
    %select_n3A_1664 = arith.select %eq3A_1661, %broadcast_in_dim3A_1663, %select_n3A_1660 : vector<16xi1>, vector<16xi32>
    %eq3A_1665 = arith.cmpf oeq, %div3A_1630, %max3A_1642 : vector<16xf32>
    %broadcast_in_dim3A_1666 = arith.constant 2 : i32
    %broadcast_in_dim3A_1667 = vector.broadcast %broadcast_in_dim3A_1666 : i32 to vector<16xi32>
    %select_n3A_1668 = arith.select %eq3A_1665, %broadcast_in_dim3A_1667, %select_n3A_1664 : vector<16xi1>, vector<16xi32>
    %eq3A_1669 = arith.cmpf oeq, %div3A_1629, %max3A_1642 : vector<16xf32>
    %broadcast_in_dim3A_1670 = arith.constant 1 : i32
    %broadcast_in_dim3A_1671 = vector.broadcast %broadcast_in_dim3A_1670 : i32 to vector<16xi32>
    %select_n3A_1672 = arith.select %eq3A_1669, %broadcast_in_dim3A_1671, %select_n3A_1668 : vector<16xi1>, vector<16xi32>
    %eq3A_1673 = arith.cmpf oeq, %div3A_1628, %max3A_1642 : vector<16xf32>
    %broadcast_in_dim3A_1674 = arith.constant 0 : i32
    %broadcast_in_dim3A_1675 = vector.broadcast %broadcast_in_dim3A_1674 : i32 to vector<16xi32>
    %select_n3A_1676 = arith.select %eq3A_1673, %broadcast_in_dim3A_1675, %select_n3A_1672 : vector<16xi1>, vector<16xi32>
    %broadcast_in_dim3A_1677 = arith.constant -3.000000e+38 : f32
    %broadcast_in_dim3A_1678 = vector.broadcast %broadcast_in_dim3A_1677 : f32 to vector<16xf32>
    %broadcast_in_dim3A_1679 = arith.constant 0 : i32
    %broadcast_in_dim3A_1680 = vector.broadcast %broadcast_in_dim3A_1679 : i32 to vector<16xi32>
    %eq3A_1681 = arith.cmpi eq, %select_n3A_1676, %broadcast_in_dim3A_1680 : vector<16xi32>
    %select_n3A_1682 = arith.select %eq3A_1681, %broadcast_in_dim3A_1678, %div3A_1628 : vector<16xi1>, vector<16xf32>
    %broadcast_in_dim3A_1683 = arith.constant 1 : i32
    %broadcast_in_dim3A_1684 = vector.broadcast %broadcast_in_dim3A_1683 : i32 to vector<16xi32>
    %eq3A_1685 = arith.cmpi eq, %select_n3A_1676, %broadcast_in_dim3A_1684 : vector<16xi32>
    %select_n3A_1686 = arith.select %eq3A_1685, %broadcast_in_dim3A_1678, %div3A_1629 : vector<16xi1>, vector<16xf32>
    %broadcast_in_dim3A_1687 = arith.constant 2 : i32
    %broadcast_in_dim3A_1688 = vector.broadcast %broadcast_in_dim3A_1687 : i32 to vector<16xi32>
    %eq3A_1689 = arith.cmpi eq, %select_n3A_1676, %broadcast_in_dim3A_1688 : vector<16xi32>
    %select_n3A_1690 = arith.select %eq3A_1689, %broadcast_in_dim3A_1678, %div3A_1630 : vector<16xi1>, vector<16xf32>
    %broadcast_in_dim3A_1691 = arith.constant 3 : i32
    %broadcast_in_dim3A_1692 = vector.broadcast %broadcast_in_dim3A_1691 : i32 to vector<16xi32>
    %eq3A_1693 = arith.cmpi eq, %select_n3A_1676, %broadcast_in_dim3A_1692 : vector<16xi32>
    %select_n3A_1694 = arith.select %eq3A_1693, %broadcast_in_dim3A_1678, %div3A_1631 : vector<16xi1>, vector<16xf32>
    %broadcast_in_dim3A_1695 = arith.constant 4 : i32
    %broadcast_in_dim3A_1696 = vector.broadcast %broadcast_in_dim3A_1695 : i32 to vector<16xi32>
    %eq3A_1697 = arith.cmpi eq, %select_n3A_1676, %broadcast_in_dim3A_1696 : vector<16xi32>
    %select_n3A_1698 = arith.select %eq3A_1697, %broadcast_in_dim3A_1678, %div3A_1632 : vector<16xi1>, vector<16xf32>
    %broadcast_in_dim3A_1699 = arith.constant 5 : i32
    %broadcast_in_dim3A_1700 = vector.broadcast %broadcast_in_dim3A_1699 : i32 to vector<16xi32>
    %eq3A_1701 = arith.cmpi eq, %select_n3A_1676, %broadcast_in_dim3A_1700 : vector<16xi32>
    %select_n3A_1702 = arith.select %eq3A_1701, %broadcast_in_dim3A_1678, %div3A_1633 : vector<16xi1>, vector<16xf32>
    %broadcast_in_dim3A_1703 = arith.constant 6 : i32
    %broadcast_in_dim3A_1704 = vector.broadcast %broadcast_in_dim3A_1703 : i32 to vector<16xi32>
    %eq3A_1705 = arith.cmpi eq, %select_n3A_1676, %broadcast_in_dim3A_1704 : vector<16xi32>
    %select_n3A_1706 = arith.select %eq3A_1705, %broadcast_in_dim3A_1678, %div3A_1634 : vector<16xi1>, vector<16xf32>
    %broadcast_in_dim3A_1707 = arith.constant 7 : i32
    %broadcast_in_dim3A_1708 = vector.broadcast %broadcast_in_dim3A_1707 : i32 to vector<16xi32>
    %eq3A_1709 = arith.cmpi eq, %select_n3A_1676, %broadcast_in_dim3A_1708 : vector<16xi32>
    %select_n3A_1710 = arith.select %eq3A_1709, %broadcast_in_dim3A_1678, %div3A_1635 : vector<16xi1>, vector<16xf32>
    %max3A_1711 = arith.maximumf %select_n3A_1682, %select_n3A_1686 : vector<16xf32>
    %max3A_1712 = arith.maximumf %max3A_1711, %select_n3A_1690 : vector<16xf32>
    %max3A_1713 = arith.maximumf %max3A_1712, %select_n3A_1694 : vector<16xf32>
    %max3A_1714 = arith.maximumf %max3A_1713, %select_n3A_1698 : vector<16xf32>
    %max3A_1715 = arith.maximumf %max3A_1714, %select_n3A_1702 : vector<16xf32>
    %max3A_1716 = arith.maximumf %max3A_1715, %select_n3A_1706 : vector<16xf32>
    %max3A_1717 = arith.maximumf %max3A_1716, %select_n3A_1710 : vector<16xf32>
    %broadcast_in_dim3A_1718 = arith.constant 8 : i32
    %broadcast_in_dim3A_1719 = vector.broadcast %broadcast_in_dim3A_1718 : i32 to vector<16xi32>
    %eq3A_1720 = arith.cmpf oeq, %select_n3A_1710, %max3A_1717 : vector<16xf32>
    %broadcast_in_dim3A_1721 = arith.constant 7 : i32
    %broadcast_in_dim3A_1722 = vector.broadcast %broadcast_in_dim3A_1721 : i32 to vector<16xi32>
    %select_n3A_1723 = arith.select %eq3A_1720, %broadcast_in_dim3A_1722, %broadcast_in_dim3A_1719 : vector<16xi1>, vector<16xi32>
    %eq3A_1724 = arith.cmpf oeq, %select_n3A_1706, %max3A_1717 : vector<16xf32>
    %broadcast_in_dim3A_1725 = arith.constant 6 : i32
    %broadcast_in_dim3A_1726 = vector.broadcast %broadcast_in_dim3A_1725 : i32 to vector<16xi32>
    %select_n3A_1727 = arith.select %eq3A_1724, %broadcast_in_dim3A_1726, %select_n3A_1723 : vector<16xi1>, vector<16xi32>
    %eq3A_1728 = arith.cmpf oeq, %select_n3A_1702, %max3A_1717 : vector<16xf32>
    %broadcast_in_dim3A_1729 = arith.constant 5 : i32
    %broadcast_in_dim3A_1730 = vector.broadcast %broadcast_in_dim3A_1729 : i32 to vector<16xi32>
    %select_n3A_1731 = arith.select %eq3A_1728, %broadcast_in_dim3A_1730, %select_n3A_1727 : vector<16xi1>, vector<16xi32>
    %eq3A_1732 = arith.cmpf oeq, %select_n3A_1698, %max3A_1717 : vector<16xf32>
    %broadcast_in_dim3A_1733 = arith.constant 4 : i32
    %broadcast_in_dim3A_1734 = vector.broadcast %broadcast_in_dim3A_1733 : i32 to vector<16xi32>
    %select_n3A_1735 = arith.select %eq3A_1732, %broadcast_in_dim3A_1734, %select_n3A_1731 : vector<16xi1>, vector<16xi32>
    %eq3A_1736 = arith.cmpf oeq, %select_n3A_1694, %max3A_1717 : vector<16xf32>
    %broadcast_in_dim3A_1737 = arith.constant 3 : i32
    %broadcast_in_dim3A_1738 = vector.broadcast %broadcast_in_dim3A_1737 : i32 to vector<16xi32>
    %select_n3A_1739 = arith.select %eq3A_1736, %broadcast_in_dim3A_1738, %select_n3A_1735 : vector<16xi1>, vector<16xi32>
    %eq3A_1740 = arith.cmpf oeq, %select_n3A_1690, %max3A_1717 : vector<16xf32>
    %broadcast_in_dim3A_1741 = arith.constant 2 : i32
    %broadcast_in_dim3A_1742 = vector.broadcast %broadcast_in_dim3A_1741 : i32 to vector<16xi32>
    %select_n3A_1743 = arith.select %eq3A_1740, %broadcast_in_dim3A_1742, %select_n3A_1739 : vector<16xi1>, vector<16xi32>
    %eq3A_1744 = arith.cmpf oeq, %select_n3A_1686, %max3A_1717 : vector<16xf32>
    %broadcast_in_dim3A_1745 = arith.constant 1 : i32
    %broadcast_in_dim3A_1746 = vector.broadcast %broadcast_in_dim3A_1745 : i32 to vector<16xi32>
    %select_n3A_1747 = arith.select %eq3A_1744, %broadcast_in_dim3A_1746, %select_n3A_1743 : vector<16xi1>, vector<16xi32>
    %eq3A_1748 = arith.cmpf oeq, %select_n3A_1682, %max3A_1717 : vector<16xf32>
    %broadcast_in_dim3A_1749 = arith.constant 0 : i32
    %broadcast_in_dim3A_1750 = vector.broadcast %broadcast_in_dim3A_1749 : i32 to vector<16xi32>
    %select_n3A_1751 = arith.select %eq3A_1748, %broadcast_in_dim3A_1750, %select_n3A_1747 : vector<16xi1>, vector<16xi32>
    %broadcast_in_dim3A_1752 = arith.constant 0.000000e+00 : f32
    %broadcast_in_dim3A_1753 = vector.broadcast %broadcast_in_dim3A_1752 : f32 to vector<16xf32>
    %broadcast_in_dim3A_1754 = arith.constant 0 : i32
    %broadcast_in_dim3A_1755 = vector.broadcast %broadcast_in_dim3A_1754 : i32 to vector<16xi32>
    %broadcast_in_dim3A_1756 = arith.constant 1 : i32
    %broadcast_in_dim3A_1757 = vector.broadcast %broadcast_in_dim3A_1756 : i32 to vector<16xi32>
    %broadcast_in_dim3A_1758 = arith.constant 2 : i32
    %broadcast_in_dim3A_1759 = vector.broadcast %broadcast_in_dim3A_1758 : i32 to vector<16xi32>
    %broadcast_in_dim3A_1760 = arith.constant 3 : i32
    %broadcast_in_dim3A_1761 = vector.broadcast %broadcast_in_dim3A_1760 : i32 to vector<16xi32>
    %broadcast_in_dim3A_1762 = arith.constant 4 : i32
    %broadcast_in_dim3A_1763 = vector.broadcast %broadcast_in_dim3A_1762 : i32 to vector<16xi32>
    %broadcast_in_dim3A_1764 = arith.constant 5 : i32
    %broadcast_in_dim3A_1765 = vector.broadcast %broadcast_in_dim3A_1764 : i32 to vector<16xi32>
    %broadcast_in_dim3A_1766 = arith.constant 6 : i32
    %broadcast_in_dim3A_1767 = vector.broadcast %broadcast_in_dim3A_1766 : i32 to vector<16xi32>
    %broadcast_in_dim3A_1768 = arith.constant 7 : i32
    %broadcast_in_dim3A_1769 = vector.broadcast %broadcast_in_dim3A_1768 : i32 to vector<16xi32>
    %eq3A_1770 = arith.cmpi eq, %select_n3A_1676, %broadcast_in_dim3A_1755 : vector<16xi32>
    %eq3A_1771 = arith.cmpi eq, %select_n3A_1751, %broadcast_in_dim3A_1755 : vector<16xi32>
    %or3A_1772 = arith.ori %eq3A_1770, %eq3A_1771 : vector<16xi1>
    %select_n3A_1773 = arith.select %or3A_1772, %div3A_1628, %broadcast_in_dim3A_1753 : vector<16xi1>, vector<16xf32>
    %eq3A_1774 = arith.cmpi eq, %select_n3A_1676, %broadcast_in_dim3A_1757 : vector<16xi32>
    %eq3A_1775 = arith.cmpi eq, %select_n3A_1751, %broadcast_in_dim3A_1757 : vector<16xi32>
    %or3A_1776 = arith.ori %eq3A_1774, %eq3A_1775 : vector<16xi1>
    %select_n3A_1777 = arith.select %or3A_1776, %div3A_1629, %broadcast_in_dim3A_1753 : vector<16xi1>, vector<16xf32>
    %eq3A_1778 = arith.cmpi eq, %select_n3A_1676, %broadcast_in_dim3A_1759 : vector<16xi32>
    %eq3A_1779 = arith.cmpi eq, %select_n3A_1751, %broadcast_in_dim3A_1759 : vector<16xi32>
    %or3A_1780 = arith.ori %eq3A_1778, %eq3A_1779 : vector<16xi1>
    %select_n3A_1781 = arith.select %or3A_1780, %div3A_1630, %broadcast_in_dim3A_1753 : vector<16xi1>, vector<16xf32>
    %eq3A_1782 = arith.cmpi eq, %select_n3A_1676, %broadcast_in_dim3A_1761 : vector<16xi32>
    %eq3A_1783 = arith.cmpi eq, %select_n3A_1751, %broadcast_in_dim3A_1761 : vector<16xi32>
    %or3A_1784 = arith.ori %eq3A_1782, %eq3A_1783 : vector<16xi1>
    %select_n3A_1785 = arith.select %or3A_1784, %div3A_1631, %broadcast_in_dim3A_1753 : vector<16xi1>, vector<16xf32>
    %eq3A_1786 = arith.cmpi eq, %select_n3A_1676, %broadcast_in_dim3A_1763 : vector<16xi32>
    %eq3A_1787 = arith.cmpi eq, %select_n3A_1751, %broadcast_in_dim3A_1763 : vector<16xi32>
    %or3A_1788 = arith.ori %eq3A_1786, %eq3A_1787 : vector<16xi1>
    %select_n3A_1789 = arith.select %or3A_1788, %div3A_1632, %broadcast_in_dim3A_1753 : vector<16xi1>, vector<16xf32>
    %eq3A_1790 = arith.cmpi eq, %select_n3A_1676, %broadcast_in_dim3A_1765 : vector<16xi32>
    %eq3A_1791 = arith.cmpi eq, %select_n3A_1751, %broadcast_in_dim3A_1765 : vector<16xi32>
    %or3A_1792 = arith.ori %eq3A_1790, %eq3A_1791 : vector<16xi1>
    %select_n3A_1793 = arith.select %or3A_1792, %div3A_1633, %broadcast_in_dim3A_1753 : vector<16xi1>, vector<16xf32>
    %eq3A_1794 = arith.cmpi eq, %select_n3A_1676, %broadcast_in_dim3A_1767 : vector<16xi32>
    %eq3A_1795 = arith.cmpi eq, %select_n3A_1751, %broadcast_in_dim3A_1767 : vector<16xi32>
    %or3A_1796 = arith.ori %eq3A_1794, %eq3A_1795 : vector<16xi1>
    %select_n3A_1797 = arith.select %or3A_1796, %div3A_1634, %broadcast_in_dim3A_1753 : vector<16xi1>, vector<16xf32>
    %eq3A_1798 = arith.cmpi eq, %select_n3A_1676, %broadcast_in_dim3A_1769 : vector<16xi32>
    %eq3A_1799 = arith.cmpi eq, %select_n3A_1751, %broadcast_in_dim3A_1769 : vector<16xi32>
    %or3A_1800 = arith.ori %eq3A_1798, %eq3A_1799 : vector<16xi1>
    %select_n3A_1801 = arith.select %or3A_1800, %div3A_1635, %broadcast_in_dim3A_1753 : vector<16xi1>, vector<16xf32>
    %add3A_1802 = arith.addf %select_n3A_1773, %select_n3A_1777 : vector<16xf32>
    %add3A_1803 = arith.addf %add3A_1802, %select_n3A_1781 : vector<16xf32>
    %add3A_1804 = arith.addf %add3A_1803, %select_n3A_1785 : vector<16xf32>
    %add3A_1805 = arith.addf %add3A_1804, %select_n3A_1789 : vector<16xf32>
    %add3A_1806 = arith.addf %add3A_1805, %select_n3A_1793 : vector<16xf32>
    %add3A_1807 = arith.addf %add3A_1806, %select_n3A_1797 : vector<16xf32>
    %add3A_1808 = arith.addf %add3A_1807, %select_n3A_1801 : vector<16xf32>
    %broadcast_in_dim3A_1809 = arith.constant 9.99999971E-10 : f32
    %broadcast_in_dim3A_1810 = vector.broadcast %broadcast_in_dim3A_1809 : f32 to vector<16xf32>
    %add3A_1811 = arith.addf %add3A_1808, %broadcast_in_dim3A_1810 : vector<16xf32>
    %div3A_1812 = arith.divf %select_n3A_1773, %add3A_1811 : vector<16xf32>
    %swap3A_1813 = arith.constant 0 : i32
    %swap3A_1814 = arith.index_cast %swap3A_1813 : i32 to index
    %swap3A_1815 = arith.constant 80 : index
    %swap3A_1816 = tpu.vector_load %arg5[%swap3A_1814, %swap3A_1815] {strides = array<i32>} : memref<8x128xf32, #tpu.memory_space<vmem>>, vector<1x16xf32>,
    %swap3A_1817 = vector.shape_cast %swap3A_1816 : vector<1x16xf32> to vector<16xf32>
    %swap3A_1818 = vector.shape_cast %div3A_1812 : vector<16xf32> to vector<1x16xf32>
    tpu.vector_store %arg5[%swap3A_1814, %swap3A_1815], %swap3A_1818 {strides = array<i32>} : memref<8x128xf32, #tpu.memory_space<vmem>>, vector<1x16xf32>,
    %div3A_1819 = arith.divf %select_n3A_1777, %add3A_1811 : vector<16xf32>
    %swap3A_1820 = arith.constant 1 : i32
    %swap3A_1821 = arith.index_cast %swap3A_1820 : i32 to index
    %swap3A_1822 = arith.constant 80 : index
    %swap3A_1823 = tpu.vector_load %arg5[%swap3A_1821, %swap3A_1822] {strides = array<i32>} : memref<8x128xf32, #tpu.memory_space<vmem>>, vector<1x16xf32>,
    %swap3A_1824 = vector.shape_cast %swap3A_1823 : vector<1x16xf32> to vector<16xf32>
    %swap3A_1825 = vector.shape_cast %div3A_1819 : vector<16xf32> to vector<1x16xf32>
    tpu.vector_store %arg5[%swap3A_1821, %swap3A_1822], %swap3A_1825 {strides = array<i32>} : memref<8x128xf32, #tpu.memory_space<vmem>>, vector<1x16xf32>,
    %div3A_1826 = arith.divf %select_n3A_1781, %add3A_1811 : vector<16xf32>
    %swap3A_1827 = arith.constant 2 : i32
    %swap3A_1828 = arith.index_cast %swap3A_1827 : i32 to index
    %swap3A_1829 = arith.constant 80 : index
    %swap3A_1830 = tpu.vector_load %arg5[%swap3A_1828, %swap3A_1829] {strides = array<i32>} : memref<8x128xf32, #tpu.memory_space<vmem>>, vector<1x16xf32>,
    %swap3A_1831 = vector.shape_cast %swap3A_1830 : vector<1x16xf32> to vector<16xf32>
    %swap3A_1832 = vector.shape_cast %div3A_1826 : vector<16xf32> to vector<1x16xf32>
    tpu.vector_store %arg5[%swap3A_1828, %swap3A_1829], %swap3A_1832 {strides = array<i32>} : memref<8x128xf32, #tpu.memory_space<vmem>>, vector<1x16xf32>,
    %div3A_1833 = arith.divf %select_n3A_1785, %add3A_1811 : vector<16xf32>
    %swap3A_1834 = arith.constant 3 : i32
    %swap3A_1835 = arith.index_cast %swap3A_1834 : i32 to index
    %swap3A_1836 = arith.constant 80 : index
    %swap3A_1837 = tpu.vector_load %arg5[%swap3A_1835, %swap3A_1836] {strides = array<i32>} : memref<8x128xf32, #tpu.memory_space<vmem>>, vector<1x16xf32>,
    %swap3A_1838 = vector.shape_cast %swap3A_1837 : vector<1x16xf32> to vector<16xf32>
    %swap3A_1839 = vector.shape_cast %div3A_1833 : vector<16xf32> to vector<1x16xf32>
    tpu.vector_store %arg5[%swap3A_1835, %swap3A_1836], %swap3A_1839 {strides = array<i32>} : memref<8x128xf32, #tpu.memory_space<vmem>>, vector<1x16xf32>,
    %div3A_1840 = arith.divf %select_n3A_1789, %add3A_1811 : vector<16xf32>
    %swap3A_1841 = arith.constant 4 : i32
    %swap3A_1842 = arith.index_cast %swap3A_1841 : i32 to index
    %swap3A_1843 = arith.constant 80 : index
    %swap3A_1844 = tpu.vector_load %arg5[%swap3A_1842, %swap3A_1843] {strides = array<i32>} : memref<8x128xf32, #tpu.memory_space<vmem>>, vector<1x16xf32>,
    %swap3A_1845 = vector.shape_cast %swap3A_1844 : vector<1x16xf32> to vector<16xf32>
    %swap3A_1846 = vector.shape_cast %div3A_1840 : vector<16xf32> to vector<1x16xf32>
    tpu.vector_store %arg5[%swap3A_1842, %swap3A_1843], %swap3A_1846 {strides = array<i32>} : memref<8x128xf32, #tpu.memory_space<vmem>>, vector<1x16xf32>,
    %div3A_1847 = arith.divf %select_n3A_1793, %add3A_1811 : vector<16xf32>
    %swap3A_1848 = arith.constant 5 : i32
    %swap3A_1849 = arith.index_cast %swap3A_1848 : i32 to index
    %swap3A_1850 = arith.constant 80 : index
    %swap3A_1851 = tpu.vector_load %arg5[%swap3A_1849, %swap3A_1850] {strides = array<i32>} : memref<8x128xf32, #tpu.memory_space<vmem>>, vector<1x16xf32>,
    %swap3A_1852 = vector.shape_cast %swap3A_1851 : vector<1x16xf32> to vector<16xf32>
    %swap3A_1853 = vector.shape_cast %div3A_1847 : vector<16xf32> to vector<1x16xf32>
    tpu.vector_store %arg5[%swap3A_1849, %swap3A_1850], %swap3A_1853 {strides = array<i32>} : memref<8x128xf32, #tpu.memory_space<vmem>>, vector<1x16xf32>,
    %div3A_1854 = arith.divf %select_n3A_1797, %add3A_1811 : vector<16xf32>
    %swap3A_1855 = arith.constant 6 : i32
    %swap3A_1856 = arith.index_cast %swap3A_1855 : i32 to index
    %swap3A_1857 = arith.constant 80 : index
    %swap3A_1858 = tpu.vector_load %arg5[%swap3A_1856, %swap3A_1857] {strides = array<i32>} : memref<8x128xf32, #tpu.memory_space<vmem>>, vector<1x16xf32>,
    %swap3A_1859 = vector.shape_cast %swap3A_1858 : vector<1x16xf32> to vector<16xf32>
    %swap3A_1860 = vector.shape_cast %div3A_1854 : vector<16xf32> to vector<1x16xf32>
    tpu.vector_store %arg5[%swap3A_1856, %swap3A_1857], %swap3A_1860 {strides = array<i32>} : memref<8x128xf32, #tpu.memory_space<vmem>>, vector<1x16xf32>,
    %div3A_1861 = arith.divf %select_n3A_1801, %add3A_1811 : vector<16xf32>
    %swap3A_1862 = arith.constant 7 : i32
    %swap3A_1863 = arith.index_cast %swap3A_1862 : i32 to index
    %swap3A_1864 = arith.constant 80 : index
    %swap3A_1865 = tpu.vector_load %arg5[%swap3A_1863, %swap3A_1864] {strides = array<i32>} : memref<8x128xf32, #tpu.memory_space<vmem>>, vector<1x16xf32>,
    %swap3A_1866 = vector.shape_cast %swap3A_1865 : vector<1x16xf32> to vector<16xf32>
    %swap3A_1867 = vector.shape_cast %div3A_1861 : vector<16xf32> to vector<1x16xf32>
    tpu.vector_store %arg5[%swap3A_1863, %swap3A_1864], %swap3A_1867 {strides = array<i32>} : memref<8x128xf32, #tpu.memory_space<vmem>>, vector<1x16xf32>,
    %get3A_1868 = arith.constant 0 : i32
    %get3A_1869 = arith.index_cast %get3A_1868 : i32 to index
    %get3A_1870 = arith.constant 96 : index
    %get3A_1871 = tpu.vector_load %arg4[%get3A_1869, %get3A_1870] {strides = array<i32>} : memref<8x128xf32, #tpu.memory_space<vmem>>, vector<1x16xf32>,
    %get3A_1872 = vector.shape_cast %get3A_1871 : vector<1x16xf32> to vector<16xf32>
    %get3A_1873 = arith.constant 1 : i32
    %get3A_1874 = arith.index_cast %get3A_1873 : i32 to index
    %get3A_1875 = arith.constant 96 : index
    %get3A_1876 = tpu.vector_load %arg4[%get3A_1874, %get3A_1875] {strides = array<i32>} : memref<8x128xf32, #tpu.memory_space<vmem>>, vector<1x16xf32>,
    %get3A_1877 = vector.shape_cast %get3A_1876 : vector<1x16xf32> to vector<16xf32>
    %get3A_1878 = arith.constant 2 : i32
    %get3A_1879 = arith.index_cast %get3A_1878 : i32 to index
    %get3A_1880 = arith.constant 96 : index
    %get3A_1881 = tpu.vector_load %arg4[%get3A_1879, %get3A_1880] {strides = array<i32>} : memref<8x128xf32, #tpu.memory_space<vmem>>, vector<1x16xf32>,
    %get3A_1882 = vector.shape_cast %get3A_1881 : vector<1x16xf32> to vector<16xf32>
    %get3A_1883 = arith.constant 3 : i32
    %get3A_1884 = arith.index_cast %get3A_1883 : i32 to index
    %get3A_1885 = arith.constant 96 : index
    %get3A_1886 = tpu.vector_load %arg4[%get3A_1884, %get3A_1885] {strides = array<i32>} : memref<8x128xf32, #tpu.memory_space<vmem>>, vector<1x16xf32>,
    %get3A_1887 = vector.shape_cast %get3A_1886 : vector<1x16xf32> to vector<16xf32>
    %get3A_1888 = arith.constant 4 : i32
    %get3A_1889 = arith.index_cast %get3A_1888 : i32 to index
    %get3A_1890 = arith.constant 96 : index
    %get3A_1891 = tpu.vector_load %arg4[%get3A_1889, %get3A_1890] {strides = array<i32>} : memref<8x128xf32, #tpu.memory_space<vmem>>, vector<1x16xf32>,
    %get3A_1892 = vector.shape_cast %get3A_1891 : vector<1x16xf32> to vector<16xf32>
    %get3A_1893 = arith.constant 5 : i32
    %get3A_1894 = arith.index_cast %get3A_1893 : i32 to index
    %get3A_1895 = arith.constant 96 : index
    %get3A_1896 = tpu.vector_load %arg4[%get3A_1894, %get3A_1895] {strides = array<i32>} : memref<8x128xf32, #tpu.memory_space<vmem>>, vector<1x16xf32>,
    %get3A_1897 = vector.shape_cast %get3A_1896 : vector<1x16xf32> to vector<16xf32>
    %get3A_1898 = arith.constant 6 : i32
    %get3A_1899 = arith.index_cast %get3A_1898 : i32 to index
    %get3A_1900 = arith.constant 96 : index
    %get3A_1901 = tpu.vector_load %arg4[%get3A_1899, %get3A_1900] {strides = array<i32>} : memref<8x128xf32, #tpu.memory_space<vmem>>, vector<1x16xf32>,
    %get3A_1902 = vector.shape_cast %get3A_1901 : vector<1x16xf32> to vector<16xf32>
    %get3A_1903 = arith.constant 7 : i32
    %get3A_1904 = arith.index_cast %get3A_1903 : i32 to index
    %get3A_1905 = arith.constant 96 : index
    %get3A_1906 = tpu.vector_load %arg4[%get3A_1904, %get3A_1905] {strides = array<i32>} : memref<8x128xf32, #tpu.memory_space<vmem>>, vector<1x16xf32>,
    %get3A_1907 = vector.shape_cast %get3A_1906 : vector<1x16xf32> to vector<16xf32>
    %max3A_1908 = arith.maximumf %get3A_1872, %get3A_1877 : vector<16xf32>
    %max3A_1909 = arith.maximumf %max3A_1908, %get3A_1882 : vector<16xf32>
    %max3A_1910 = arith.maximumf %max3A_1909, %get3A_1887 : vector<16xf32>
    %max3A_1911 = arith.maximumf %max3A_1910, %get3A_1892 : vector<16xf32>
    %max3A_1912 = arith.maximumf %max3A_1911, %get3A_1897 : vector<16xf32>
    %max3A_1913 = arith.maximumf %max3A_1912, %get3A_1902 : vector<16xf32>
    %max3A_1914 = arith.maximumf %max3A_1913, %get3A_1907 : vector<16xf32>
    %sub3A_1915 = arith.subf %get3A_1872, %max3A_1914 : vector<16xf32>
    %exp3A_1916 = math.exp %sub3A_1915 : vector<16xf32>
    %sub3A_1917 = arith.subf %get3A_1877, %max3A_1914 : vector<16xf32>
    %exp3A_1918 = math.exp %sub3A_1917 : vector<16xf32>
    %sub3A_1919 = arith.subf %get3A_1882, %max3A_1914 : vector<16xf32>
    %exp3A_1920 = math.exp %sub3A_1919 : vector<16xf32>
    %sub3A_1921 = arith.subf %get3A_1887, %max3A_1914 : vector<16xf32>
    %exp3A_1922 = math.exp %sub3A_1921 : vector<16xf32>
    %sub3A_1923 = arith.subf %get3A_1892, %max3A_1914 : vector<16xf32>
    %exp3A_1924 = math.exp %sub3A_1923 : vector<16xf32>
    %sub3A_1925 = arith.subf %get3A_1897, %max3A_1914 : vector<16xf32>
    %exp3A_1926 = math.exp %sub3A_1925 : vector<16xf32>
    %sub3A_1927 = arith.subf %get3A_1902, %max3A_1914 : vector<16xf32>
    %exp3A_1928 = math.exp %sub3A_1927 : vector<16xf32>
    %sub3A_1929 = arith.subf %get3A_1907, %max3A_1914 : vector<16xf32>
    %exp3A_1930 = math.exp %sub3A_1929 : vector<16xf32>
    %add3A_1931 = arith.addf %exp3A_1916, %exp3A_1918 : vector<16xf32>
    %add3A_1932 = arith.addf %add3A_1931, %exp3A_1920 : vector<16xf32>
    %add3A_1933 = arith.addf %add3A_1932, %exp3A_1922 : vector<16xf32>
    %add3A_1934 = arith.addf %add3A_1933, %exp3A_1924 : vector<16xf32>
    %add3A_1935 = arith.addf %add3A_1934, %exp3A_1926 : vector<16xf32>
    %add3A_1936 = arith.addf %add3A_1935, %exp3A_1928 : vector<16xf32>
    %add3A_1937 = arith.addf %add3A_1936, %exp3A_1930 : vector<16xf32>
    %div3A_1938 = arith.divf %exp3A_1916, %add3A_1937 : vector<16xf32>
    %div3A_1939 = arith.divf %exp3A_1918, %add3A_1937 : vector<16xf32>
    %div3A_1940 = arith.divf %exp3A_1920, %add3A_1937 : vector<16xf32>
    %div3A_1941 = arith.divf %exp3A_1922, %add3A_1937 : vector<16xf32>
    %div3A_1942 = arith.divf %exp3A_1924, %add3A_1937 : vector<16xf32>
    %div3A_1943 = arith.divf %exp3A_1926, %add3A_1937 : vector<16xf32>
    %div3A_1944 = arith.divf %exp3A_1928, %add3A_1937 : vector<16xf32>
    %div3A_1945 = arith.divf %exp3A_1930, %add3A_1937 : vector<16xf32>
    %max3A_1946 = arith.maximumf %div3A_1938, %div3A_1939 : vector<16xf32>
    %max3A_1947 = arith.maximumf %max3A_1946, %div3A_1940 : vector<16xf32>
    %max3A_1948 = arith.maximumf %max3A_1947, %div3A_1941 : vector<16xf32>
    %max3A_1949 = arith.maximumf %max3A_1948, %div3A_1942 : vector<16xf32>
    %max3A_1950 = arith.maximumf %max3A_1949, %div3A_1943 : vector<16xf32>
    %max3A_1951 = arith.maximumf %max3A_1950, %div3A_1944 : vector<16xf32>
    %max3A_1952 = arith.maximumf %max3A_1951, %div3A_1945 : vector<16xf32>
    %broadcast_in_dim3A_1953 = arith.constant 8 : i32
    %broadcast_in_dim3A_1954 = vector.broadcast %broadcast_in_dim3A_1953 : i32 to vector<16xi32>
    %eq3A_1955 = arith.cmpf oeq, %div3A_1945, %max3A_1952 : vector<16xf32>
    %broadcast_in_dim3A_1956 = arith.constant 7 : i32
    %broadcast_in_dim3A_1957 = vector.broadcast %broadcast_in_dim3A_1956 : i32 to vector<16xi32>
    %select_n3A_1958 = arith.select %eq3A_1955, %broadcast_in_dim3A_1957, %broadcast_in_dim3A_1954 : vector<16xi1>, vector<16xi32>
    %eq3A_1959 = arith.cmpf oeq, %div3A_1944, %max3A_1952 : vector<16xf32>
    %broadcast_in_dim3A_1960 = arith.constant 6 : i32
    %broadcast_in_dim3A_1961 = vector.broadcast %broadcast_in_dim3A_1960 : i32 to vector<16xi32>
    %select_n3A_1962 = arith.select %eq3A_1959, %broadcast_in_dim3A_1961, %select_n3A_1958 : vector<16xi1>, vector<16xi32>
    %eq3A_1963 = arith.cmpf oeq, %div3A_1943, %max3A_1952 : vector<16xf32>
    %broadcast_in_dim3A_1964 = arith.constant 5 : i32
    %broadcast_in_dim3A_1965 = vector.broadcast %broadcast_in_dim3A_1964 : i32 to vector<16xi32>
    %select_n3A_1966 = arith.select %eq3A_1963, %broadcast_in_dim3A_1965, %select_n3A_1962 : vector<16xi1>, vector<16xi32>
    %eq3A_1967 = arith.cmpf oeq, %div3A_1942, %max3A_1952 : vector<16xf32>
    %broadcast_in_dim3A_1968 = arith.constant 4 : i32
    %broadcast_in_dim3A_1969 = vector.broadcast %broadcast_in_dim3A_1968 : i32 to vector<16xi32>
    %select_n3A_1970 = arith.select %eq3A_1967, %broadcast_in_dim3A_1969, %select_n3A_1966 : vector<16xi1>, vector<16xi32>
    %eq3A_1971 = arith.cmpf oeq, %div3A_1941, %max3A_1952 : vector<16xf32>
    %broadcast_in_dim3A_1972 = arith.constant 3 : i32
    %broadcast_in_dim3A_1973 = vector.broadcast %broadcast_in_dim3A_1972 : i32 to vector<16xi32>
    %select_n3A_1974 = arith.select %eq3A_1971, %broadcast_in_dim3A_1973, %select_n3A_1970 : vector<16xi1>, vector<16xi32>
    %eq3A_1975 = arith.cmpf oeq, %div3A_1940, %max3A_1952 : vector<16xf32>
    %broadcast_in_dim3A_1976 = arith.constant 2 : i32
    %broadcast_in_dim3A_1977 = vector.broadcast %broadcast_in_dim3A_1976 : i32 to vector<16xi32>
    %select_n3A_1978 = arith.select %eq3A_1975, %broadcast_in_dim3A_1977, %select_n3A_1974 : vector<16xi1>, vector<16xi32>
    %eq3A_1979 = arith.cmpf oeq, %div3A_1939, %max3A_1952 : vector<16xf32>
    %broadcast_in_dim3A_1980 = arith.constant 1 : i32
    %broadcast_in_dim3A_1981 = vector.broadcast %broadcast_in_dim3A_1980 : i32 to vector<16xi32>
    %select_n3A_1982 = arith.select %eq3A_1979, %broadcast_in_dim3A_1981, %select_n3A_1978 : vector<16xi1>, vector<16xi32>
    %eq3A_1983 = arith.cmpf oeq, %div3A_1938, %max3A_1952 : vector<16xf32>
    %broadcast_in_dim3A_1984 = arith.constant 0 : i32
    %broadcast_in_dim3A_1985 = vector.broadcast %broadcast_in_dim3A_1984 : i32 to vector<16xi32>
    %select_n3A_1986 = arith.select %eq3A_1983, %broadcast_in_dim3A_1985, %select_n3A_1982 : vector<16xi1>, vector<16xi32>
    %broadcast_in_dim3A_1987 = arith.constant -3.000000e+38 : f32
    %broadcast_in_dim3A_1988 = vector.broadcast %broadcast_in_dim3A_1987 : f32 to vector<16xf32>
    %broadcast_in_dim3A_1989 = arith.constant 0 : i32
    %broadcast_in_dim3A_1990 = vector.broadcast %broadcast_in_dim3A_1989 : i32 to vector<16xi32>
    %eq3A_1991 = arith.cmpi eq, %select_n3A_1986, %broadcast_in_dim3A_1990 : vector<16xi32>
    %select_n3A_1992 = arith.select %eq3A_1991, %broadcast_in_dim3A_1988, %div3A_1938 : vector<16xi1>, vector<16xf32>
    %broadcast_in_dim3A_1993 = arith.constant 1 : i32
    %broadcast_in_dim3A_1994 = vector.broadcast %broadcast_in_dim3A_1993 : i32 to vector<16xi32>
    %eq3A_1995 = arith.cmpi eq, %select_n3A_1986, %broadcast_in_dim3A_1994 : vector<16xi32>
    %select_n3A_1996 = arith.select %eq3A_1995, %broadcast_in_dim3A_1988, %div3A_1939 : vector<16xi1>, vector<16xf32>
    %broadcast_in_dim3A_1997 = arith.constant 2 : i32
    %broadcast_in_dim3A_1998 = vector.broadcast %broadcast_in_dim3A_1997 : i32 to vector<16xi32>
    %eq3A_1999 = arith.cmpi eq, %select_n3A_1986, %broadcast_in_dim3A_1998 : vector<16xi32>
    %select_n3A_2000 = arith.select %eq3A_1999, %broadcast_in_dim3A_1988, %div3A_1940 : vector<16xi1>, vector<16xf32>
    %broadcast_in_dim3A_2001 = arith.constant 3 : i32
    %broadcast_in_dim3A_2002 = vector.broadcast %broadcast_in_dim3A_2001 : i32 to vector<16xi32>
    %eq3A_2003 = arith.cmpi eq, %select_n3A_1986, %broadcast_in_dim3A_2002 : vector<16xi32>
    %select_n3A_2004 = arith.select %eq3A_2003, %broadcast_in_dim3A_1988, %div3A_1941 : vector<16xi1>, vector<16xf32>
    %broadcast_in_dim3A_2005 = arith.constant 4 : i32
    %broadcast_in_dim3A_2006 = vector.broadcast %broadcast_in_dim3A_2005 : i32 to vector<16xi32>
    %eq3A_2007 = arith.cmpi eq, %select_n3A_1986, %broadcast_in_dim3A_2006 : vector<16xi32>
    %select_n3A_2008 = arith.select %eq3A_2007, %broadcast_in_dim3A_1988, %div3A_1942 : vector<16xi1>, vector<16xf32>
    %broadcast_in_dim3A_2009 = arith.constant 5 : i32
    %broadcast_in_dim3A_2010 = vector.broadcast %broadcast_in_dim3A_2009 : i32 to vector<16xi32>
    %eq3A_2011 = arith.cmpi eq, %select_n3A_1986, %broadcast_in_dim3A_2010 : vector<16xi32>
    %select_n3A_2012 = arith.select %eq3A_2011, %broadcast_in_dim3A_1988, %div3A_1943 : vector<16xi1>, vector<16xf32>
    %broadcast_in_dim3A_2013 = arith.constant 6 : i32
    %broadcast_in_dim3A_2014 = vector.broadcast %broadcast_in_dim3A_2013 : i32 to vector<16xi32>
    %eq3A_2015 = arith.cmpi eq, %select_n3A_1986, %broadcast_in_dim3A_2014 : vector<16xi32>
    %select_n3A_2016 = arith.select %eq3A_2015, %broadcast_in_dim3A_1988, %div3A_1944 : vector<16xi1>, vector<16xf32>
    %broadcast_in_dim3A_2017 = arith.constant 7 : i32
    %broadcast_in_dim3A_2018 = vector.broadcast %broadcast_in_dim3A_2017 : i32 to vector<16xi32>
    %eq3A_2019 = arith.cmpi eq, %select_n3A_1986, %broadcast_in_dim3A_2018 : vector<16xi32>
    %select_n3A_2020 = arith.select %eq3A_2019, %broadcast_in_dim3A_1988, %div3A_1945 : vector<16xi1>, vector<16xf32>
    %max3A_2021 = arith.maximumf %select_n3A_1992, %select_n3A_1996 : vector<16xf32>
    %max3A_2022 = arith.maximumf %max3A_2021, %select_n3A_2000 : vector<16xf32>
    %max3A_2023 = arith.maximumf %max3A_2022, %select_n3A_2004 : vector<16xf32>
    %max3A_2024 = arith.maximumf %max3A_2023, %select_n3A_2008 : vector<16xf32>
    %max3A_2025 = arith.maximumf %max3A_2024, %select_n3A_2012 : vector<16xf32>
    %max3A_2026 = arith.maximumf %max3A_2025, %select_n3A_2016 : vector<16xf32>
    %max3A_2027 = arith.maximumf %max3A_2026, %select_n3A_2020 : vector<16xf32>
    %broadcast_in_dim3A_2028 = arith.constant 8 : i32
    %broadcast_in_dim3A_2029 = vector.broadcast %broadcast_in_dim3A_2028 : i32 to vector<16xi32>
    %eq3A_2030 = arith.cmpf oeq, %select_n3A_2020, %max3A_2027 : vector<16xf32>
    %broadcast_in_dim3A_2031 = arith.constant 7 : i32
    %broadcast_in_dim3A_2032 = vector.broadcast %broadcast_in_dim3A_2031 : i32 to vector<16xi32>
    %select_n3A_2033 = arith.select %eq3A_2030, %broadcast_in_dim3A_2032, %broadcast_in_dim3A_2029 : vector<16xi1>, vector<16xi32>
    %eq3A_2034 = arith.cmpf oeq, %select_n3A_2016, %max3A_2027 : vector<16xf32>
    %broadcast_in_dim3A_2035 = arith.constant 6 : i32
    %broadcast_in_dim3A_2036 = vector.broadcast %broadcast_in_dim3A_2035 : i32 to vector<16xi32>
    %select_n3A_2037 = arith.select %eq3A_2034, %broadcast_in_dim3A_2036, %select_n3A_2033 : vector<16xi1>, vector<16xi32>
    %eq3A_2038 = arith.cmpf oeq, %select_n3A_2012, %max3A_2027 : vector<16xf32>
    %broadcast_in_dim3A_2039 = arith.constant 5 : i32
    %broadcast_in_dim3A_2040 = vector.broadcast %broadcast_in_dim3A_2039 : i32 to vector<16xi32>
    %select_n3A_2041 = arith.select %eq3A_2038, %broadcast_in_dim3A_2040, %select_n3A_2037 : vector<16xi1>, vector<16xi32>
    %eq3A_2042 = arith.cmpf oeq, %select_n3A_2008, %max3A_2027 : vector<16xf32>
    %broadcast_in_dim3A_2043 = arith.constant 4 : i32
    %broadcast_in_dim3A_2044 = vector.broadcast %broadcast_in_dim3A_2043 : i32 to vector<16xi32>
    %select_n3A_2045 = arith.select %eq3A_2042, %broadcast_in_dim3A_2044, %select_n3A_2041 : vector<16xi1>, vector<16xi32>
    %eq3A_2046 = arith.cmpf oeq, %select_n3A_2004, %max3A_2027 : vector<16xf32>
    %broadcast_in_dim3A_2047 = arith.constant 3 : i32
    %broadcast_in_dim3A_2048 = vector.broadcast %broadcast_in_dim3A_2047 : i32 to vector<16xi32>
    %select_n3A_2049 = arith.select %eq3A_2046, %broadcast_in_dim3A_2048, %select_n3A_2045 : vector<16xi1>, vector<16xi32>
    %eq3A_2050 = arith.cmpf oeq, %select_n3A_2000, %max3A_2027 : vector<16xf32>
    %broadcast_in_dim3A_2051 = arith.constant 2 : i32
    %broadcast_in_dim3A_2052 = vector.broadcast %broadcast_in_dim3A_2051 : i32 to vector<16xi32>
    %select_n3A_2053 = arith.select %eq3A_2050, %broadcast_in_dim3A_2052, %select_n3A_2049 : vector<16xi1>, vector<16xi32>
    %eq3A_2054 = arith.cmpf oeq, %select_n3A_1996, %max3A_2027 : vector<16xf32>
    %broadcast_in_dim3A_2055 = arith.constant 1 : i32
    %broadcast_in_dim3A_2056 = vector.broadcast %broadcast_in_dim3A_2055 : i32 to vector<16xi32>
    %select_n3A_2057 = arith.select %eq3A_2054, %broadcast_in_dim3A_2056, %select_n3A_2053 : vector<16xi1>, vector<16xi32>
    %eq3A_2058 = arith.cmpf oeq, %select_n3A_1992, %max3A_2027 : vector<16xf32>
    %broadcast_in_dim3A_2059 = arith.constant 0 : i32
    %broadcast_in_dim3A_2060 = vector.broadcast %broadcast_in_dim3A_2059 : i32 to vector<16xi32>
    %select_n3A_2061 = arith.select %eq3A_2058, %broadcast_in_dim3A_2060, %select_n3A_2057 : vector<16xi1>, vector<16xi32>
    %broadcast_in_dim3A_2062 = arith.constant 0.000000e+00 : f32
    %broadcast_in_dim3A_2063 = vector.broadcast %broadcast_in_dim3A_2062 : f32 to vector<16xf32>
    %broadcast_in_dim3A_2064 = arith.constant 0 : i32
    %broadcast_in_dim3A_2065 = vector.broadcast %broadcast_in_dim3A_2064 : i32 to vector<16xi32>
    %broadcast_in_dim3A_2066 = arith.constant 1 : i32
    %broadcast_in_dim3A_2067 = vector.broadcast %broadcast_in_dim3A_2066 : i32 to vector<16xi32>
    %broadcast_in_dim3A_2068 = arith.constant 2 : i32
    %broadcast_in_dim3A_2069 = vector.broadcast %broadcast_in_dim3A_2068 : i32 to vector<16xi32>
    %broadcast_in_dim3A_2070 = arith.constant 3 : i32
    %broadcast_in_dim3A_2071 = vector.broadcast %broadcast_in_dim3A_2070 : i32 to vector<16xi32>
    %broadcast_in_dim3A_2072 = arith.constant 4 : i32
    %broadcast_in_dim3A_2073 = vector.broadcast %broadcast_in_dim3A_2072 : i32 to vector<16xi32>
    %broadcast_in_dim3A_2074 = arith.constant 5 : i32
    %broadcast_in_dim3A_2075 = vector.broadcast %broadcast_in_dim3A_2074 : i32 to vector<16xi32>
    %broadcast_in_dim3A_2076 = arith.constant 6 : i32
    %broadcast_in_dim3A_2077 = vector.broadcast %broadcast_in_dim3A_2076 : i32 to vector<16xi32>
    %broadcast_in_dim3A_2078 = arith.constant 7 : i32
    %broadcast_in_dim3A_2079 = vector.broadcast %broadcast_in_dim3A_2078 : i32 to vector<16xi32>
    %eq3A_2080 = arith.cmpi eq, %select_n3A_1986, %broadcast_in_dim3A_2065 : vector<16xi32>
    %eq3A_2081 = arith.cmpi eq, %select_n3A_2061, %broadcast_in_dim3A_2065 : vector<16xi32>
    %or3A_2082 = arith.ori %eq3A_2080, %eq3A_2081 : vector<16xi1>
    %select_n3A_2083 = arith.select %or3A_2082, %div3A_1938, %broadcast_in_dim3A_2063 : vector<16xi1>, vector<16xf32>
    %eq3A_2084 = arith.cmpi eq, %select_n3A_1986, %broadcast_in_dim3A_2067 : vector<16xi32>
    %eq3A_2085 = arith.cmpi eq, %select_n3A_2061, %broadcast_in_dim3A_2067 : vector<16xi32>
    %or3A_2086 = arith.ori %eq3A_2084, %eq3A_2085 : vector<16xi1>
    %select_n3A_2087 = arith.select %or3A_2086, %div3A_1939, %broadcast_in_dim3A_2063 : vector<16xi1>, vector<16xf32>
    %eq3A_2088 = arith.cmpi eq, %select_n3A_1986, %broadcast_in_dim3A_2069 : vector<16xi32>
    %eq3A_2089 = arith.cmpi eq, %select_n3A_2061, %broadcast_in_dim3A_2069 : vector<16xi32>
    %or3A_2090 = arith.ori %eq3A_2088, %eq3A_2089 : vector<16xi1>
    %select_n3A_2091 = arith.select %or3A_2090, %div3A_1940, %broadcast_in_dim3A_2063 : vector<16xi1>, vector<16xf32>
    %eq3A_2092 = arith.cmpi eq, %select_n3A_1986, %broadcast_in_dim3A_2071 : vector<16xi32>
    %eq3A_2093 = arith.cmpi eq, %select_n3A_2061, %broadcast_in_dim3A_2071 : vector<16xi32>
    %or3A_2094 = arith.ori %eq3A_2092, %eq3A_2093 : vector<16xi1>
    %select_n3A_2095 = arith.select %or3A_2094, %div3A_1941, %broadcast_in_dim3A_2063 : vector<16xi1>, vector<16xf32>
    %eq3A_2096 = arith.cmpi eq, %select_n3A_1986, %broadcast_in_dim3A_2073 : vector<16xi32>
    %eq3A_2097 = arith.cmpi eq, %select_n3A_2061, %broadcast_in_dim3A_2073 : vector<16xi32>
    %or3A_2098 = arith.ori %eq3A_2096, %eq3A_2097 : vector<16xi1>
    %select_n3A_2099 = arith.select %or3A_2098, %div3A_1942, %broadcast_in_dim3A_2063 : vector<16xi1>, vector<16xf32>
    %eq3A_2100 = arith.cmpi eq, %select_n3A_1986, %broadcast_in_dim3A_2075 : vector<16xi32>
    %eq3A_2101 = arith.cmpi eq, %select_n3A_2061, %broadcast_in_dim3A_2075 : vector<16xi32>
    %or3A_2102 = arith.ori %eq3A_2100, %eq3A_2101 : vector<16xi1>
    %select_n3A_2103 = arith.select %or3A_2102, %div3A_1943, %broadcast_in_dim3A_2063 : vector<16xi1>, vector<16xf32>
    %eq3A_2104 = arith.cmpi eq, %select_n3A_1986, %broadcast_in_dim3A_2077 : vector<16xi32>
    %eq3A_2105 = arith.cmpi eq, %select_n3A_2061, %broadcast_in_dim3A_2077 : vector<16xi32>
    %or3A_2106 = arith.ori %eq3A_2104, %eq3A_2105 : vector<16xi1>
    %select_n3A_2107 = arith.select %or3A_2106, %div3A_1944, %broadcast_in_dim3A_2063 : vector<16xi1>, vector<16xf32>
    %eq3A_2108 = arith.cmpi eq, %select_n3A_1986, %broadcast_in_dim3A_2079 : vector<16xi32>
    %eq3A_2109 = arith.cmpi eq, %select_n3A_2061, %broadcast_in_dim3A_2079 : vector<16xi32>
    %or3A_2110 = arith.ori %eq3A_2108, %eq3A_2109 : vector<16xi1>
    %select_n3A_2111 = arith.select %or3A_2110, %div3A_1945, %broadcast_in_dim3A_2063 : vector<16xi1>, vector<16xf32>
    %add3A_2112 = arith.addf %select_n3A_2083, %select_n3A_2087 : vector<16xf32>
    %add3A_2113 = arith.addf %add3A_2112, %select_n3A_2091 : vector<16xf32>
    %add3A_2114 = arith.addf %add3A_2113, %select_n3A_2095 : vector<16xf32>
    %add3A_2115 = arith.addf %add3A_2114, %select_n3A_2099 : vector<16xf32>
    %add3A_2116 = arith.addf %add3A_2115, %select_n3A_2103 : vector<16xf32>
    %add3A_2117 = arith.addf %add3A_2116, %select_n3A_2107 : vector<16xf32>
    %add3A_2118 = arith.addf %add3A_2117, %select_n3A_2111 : vector<16xf32>
    %broadcast_in_dim3A_2119 = arith.constant 9.99999971E-10 : f32
    %broadcast_in_dim3A_2120 = vector.broadcast %broadcast_in_dim3A_2119 : f32 to vector<16xf32>
    %add3A_2121 = arith.addf %add3A_2118, %broadcast_in_dim3A_2120 : vector<16xf32>
    %div3A_2122 = arith.divf %select_n3A_2083, %add3A_2121 : vector<16xf32>
    %swap3A_2123 = arith.constant 0 : i32
    %swap3A_2124 = arith.index_cast %swap3A_2123 : i32 to index
    %swap3A_2125 = arith.constant 96 : index
    %swap3A_2126 = tpu.vector_load %arg5[%swap3A_2124, %swap3A_2125] {strides = array<i32>} : memref<8x128xf32, #tpu.memory_space<vmem>>, vector<1x16xf32>,
    %swap3A_2127 = vector.shape_cast %swap3A_2126 : vector<1x16xf32> to vector<16xf32>
    %swap3A_2128 = vector.shape_cast %div3A_2122 : vector<16xf32> to vector<1x16xf32>
    tpu.vector_store %arg5[%swap3A_2124, %swap3A_2125], %swap3A_2128 {strides = array<i32>} : memref<8x128xf32, #tpu.memory_space<vmem>>, vector<1x16xf32>,
    %div3A_2129 = arith.divf %select_n3A_2087, %add3A_2121 : vector<16xf32>
    %swap3A_2130 = arith.constant 1 : i32
    %swap3A_2131 = arith.index_cast %swap3A_2130 : i32 to index
    %swap3A_2132 = arith.constant 96 : index
    %swap3A_2133 = tpu.vector_load %arg5[%swap3A_2131, %swap3A_2132] {strides = array<i32>} : memref<8x128xf32, #tpu.memory_space<vmem>>, vector<1x16xf32>,
    %swap3A_2134 = vector.shape_cast %swap3A_2133 : vector<1x16xf32> to vector<16xf32>
    %swap3A_2135 = vector.shape_cast %div3A_2129 : vector<16xf32> to vector<1x16xf32>
    tpu.vector_store %arg5[%swap3A_2131, %swap3A_2132], %swap3A_2135 {strides = array<i32>} : memref<8x128xf32, #tpu.memory_space<vmem>>, vector<1x16xf32>,
    %div3A_2136 = arith.divf %select_n3A_2091, %add3A_2121 : vector<16xf32>
    %swap3A_2137 = arith.constant 2 : i32
    %swap3A_2138 = arith.index_cast %swap3A_2137 : i32 to index
    %swap3A_2139 = arith.constant 96 : index
    %swap3A_2140 = tpu.vector_load %arg5[%swap3A_2138, %swap3A_2139] {strides = array<i32>} : memref<8x128xf32, #tpu.memory_space<vmem>>, vector<1x16xf32>,
    %swap3A_2141 = vector.shape_cast %swap3A_2140 : vector<1x16xf32> to vector<16xf32>
    %swap3A_2142 = vector.shape_cast %div3A_2136 : vector<16xf32> to vector<1x16xf32>
    tpu.vector_store %arg5[%swap3A_2138, %swap3A_2139], %swap3A_2142 {strides = array<i32>} : memref<8x128xf32, #tpu.memory_space<vmem>>, vector<1x16xf32>,
    %div3A_2143 = arith.divf %select_n3A_2095, %add3A_2121 : vector<16xf32>
    %swap3A_2144 = arith.constant 3 : i32
    %swap3A_2145 = arith.index_cast %swap3A_2144 : i32 to index
    %swap3A_2146 = arith.constant 96 : index
    %swap3A_2147 = tpu.vector_load %arg5[%swap3A_2145, %swap3A_2146] {strides = array<i32>} : memref<8x128xf32, #tpu.memory_space<vmem>>, vector<1x16xf32>,
    %swap3A_2148 = vector.shape_cast %swap3A_2147 : vector<1x16xf32> to vector<16xf32>
    %swap3A_2149 = vector.shape_cast %div3A_2143 : vector<16xf32> to vector<1x16xf32>
    tpu.vector_store %arg5[%swap3A_2145, %swap3A_2146], %swap3A_2149 {strides = array<i32>} : memref<8x128xf32, #tpu.memory_space<vmem>>, vector<1x16xf32>,
    %div3A_2150 = arith.divf %select_n3A_2099, %add3A_2121 : vector<16xf32>
    %swap3A_2151 = arith.constant 4 : i32
    %swap3A_2152 = arith.index_cast %swap3A_2151 : i32 to index
    %swap3A_2153 = arith.constant 96 : index
    %swap3A_2154 = tpu.vector_load %arg5[%swap3A_2152, %swap3A_2153] {strides = array<i32>} : memref<8x128xf32, #tpu.memory_space<vmem>>, vector<1x16xf32>,
    %swap3A_2155 = vector.shape_cast %swap3A_2154 : vector<1x16xf32> to vector<16xf32>
    %swap3A_2156 = vector.shape_cast %div3A_2150 : vector<16xf32> to vector<1x16xf32>
    tpu.vector_store %arg5[%swap3A_2152, %swap3A_2153], %swap3A_2156 {strides = array<i32>} : memref<8x128xf32, #tpu.memory_space<vmem>>, vector<1x16xf32>,
    %div3A_2157 = arith.divf %select_n3A_2103, %add3A_2121 : vector<16xf32>
    %swap3A_2158 = arith.constant 5 : i32
    %swap3A_2159 = arith.index_cast %swap3A_2158 : i32 to index
    %swap3A_2160 = arith.constant 96 : index
    %swap3A_2161 = tpu.vector_load %arg5[%swap3A_2159, %swap3A_2160] {strides = array<i32>} : memref<8x128xf32, #tpu.memory_space<vmem>>, vector<1x16xf32>,
    %swap3A_2162 = vector.shape_cast %swap3A_2161 : vector<1x16xf32> to vector<16xf32>
    %swap3A_2163 = vector.shape_cast %div3A_2157 : vector<16xf32> to vector<1x16xf32>
    tpu.vector_store %arg5[%swap3A_2159, %swap3A_2160], %swap3A_2163 {strides = array<i32>} : memref<8x128xf32, #tpu.memory_space<vmem>>, vector<1x16xf32>,
    %div3A_2164 = arith.divf %select_n3A_2107, %add3A_2121 : vector<16xf32>
    %swap3A_2165 = arith.constant 6 : i32
    %swap3A_2166 = arith.index_cast %swap3A_2165 : i32 to index
    %swap3A_2167 = arith.constant 96 : index
    %swap3A_2168 = tpu.vector_load %arg5[%swap3A_2166, %swap3A_2167] {strides = array<i32>} : memref<8x128xf32, #tpu.memory_space<vmem>>, vector<1x16xf32>,
    %swap3A_2169 = vector.shape_cast %swap3A_2168 : vector<1x16xf32> to vector<16xf32>
    %swap3A_2170 = vector.shape_cast %div3A_2164 : vector<16xf32> to vector<1x16xf32>
    tpu.vector_store %arg5[%swap3A_2166, %swap3A_2167], %swap3A_2170 {strides = array<i32>} : memref<8x128xf32, #tpu.memory_space<vmem>>, vector<1x16xf32>,
    %div3A_2171 = arith.divf %select_n3A_2111, %add3A_2121 : vector<16xf32>
    %swap3A_2172 = arith.constant 7 : i32
    %swap3A_2173 = arith.index_cast %swap3A_2172 : i32 to index
    %swap3A_2174 = arith.constant 96 : index
    %swap3A_2175 = tpu.vector_load %arg5[%swap3A_2173, %swap3A_2174] {strides = array<i32>} : memref<8x128xf32, #tpu.memory_space<vmem>>, vector<1x16xf32>,
    %swap3A_2176 = vector.shape_cast %swap3A_2175 : vector<1x16xf32> to vector<16xf32>
    %swap3A_2177 = vector.shape_cast %div3A_2171 : vector<16xf32> to vector<1x16xf32>
    tpu.vector_store %arg5[%swap3A_2173, %swap3A_2174], %swap3A_2177 {strides = array<i32>} : memref<8x128xf32, #tpu.memory_space<vmem>>, vector<1x16xf32>,
    %get3A_2178 = arith.constant 0 : i32
    %get3A_2179 = arith.index_cast %get3A_2178 : i32 to index
    %get3A_2180 = arith.constant 112 : index
    %get3A_2181 = tpu.vector_load %arg4[%get3A_2179, %get3A_2180] {strides = array<i32>} : memref<8x128xf32, #tpu.memory_space<vmem>>, vector<1x16xf32>,
    %get3A_2182 = vector.shape_cast %get3A_2181 : vector<1x16xf32> to vector<16xf32>
    %get3A_2183 = arith.constant 1 : i32
    %get3A_2184 = arith.index_cast %get3A_2183 : i32 to index
    %get3A_2185 = arith.constant 112 : index
    %get3A_2186 = tpu.vector_load %arg4[%get3A_2184, %get3A_2185] {strides = array<i32>} : memref<8x128xf32, #tpu.memory_space<vmem>>, vector<1x16xf32>,
    %get3A_2187 = vector.shape_cast %get3A_2186 : vector<1x16xf32> to vector<16xf32>
    %get3A_2188 = arith.constant 2 : i32
    %get3A_2189 = arith.index_cast %get3A_2188 : i32 to index
    %get3A_2190 = arith.constant 112 : index
    %get3A_2191 = tpu.vector_load %arg4[%get3A_2189, %get3A_2190] {strides = array<i32>} : memref<8x128xf32, #tpu.memory_space<vmem>>, vector<1x16xf32>,
    %get3A_2192 = vector.shape_cast %get3A_2191 : vector<1x16xf32> to vector<16xf32>
    %get3A_2193 = arith.constant 3 : i32
    %get3A_2194 = arith.index_cast %get3A_2193 : i32 to index
    %get3A_2195 = arith.constant 112 : index
    %get3A_2196 = tpu.vector_load %arg4[%get3A_2194, %get3A_2195] {strides = array<i32>} : memref<8x128xf32, #tpu.memory_space<vmem>>, vector<1x16xf32>,
    %get3A_2197 = vector.shape_cast %get3A_2196 : vector<1x16xf32> to vector<16xf32>
    %get3A_2198 = arith.constant 4 : i32
    %get3A_2199 = arith.index_cast %get3A_2198 : i32 to index
    %get3A_2200 = arith.constant 112 : index
    %get3A_2201 = tpu.vector_load %arg4[%get3A_2199, %get3A_2200] {strides = array<i32>} : memref<8x128xf32, #tpu.memory_space<vmem>>, vector<1x16xf32>,
    %get3A_2202 = vector.shape_cast %get3A_2201 : vector<1x16xf32> to vector<16xf32>
    %get3A_2203 = arith.constant 5 : i32
    %get3A_2204 = arith.index_cast %get3A_2203 : i32 to index
    %get3A_2205 = arith.constant 112 : index
    %get3A_2206 = tpu.vector_load %arg4[%get3A_2204, %get3A_2205] {strides = array<i32>} : memref<8x128xf32, #tpu.memory_space<vmem>>, vector<1x16xf32>,
    %get3A_2207 = vector.shape_cast %get3A_2206 : vector<1x16xf32> to vector<16xf32>
    %get3A_2208 = arith.constant 6 : i32
    %get3A_2209 = arith.index_cast %get3A_2208 : i32 to index
    %get3A_2210 = arith.constant 112 : index
    %get3A_2211 = tpu.vector_load %arg4[%get3A_2209, %get3A_2210] {strides = array<i32>} : memref<8x128xf32, #tpu.memory_space<vmem>>, vector<1x16xf32>,
    %get3A_2212 = vector.shape_cast %get3A_2211 : vector<1x16xf32> to vector<16xf32>
    %get3A_2213 = arith.constant 7 : i32
    %get3A_2214 = arith.index_cast %get3A_2213 : i32 to index
    %get3A_2215 = arith.constant 112 : index
    %get3A_2216 = tpu.vector_load %arg4[%get3A_2214, %get3A_2215] {strides = array<i32>} : memref<8x128xf32, #tpu.memory_space<vmem>>, vector<1x16xf32>,
    %get3A_2217 = vector.shape_cast %get3A_2216 : vector<1x16xf32> to vector<16xf32>
    %max3A_2218 = arith.maximumf %get3A_2182, %get3A_2187 : vector<16xf32>
    %max3A_2219 = arith.maximumf %max3A_2218, %get3A_2192 : vector<16xf32>
    %max3A_2220 = arith.maximumf %max3A_2219, %get3A_2197 : vector<16xf32>
    %max3A_2221 = arith.maximumf %max3A_2220, %get3A_2202 : vector<16xf32>
    %max3A_2222 = arith.maximumf %max3A_2221, %get3A_2207 : vector<16xf32>
    %max3A_2223 = arith.maximumf %max3A_2222, %get3A_2212 : vector<16xf32>
    %max3A_2224 = arith.maximumf %max3A_2223, %get3A_2217 : vector<16xf32>
    %sub3A_2225 = arith.subf %get3A_2182, %max3A_2224 : vector<16xf32>
    %exp3A_2226 = math.exp %sub3A_2225 : vector<16xf32>
    %sub3A_2227 = arith.subf %get3A_2187, %max3A_2224 : vector<16xf32>
    %exp3A_2228 = math.exp %sub3A_2227 : vector<16xf32>
    %sub3A_2229 = arith.subf %get3A_2192, %max3A_2224 : vector<16xf32>
    %exp3A_2230 = math.exp %sub3A_2229 : vector<16xf32>
    %sub3A_2231 = arith.subf %get3A_2197, %max3A_2224 : vector<16xf32>
    %exp3A_2232 = math.exp %sub3A_2231 : vector<16xf32>
    %sub3A_2233 = arith.subf %get3A_2202, %max3A_2224 : vector<16xf32>
    %exp3A_2234 = math.exp %sub3A_2233 : vector<16xf32>
    %sub3A_2235 = arith.subf %get3A_2207, %max3A_2224 : vector<16xf32>
    %exp3A_2236 = math.exp %sub3A_2235 : vector<16xf32>
    %sub3A_2237 = arith.subf %get3A_2212, %max3A_2224 : vector<16xf32>
    %exp3A_2238 = math.exp %sub3A_2237 : vector<16xf32>
    %sub3A_2239 = arith.subf %get3A_2217, %max3A_2224 : vector<16xf32>
    %exp3A_2240 = math.exp %sub3A_2239 : vector<16xf32>
    %add3A_2241 = arith.addf %exp3A_2226, %exp3A_2228 : vector<16xf32>
    %add3A_2242 = arith.addf %add3A_2241, %exp3A_2230 : vector<16xf32>
    %add3A_2243 = arith.addf %add3A_2242, %exp3A_2232 : vector<16xf32>
    %add3A_2244 = arith.addf %add3A_2243, %exp3A_2234 : vector<16xf32>
    %add3A_2245 = arith.addf %add3A_2244, %exp3A_2236 : vector<16xf32>
    %add3A_2246 = arith.addf %add3A_2245, %exp3A_2238 : vector<16xf32>
    %add3A_2247 = arith.addf %add3A_2246, %exp3A_2240 : vector<16xf32>
    %div3A_2248 = arith.divf %exp3A_2226, %add3A_2247 : vector<16xf32>
    %div3A_2249 = arith.divf %exp3A_2228, %add3A_2247 : vector<16xf32>
    %div3A_2250 = arith.divf %exp3A_2230, %add3A_2247 : vector<16xf32>
    %div3A_2251 = arith.divf %exp3A_2232, %add3A_2247 : vector<16xf32>
    %div3A_2252 = arith.divf %exp3A_2234, %add3A_2247 : vector<16xf32>
    %div3A_2253 = arith.divf %exp3A_2236, %add3A_2247 : vector<16xf32>
    %div3A_2254 = arith.divf %exp3A_2238, %add3A_2247 : vector<16xf32>
    %div3A_2255 = arith.divf %exp3A_2240, %add3A_2247 : vector<16xf32>
    %max3A_2256 = arith.maximumf %div3A_2248, %div3A_2249 : vector<16xf32>
    %max3A_2257 = arith.maximumf %max3A_2256, %div3A_2250 : vector<16xf32>
    %max3A_2258 = arith.maximumf %max3A_2257, %div3A_2251 : vector<16xf32>
    %max3A_2259 = arith.maximumf %max3A_2258, %div3A_2252 : vector<16xf32>
    %max3A_2260 = arith.maximumf %max3A_2259, %div3A_2253 : vector<16xf32>
    %max3A_2261 = arith.maximumf %max3A_2260, %div3A_2254 : vector<16xf32>
    %max3A_2262 = arith.maximumf %max3A_2261, %div3A_2255 : vector<16xf32>
    %broadcast_in_dim3A_2263 = arith.constant 8 : i32
    %broadcast_in_dim3A_2264 = vector.broadcast %broadcast_in_dim3A_2263 : i32 to vector<16xi32>
    %eq3A_2265 = arith.cmpf oeq, %div3A_2255, %max3A_2262 : vector<16xf32>
    %broadcast_in_dim3A_2266 = arith.constant 7 : i32
    %broadcast_in_dim3A_2267 = vector.broadcast %broadcast_in_dim3A_2266 : i32 to vector<16xi32>
    %select_n3A_2268 = arith.select %eq3A_2265, %broadcast_in_dim3A_2267, %broadcast_in_dim3A_2264 : vector<16xi1>, vector<16xi32>
    %eq3A_2269 = arith.cmpf oeq, %div3A_2254, %max3A_2262 : vector<16xf32>
    %broadcast_in_dim3A_2270 = arith.constant 6 : i32
    %broadcast_in_dim3A_2271 = vector.broadcast %broadcast_in_dim3A_2270 : i32 to vector<16xi32>
    %select_n3A_2272 = arith.select %eq3A_2269, %broadcast_in_dim3A_2271, %select_n3A_2268 : vector<16xi1>, vector<16xi32>
    %eq3A_2273 = arith.cmpf oeq, %div3A_2253, %max3A_2262 : vector<16xf32>
    %broadcast_in_dim3A_2274 = arith.constant 5 : i32
    %broadcast_in_dim3A_2275 = vector.broadcast %broadcast_in_dim3A_2274 : i32 to vector<16xi32>
    %select_n3A_2276 = arith.select %eq3A_2273, %broadcast_in_dim3A_2275, %select_n3A_2272 : vector<16xi1>, vector<16xi32>
    %eq3A_2277 = arith.cmpf oeq, %div3A_2252, %max3A_2262 : vector<16xf32>
    %broadcast_in_dim3A_2278 = arith.constant 4 : i32
    %broadcast_in_dim3A_2279 = vector.broadcast %broadcast_in_dim3A_2278 : i32 to vector<16xi32>
    %select_n3A_2280 = arith.select %eq3A_2277, %broadcast_in_dim3A_2279, %select_n3A_2276 : vector<16xi1>, vector<16xi32>
    %eq3A_2281 = arith.cmpf oeq, %div3A_2251, %max3A_2262 : vector<16xf32>
    %broadcast_in_dim3A_2282 = arith.constant 3 : i32
    %broadcast_in_dim3A_2283 = vector.broadcast %broadcast_in_dim3A_2282 : i32 to vector<16xi32>
    %select_n3A_2284 = arith.select %eq3A_2281, %broadcast_in_dim3A_2283, %select_n3A_2280 : vector<16xi1>, vector<16xi32>
    %eq3A_2285 = arith.cmpf oeq, %div3A_2250, %max3A_2262 : vector<16xf32>
    %broadcast_in_dim3A_2286 = arith.constant 2 : i32
    %broadcast_in_dim3A_2287 = vector.broadcast %broadcast_in_dim3A_2286 : i32 to vector<16xi32>
    %select_n3A_2288 = arith.select %eq3A_2285, %broadcast_in_dim3A_2287, %select_n3A_2284 : vector<16xi1>, vector<16xi32>
    %eq3A_2289 = arith.cmpf oeq, %div3A_2249, %max3A_2262 : vector<16xf32>
    %broadcast_in_dim3A_2290 = arith.constant 1 : i32
    %broadcast_in_dim3A_2291 = vector.broadcast %broadcast_in_dim3A_2290 : i32 to vector<16xi32>
    %select_n3A_2292 = arith.select %eq3A_2289, %broadcast_in_dim3A_2291, %select_n3A_2288 : vector<16xi1>, vector<16xi32>
    %eq3A_2293 = arith.cmpf oeq, %div3A_2248, %max3A_2262 : vector<16xf32>
    %broadcast_in_dim3A_2294 = arith.constant 0 : i32
    %broadcast_in_dim3A_2295 = vector.broadcast %broadcast_in_dim3A_2294 : i32 to vector<16xi32>
    %select_n3A_2296 = arith.select %eq3A_2293, %broadcast_in_dim3A_2295, %select_n3A_2292 : vector<16xi1>, vector<16xi32>
    %broadcast_in_dim3A_2297 = arith.constant -3.000000e+38 : f32
    %broadcast_in_dim3A_2298 = vector.broadcast %broadcast_in_dim3A_2297 : f32 to vector<16xf32>
    %broadcast_in_dim3A_2299 = arith.constant 0 : i32
    %broadcast_in_dim3A_2300 = vector.broadcast %broadcast_in_dim3A_2299 : i32 to vector<16xi32>
    %eq3A_2301 = arith.cmpi eq, %select_n3A_2296, %broadcast_in_dim3A_2300 : vector<16xi32>
    %select_n3A_2302 = arith.select %eq3A_2301, %broadcast_in_dim3A_2298, %div3A_2248 : vector<16xi1>, vector<16xf32>
    %broadcast_in_dim3A_2303 = arith.constant 1 : i32
    %broadcast_in_dim3A_2304 = vector.broadcast %broadcast_in_dim3A_2303 : i32 to vector<16xi32>
    %eq3A_2305 = arith.cmpi eq, %select_n3A_2296, %broadcast_in_dim3A_2304 : vector<16xi32>
    %select_n3A_2306 = arith.select %eq3A_2305, %broadcast_in_dim3A_2298, %div3A_2249 : vector<16xi1>, vector<16xf32>
    %broadcast_in_dim3A_2307 = arith.constant 2 : i32
    %broadcast_in_dim3A_2308 = vector.broadcast %broadcast_in_dim3A_2307 : i32 to vector<16xi32>
    %eq3A_2309 = arith.cmpi eq, %select_n3A_2296, %broadcast_in_dim3A_2308 : vector<16xi32>
    %select_n3A_2310 = arith.select %eq3A_2309, %broadcast_in_dim3A_2298, %div3A_2250 : vector<16xi1>, vector<16xf32>
    %broadcast_in_dim3A_2311 = arith.constant 3 : i32
    %broadcast_in_dim3A_2312 = vector.broadcast %broadcast_in_dim3A_2311 : i32 to vector<16xi32>
    %eq3A_2313 = arith.cmpi eq, %select_n3A_2296, %broadcast_in_dim3A_2312 : vector<16xi32>
    %select_n3A_2314 = arith.select %eq3A_2313, %broadcast_in_dim3A_2298, %div3A_2251 : vector<16xi1>, vector<16xf32>
    %broadcast_in_dim3A_2315 = arith.constant 4 : i32
    %broadcast_in_dim3A_2316 = vector.broadcast %broadcast_in_dim3A_2315 : i32 to vector<16xi32>
    %eq3A_2317 = arith.cmpi eq, %select_n3A_2296, %broadcast_in_dim3A_2316 : vector<16xi32>
    %select_n3A_2318 = arith.select %eq3A_2317, %broadcast_in_dim3A_2298, %div3A_2252 : vector<16xi1>, vector<16xf32>
    %broadcast_in_dim3A_2319 = arith.constant 5 : i32
    %broadcast_in_dim3A_2320 = vector.broadcast %broadcast_in_dim3A_2319 : i32 to vector<16xi32>
    %eq3A_2321 = arith.cmpi eq, %select_n3A_2296, %broadcast_in_dim3A_2320 : vector<16xi32>
    %select_n3A_2322 = arith.select %eq3A_2321, %broadcast_in_dim3A_2298, %div3A_2253 : vector<16xi1>, vector<16xf32>
    %broadcast_in_dim3A_2323 = arith.constant 6 : i32
    %broadcast_in_dim3A_2324 = vector.broadcast %broadcast_in_dim3A_2323 : i32 to vector<16xi32>
    %eq3A_2325 = arith.cmpi eq, %select_n3A_2296, %broadcast_in_dim3A_2324 : vector<16xi32>
    %select_n3A_2326 = arith.select %eq3A_2325, %broadcast_in_dim3A_2298, %div3A_2254 : vector<16xi1>, vector<16xf32>
    %broadcast_in_dim3A_2327 = arith.constant 7 : i32
    %broadcast_in_dim3A_2328 = vector.broadcast %broadcast_in_dim3A_2327 : i32 to vector<16xi32>
    %eq3A_2329 = arith.cmpi eq, %select_n3A_2296, %broadcast_in_dim3A_2328 : vector<16xi32>
    %select_n3A_2330 = arith.select %eq3A_2329, %broadcast_in_dim3A_2298, %div3A_2255 : vector<16xi1>, vector<16xf32>
    %max3A_2331 = arith.maximumf %select_n3A_2302, %select_n3A_2306 : vector<16xf32>
    %max3A_2332 = arith.maximumf %max3A_2331, %select_n3A_2310 : vector<16xf32>
    %max3A_2333 = arith.maximumf %max3A_2332, %select_n3A_2314 : vector<16xf32>
    %max3A_2334 = arith.maximumf %max3A_2333, %select_n3A_2318 : vector<16xf32>
    %max3A_2335 = arith.maximumf %max3A_2334, %select_n3A_2322 : vector<16xf32>
    %max3A_2336 = arith.maximumf %max3A_2335, %select_n3A_2326 : vector<16xf32>
    %max3A_2337 = arith.maximumf %max3A_2336, %select_n3A_2330 : vector<16xf32>
    %broadcast_in_dim3A_2338 = arith.constant 8 : i32
    %broadcast_in_dim3A_2339 = vector.broadcast %broadcast_in_dim3A_2338 : i32 to vector<16xi32>
    %eq3A_2340 = arith.cmpf oeq, %select_n3A_2330, %max3A_2337 : vector<16xf32>
    %broadcast_in_dim3A_2341 = arith.constant 7 : i32
    %broadcast_in_dim3A_2342 = vector.broadcast %broadcast_in_dim3A_2341 : i32 to vector<16xi32>
    %select_n3A_2343 = arith.select %eq3A_2340, %broadcast_in_dim3A_2342, %broadcast_in_dim3A_2339 : vector<16xi1>, vector<16xi32>
    %eq3A_2344 = arith.cmpf oeq, %select_n3A_2326, %max3A_2337 : vector<16xf32>
    %broadcast_in_dim3A_2345 = arith.constant 6 : i32
    %broadcast_in_dim3A_2346 = vector.broadcast %broadcast_in_dim3A_2345 : i32 to vector<16xi32>
    %select_n3A_2347 = arith.select %eq3A_2344, %broadcast_in_dim3A_2346, %select_n3A_2343 : vector<16xi1>, vector<16xi32>
    %eq3A_2348 = arith.cmpf oeq, %select_n3A_2322, %max3A_2337 : vector<16xf32>
    %broadcast_in_dim3A_2349 = arith.constant 5 : i32
    %broadcast_in_dim3A_2350 = vector.broadcast %broadcast_in_dim3A_2349 : i32 to vector<16xi32>
    %select_n3A_2351 = arith.select %eq3A_2348, %broadcast_in_dim3A_2350, %select_n3A_2347 : vector<16xi1>, vector<16xi32>
    %eq3A_2352 = arith.cmpf oeq, %select_n3A_2318, %max3A_2337 : vector<16xf32>
    %broadcast_in_dim3A_2353 = arith.constant 4 : i32
    %broadcast_in_dim3A_2354 = vector.broadcast %broadcast_in_dim3A_2353 : i32 to vector<16xi32>
    %select_n3A_2355 = arith.select %eq3A_2352, %broadcast_in_dim3A_2354, %select_n3A_2351 : vector<16xi1>, vector<16xi32>
    %eq3A_2356 = arith.cmpf oeq, %select_n3A_2314, %max3A_2337 : vector<16xf32>
    %broadcast_in_dim3A_2357 = arith.constant 3 : i32
    %broadcast_in_dim3A_2358 = vector.broadcast %broadcast_in_dim3A_2357 : i32 to vector<16xi32>
    %select_n3A_2359 = arith.select %eq3A_2356, %broadcast_in_dim3A_2358, %select_n3A_2355 : vector<16xi1>, vector<16xi32>
    %eq3A_2360 = arith.cmpf oeq, %select_n3A_2310, %max3A_2337 : vector<16xf32>
    %broadcast_in_dim3A_2361 = arith.constant 2 : i32
    %broadcast_in_dim3A_2362 = vector.broadcast %broadcast_in_dim3A_2361 : i32 to vector<16xi32>
    %select_n3A_2363 = arith.select %eq3A_2360, %broadcast_in_dim3A_2362, %select_n3A_2359 : vector<16xi1>, vector<16xi32>
    %eq3A_2364 = arith.cmpf oeq, %select_n3A_2306, %max3A_2337 : vector<16xf32>
    %broadcast_in_dim3A_2365 = arith.constant 1 : i32
    %broadcast_in_dim3A_2366 = vector.broadcast %broadcast_in_dim3A_2365 : i32 to vector<16xi32>
    %select_n3A_2367 = arith.select %eq3A_2364, %broadcast_in_dim3A_2366, %select_n3A_2363 : vector<16xi1>, vector<16xi32>
    %eq3A_2368 = arith.cmpf oeq, %select_n3A_2302, %max3A_2337 : vector<16xf32>
    %broadcast_in_dim3A_2369 = arith.constant 0 : i32
    %broadcast_in_dim3A_2370 = vector.broadcast %broadcast_in_dim3A_2369 : i32 to vector<16xi32>
    %select_n3A_2371 = arith.select %eq3A_2368, %broadcast_in_dim3A_2370, %select_n3A_2367 : vector<16xi1>, vector<16xi32>
    %broadcast_in_dim3A_2372 = arith.constant 0.000000e+00 : f32
    %broadcast_in_dim3A_2373 = vector.broadcast %broadcast_in_dim3A_2372 : f32 to vector<16xf32>
    %broadcast_in_dim3A_2374 = arith.constant 0 : i32
    %broadcast_in_dim3A_2375 = vector.broadcast %broadcast_in_dim3A_2374 : i32 to vector<16xi32>
    %broadcast_in_dim3A_2376 = arith.constant 1 : i32
    %broadcast_in_dim3A_2377 = vector.broadcast %broadcast_in_dim3A_2376 : i32 to vector<16xi32>
    %broadcast_in_dim3A_2378 = arith.constant 2 : i32
    %broadcast_in_dim3A_2379 = vector.broadcast %broadcast_in_dim3A_2378 : i32 to vector<16xi32>
    %broadcast_in_dim3A_2380 = arith.constant 3 : i32
    %broadcast_in_dim3A_2381 = vector.broadcast %broadcast_in_dim3A_2380 : i32 to vector<16xi32>
    %broadcast_in_dim3A_2382 = arith.constant 4 : i32
    %broadcast_in_dim3A_2383 = vector.broadcast %broadcast_in_dim3A_2382 : i32 to vector<16xi32>
    %broadcast_in_dim3A_2384 = arith.constant 5 : i32
    %broadcast_in_dim3A_2385 = vector.broadcast %broadcast_in_dim3A_2384 : i32 to vector<16xi32>
    %broadcast_in_dim3A_2386 = arith.constant 6 : i32
    %broadcast_in_dim3A_2387 = vector.broadcast %broadcast_in_dim3A_2386 : i32 to vector<16xi32>
    %broadcast_in_dim3A_2388 = arith.constant 7 : i32
    %broadcast_in_dim3A_2389 = vector.broadcast %broadcast_in_dim3A_2388 : i32 to vector<16xi32>
    %eq3A_2390 = arith.cmpi eq, %select_n3A_2296, %broadcast_in_dim3A_2375 : vector<16xi32>
    %eq3A_2391 = arith.cmpi eq, %select_n3A_2371, %broadcast_in_dim3A_2375 : vector<16xi32>
    %or3A_2392 = arith.ori %eq3A_2390, %eq3A_2391 : vector<16xi1>
    %select_n3A_2393 = arith.select %or3A_2392, %div3A_2248, %broadcast_in_dim3A_2373 : vector<16xi1>, vector<16xf32>
    %eq3A_2394 = arith.cmpi eq, %select_n3A_2296, %broadcast_in_dim3A_2377 : vector<16xi32>
    %eq3A_2395 = arith.cmpi eq, %select_n3A_2371, %broadcast_in_dim3A_2377 : vector<16xi32>
    %or3A_2396 = arith.ori %eq3A_2394, %eq3A_2395 : vector<16xi1>
    %select_n3A_2397 = arith.select %or3A_2396, %div3A_2249, %broadcast_in_dim3A_2373 : vector<16xi1>, vector<16xf32>
    %eq3A_2398 = arith.cmpi eq, %select_n3A_2296, %broadcast_in_dim3A_2379 : vector<16xi32>
    %eq3A_2399 = arith.cmpi eq, %select_n3A_2371, %broadcast_in_dim3A_2379 : vector<16xi32>
    %or3A_2400 = arith.ori %eq3A_2398, %eq3A_2399 : vector<16xi1>
    %select_n3A_2401 = arith.select %or3A_2400, %div3A_2250, %broadcast_in_dim3A_2373 : vector<16xi1>, vector<16xf32>
    %eq3A_2402 = arith.cmpi eq, %select_n3A_2296, %broadcast_in_dim3A_2381 : vector<16xi32>
    %eq3A_2403 = arith.cmpi eq, %select_n3A_2371, %broadcast_in_dim3A_2381 : vector<16xi32>
    %or3A_2404 = arith.ori %eq3A_2402, %eq3A_2403 : vector<16xi1>
    %select_n3A_2405 = arith.select %or3A_2404, %div3A_2251, %broadcast_in_dim3A_2373 : vector<16xi1>, vector<16xf32>
    %eq3A_2406 = arith.cmpi eq, %select_n3A_2296, %broadcast_in_dim3A_2383 : vector<16xi32>
    %eq3A_2407 = arith.cmpi eq, %select_n3A_2371, %broadcast_in_dim3A_2383 : vector<16xi32>
    %or3A_2408 = arith.ori %eq3A_2406, %eq3A_2407 : vector<16xi1>
    %select_n3A_2409 = arith.select %or3A_2408, %div3A_2252, %broadcast_in_dim3A_2373 : vector<16xi1>, vector<16xf32>
    %eq3A_2410 = arith.cmpi eq, %select_n3A_2296, %broadcast_in_dim3A_2385 : vector<16xi32>
    %eq3A_2411 = arith.cmpi eq, %select_n3A_2371, %broadcast_in_dim3A_2385 : vector<16xi32>
    %or3A_2412 = arith.ori %eq3A_2410, %eq3A_2411 : vector<16xi1>
    %select_n3A_2413 = arith.select %or3A_2412, %div3A_2253, %broadcast_in_dim3A_2373 : vector<16xi1>, vector<16xf32>
    %eq3A_2414 = arith.cmpi eq, %select_n3A_2296, %broadcast_in_dim3A_2387 : vector<16xi32>
    %eq3A_2415 = arith.cmpi eq, %select_n3A_2371, %broadcast_in_dim3A_2387 : vector<16xi32>
    %or3A_2416 = arith.ori %eq3A_2414, %eq3A_2415 : vector<16xi1>
    %select_n3A_2417 = arith.select %or3A_2416, %div3A_2254, %broadcast_in_dim3A_2373 : vector<16xi1>, vector<16xf32>
    %eq3A_2418 = arith.cmpi eq, %select_n3A_2296, %broadcast_in_dim3A_2389 : vector<16xi32>
    %eq3A_2419 = arith.cmpi eq, %select_n3A_2371, %broadcast_in_dim3A_2389 : vector<16xi32>
    %or3A_2420 = arith.ori %eq3A_2418, %eq3A_2419 : vector<16xi1>
    %select_n3A_2421 = arith.select %or3A_2420, %div3A_2255, %broadcast_in_dim3A_2373 : vector<16xi1>, vector<16xf32>
    %add3A_2422 = arith.addf %select_n3A_2393, %select_n3A_2397 : vector<16xf32>
    %add3A_2423 = arith.addf %add3A_2422, %select_n3A_2401 : vector<16xf32>
    %add3A_2424 = arith.addf %add3A_2423, %select_n3A_2405 : vector<16xf32>
    %add3A_2425 = arith.addf %add3A_2424, %select_n3A_2409 : vector<16xf32>
    %add3A_2426 = arith.addf %add3A_2425, %select_n3A_2413 : vector<16xf32>
    %add3A_2427 = arith.addf %add3A_2426, %select_n3A_2417 : vector<16xf32>
    %add3A_2428 = arith.addf %add3A_2427, %select_n3A_2421 : vector<16xf32>
    %broadcast_in_dim3A_2429 = arith.constant 9.99999971E-10 : f32
    %broadcast_in_dim3A_2430 = vector.broadcast %broadcast_in_dim3A_2429 : f32 to vector<16xf32>
    %add3A_2431 = arith.addf %add3A_2428, %broadcast_in_dim3A_2430 : vector<16xf32>
    %div3A_2432 = arith.divf %select_n3A_2393, %add3A_2431 : vector<16xf32>
    %swap3A_2433 = arith.constant 0 : i32
    %swap3A_2434 = arith.index_cast %swap3A_2433 : i32 to index
    %swap3A_2435 = arith.constant 112 : index
    %swap3A_2436 = tpu.vector_load %arg5[%swap3A_2434, %swap3A_2435] {strides = array<i32>} : memref<8x128xf32, #tpu.memory_space<vmem>>, vector<1x16xf32>,
    %swap3A_2437 = vector.shape_cast %swap3A_2436 : vector<1x16xf32> to vector<16xf32>
    %swap3A_2438 = vector.shape_cast %div3A_2432 : vector<16xf32> to vector<1x16xf32>
    tpu.vector_store %arg5[%swap3A_2434, %swap3A_2435], %swap3A_2438 {strides = array<i32>} : memref<8x128xf32, #tpu.memory_space<vmem>>, vector<1x16xf32>,
    %div3A_2439 = arith.divf %select_n3A_2397, %add3A_2431 : vector<16xf32>
    %swap3A_2440 = arith.constant 1 : i32
    %swap3A_2441 = arith.index_cast %swap3A_2440 : i32 to index
    %swap3A_2442 = arith.constant 112 : index
    %swap3A_2443 = tpu.vector_load %arg5[%swap3A_2441, %swap3A_2442] {strides = array<i32>} : memref<8x128xf32, #tpu.memory_space<vmem>>, vector<1x16xf32>,
    %swap3A_2444 = vector.shape_cast %swap3A_2443 : vector<1x16xf32> to vector<16xf32>
    %swap3A_2445 = vector.shape_cast %div3A_2439 : vector<16xf32> to vector<1x16xf32>
    tpu.vector_store %arg5[%swap3A_2441, %swap3A_2442], %swap3A_2445 {strides = array<i32>} : memref<8x128xf32, #tpu.memory_space<vmem>>, vector<1x16xf32>,
    %div3A_2446 = arith.divf %select_n3A_2401, %add3A_2431 : vector<16xf32>
    %swap3A_2447 = arith.constant 2 : i32
    %swap3A_2448 = arith.index_cast %swap3A_2447 : i32 to index
    %swap3A_2449 = arith.constant 112 : index
    %swap3A_2450 = tpu.vector_load %arg5[%swap3A_2448, %swap3A_2449] {strides = array<i32>} : memref<8x128xf32, #tpu.memory_space<vmem>>, vector<1x16xf32>,
    %swap3A_2451 = vector.shape_cast %swap3A_2450 : vector<1x16xf32> to vector<16xf32>
    %swap3A_2452 = vector.shape_cast %div3A_2446 : vector<16xf32> to vector<1x16xf32>
    tpu.vector_store %arg5[%swap3A_2448, %swap3A_2449], %swap3A_2452 {strides = array<i32>} : memref<8x128xf32, #tpu.memory_space<vmem>>, vector<1x16xf32>,
    %div3A_2453 = arith.divf %select_n3A_2405, %add3A_2431 : vector<16xf32>
    %swap3A_2454 = arith.constant 3 : i32
    %swap3A_2455 = arith.index_cast %swap3A_2454 : i32 to index
    %swap3A_2456 = arith.constant 112 : index
    %swap3A_2457 = tpu.vector_load %arg5[%swap3A_2455, %swap3A_2456] {strides = array<i32>} : memref<8x128xf32, #tpu.memory_space<vmem>>, vector<1x16xf32>,
    %swap3A_2458 = vector.shape_cast %swap3A_2457 : vector<1x16xf32> to vector<16xf32>
    %swap3A_2459 = vector.shape_cast %div3A_2453 : vector<16xf32> to vector<1x16xf32>
    tpu.vector_store %arg5[%swap3A_2455, %swap3A_2456], %swap3A_2459 {strides = array<i32>} : memref<8x128xf32, #tpu.memory_space<vmem>>, vector<1x16xf32>,
    %div3A_2460 = arith.divf %select_n3A_2409, %add3A_2431 : vector<16xf32>
    %swap3A_2461 = arith.constant 4 : i32
    %swap3A_2462 = arith.index_cast %swap3A_2461 : i32 to index
    %swap3A_2463 = arith.constant 112 : index
    %swap3A_2464 = tpu.vector_load %arg5[%swap3A_2462, %swap3A_2463] {strides = array<i32>} : memref<8x128xf32, #tpu.memory_space<vmem>>, vector<1x16xf32>,
    %swap3A_2465 = vector.shape_cast %swap3A_2464 : vector<1x16xf32> to vector<16xf32>
    %swap3A_2466 = vector.shape_cast %div3A_2460 : vector<16xf32> to vector<1x16xf32>
    tpu.vector_store %arg5[%swap3A_2462, %swap3A_2463], %swap3A_2466 {strides = array<i32>} : memref<8x128xf32, #tpu.memory_space<vmem>>, vector<1x16xf32>,
    %div3A_2467 = arith.divf %select_n3A_2413, %add3A_2431 : vector<16xf32>
    %swap3A_2468 = arith.constant 5 : i32
    %swap3A_2469 = arith.index_cast %swap3A_2468 : i32 to index
    %swap3A_2470 = arith.constant 112 : index
    %swap3A_2471 = tpu.vector_load %arg5[%swap3A_2469, %swap3A_2470] {strides = array<i32>} : memref<8x128xf32, #tpu.memory_space<vmem>>, vector<1x16xf32>,
    %swap3A_2472 = vector.shape_cast %swap3A_2471 : vector<1x16xf32> to vector<16xf32>
    %swap3A_2473 = vector.shape_cast %div3A_2467 : vector<16xf32> to vector<1x16xf32>
    tpu.vector_store %arg5[%swap3A_2469, %swap3A_2470], %swap3A_2473 {strides = array<i32>} : memref<8x128xf32, #tpu.memory_space<vmem>>, vector<1x16xf32>,
    %div3A_2474 = arith.divf %select_n3A_2417, %add3A_2431 : vector<16xf32>
    %swap3A_2475 = arith.constant 6 : i32
    %swap3A_2476 = arith.index_cast %swap3A_2475 : i32 to index
    %swap3A_2477 = arith.constant 112 : index
    %swap3A_2478 = tpu.vector_load %arg5[%swap3A_2476, %swap3A_2477] {strides = array<i32>} : memref<8x128xf32, #tpu.memory_space<vmem>>, vector<1x16xf32>,
    %swap3A_2479 = vector.shape_cast %swap3A_2478 : vector<1x16xf32> to vector<16xf32>
    %swap3A_2480 = vector.shape_cast %div3A_2474 : vector<16xf32> to vector<1x16xf32>
    tpu.vector_store %arg5[%swap3A_2476, %swap3A_2477], %swap3A_2480 {strides = array<i32>} : memref<8x128xf32, #tpu.memory_space<vmem>>, vector<1x16xf32>,
    %div3A_2481 = arith.divf %select_n3A_2421, %add3A_2431 : vector<16xf32>
    %swap3A_2482 = arith.constant 7 : i32
    %swap3A_2483 = arith.index_cast %swap3A_2482 : i32 to index
    %swap3A_2484 = arith.constant 112 : index
    %swap3A_2485 = tpu.vector_load %arg5[%swap3A_2483, %swap3A_2484] {strides = array<i32>} : memref<8x128xf32, #tpu.memory_space<vmem>>, vector<1x16xf32>,
    %swap3A_2486 = vector.shape_cast %swap3A_2485 : vector<1x16xf32> to vector<16xf32>
    %swap3A_2487 = vector.shape_cast %div3A_2481 : vector<16xf32> to vector<1x16xf32>
    tpu.vector_store %arg5[%swap3A_2483, %swap3A_2484], %swap3A_2487 {strides = array<i32>} : memref<8x128xf32, #tpu.memory_space<vmem>>, vector<1x16xf32>,
    %run_scoped3A_2488 = arith.constant 0 : i32
    %run_scoped3A_2489 = arith.constant 0 : i32
    "tpu.region"() ({
      %run_scoped3A_2504 = tpu.sem_alloc : memref<!tpu.dma_semaphore, #tpu.memory_space<semaphore_mem>>
      %dma_start3A = arith.constant 0 : i32
      %dma_start3A_2505 = tpu.memref_slice %arg5[%run_scoped3A_2488, %dma_start3A] : memref<8x128xf32, #tpu.memory_space<vmem>> -> memref<1x128xf32, #tpu.memory_space<vmem>>
      %dma_start3A_2506 = tpu.memref_squeeze %dma_start3A_2505 : memref<1x128xf32, #tpu.memory_space<vmem>> -> memref<128xf32, #tpu.memory_space<vmem>>
      %dma_start3A_2507 = tpu.memref_slice %arg3[%run_scoped3A_2489, %mul3A_2] : memref<8x4096xf32, #tpu.memory_space<hbm>> -> memref<1x128xf32, #tpu.memory_space<hbm>>
      %dma_start3A_2508 = tpu.memref_squeeze %dma_start3A_2507 : memref<1x128xf32, #tpu.memory_space<hbm>> -> memref<128xf32, #tpu.memory_space<hbm>>
      %dma_start3A_2509 = tpu.memref_slice %arg3[%run_scoped3A_2489, %mul3A_2] : memref<8x4096xf32, #tpu.memory_space<hbm>> -> memref<1x128xf32, #tpu.memory_space<hbm>>
      %dma_start3A_2510 = tpu.memref_squeeze %dma_start3A_2509 : memref<1x128xf32, #tpu.memory_space<hbm>> -> memref<128xf32, #tpu.memory_space<hbm>>
      %dma_start3A_2511 = arith.constant 0 : i32
      %dma_start3A_2512 = tpu.memref_slice %arg5[%run_scoped3A_2488, %dma_start3A_2511] : memref<8x128xf32, #tpu.memory_space<vmem>> -> memref<1x128xf32, #tpu.memory_space<vmem>>
      %dma_start3A_2513 = tpu.memref_squeeze %dma_start3A_2512 : memref<1x128xf32, #tpu.memory_space<vmem>> -> memref<128xf32, #tpu.memory_space<vmem>>
      tpu.enqueue_dma source(%dma_start3A_2513 : memref<128xf32, #tpu.memory_space<vmem>>) target(%dma_start3A_2510 : memref<128xf32, #tpu.memory_space<hbm>>) target_semaphore(%run_scoped3A_2504 : memref<!tpu.dma_semaphore, #tpu.memory_space<semaphore_mem>>)
      %dma_wait3A = arith.constant 0 : i32
      %dma_wait3A_2514 = tpu.memref_slice %arg5[%run_scoped3A_2488, %dma_wait3A] : memref<8x128xf32, #tpu.memory_space<vmem>> -> memref<1x128xf32, #tpu.memory_space<vmem>>
      %dma_wait3A_2515 = tpu.memref_squeeze %dma_wait3A_2514 : memref<1x128xf32, #tpu.memory_space<vmem>> -> memref<128xf32, #tpu.memory_space<vmem>>
      %dma_wait3A_2516 = tpu.memref_slice %arg3[%run_scoped3A_2489, %mul3A_2] : memref<8x4096xf32, #tpu.memory_space<hbm>> -> memref<1x128xf32, #tpu.memory_space<hbm>>
      %dma_wait3A_2517 = tpu.memref_squeeze %dma_wait3A_2516 : memref<1x128xf32, #tpu.memory_space<hbm>> -> memref<128xf32, #tpu.memory_space<hbm>>
      %dma_wait3A_2518 = tpu.memref_slice %arg3[%run_scoped3A_2489, %mul3A_2] : memref<8x4096xf32, #tpu.memory_space<hbm>> -> memref<1x128xf32, #tpu.memory_space<hbm>>
      %dma_wait3A_2519 = tpu.memref_squeeze %dma_wait3A_2518 : memref<1x128xf32, #tpu.memory_space<hbm>> -> memref<128xf32, #tpu.memory_space<hbm>>
      %dma_wait3A_2520 = arith.constant 0 : i32
      %dma_wait3A_2521 = tpu.memref_slice %arg5[%run_scoped3A_2488, %dma_wait3A_2520] : memref<8x128xf32, #tpu.memory_space<vmem>> -> memref<1x128xf32, #tpu.memory_space<vmem>>
      %dma_wait3A_2522 = tpu.memref_squeeze %dma_wait3A_2521 : memref<1x128xf32, #tpu.memory_space<vmem>> -> memref<128xf32, #tpu.memory_space<vmem>>
      tpu.wait_dma2 semaphore(%run_scoped3A_2504 : memref<!tpu.dma_semaphore, #tpu.memory_space<semaphore_mem>>) src(%dma_wait3A_2522 : memref<128xf32, #tpu.memory_space<vmem>>) dst(%dma_wait3A_2519 : memref<128xf32, #tpu.memory_space<hbm>>)
      tpu.yield
    }) : () -> ()
    %run_scoped3A_2490 = arith.constant 1 : i32
    %run_scoped3A_2491 = arith.constant 1 : i32
    "tpu.region"() ({
      %run_scoped3A_2504 = tpu.sem_alloc : memref<!tpu.dma_semaphore, #tpu.memory_space<semaphore_mem>>
      %dma_start3A = arith.constant 0 : i32
      %dma_start3A_2505 = tpu.memref_slice %arg5[%run_scoped3A_2490, %dma_start3A] : memref<8x128xf32, #tpu.memory_space<vmem>> -> memref<1x128xf32, #tpu.memory_space<vmem>>
      %dma_start3A_2506 = tpu.memref_squeeze %dma_start3A_2505 : memref<1x128xf32, #tpu.memory_space<vmem>> -> memref<128xf32, #tpu.memory_space<vmem>>
      %dma_start3A_2507 = tpu.memref_slice %arg3[%run_scoped3A_2491, %mul3A_2] : memref<8x4096xf32, #tpu.memory_space<hbm>> -> memref<1x128xf32, #tpu.memory_space<hbm>>
      %dma_start3A_2508 = tpu.memref_squeeze %dma_start3A_2507 : memref<1x128xf32, #tpu.memory_space<hbm>> -> memref<128xf32, #tpu.memory_space<hbm>>
      %dma_start3A_2509 = tpu.memref_slice %arg3[%run_scoped3A_2491, %mul3A_2] : memref<8x4096xf32, #tpu.memory_space<hbm>> -> memref<1x128xf32, #tpu.memory_space<hbm>>
      %dma_start3A_2510 = tpu.memref_squeeze %dma_start3A_2509 : memref<1x128xf32, #tpu.memory_space<hbm>> -> memref<128xf32, #tpu.memory_space<hbm>>
      %dma_start3A_2511 = arith.constant 0 : i32
      %dma_start3A_2512 = tpu.memref_slice %arg5[%run_scoped3A_2490, %dma_start3A_2511] : memref<8x128xf32, #tpu.memory_space<vmem>> -> memref<1x128xf32, #tpu.memory_space<vmem>>
      %dma_start3A_2513 = tpu.memref_squeeze %dma_start3A_2512 : memref<1x128xf32, #tpu.memory_space<vmem>> -> memref<128xf32, #tpu.memory_space<vmem>>
      tpu.enqueue_dma source(%dma_start3A_2513 : memref<128xf32, #tpu.memory_space<vmem>>) target(%dma_start3A_2510 : memref<128xf32, #tpu.memory_space<hbm>>) target_semaphore(%run_scoped3A_2504 : memref<!tpu.dma_semaphore, #tpu.memory_space<semaphore_mem>>)
      %dma_wait3A = arith.constant 0 : i32
      %dma_wait3A_2514 = tpu.memref_slice %arg5[%run_scoped3A_2490, %dma_wait3A] : memref<8x128xf32, #tpu.memory_space<vmem>> -> memref<1x128xf32, #tpu.memory_space<vmem>>
      %dma_wait3A_2515 = tpu.memref_squeeze %dma_wait3A_2514 : memref<1x128xf32, #tpu.memory_space<vmem>> -> memref<128xf32, #tpu.memory_space<vmem>>
      %dma_wait3A_2516 = tpu.memref_slice %arg3[%run_scoped3A_2491, %mul3A_2] : memref<8x4096xf32, #tpu.memory_space<hbm>> -> memref<1x128xf32, #tpu.memory_space<hbm>>
      %dma_wait3A_2517 = tpu.memref_squeeze %dma_wait3A_2516 : memref<1x128xf32, #tpu.memory_space<hbm>> -> memref<128xf32, #tpu.memory_space<hbm>>
      %dma_wait3A_2518 = tpu.memref_slice %arg3[%run_scoped3A_2491, %mul3A_2] : memref<8x4096xf32, #tpu.memory_space<hbm>> -> memref<1x128xf32, #tpu.memory_space<hbm>>
      %dma_wait3A_2519 = tpu.memref_squeeze %dma_wait3A_2518 : memref<1x128xf32, #tpu.memory_space<hbm>> -> memref<128xf32, #tpu.memory_space<hbm>>
      %dma_wait3A_2520 = arith.constant 0 : i32
      %dma_wait3A_2521 = tpu.memref_slice %arg5[%run_scoped3A_2490, %dma_wait3A_2520] : memref<8x128xf32, #tpu.memory_space<vmem>> -> memref<1x128xf32, #tpu.memory_space<vmem>>
      %dma_wait3A_2522 = tpu.memref_squeeze %dma_wait3A_2521 : memref<1x128xf32, #tpu.memory_space<vmem>> -> memref<128xf32, #tpu.memory_space<vmem>>
      tpu.wait_dma2 semaphore(%run_scoped3A_2504 : memref<!tpu.dma_semaphore, #tpu.memory_space<semaphore_mem>>) src(%dma_wait3A_2522 : memref<128xf32, #tpu.memory_space<vmem>>) dst(%dma_wait3A_2519 : memref<128xf32, #tpu.memory_space<hbm>>)
      tpu.yield
    }) : () -> ()
    %run_scoped3A_2492 = arith.constant 2 : i32
    %run_scoped3A_2493 = arith.constant 2 : i32
    "tpu.region"() ({
      %run_scoped3A_2504 = tpu.sem_alloc : memref<!tpu.dma_semaphore, #tpu.memory_space<semaphore_mem>>
      %dma_start3A = arith.constant 0 : i32
      %dma_start3A_2505 = tpu.memref_slice %arg5[%run_scoped3A_2492, %dma_start3A] : memref<8x128xf32, #tpu.memory_space<vmem>> -> memref<1x128xf32, #tpu.memory_space<vmem>>
      %dma_start3A_2506 = tpu.memref_squeeze %dma_start3A_2505 : memref<1x128xf32, #tpu.memory_space<vmem>> -> memref<128xf32, #tpu.memory_space<vmem>>
      %dma_start3A_2507 = tpu.memref_slice %arg3[%run_scoped3A_2493, %mul3A_2] : memref<8x4096xf32, #tpu.memory_space<hbm>> -> memref<1x128xf32, #tpu.memory_space<hbm>>
      %dma_start3A_2508 = tpu.memref_squeeze %dma_start3A_2507 : memref<1x128xf32, #tpu.memory_space<hbm>> -> memref<128xf32, #tpu.memory_space<hbm>>
      %dma_start3A_2509 = tpu.memref_slice %arg3[%run_scoped3A_2493, %mul3A_2] : memref<8x4096xf32, #tpu.memory_space<hbm>> -> memref<1x128xf32, #tpu.memory_space<hbm>>
      %dma_start3A_2510 = tpu.memref_squeeze %dma_start3A_2509 : memref<1x128xf32, #tpu.memory_space<hbm>> -> memref<128xf32, #tpu.memory_space<hbm>>
      %dma_start3A_2511 = arith.constant 0 : i32
      %dma_start3A_2512 = tpu.memref_slice %arg5[%run_scoped3A_2492, %dma_start3A_2511] : memref<8x128xf32, #tpu.memory_space<vmem>> -> memref<1x128xf32, #tpu.memory_space<vmem>>
      %dma_start3A_2513 = tpu.memref_squeeze %dma_start3A_2512 : memref<1x128xf32, #tpu.memory_space<vmem>> -> memref<128xf32, #tpu.memory_space<vmem>>
      tpu.enqueue_dma source(%dma_start3A_2513 : memref<128xf32, #tpu.memory_space<vmem>>) target(%dma_start3A_2510 : memref<128xf32, #tpu.memory_space<hbm>>) target_semaphore(%run_scoped3A_2504 : memref<!tpu.dma_semaphore, #tpu.memory_space<semaphore_mem>>)
      %dma_wait3A = arith.constant 0 : i32
      %dma_wait3A_2514 = tpu.memref_slice %arg5[%run_scoped3A_2492, %dma_wait3A] : memref<8x128xf32, #tpu.memory_space<vmem>> -> memref<1x128xf32, #tpu.memory_space<vmem>>
      %dma_wait3A_2515 = tpu.memref_squeeze %dma_wait3A_2514 : memref<1x128xf32, #tpu.memory_space<vmem>> -> memref<128xf32, #tpu.memory_space<vmem>>
      %dma_wait3A_2516 = tpu.memref_slice %arg3[%run_scoped3A_2493, %mul3A_2] : memref<8x4096xf32, #tpu.memory_space<hbm>> -> memref<1x128xf32, #tpu.memory_space<hbm>>
      %dma_wait3A_2517 = tpu.memref_squeeze %dma_wait3A_2516 : memref<1x128xf32, #tpu.memory_space<hbm>> -> memref<128xf32, #tpu.memory_space<hbm>>
      %dma_wait3A_2518 = tpu.memref_slice %arg3[%run_scoped3A_2493, %mul3A_2] : memref<8x4096xf32, #tpu.memory_space<hbm>> -> memref<1x128xf32, #tpu.memory_space<hbm>>
      %dma_wait3A_2519 = tpu.memref_squeeze %dma_wait3A_2518 : memref<1x128xf32, #tpu.memory_space<hbm>> -> memref<128xf32, #tpu.memory_space<hbm>>
      %dma_wait3A_2520 = arith.constant 0 : i32
      %dma_wait3A_2521 = tpu.memref_slice %arg5[%run_scoped3A_2492, %dma_wait3A_2520] : memref<8x128xf32, #tpu.memory_space<vmem>> -> memref<1x128xf32, #tpu.memory_space<vmem>>
      %dma_wait3A_2522 = tpu.memref_squeeze %dma_wait3A_2521 : memref<1x128xf32, #tpu.memory_space<vmem>> -> memref<128xf32, #tpu.memory_space<vmem>>
      tpu.wait_dma2 semaphore(%run_scoped3A_2504 : memref<!tpu.dma_semaphore, #tpu.memory_space<semaphore_mem>>) src(%dma_wait3A_2522 : memref<128xf32, #tpu.memory_space<vmem>>) dst(%dma_wait3A_2519 : memref<128xf32, #tpu.memory_space<hbm>>)
      tpu.yield
    }) : () -> ()
    %run_scoped3A_2494 = arith.constant 3 : i32
    %run_scoped3A_2495 = arith.constant 3 : i32
    "tpu.region"() ({
      %run_scoped3A_2504 = tpu.sem_alloc : memref<!tpu.dma_semaphore, #tpu.memory_space<semaphore_mem>>
      %dma_start3A = arith.constant 0 : i32
      %dma_start3A_2505 = tpu.memref_slice %arg5[%run_scoped3A_2494, %dma_start3A] : memref<8x128xf32, #tpu.memory_space<vmem>> -> memref<1x128xf32, #tpu.memory_space<vmem>>
      %dma_start3A_2506 = tpu.memref_squeeze %dma_start3A_2505 : memref<1x128xf32, #tpu.memory_space<vmem>> -> memref<128xf32, #tpu.memory_space<vmem>>
      %dma_start3A_2507 = tpu.memref_slice %arg3[%run_scoped3A_2495, %mul3A_2] : memref<8x4096xf32, #tpu.memory_space<hbm>> -> memref<1x128xf32, #tpu.memory_space<hbm>>
      %dma_start3A_2508 = tpu.memref_squeeze %dma_start3A_2507 : memref<1x128xf32, #tpu.memory_space<hbm>> -> memref<128xf32, #tpu.memory_space<hbm>>
      %dma_start3A_2509 = tpu.memref_slice %arg3[%run_scoped3A_2495, %mul3A_2] : memref<8x4096xf32, #tpu.memory_space<hbm>> -> memref<1x128xf32, #tpu.memory_space<hbm>>
      %dma_start3A_2510 = tpu.memref_squeeze %dma_start3A_2509 : memref<1x128xf32, #tpu.memory_space<hbm>> -> memref<128xf32, #tpu.memory_space<hbm>>
      %dma_start3A_2511 = arith.constant 0 : i32
      %dma_start3A_2512 = tpu.memref_slice %arg5[%run_scoped3A_2494, %dma_start3A_2511] : memref<8x128xf32, #tpu.memory_space<vmem>> -> memref<1x128xf32, #tpu.memory_space<vmem>>
      %dma_start3A_2513 = tpu.memref_squeeze %dma_start3A_2512 : memref<1x128xf32, #tpu.memory_space<vmem>> -> memref<128xf32, #tpu.memory_space<vmem>>
      tpu.enqueue_dma source(%dma_start3A_2513 : memref<128xf32, #tpu.memory_space<vmem>>) target(%dma_start3A_2510 : memref<128xf32, #tpu.memory_space<hbm>>) target_semaphore(%run_scoped3A_2504 : memref<!tpu.dma_semaphore, #tpu.memory_space<semaphore_mem>>)
      %dma_wait3A = arith.constant 0 : i32
      %dma_wait3A_2514 = tpu.memref_slice %arg5[%run_scoped3A_2494, %dma_wait3A] : memref<8x128xf32, #tpu.memory_space<vmem>> -> memref<1x128xf32, #tpu.memory_space<vmem>>
      %dma_wait3A_2515 = tpu.memref_squeeze %dma_wait3A_2514 : memref<1x128xf32, #tpu.memory_space<vmem>> -> memref<128xf32, #tpu.memory_space<vmem>>
      %dma_wait3A_2516 = tpu.memref_slice %arg3[%run_scoped3A_2495, %mul3A_2] : memref<8x4096xf32, #tpu.memory_space<hbm>> -> memref<1x128xf32, #tpu.memory_space<hbm>>
      %dma_wait3A_2517 = tpu.memref_squeeze %dma_wait3A_2516 : memref<1x128xf32, #tpu.memory_space<hbm>> -> memref<128xf32, #tpu.memory_space<hbm>>
      %dma_wait3A_2518 = tpu.memref_slice %arg3[%run_scoped3A_2495, %mul3A_2] : memref<8x4096xf32, #tpu.memory_space<hbm>> -> memref<1x128xf32, #tpu.memory_space<hbm>>
      %dma_wait3A_2519 = tpu.memref_squeeze %dma_wait3A_2518 : memref<1x128xf32, #tpu.memory_space<hbm>> -> memref<128xf32, #tpu.memory_space<hbm>>
      %dma_wait3A_2520 = arith.constant 0 : i32
      %dma_wait3A_2521 = tpu.memref_slice %arg5[%run_scoped3A_2494, %dma_wait3A_2520] : memref<8x128xf32, #tpu.memory_space<vmem>> -> memref<1x128xf32, #tpu.memory_space<vmem>>
      %dma_wait3A_2522 = tpu.memref_squeeze %dma_wait3A_2521 : memref<1x128xf32, #tpu.memory_space<vmem>> -> memref<128xf32, #tpu.memory_space<vmem>>
      tpu.wait_dma2 semaphore(%run_scoped3A_2504 : memref<!tpu.dma_semaphore, #tpu.memory_space<semaphore_mem>>) src(%dma_wait3A_2522 : memref<128xf32, #tpu.memory_space<vmem>>) dst(%dma_wait3A_2519 : memref<128xf32, #tpu.memory_space<hbm>>)
      tpu.yield
    }) : () -> ()
    %run_scoped3A_2496 = arith.constant 4 : i32
    %run_scoped3A_2497 = arith.constant 4 : i32
    "tpu.region"() ({
      %run_scoped3A_2504 = tpu.sem_alloc : memref<!tpu.dma_semaphore, #tpu.memory_space<semaphore_mem>>
      %dma_start3A = arith.constant 0 : i32
      %dma_start3A_2505 = tpu.memref_slice %arg5[%run_scoped3A_2496, %dma_start3A] : memref<8x128xf32, #tpu.memory_space<vmem>> -> memref<1x128xf32, #tpu.memory_space<vmem>>
      %dma_start3A_2506 = tpu.memref_squeeze %dma_start3A_2505 : memref<1x128xf32, #tpu.memory_space<vmem>> -> memref<128xf32, #tpu.memory_space<vmem>>
      %dma_start3A_2507 = tpu.memref_slice %arg3[%run_scoped3A_2497, %mul3A_2] : memref<8x4096xf32, #tpu.memory_space<hbm>> -> memref<1x128xf32, #tpu.memory_space<hbm>>
      %dma_start3A_2508 = tpu.memref_squeeze %dma_start3A_2507 : memref<1x128xf32, #tpu.memory_space<hbm>> -> memref<128xf32, #tpu.memory_space<hbm>>
      %dma_start3A_2509 = tpu.memref_slice %arg3[%run_scoped3A_2497, %mul3A_2] : memref<8x4096xf32, #tpu.memory_space<hbm>> -> memref<1x128xf32, #tpu.memory_space<hbm>>
      %dma_start3A_2510 = tpu.memref_squeeze %dma_start3A_2509 : memref<1x128xf32, #tpu.memory_space<hbm>> -> memref<128xf32, #tpu.memory_space<hbm>>
      %dma_start3A_2511 = arith.constant 0 : i32
      %dma_start3A_2512 = tpu.memref_slice %arg5[%run_scoped3A_2496, %dma_start3A_2511] : memref<8x128xf32, #tpu.memory_space<vmem>> -> memref<1x128xf32, #tpu.memory_space<vmem>>
      %dma_start3A_2513 = tpu.memref_squeeze %dma_start3A_2512 : memref<1x128xf32, #tpu.memory_space<vmem>> -> memref<128xf32, #tpu.memory_space<vmem>>
      tpu.enqueue_dma source(%dma_start3A_2513 : memref<128xf32, #tpu.memory_space<vmem>>) target(%dma_start3A_2510 : memref<128xf32, #tpu.memory_space<hbm>>) target_semaphore(%run_scoped3A_2504 : memref<!tpu.dma_semaphore, #tpu.memory_space<semaphore_mem>>)
      %dma_wait3A = arith.constant 0 : i32
      %dma_wait3A_2514 = tpu.memref_slice %arg5[%run_scoped3A_2496, %dma_wait3A] : memref<8x128xf32, #tpu.memory_space<vmem>> -> memref<1x128xf32, #tpu.memory_space<vmem>>
      %dma_wait3A_2515 = tpu.memref_squeeze %dma_wait3A_2514 : memref<1x128xf32, #tpu.memory_space<vmem>> -> memref<128xf32, #tpu.memory_space<vmem>>
      %dma_wait3A_2516 = tpu.memref_slice %arg3[%run_scoped3A_2497, %mul3A_2] : memref<8x4096xf32, #tpu.memory_space<hbm>> -> memref<1x128xf32, #tpu.memory_space<hbm>>
      %dma_wait3A_2517 = tpu.memref_squeeze %dma_wait3A_2516 : memref<1x128xf32, #tpu.memory_space<hbm>> -> memref<128xf32, #tpu.memory_space<hbm>>
      %dma_wait3A_2518 = tpu.memref_slice %arg3[%run_scoped3A_2497, %mul3A_2] : memref<8x4096xf32, #tpu.memory_space<hbm>> -> memref<1x128xf32, #tpu.memory_space<hbm>>
      %dma_wait3A_2519 = tpu.memref_squeeze %dma_wait3A_2518 : memref<1x128xf32, #tpu.memory_space<hbm>> -> memref<128xf32, #tpu.memory_space<hbm>>
      %dma_wait3A_2520 = arith.constant 0 : i32
      %dma_wait3A_2521 = tpu.memref_slice %arg5[%run_scoped3A_2496, %dma_wait3A_2520] : memref<8x128xf32, #tpu.memory_space<vmem>> -> memref<1x128xf32, #tpu.memory_space<vmem>>
      %dma_wait3A_2522 = tpu.memref_squeeze %dma_wait3A_2521 : memref<1x128xf32, #tpu.memory_space<vmem>> -> memref<128xf32, #tpu.memory_space<vmem>>
      tpu.wait_dma2 semaphore(%run_scoped3A_2504 : memref<!tpu.dma_semaphore, #tpu.memory_space<semaphore_mem>>) src(%dma_wait3A_2522 : memref<128xf32, #tpu.memory_space<vmem>>) dst(%dma_wait3A_2519 : memref<128xf32, #tpu.memory_space<hbm>>)
      tpu.yield
    }) : () -> ()
    %run_scoped3A_2498 = arith.constant 5 : i32
    %run_scoped3A_2499 = arith.constant 5 : i32
    "tpu.region"() ({
      %run_scoped3A_2504 = tpu.sem_alloc : memref<!tpu.dma_semaphore, #tpu.memory_space<semaphore_mem>>
      %dma_start3A = arith.constant 0 : i32
      %dma_start3A_2505 = tpu.memref_slice %arg5[%run_scoped3A_2498, %dma_start3A] : memref<8x128xf32, #tpu.memory_space<vmem>> -> memref<1x128xf32, #tpu.memory_space<vmem>>
      %dma_start3A_2506 = tpu.memref_squeeze %dma_start3A_2505 : memref<1x128xf32, #tpu.memory_space<vmem>> -> memref<128xf32, #tpu.memory_space<vmem>>
      %dma_start3A_2507 = tpu.memref_slice %arg3[%run_scoped3A_2499, %mul3A_2] : memref<8x4096xf32, #tpu.memory_space<hbm>> -> memref<1x128xf32, #tpu.memory_space<hbm>>
      %dma_start3A_2508 = tpu.memref_squeeze %dma_start3A_2507 : memref<1x128xf32, #tpu.memory_space<hbm>> -> memref<128xf32, #tpu.memory_space<hbm>>
      %dma_start3A_2509 = tpu.memref_slice %arg3[%run_scoped3A_2499, %mul3A_2] : memref<8x4096xf32, #tpu.memory_space<hbm>> -> memref<1x128xf32, #tpu.memory_space<hbm>>
      %dma_start3A_2510 = tpu.memref_squeeze %dma_start3A_2509 : memref<1x128xf32, #tpu.memory_space<hbm>> -> memref<128xf32, #tpu.memory_space<hbm>>
      %dma_start3A_2511 = arith.constant 0 : i32
      %dma_start3A_2512 = tpu.memref_slice %arg5[%run_scoped3A_2498, %dma_start3A_2511] : memref<8x128xf32, #tpu.memory_space<vmem>> -> memref<1x128xf32, #tpu.memory_space<vmem>>
      %dma_start3A_2513 = tpu.memref_squeeze %dma_start3A_2512 : memref<1x128xf32, #tpu.memory_space<vmem>> -> memref<128xf32, #tpu.memory_space<vmem>>
      tpu.enqueue_dma source(%dma_start3A_2513 : memref<128xf32, #tpu.memory_space<vmem>>) target(%dma_start3A_2510 : memref<128xf32, #tpu.memory_space<hbm>>) target_semaphore(%run_scoped3A_2504 : memref<!tpu.dma_semaphore, #tpu.memory_space<semaphore_mem>>)
      %dma_wait3A = arith.constant 0 : i32
      %dma_wait3A_2514 = tpu.memref_slice %arg5[%run_scoped3A_2498, %dma_wait3A] : memref<8x128xf32, #tpu.memory_space<vmem>> -> memref<1x128xf32, #tpu.memory_space<vmem>>
      %dma_wait3A_2515 = tpu.memref_squeeze %dma_wait3A_2514 : memref<1x128xf32, #tpu.memory_space<vmem>> -> memref<128xf32, #tpu.memory_space<vmem>>
      %dma_wait3A_2516 = tpu.memref_slice %arg3[%run_scoped3A_2499, %mul3A_2] : memref<8x4096xf32, #tpu.memory_space<hbm>> -> memref<1x128xf32, #tpu.memory_space<hbm>>
      %dma_wait3A_2517 = tpu.memref_squeeze %dma_wait3A_2516 : memref<1x128xf32, #tpu.memory_space<hbm>> -> memref<128xf32, #tpu.memory_space<hbm>>
      %dma_wait3A_2518 = tpu.memref_slice %arg3[%run_scoped3A_2499, %mul3A_2] : memref<8x4096xf32, #tpu.memory_space<hbm>> -> memref<1x128xf32, #tpu.memory_space<hbm>>
      %dma_wait3A_2519 = tpu.memref_squeeze %dma_wait3A_2518 : memref<1x128xf32, #tpu.memory_space<hbm>> -> memref<128xf32, #tpu.memory_space<hbm>>
      %dma_wait3A_2520 = arith.constant 0 : i32
      %dma_wait3A_2521 = tpu.memref_slice %arg5[%run_scoped3A_2498, %dma_wait3A_2520] : memref<8x128xf32, #tpu.memory_space<vmem>> -> memref<1x128xf32, #tpu.memory_space<vmem>>
      %dma_wait3A_2522 = tpu.memref_squeeze %dma_wait3A_2521 : memref<1x128xf32, #tpu.memory_space<vmem>> -> memref<128xf32, #tpu.memory_space<vmem>>
      tpu.wait_dma2 semaphore(%run_scoped3A_2504 : memref<!tpu.dma_semaphore, #tpu.memory_space<semaphore_mem>>) src(%dma_wait3A_2522 : memref<128xf32, #tpu.memory_space<vmem>>) dst(%dma_wait3A_2519 : memref<128xf32, #tpu.memory_space<hbm>>)
      tpu.yield
    }) : () -> ()
    %run_scoped3A_2500 = arith.constant 6 : i32
    %run_scoped3A_2501 = arith.constant 6 : i32
    "tpu.region"() ({
      %run_scoped3A_2504 = tpu.sem_alloc : memref<!tpu.dma_semaphore, #tpu.memory_space<semaphore_mem>>
      %dma_start3A = arith.constant 0 : i32
      %dma_start3A_2505 = tpu.memref_slice %arg5[%run_scoped3A_2500, %dma_start3A] : memref<8x128xf32, #tpu.memory_space<vmem>> -> memref<1x128xf32, #tpu.memory_space<vmem>>
      %dma_start3A_2506 = tpu.memref_squeeze %dma_start3A_2505 : memref<1x128xf32, #tpu.memory_space<vmem>> -> memref<128xf32, #tpu.memory_space<vmem>>
      %dma_start3A_2507 = tpu.memref_slice %arg3[%run_scoped3A_2501, %mul3A_2] : memref<8x4096xf32, #tpu.memory_space<hbm>> -> memref<1x128xf32, #tpu.memory_space<hbm>>
      %dma_start3A_2508 = tpu.memref_squeeze %dma_start3A_2507 : memref<1x128xf32, #tpu.memory_space<hbm>> -> memref<128xf32, #tpu.memory_space<hbm>>
      %dma_start3A_2509 = tpu.memref_slice %arg3[%run_scoped3A_2501, %mul3A_2] : memref<8x4096xf32, #tpu.memory_space<hbm>> -> memref<1x128xf32, #tpu.memory_space<hbm>>
      %dma_start3A_2510 = tpu.memref_squeeze %dma_start3A_2509 : memref<1x128xf32, #tpu.memory_space<hbm>> -> memref<128xf32, #tpu.memory_space<hbm>>
      %dma_start3A_2511 = arith.constant 0 : i32
      %dma_start3A_2512 = tpu.memref_slice %arg5[%run_scoped3A_2500, %dma_start3A_2511] : memref<8x128xf32, #tpu.memory_space<vmem>> -> memref<1x128xf32, #tpu.memory_space<vmem>>
      %dma_start3A_2513 = tpu.memref_squeeze %dma_start3A_2512 : memref<1x128xf32, #tpu.memory_space<vmem>> -> memref<128xf32, #tpu.memory_space<vmem>>
      tpu.enqueue_dma source(%dma_start3A_2513 : memref<128xf32, #tpu.memory_space<vmem>>) target(%dma_start3A_2510 : memref<128xf32, #tpu.memory_space<hbm>>) target_semaphore(%run_scoped3A_2504 : memref<!tpu.dma_semaphore, #tpu.memory_space<semaphore_mem>>)
      %dma_wait3A = arith.constant 0 : i32
      %dma_wait3A_2514 = tpu.memref_slice %arg5[%run_scoped3A_2500, %dma_wait3A] : memref<8x128xf32, #tpu.memory_space<vmem>> -> memref<1x128xf32, #tpu.memory_space<vmem>>
      %dma_wait3A_2515 = tpu.memref_squeeze %dma_wait3A_2514 : memref<1x128xf32, #tpu.memory_space<vmem>> -> memref<128xf32, #tpu.memory_space<vmem>>
      %dma_wait3A_2516 = tpu.memref_slice %arg3[%run_scoped3A_2501, %mul3A_2] : memref<8x4096xf32, #tpu.memory_space<hbm>> -> memref<1x128xf32, #tpu.memory_space<hbm>>
      %dma_wait3A_2517 = tpu.memref_squeeze %dma_wait3A_2516 : memref<1x128xf32, #tpu.memory_space<hbm>> -> memref<128xf32, #tpu.memory_space<hbm>>
      %dma_wait3A_2518 = tpu.memref_slice %arg3[%run_scoped3A_2501, %mul3A_2] : memref<8x4096xf32, #tpu.memory_space<hbm>> -> memref<1x128xf32, #tpu.memory_space<hbm>>
      %dma_wait3A_2519 = tpu.memref_squeeze %dma_wait3A_2518 : memref<1x128xf32, #tpu.memory_space<hbm>> -> memref<128xf32, #tpu.memory_space<hbm>>
      %dma_wait3A_2520 = arith.constant 0 : i32
      %dma_wait3A_2521 = tpu.memref_slice %arg5[%run_scoped3A_2500, %dma_wait3A_2520] : memref<8x128xf32, #tpu.memory_space<vmem>> -> memref<1x128xf32, #tpu.memory_space<vmem>>
      %dma_wait3A_2522 = tpu.memref_squeeze %dma_wait3A_2521 : memref<1x128xf32, #tpu.memory_space<vmem>> -> memref<128xf32, #tpu.memory_space<vmem>>
      tpu.wait_dma2 semaphore(%run_scoped3A_2504 : memref<!tpu.dma_semaphore, #tpu.memory_space<semaphore_mem>>) src(%dma_wait3A_2522 : memref<128xf32, #tpu.memory_space<vmem>>) dst(%dma_wait3A_2519 : memref<128xf32, #tpu.memory_space<hbm>>)
      tpu.yield
    }) : () -> ()
    %run_scoped3A_2502 = arith.constant 7 : i32
    %run_scoped3A_2503 = arith.constant 7 : i32
    "tpu.region"() ({
      %run_scoped3A_2504 = tpu.sem_alloc : memref<!tpu.dma_semaphore, #tpu.memory_space<semaphore_mem>>
      %dma_start3A = arith.constant 0 : i32
      %dma_start3A_2505 = tpu.memref_slice %arg5[%run_scoped3A_2502, %dma_start3A] : memref<8x128xf32, #tpu.memory_space<vmem>> -> memref<1x128xf32, #tpu.memory_space<vmem>>
      %dma_start3A_2506 = tpu.memref_squeeze %dma_start3A_2505 : memref<1x128xf32, #tpu.memory_space<vmem>> -> memref<128xf32, #tpu.memory_space<vmem>>
      %dma_start3A_2507 = tpu.memref_slice %arg3[%run_scoped3A_2503, %mul3A_2] : memref<8x4096xf32, #tpu.memory_space<hbm>> -> memref<1x128xf32, #tpu.memory_space<hbm>>
      %dma_start3A_2508 = tpu.memref_squeeze %dma_start3A_2507 : memref<1x128xf32, #tpu.memory_space<hbm>> -> memref<128xf32, #tpu.memory_space<hbm>>
      %dma_start3A_2509 = tpu.memref_slice %arg3[%run_scoped3A_2503, %mul3A_2] : memref<8x4096xf32, #tpu.memory_space<hbm>> -> memref<1x128xf32, #tpu.memory_space<hbm>>
      %dma_start3A_2510 = tpu.memref_squeeze %dma_start3A_2509 : memref<1x128xf32, #tpu.memory_space<hbm>> -> memref<128xf32, #tpu.memory_space<hbm>>
      %dma_start3A_2511 = arith.constant 0 : i32
      %dma_start3A_2512 = tpu.memref_slice %arg5[%run_scoped3A_2502, %dma_start3A_2511] : memref<8x128xf32, #tpu.memory_space<vmem>> -> memref<1x128xf32, #tpu.memory_space<vmem>>
      %dma_start3A_2513 = tpu.memref_squeeze %dma_start3A_2512 : memref<1x128xf32, #tpu.memory_space<vmem>> -> memref<128xf32, #tpu.memory_space<vmem>>
      tpu.enqueue_dma source(%dma_start3A_2513 : memref<128xf32, #tpu.memory_space<vmem>>) target(%dma_start3A_2510 : memref<128xf32, #tpu.memory_space<hbm>>) target_semaphore(%run_scoped3A_2504 : memref<!tpu.dma_semaphore, #tpu.memory_space<semaphore_mem>>)
      %dma_wait3A = arith.constant 0 : i32
      %dma_wait3A_2514 = tpu.memref_slice %arg5[%run_scoped3A_2502, %dma_wait3A] : memref<8x128xf32, #tpu.memory_space<vmem>> -> memref<1x128xf32, #tpu.memory_space<vmem>>
      %dma_wait3A_2515 = tpu.memref_squeeze %dma_wait3A_2514 : memref<1x128xf32, #tpu.memory_space<vmem>> -> memref<128xf32, #tpu.memory_space<vmem>>
      %dma_wait3A_2516 = tpu.memref_slice %arg3[%run_scoped3A_2503, %mul3A_2] : memref<8x4096xf32, #tpu.memory_space<hbm>> -> memref<1x128xf32, #tpu.memory_space<hbm>>
      %dma_wait3A_2517 = tpu.memref_squeeze %dma_wait3A_2516 : memref<1x128xf32, #tpu.memory_space<hbm>> -> memref<128xf32, #tpu.memory_space<hbm>>
      %dma_wait3A_2518 = tpu.memref_slice %arg3[%run_scoped3A_2503, %mul3A_2] : memref<8x4096xf32, #tpu.memory_space<hbm>> -> memref<1x128xf32, #tpu.memory_space<hbm>>
      %dma_wait3A_2519 = tpu.memref_squeeze %dma_wait3A_2518 : memref<1x128xf32, #tpu.memory_space<hbm>> -> memref<128xf32, #tpu.memory_space<hbm>>
      %dma_wait3A_2520 = arith.constant 0 : i32
      %dma_wait3A_2521 = tpu.memref_slice %arg5[%run_scoped3A_2502, %dma_wait3A_2520] : memref<8x128xf32, #tpu.memory_space<vmem>> -> memref<1x128xf32, #tpu.memory_space<vmem>>
      %dma_wait3A_2522 = tpu.memref_squeeze %dma_wait3A_2521 : memref<1x128xf32, #tpu.memory_space<vmem>> -> memref<128xf32, #tpu.memory_space<vmem>>
      tpu.wait_dma2 semaphore(%run_scoped3A_2504 : memref<!tpu.dma_semaphore, #tpu.memory_space<semaphore_mem>>) src(%dma_wait3A_2522 : memref<128xf32, #tpu.memory_space<vmem>>) dst(%dma_wait3A_2519 : memref<128xf32, #tpu.memory_space<hbm>>)
      tpu.yield
    }) : () -> ()
    return
  }
}

module attributes {stable_mosaic.version = 14 : i64} {
  func.func @_logits_body(%arg0: i32, %arg1: memref<1024x768xf32, #tpu.memory_space<vmem>>, %arg2: memref<768x8xf32, #tpu.memory_space<vmem>>, %arg3: memref<1x8xf32, #tpu.memory_space<vmem>>, %arg4: memref<8x1024xf32, #tpu.memory_space<vmem>>) attributes {dimension_semantics = [#tpu.dimension_semantics<arbitrary>], iteration_bounds = array<i64: 4>, scalar_prefetch = 0 : i64, scratch_operands = 0 : i64, tpu.core_type = #tpu.core_type<tc>, window_params = [{transform_indices = @transform_0, window_bounds = array<i64: 1024, 768>}, {pipeline_mode = #tpu.pipeline_mode<synchronous>, transform_indices = @transform_1, window_bounds = array<i64: 768, 8>}, {pipeline_mode = #tpu.pipeline_mode<synchronous>, transform_indices = @transform_2, window_bounds = array<i64: 1, 8>}, {transform_indices = @transform_3, window_bounds = array<i64: 8, 1024>}]} {
    %get3A = arith.constant 0 : index
    %get3A_0 = arith.constant 0 : index
    %get3A_1 = vector.load %arg1[%get3A, %get3A_0] : memref<1024x768xf32, #tpu.memory_space<vmem>>, vector<1024x768xf32>
    %get3A_2 = arith.constant 0 : index
    %get3A_3 = arith.constant 0 : index
    %get3A_4 = vector.load %arg2[%get3A_2, %get3A_3] : memref<768x8xf32, #tpu.memory_space<vmem>>, vector<768x8xf32>
    %dot_general3A = arith.constant dense<0.000000e+00> : vector<1024x8xf32>
    %dot_general3A_5 = tpu.matmul %get3A_1, %get3A_4, %dot_general3A {dimension_numbers = #tpu.dot_dimension_numbers<[1], [0], [0], [1], [0, 0, 1, 1], [], []>, transpose_lhs_hint = false} : vector<1024x768xf32>, vector<768x8xf32>, vector<1024x8xf32> -> vector<1024x8xf32>
    %get3A_6 = arith.constant 0 : index
    %get3A_7 = arith.constant 0 : index
    %get3A_8 = vector.load %arg3[%get3A_6, %get3A_7] : memref<1x8xf32, #tpu.memory_space<vmem>>, vector<1x8xf32>
    %add3A = vector.broadcast %get3A_8 : vector<1x8xf32> to vector<1024x8xf32>
    %add3A_9 = arith.addf %dot_general3A_5, %add3A : vector<1024x8xf32>
    %transpose3A = tpu.transpose %add3A_9, [1, 0] : vector<1024x8xf32> -> vector<8x1024xf32>
    %swap3A = arith.constant 0 : index
    %swap3A_10 = arith.constant 0 : index
    %swap3A_11 = vector.load %arg4[%swap3A, %swap3A_10] : memref<8x1024xf32, #tpu.memory_space<vmem>>, vector<8x1024xf32>
    tpu.vector_store %arg4[%swap3A, %swap3A_10], %transpose3A {strides = array<i32>} : memref<8x1024xf32, #tpu.memory_space<vmem>>, vector<8x1024xf32>,
    return
  }
  func.func @transform_0(%arg0: i32) -> (i32, i32) {
    %c0_i32 = arith.constant 0 : i32
    %c0_i32_0 = arith.constant 0 : i32
    return %arg0, %c0_i32 : i32, i32
  }
  func.func @transform_1(%arg0: i32) -> (i32, i32) {
    %c0_i32 = arith.constant 0 : i32
    %c0_i32_0 = arith.constant 0 : i32
    %c0_i32_1 = arith.constant 0 : i32
    return %c0_i32, %c0_i32_0 : i32, i32
  }
  func.func @transform_2(%arg0: i32) -> (i32, i32) {
    %c0_i32 = arith.constant 0 : i32
    %c0_i32_0 = arith.constant 0 : i32
    %c0_i32_1 = arith.constant 0 : i32
    return %c0_i32, %c0_i32_0 : i32, i32
  }
  func.func @transform_3(%arg0: i32) -> (i32, i32) {
    %c0_i32 = arith.constant 0 : i32
    %c0_i32_0 = arith.constant 0 : i32
    return %c0_i32, %arg0 : i32, i32
  }
}

module attributes {stable_mosaic.version = 14 : i64} {
  func.func @_main_body(%arg0: i32, %arg1: memref<1024x768xf32, #tpu.memory_space<vmem>>, %arg2: memref<8x1024xf32, #tpu.memory_space<vmem>>, %arg3: memref<8x768x256xf32, #tpu.memory_space<vmem>>, %arg4: memref<8x1x256xf32, #tpu.memory_space<vmem>>, %arg5: memref<8x256x768xf32, #tpu.memory_space<vmem>>, %arg6: memref<8x1x768xf32, #tpu.memory_space<vmem>>, %arg7: memref<768x1024xf32, #tpu.memory_space<vmem>>, %arg8: memref<1x1024xf32, #tpu.memory_space<vmem>>, %arg9: memref<1x1024xf32, #tpu.memory_space<vmem>>, %arg10: memref<1x1024xf32, #tpu.memory_space<vmem>>, %arg11: memref<1024x768xf32, #tpu.memory_space<vmem>>, %arg12: memref<1x768xf32, #tpu.memory_space<vmem>>, %arg13: memref<1024x768xf32, #tpu.memory_space<vmem>>) attributes {dimension_semantics = [#tpu.dimension_semantics<parallel>], iteration_bounds = array<i64: 4>, scalar_prefetch = 0 : i64, scratch_operands = 0 : i64, tpu.core_type = #tpu.core_type<tc>, window_params = [{transform_indices = @transform_0, window_bounds = array<i64: 1024, 768>}, {transform_indices = @transform_1, window_bounds = array<i64: 8, 1024>}, {pipeline_mode = #tpu.pipeline_mode<synchronous>, transform_indices = @transform_2, window_bounds = array<i64: 8, 768, 256>}, {pipeline_mode = #tpu.pipeline_mode<synchronous>, transform_indices = @transform_3, window_bounds = array<i64: 8, 1, 256>}, {pipeline_mode = #tpu.pipeline_mode<synchronous>, transform_indices = @transform_4, window_bounds = array<i64: 8, 256, 768>}, {pipeline_mode = #tpu.pipeline_mode<synchronous>, transform_indices = @transform_5, window_bounds = array<i64: 8, 1, 768>}, {pipeline_mode = #tpu.pipeline_mode<synchronous>, transform_indices = @transform_6, window_bounds = array<i64: 768, 1024>}, {pipeline_mode = #tpu.pipeline_mode<synchronous>, transform_indices = @transform_7, window_bounds = array<i64: 1, 1024>}, {pipeline_mode = #tpu.pipeline_mode<synchronous>, transform_indices = @transform_8, window_bounds = array<i64: 1, 1024>}, {pipeline_mode = #tpu.pipeline_mode<synchronous>, transform_indices = @transform_9, window_bounds = array<i64: 1, 1024>}, {pipeline_mode = #tpu.pipeline_mode<synchronous>, transform_indices = @transform_10, window_bounds = array<i64: 1024, 768>}, {pipeline_mode = #tpu.pipeline_mode<synchronous>, transform_indices = @transform_11, window_bounds = array<i64: 1, 768>}, {transform_indices = @transform_12, window_bounds = array<i64: 1024, 768>}]} {
    %get3A = arith.constant 0 : index
    %get3A_0 = arith.constant 0 : index
    %get3A_1 = vector.load %arg1[%get3A, %get3A_0] : memref<1024x768xf32, #tpu.memory_space<vmem>>, vector<1024x768xf32>
    %get3A_2 = arith.constant 0 : index
    %get3A_3 = arith.constant 0 : index
    %get3A_4 = vector.load %arg2[%get3A_2, %get3A_3] : memref<8x1024xf32, #tpu.memory_space<vmem>>, vector<8x1024xf32>
    %transpose3A = tpu.transpose %get3A_4, [1, 0] : vector<8x1024xf32> -> vector<1024x8xf32>
    %reduce_sum3A = arith.constant dense<0.000000e+00> : vector<1024xf32>
    %reduce_sum3A_5 = vector.multi_reduction <add>, %transpose3A, %reduce_sum3A [1] : vector<1024x8xf32> to vector<1024xf32>
    %broadcast_in_dim3A = vector.shape_cast %reduce_sum3A_5 : vector<1024xf32> to vector<1024x1xf32>
    %broadcast_in_dim3A_6 = arith.constant 0.000000e+00 : f32
    %broadcast_in_dim3A_7 = vector.broadcast %broadcast_in_dim3A_6 : f32 to vector<1024x768xf32>
    %get3A_8 = arith.constant 0 : index
    %get3A_9 = arith.constant 0 : index
    %get3A_10 = arith.constant 0 : index
    %get3A_11 = vector.load %arg3[%get3A_8, %get3A_9, %get3A_10] : memref<8x768x256xf32, #tpu.memory_space<vmem>>, vector<1x768x256xf32>
    %get3A_12 = vector.shape_cast %get3A_11 : vector<1x768x256xf32> to vector<768x256xf32>
    %dot_general3A = arith.constant dense<0.000000e+00> : vector<1024x256xf32>
    %dot_general3A_13 = tpu.matmul %get3A_1, %get3A_12, %dot_general3A {dimension_numbers = #tpu.dot_dimension_numbers<[1], [0], [0], [1], [0, 0, 1, 1], [], []>, transpose_lhs_hint = false} : vector<1024x768xf32>, vector<768x256xf32>, vector<1024x256xf32> -> vector<1024x256xf32>
    %get3A_14 = arith.constant 0 : index
    %get3A_15 = arith.constant 0 : index
    %get3A_16 = arith.constant 0 : index
    %get3A_17 = vector.load %arg4[%get3A_14, %get3A_15, %get3A_16] : memref<8x1x256xf32, #tpu.memory_space<vmem>>, vector<1x1x256xf32>
    %get3A_18 = vector.shape_cast %get3A_17 : vector<1x1x256xf32> to vector<1x256xf32>
    %add3A = vector.broadcast %get3A_18 : vector<1x256xf32> to vector<1024x256xf32>
    %add3A_19 = arith.addf %dot_general3A_13, %add3A : vector<1024x256xf32>
    %max3A = arith.constant 0.000000e+00 : f32
    %max3A_20 = vector.broadcast %max3A : f32 to vector<1024x256xf32>
    %max3A_21 = arith.maximumf %add3A_19, %max3A_20 : vector<1024x256xf32>
    %get3A_22 = arith.constant 0 : index
    %get3A_23 = arith.constant 0 : index
    %get3A_24 = arith.constant 0 : index
    %get3A_25 = vector.load %arg5[%get3A_22, %get3A_23, %get3A_24] : memref<8x256x768xf32, #tpu.memory_space<vmem>>, vector<1x256x768xf32>
    %get3A_26 = vector.shape_cast %get3A_25 : vector<1x256x768xf32> to vector<256x768xf32>
    %dot_general3A_27 = arith.constant dense<0.000000e+00> : vector<1024x768xf32>
    %dot_general3A_28 = tpu.matmul %max3A_21, %get3A_26, %dot_general3A_27 {dimension_numbers = #tpu.dot_dimension_numbers<[1], [0], [0], [1], [0, 0, 1, 1], [], []>, transpose_lhs_hint = false} : vector<1024x256xf32>, vector<256x768xf32>, vector<1024x768xf32> -> vector<1024x768xf32>
    %get3A_29 = arith.constant 0 : index
    %get3A_30 = arith.constant 0 : index
    %get3A_31 = arith.constant 0 : index
    %get3A_32 = vector.load %arg6[%get3A_29, %get3A_30, %get3A_31] : memref<8x1x768xf32, #tpu.memory_space<vmem>>, vector<1x1x768xf32>
    %get3A_33 = vector.shape_cast %get3A_32 : vector<1x1x768xf32> to vector<1x768xf32>
    %add3A_34 = vector.broadcast %get3A_33 : vector<1x768xf32> to vector<1024x768xf32>
    %add3A_35 = arith.addf %dot_general3A_28, %add3A_34 : vector<1024x768xf32>
    %slice3A = vector.extract_strided_slice %transpose3A {offsets = [0, 0], sizes = [1024, 1], strides = [1, 1]} : vector<1024x8xf32> to vector<1024x1xf32>
    %mul3A = vector.broadcast %slice3A : vector<1024x1xf32> to vector<1024x768xf32>
    %mul3A_36 = arith.mulf %mul3A, %add3A_35 : vector<1024x768xf32>
    %add3A_37 = arith.addf %broadcast_in_dim3A_7, %mul3A_36 : vector<1024x768xf32>
    %get3A_38 = arith.constant 1 : index
    %get3A_39 = arith.constant 0 : index
    %get3A_40 = arith.constant 0 : index
    %get3A_41 = vector.load %arg3[%get3A_38, %get3A_39, %get3A_40] : memref<8x768x256xf32, #tpu.memory_space<vmem>>, vector<1x768x256xf32>
    %get3A_42 = vector.shape_cast %get3A_41 : vector<1x768x256xf32> to vector<768x256xf32>
    %dot_general3A_43 = arith.constant dense<0.000000e+00> : vector<1024x256xf32>
    %dot_general3A_44 = tpu.matmul %get3A_1, %get3A_42, %dot_general3A_43 {dimension_numbers = #tpu.dot_dimension_numbers<[1], [0], [0], [1], [0, 0, 1, 1], [], []>, transpose_lhs_hint = false} : vector<1024x768xf32>, vector<768x256xf32>, vector<1024x256xf32> -> vector<1024x256xf32>
    %get3A_45 = arith.constant 1 : index
    %get3A_46 = arith.constant 0 : index
    %get3A_47 = arith.constant 0 : index
    %get3A_48 = vector.load %arg4[%get3A_45, %get3A_46, %get3A_47] : memref<8x1x256xf32, #tpu.memory_space<vmem>>, vector<1x1x256xf32>
    %get3A_49 = vector.shape_cast %get3A_48 : vector<1x1x256xf32> to vector<1x256xf32>
    %add3A_50 = vector.broadcast %get3A_49 : vector<1x256xf32> to vector<1024x256xf32>
    %add3A_51 = arith.addf %dot_general3A_44, %add3A_50 : vector<1024x256xf32>
    %max3A_52 = arith.constant 0.000000e+00 : f32
    %max3A_53 = vector.broadcast %max3A_52 : f32 to vector<1024x256xf32>
    %max3A_54 = arith.maximumf %add3A_51, %max3A_53 : vector<1024x256xf32>
    %get3A_55 = arith.constant 1 : index
    %get3A_56 = arith.constant 0 : index
    %get3A_57 = arith.constant 0 : index
    %get3A_58 = vector.load %arg5[%get3A_55, %get3A_56, %get3A_57] : memref<8x256x768xf32, #tpu.memory_space<vmem>>, vector<1x256x768xf32>
    %get3A_59 = vector.shape_cast %get3A_58 : vector<1x256x768xf32> to vector<256x768xf32>
    %dot_general3A_60 = arith.constant dense<0.000000e+00> : vector<1024x768xf32>
    %dot_general3A_61 = tpu.matmul %max3A_54, %get3A_59, %dot_general3A_60 {dimension_numbers = #tpu.dot_dimension_numbers<[1], [0], [0], [1], [0, 0, 1, 1], [], []>, transpose_lhs_hint = false} : vector<1024x256xf32>, vector<256x768xf32>, vector<1024x768xf32> -> vector<1024x768xf32>
    %get3A_62 = arith.constant 1 : index
    %get3A_63 = arith.constant 0 : index
    %get3A_64 = arith.constant 0 : index
    %get3A_65 = vector.load %arg6[%get3A_62, %get3A_63, %get3A_64] : memref<8x1x768xf32, #tpu.memory_space<vmem>>, vector<1x1x768xf32>
    %get3A_66 = vector.shape_cast %get3A_65 : vector<1x1x768xf32> to vector<1x768xf32>
    %add3A_67 = vector.broadcast %get3A_66 : vector<1x768xf32> to vector<1024x768xf32>
    %add3A_68 = arith.addf %dot_general3A_61, %add3A_67 : vector<1024x768xf32>
    %slice3A_69 = vector.extract_strided_slice %transpose3A {offsets = [0, 1], sizes = [1024, 1], strides = [1, 1]} : vector<1024x8xf32> to vector<1024x1xf32>
    %mul3A_70 = vector.broadcast %slice3A_69 : vector<1024x1xf32> to vector<1024x768xf32>
    %mul3A_71 = arith.mulf %mul3A_70, %add3A_68 : vector<1024x768xf32>
    %add3A_72 = arith.addf %add3A_37, %mul3A_71 : vector<1024x768xf32>
    %get3A_73 = arith.constant 2 : index
    %get3A_74 = arith.constant 0 : index
    %get3A_75 = arith.constant 0 : index
    %get3A_76 = vector.load %arg3[%get3A_73, %get3A_74, %get3A_75] : memref<8x768x256xf32, #tpu.memory_space<vmem>>, vector<1x768x256xf32>
    %get3A_77 = vector.shape_cast %get3A_76 : vector<1x768x256xf32> to vector<768x256xf32>
    %dot_general3A_78 = arith.constant dense<0.000000e+00> : vector<1024x256xf32>
    %dot_general3A_79 = tpu.matmul %get3A_1, %get3A_77, %dot_general3A_78 {dimension_numbers = #tpu.dot_dimension_numbers<[1], [0], [0], [1], [0, 0, 1, 1], [], []>, transpose_lhs_hint = false} : vector<1024x768xf32>, vector<768x256xf32>, vector<1024x256xf32> -> vector<1024x256xf32>
    %get3A_80 = arith.constant 2 : index
    %get3A_81 = arith.constant 0 : index
    %get3A_82 = arith.constant 0 : index
    %get3A_83 = vector.load %arg4[%get3A_80, %get3A_81, %get3A_82] : memref<8x1x256xf32, #tpu.memory_space<vmem>>, vector<1x1x256xf32>
    %get3A_84 = vector.shape_cast %get3A_83 : vector<1x1x256xf32> to vector<1x256xf32>
    %add3A_85 = vector.broadcast %get3A_84 : vector<1x256xf32> to vector<1024x256xf32>
    %add3A_86 = arith.addf %dot_general3A_79, %add3A_85 : vector<1024x256xf32>
    %max3A_87 = arith.constant 0.000000e+00 : f32
    %max3A_88 = vector.broadcast %max3A_87 : f32 to vector<1024x256xf32>
    %max3A_89 = arith.maximumf %add3A_86, %max3A_88 : vector<1024x256xf32>
    %get3A_90 = arith.constant 2 : index
    %get3A_91 = arith.constant 0 : index
    %get3A_92 = arith.constant 0 : index
    %get3A_93 = vector.load %arg5[%get3A_90, %get3A_91, %get3A_92] : memref<8x256x768xf32, #tpu.memory_space<vmem>>, vector<1x256x768xf32>
    %get3A_94 = vector.shape_cast %get3A_93 : vector<1x256x768xf32> to vector<256x768xf32>
    %dot_general3A_95 = arith.constant dense<0.000000e+00> : vector<1024x768xf32>
    %dot_general3A_96 = tpu.matmul %max3A_89, %get3A_94, %dot_general3A_95 {dimension_numbers = #tpu.dot_dimension_numbers<[1], [0], [0], [1], [0, 0, 1, 1], [], []>, transpose_lhs_hint = false} : vector<1024x256xf32>, vector<256x768xf32>, vector<1024x768xf32> -> vector<1024x768xf32>
    %get3A_97 = arith.constant 2 : index
    %get3A_98 = arith.constant 0 : index
    %get3A_99 = arith.constant 0 : index
    %get3A_100 = vector.load %arg6[%get3A_97, %get3A_98, %get3A_99] : memref<8x1x768xf32, #tpu.memory_space<vmem>>, vector<1x1x768xf32>
    %get3A_101 = vector.shape_cast %get3A_100 : vector<1x1x768xf32> to vector<1x768xf32>
    %add3A_102 = vector.broadcast %get3A_101 : vector<1x768xf32> to vector<1024x768xf32>
    %add3A_103 = arith.addf %dot_general3A_96, %add3A_102 : vector<1024x768xf32>
    %slice3A_104 = vector.extract_strided_slice %transpose3A {offsets = [0, 2], sizes = [1024, 1], strides = [1, 1]} : vector<1024x8xf32> to vector<1024x1xf32>
    %mul3A_105 = vector.broadcast %slice3A_104 : vector<1024x1xf32> to vector<1024x768xf32>
    %mul3A_106 = arith.mulf %mul3A_105, %add3A_103 : vector<1024x768xf32>
    %add3A_107 = arith.addf %add3A_72, %mul3A_106 : vector<1024x768xf32>
    %get3A_108 = arith.constant 3 : index
    %get3A_109 = arith.constant 0 : index
    %get3A_110 = arith.constant 0 : index
    %get3A_111 = vector.load %arg3[%get3A_108, %get3A_109, %get3A_110] : memref<8x768x256xf32, #tpu.memory_space<vmem>>, vector<1x768x256xf32>
    %get3A_112 = vector.shape_cast %get3A_111 : vector<1x768x256xf32> to vector<768x256xf32>
    %dot_general3A_113 = arith.constant dense<0.000000e+00> : vector<1024x256xf32>
    %dot_general3A_114 = tpu.matmul %get3A_1, %get3A_112, %dot_general3A_113 {dimension_numbers = #tpu.dot_dimension_numbers<[1], [0], [0], [1], [0, 0, 1, 1], [], []>, transpose_lhs_hint = false} : vector<1024x768xf32>, vector<768x256xf32>, vector<1024x256xf32> -> vector<1024x256xf32>
    %get3A_115 = arith.constant 3 : index
    %get3A_116 = arith.constant 0 : index
    %get3A_117 = arith.constant 0 : index
    %get3A_118 = vector.load %arg4[%get3A_115, %get3A_116, %get3A_117] : memref<8x1x256xf32, #tpu.memory_space<vmem>>, vector<1x1x256xf32>
    %get3A_119 = vector.shape_cast %get3A_118 : vector<1x1x256xf32> to vector<1x256xf32>
    %add3A_120 = vector.broadcast %get3A_119 : vector<1x256xf32> to vector<1024x256xf32>
    %add3A_121 = arith.addf %dot_general3A_114, %add3A_120 : vector<1024x256xf32>
    %max3A_122 = arith.constant 0.000000e+00 : f32
    %max3A_123 = vector.broadcast %max3A_122 : f32 to vector<1024x256xf32>
    %max3A_124 = arith.maximumf %add3A_121, %max3A_123 : vector<1024x256xf32>
    %get3A_125 = arith.constant 3 : index
    %get3A_126 = arith.constant 0 : index
    %get3A_127 = arith.constant 0 : index
    %get3A_128 = vector.load %arg5[%get3A_125, %get3A_126, %get3A_127] : memref<8x256x768xf32, #tpu.memory_space<vmem>>, vector<1x256x768xf32>
    %get3A_129 = vector.shape_cast %get3A_128 : vector<1x256x768xf32> to vector<256x768xf32>
    %dot_general3A_130 = arith.constant dense<0.000000e+00> : vector<1024x768xf32>
    %dot_general3A_131 = tpu.matmul %max3A_124, %get3A_129, %dot_general3A_130 {dimension_numbers = #tpu.dot_dimension_numbers<[1], [0], [0], [1], [0, 0, 1, 1], [], []>, transpose_lhs_hint = false} : vector<1024x256xf32>, vector<256x768xf32>, vector<1024x768xf32> -> vector<1024x768xf32>
    %get3A_132 = arith.constant 3 : index
    %get3A_133 = arith.constant 0 : index
    %get3A_134 = arith.constant 0 : index
    %get3A_135 = vector.load %arg6[%get3A_132, %get3A_133, %get3A_134] : memref<8x1x768xf32, #tpu.memory_space<vmem>>, vector<1x1x768xf32>
    %get3A_136 = vector.shape_cast %get3A_135 : vector<1x1x768xf32> to vector<1x768xf32>
    %add3A_137 = vector.broadcast %get3A_136 : vector<1x768xf32> to vector<1024x768xf32>
    %add3A_138 = arith.addf %dot_general3A_131, %add3A_137 : vector<1024x768xf32>
    %slice3A_139 = vector.extract_strided_slice %transpose3A {offsets = [0, 3], sizes = [1024, 1], strides = [1, 1]} : vector<1024x8xf32> to vector<1024x1xf32>
    %mul3A_140 = vector.broadcast %slice3A_139 : vector<1024x1xf32> to vector<1024x768xf32>
    %mul3A_141 = arith.mulf %mul3A_140, %add3A_138 : vector<1024x768xf32>
    %add3A_142 = arith.addf %add3A_107, %mul3A_141 : vector<1024x768xf32>
    %get3A_143 = arith.constant 4 : index
    %get3A_144 = arith.constant 0 : index
    %get3A_145 = arith.constant 0 : index
    %get3A_146 = vector.load %arg3[%get3A_143, %get3A_144, %get3A_145] : memref<8x768x256xf32, #tpu.memory_space<vmem>>, vector<1x768x256xf32>
    %get3A_147 = vector.shape_cast %get3A_146 : vector<1x768x256xf32> to vector<768x256xf32>
    %dot_general3A_148 = arith.constant dense<0.000000e+00> : vector<1024x256xf32>
    %dot_general3A_149 = tpu.matmul %get3A_1, %get3A_147, %dot_general3A_148 {dimension_numbers = #tpu.dot_dimension_numbers<[1], [0], [0], [1], [0, 0, 1, 1], [], []>, transpose_lhs_hint = false} : vector<1024x768xf32>, vector<768x256xf32>, vector<1024x256xf32> -> vector<1024x256xf32>
    %get3A_150 = arith.constant 4 : index
    %get3A_151 = arith.constant 0 : index
    %get3A_152 = arith.constant 0 : index
    %get3A_153 = vector.load %arg4[%get3A_150, %get3A_151, %get3A_152] : memref<8x1x256xf32, #tpu.memory_space<vmem>>, vector<1x1x256xf32>
    %get3A_154 = vector.shape_cast %get3A_153 : vector<1x1x256xf32> to vector<1x256xf32>
    %add3A_155 = vector.broadcast %get3A_154 : vector<1x256xf32> to vector<1024x256xf32>
    %add3A_156 = arith.addf %dot_general3A_149, %add3A_155 : vector<1024x256xf32>
    %max3A_157 = arith.constant 0.000000e+00 : f32
    %max3A_158 = vector.broadcast %max3A_157 : f32 to vector<1024x256xf32>
    %max3A_159 = arith.maximumf %add3A_156, %max3A_158 : vector<1024x256xf32>
    %get3A_160 = arith.constant 4 : index
    %get3A_161 = arith.constant 0 : index
    %get3A_162 = arith.constant 0 : index
    %get3A_163 = vector.load %arg5[%get3A_160, %get3A_161, %get3A_162] : memref<8x256x768xf32, #tpu.memory_space<vmem>>, vector<1x256x768xf32>
    %get3A_164 = vector.shape_cast %get3A_163 : vector<1x256x768xf32> to vector<256x768xf32>
    %dot_general3A_165 = arith.constant dense<0.000000e+00> : vector<1024x768xf32>
    %dot_general3A_166 = tpu.matmul %max3A_159, %get3A_164, %dot_general3A_165 {dimension_numbers = #tpu.dot_dimension_numbers<[1], [0], [0], [1], [0, 0, 1, 1], [], []>, transpose_lhs_hint = false} : vector<1024x256xf32>, vector<256x768xf32>, vector<1024x768xf32> -> vector<1024x768xf32>
    %get3A_167 = arith.constant 4 : index
    %get3A_168 = arith.constant 0 : index
    %get3A_169 = arith.constant 0 : index
    %get3A_170 = vector.load %arg6[%get3A_167, %get3A_168, %get3A_169] : memref<8x1x768xf32, #tpu.memory_space<vmem>>, vector<1x1x768xf32>
    %get3A_171 = vector.shape_cast %get3A_170 : vector<1x1x768xf32> to vector<1x768xf32>
    %add3A_172 = vector.broadcast %get3A_171 : vector<1x768xf32> to vector<1024x768xf32>
    %add3A_173 = arith.addf %dot_general3A_166, %add3A_172 : vector<1024x768xf32>
    %slice3A_174 = vector.extract_strided_slice %transpose3A {offsets = [0, 4], sizes = [1024, 1], strides = [1, 1]} : vector<1024x8xf32> to vector<1024x1xf32>
    %mul3A_175 = vector.broadcast %slice3A_174 : vector<1024x1xf32> to vector<1024x768xf32>
    %mul3A_176 = arith.mulf %mul3A_175, %add3A_173 : vector<1024x768xf32>
    %add3A_177 = arith.addf %add3A_142, %mul3A_176 : vector<1024x768xf32>
    %get3A_178 = arith.constant 5 : index
    %get3A_179 = arith.constant 0 : index
    %get3A_180 = arith.constant 0 : index
    %get3A_181 = vector.load %arg3[%get3A_178, %get3A_179, %get3A_180] : memref<8x768x256xf32, #tpu.memory_space<vmem>>, vector<1x768x256xf32>
    %get3A_182 = vector.shape_cast %get3A_181 : vector<1x768x256xf32> to vector<768x256xf32>
    %dot_general3A_183 = arith.constant dense<0.000000e+00> : vector<1024x256xf32>
    %dot_general3A_184 = tpu.matmul %get3A_1, %get3A_182, %dot_general3A_183 {dimension_numbers = #tpu.dot_dimension_numbers<[1], [0], [0], [1], [0, 0, 1, 1], [], []>, transpose_lhs_hint = false} : vector<1024x768xf32>, vector<768x256xf32>, vector<1024x256xf32> -> vector<1024x256xf32>
    %get3A_185 = arith.constant 5 : index
    %get3A_186 = arith.constant 0 : index
    %get3A_187 = arith.constant 0 : index
    %get3A_188 = vector.load %arg4[%get3A_185, %get3A_186, %get3A_187] : memref<8x1x256xf32, #tpu.memory_space<vmem>>, vector<1x1x256xf32>
    %get3A_189 = vector.shape_cast %get3A_188 : vector<1x1x256xf32> to vector<1x256xf32>
    %add3A_190 = vector.broadcast %get3A_189 : vector<1x256xf32> to vector<1024x256xf32>
    %add3A_191 = arith.addf %dot_general3A_184, %add3A_190 : vector<1024x256xf32>
    %max3A_192 = arith.constant 0.000000e+00 : f32
    %max3A_193 = vector.broadcast %max3A_192 : f32 to vector<1024x256xf32>
    %max3A_194 = arith.maximumf %add3A_191, %max3A_193 : vector<1024x256xf32>
    %get3A_195 = arith.constant 5 : index
    %get3A_196 = arith.constant 0 : index
    %get3A_197 = arith.constant 0 : index
    %get3A_198 = vector.load %arg5[%get3A_195, %get3A_196, %get3A_197] : memref<8x256x768xf32, #tpu.memory_space<vmem>>, vector<1x256x768xf32>
    %get3A_199 = vector.shape_cast %get3A_198 : vector<1x256x768xf32> to vector<256x768xf32>
    %dot_general3A_200 = arith.constant dense<0.000000e+00> : vector<1024x768xf32>
    %dot_general3A_201 = tpu.matmul %max3A_194, %get3A_199, %dot_general3A_200 {dimension_numbers = #tpu.dot_dimension_numbers<[1], [0], [0], [1], [0, 0, 1, 1], [], []>, transpose_lhs_hint = false} : vector<1024x256xf32>, vector<256x768xf32>, vector<1024x768xf32> -> vector<1024x768xf32>
    %get3A_202 = arith.constant 5 : index
    %get3A_203 = arith.constant 0 : index
    %get3A_204 = arith.constant 0 : index
    %get3A_205 = vector.load %arg6[%get3A_202, %get3A_203, %get3A_204] : memref<8x1x768xf32, #tpu.memory_space<vmem>>, vector<1x1x768xf32>
    %get3A_206 = vector.shape_cast %get3A_205 : vector<1x1x768xf32> to vector<1x768xf32>
    %add3A_207 = vector.broadcast %get3A_206 : vector<1x768xf32> to vector<1024x768xf32>
    %add3A_208 = arith.addf %dot_general3A_201, %add3A_207 : vector<1024x768xf32>
    %slice3A_209 = vector.extract_strided_slice %transpose3A {offsets = [0, 5], sizes = [1024, 1], strides = [1, 1]} : vector<1024x8xf32> to vector<1024x1xf32>
    %mul3A_210 = vector.broadcast %slice3A_209 : vector<1024x1xf32> to vector<1024x768xf32>
    %mul3A_211 = arith.mulf %mul3A_210, %add3A_208 : vector<1024x768xf32>
    %add3A_212 = arith.addf %add3A_177, %mul3A_211 : vector<1024x768xf32>
    %get3A_213 = arith.constant 6 : index
    %get3A_214 = arith.constant 0 : index
    %get3A_215 = arith.constant 0 : index
    %get3A_216 = vector.load %arg3[%get3A_213, %get3A_214, %get3A_215] : memref<8x768x256xf32, #tpu.memory_space<vmem>>, vector<1x768x256xf32>
    %get3A_217 = vector.shape_cast %get3A_216 : vector<1x768x256xf32> to vector<768x256xf32>
    %dot_general3A_218 = arith.constant dense<0.000000e+00> : vector<1024x256xf32>
    %dot_general3A_219 = tpu.matmul %get3A_1, %get3A_217, %dot_general3A_218 {dimension_numbers = #tpu.dot_dimension_numbers<[1], [0], [0], [1], [0, 0, 1, 1], [], []>, transpose_lhs_hint = false} : vector<1024x768xf32>, vector<768x256xf32>, vector<1024x256xf32> -> vector<1024x256xf32>
    %get3A_220 = arith.constant 6 : index
    %get3A_221 = arith.constant 0 : index
    %get3A_222 = arith.constant 0 : index
    %get3A_223 = vector.load %arg4[%get3A_220, %get3A_221, %get3A_222] : memref<8x1x256xf32, #tpu.memory_space<vmem>>, vector<1x1x256xf32>
    %get3A_224 = vector.shape_cast %get3A_223 : vector<1x1x256xf32> to vector<1x256xf32>
    %add3A_225 = vector.broadcast %get3A_224 : vector<1x256xf32> to vector<1024x256xf32>
    %add3A_226 = arith.addf %dot_general3A_219, %add3A_225 : vector<1024x256xf32>
    %max3A_227 = arith.constant 0.000000e+00 : f32
    %max3A_228 = vector.broadcast %max3A_227 : f32 to vector<1024x256xf32>
    %max3A_229 = arith.maximumf %add3A_226, %max3A_228 : vector<1024x256xf32>
    %get3A_230 = arith.constant 6 : index
    %get3A_231 = arith.constant 0 : index
    %get3A_232 = arith.constant 0 : index
    %get3A_233 = vector.load %arg5[%get3A_230, %get3A_231, %get3A_232] : memref<8x256x768xf32, #tpu.memory_space<vmem>>, vector<1x256x768xf32>
    %get3A_234 = vector.shape_cast %get3A_233 : vector<1x256x768xf32> to vector<256x768xf32>
    %dot_general3A_235 = arith.constant dense<0.000000e+00> : vector<1024x768xf32>
    %dot_general3A_236 = tpu.matmul %max3A_229, %get3A_234, %dot_general3A_235 {dimension_numbers = #tpu.dot_dimension_numbers<[1], [0], [0], [1], [0, 0, 1, 1], [], []>, transpose_lhs_hint = false} : vector<1024x256xf32>, vector<256x768xf32>, vector<1024x768xf32> -> vector<1024x768xf32>
    %get3A_237 = arith.constant 6 : index
    %get3A_238 = arith.constant 0 : index
    %get3A_239 = arith.constant 0 : index
    %get3A_240 = vector.load %arg6[%get3A_237, %get3A_238, %get3A_239] : memref<8x1x768xf32, #tpu.memory_space<vmem>>, vector<1x1x768xf32>
    %get3A_241 = vector.shape_cast %get3A_240 : vector<1x1x768xf32> to vector<1x768xf32>
    %add3A_242 = vector.broadcast %get3A_241 : vector<1x768xf32> to vector<1024x768xf32>
    %add3A_243 = arith.addf %dot_general3A_236, %add3A_242 : vector<1024x768xf32>
    %slice3A_244 = vector.extract_strided_slice %transpose3A {offsets = [0, 6], sizes = [1024, 1], strides = [1, 1]} : vector<1024x8xf32> to vector<1024x1xf32>
    %mul3A_245 = vector.broadcast %slice3A_244 : vector<1024x1xf32> to vector<1024x768xf32>
    %mul3A_246 = arith.mulf %mul3A_245, %add3A_243 : vector<1024x768xf32>
    %add3A_247 = arith.addf %add3A_212, %mul3A_246 : vector<1024x768xf32>
    %get3A_248 = arith.constant 7 : index
    %get3A_249 = arith.constant 0 : index
    %get3A_250 = arith.constant 0 : index
    %get3A_251 = vector.load %arg3[%get3A_248, %get3A_249, %get3A_250] : memref<8x768x256xf32, #tpu.memory_space<vmem>>, vector<1x768x256xf32>
    %get3A_252 = vector.shape_cast %get3A_251 : vector<1x768x256xf32> to vector<768x256xf32>
    %dot_general3A_253 = arith.constant dense<0.000000e+00> : vector<1024x256xf32>
    %dot_general3A_254 = tpu.matmul %get3A_1, %get3A_252, %dot_general3A_253 {dimension_numbers = #tpu.dot_dimension_numbers<[1], [0], [0], [1], [0, 0, 1, 1], [], []>, transpose_lhs_hint = false} : vector<1024x768xf32>, vector<768x256xf32>, vector<1024x256xf32> -> vector<1024x256xf32>
    %get3A_255 = arith.constant 7 : index
    %get3A_256 = arith.constant 0 : index
    %get3A_257 = arith.constant 0 : index
    %get3A_258 = vector.load %arg4[%get3A_255, %get3A_256, %get3A_257] : memref<8x1x256xf32, #tpu.memory_space<vmem>>, vector<1x1x256xf32>
    %get3A_259 = vector.shape_cast %get3A_258 : vector<1x1x256xf32> to vector<1x256xf32>
    %add3A_260 = vector.broadcast %get3A_259 : vector<1x256xf32> to vector<1024x256xf32>
    %add3A_261 = arith.addf %dot_general3A_254, %add3A_260 : vector<1024x256xf32>
    %max3A_262 = arith.constant 0.000000e+00 : f32
    %max3A_263 = vector.broadcast %max3A_262 : f32 to vector<1024x256xf32>
    %max3A_264 = arith.maximumf %add3A_261, %max3A_263 : vector<1024x256xf32>
    %get3A_265 = arith.constant 7 : index
    %get3A_266 = arith.constant 0 : index
    %get3A_267 = arith.constant 0 : index
    %get3A_268 = vector.load %arg5[%get3A_265, %get3A_266, %get3A_267] : memref<8x256x768xf32, #tpu.memory_space<vmem>>, vector<1x256x768xf32>
    %get3A_269 = vector.shape_cast %get3A_268 : vector<1x256x768xf32> to vector<256x768xf32>
    %dot_general3A_270 = arith.constant dense<0.000000e+00> : vector<1024x768xf32>
    %dot_general3A_271 = tpu.matmul %max3A_264, %get3A_269, %dot_general3A_270 {dimension_numbers = #tpu.dot_dimension_numbers<[1], [0], [0], [1], [0, 0, 1, 1], [], []>, transpose_lhs_hint = false} : vector<1024x256xf32>, vector<256x768xf32>, vector<1024x768xf32> -> vector<1024x768xf32>
    %get3A_272 = arith.constant 7 : index
    %get3A_273 = arith.constant 0 : index
    %get3A_274 = arith.constant 0 : index
    %get3A_275 = vector.load %arg6[%get3A_272, %get3A_273, %get3A_274] : memref<8x1x768xf32, #tpu.memory_space<vmem>>, vector<1x1x768xf32>
    %get3A_276 = vector.shape_cast %get3A_275 : vector<1x1x768xf32> to vector<1x768xf32>
    %add3A_277 = vector.broadcast %get3A_276 : vector<1x768xf32> to vector<1024x768xf32>
    %add3A_278 = arith.addf %dot_general3A_271, %add3A_277 : vector<1024x768xf32>
    %slice3A_279 = vector.extract_strided_slice %transpose3A {offsets = [0, 7], sizes = [1024, 1], strides = [1, 1]} : vector<1024x8xf32> to vector<1024x1xf32>
    %mul3A_280 = vector.broadcast %slice3A_279 : vector<1024x1xf32> to vector<1024x768xf32>
    %mul3A_281 = arith.mulf %mul3A_280, %add3A_278 : vector<1024x768xf32>
    %add3A_282 = arith.addf %add3A_247, %mul3A_281 : vector<1024x768xf32>
    %mul3A_283 = vector.broadcast %broadcast_in_dim3A : vector<1024x1xf32> to vector<1024x768xf32>
    %mul3A_284 = arith.mulf %mul3A_283, %get3A_1 : vector<1024x768xf32>
    %add3A_285 = arith.addf %add3A_282, %mul3A_284 : vector<1024x768xf32>
    %get3A_286 = arith.constant 0 : index
    %get3A_287 = arith.constant 0 : index
    %get3A_288 = vector.load %arg7[%get3A_286, %get3A_287] : memref<768x1024xf32, #tpu.memory_space<vmem>>, vector<768x1024xf32>
    %dot_general3A_289 = arith.constant dense<0.000000e+00> : vector<1024x1024xf32>
    %dot_general3A_290 = tpu.matmul %add3A_285, %get3A_288, %dot_general3A_289 {dimension_numbers = #tpu.dot_dimension_numbers<[1], [0], [0], [1], [0, 0, 1, 1], [], []>, transpose_lhs_hint = false} : vector<1024x768xf32>, vector<768x1024xf32>, vector<1024x1024xf32> -> vector<1024x1024xf32>
    %get3A_291 = arith.constant 0 : index
    %get3A_292 = arith.constant 0 : index
    %get3A_293 = vector.load %arg8[%get3A_291, %get3A_292] : memref<1x1024xf32, #tpu.memory_space<vmem>>, vector<1x1024xf32>
    %add3A_294 = vector.broadcast %get3A_293 : vector<1x1024xf32> to vector<1024x1024xf32>
    %add3A_295 = arith.addf %dot_general3A_290, %add3A_294 : vector<1024x1024xf32>
    %reduce_sum3A_296 = arith.constant dense<0.000000e+00> : vector<1024xf32>
    %reduce_sum3A_297 = vector.multi_reduction <add>, %add3A_295, %reduce_sum3A_296 [1] : vector<1024x1024xf32> to vector<1024xf32>
    %broadcast_in_dim3A_298 = vector.shape_cast %reduce_sum3A_297 : vector<1024xf32> to vector<1024x1xf32>
    %div3A = arith.constant 1.024000e+03 : f32
    %div3A_299 = vector.broadcast %div3A : f32 to vector<1024x1xf32>
    %div3A_300 = arith.divf %broadcast_in_dim3A_298, %div3A_299 : vector<1024x1xf32>
    %sub3A = vector.broadcast %div3A_300 : vector<1024x1xf32> to vector<1024x1024xf32>
    %sub3A_301 = arith.subf %add3A_295, %sub3A : vector<1024x1024xf32>
    %integer_pow3A = arith.mulf %sub3A_301, %sub3A_301 : vector<1024x1024xf32>
    %reduce_sum3A_302 = arith.constant dense<0.000000e+00> : vector<1024xf32>
    %reduce_sum3A_303 = vector.multi_reduction <add>, %integer_pow3A, %reduce_sum3A_302 [1] : vector<1024x1024xf32> to vector<1024xf32>
    %broadcast_in_dim3A_304 = vector.shape_cast %reduce_sum3A_303 : vector<1024xf32> to vector<1024x1xf32>
    %div3A_305 = arith.constant 1.024000e+03 : f32
    %div3A_306 = vector.broadcast %div3A_305 : f32 to vector<1024x1xf32>
    %div3A_307 = arith.divf %broadcast_in_dim3A_304, %div3A_306 : vector<1024x1xf32>
    %sub3A_308 = vector.broadcast %div3A_300 : vector<1024x1xf32> to vector<1024x1024xf32>
    %sub3A_309 = arith.subf %add3A_295, %sub3A_308 : vector<1024x1024xf32>
    %add3A_310 = arith.constant 9.99999974E-6 : f32
    %add3A_311 = vector.broadcast %add3A_310 : f32 to vector<1024x1xf32>
    %add3A_312 = arith.addf %div3A_307, %add3A_311 : vector<1024x1xf32>
    %sqrt3A = math.sqrt %add3A_312 : vector<1024x1xf32>
    %div3A_313 = vector.broadcast %sqrt3A : vector<1024x1xf32> to vector<1024x1024xf32>
    %div3A_314 = arith.divf %sub3A_309, %div3A_313 : vector<1024x1024xf32>
    %get3A_315 = arith.constant 0 : index
    %get3A_316 = arith.constant 0 : index
    %get3A_317 = vector.load %arg9[%get3A_315, %get3A_316] : memref<1x1024xf32, #tpu.memory_space<vmem>>, vector<1x1024xf32>
    %mul3A_318 = vector.broadcast %get3A_317 : vector<1x1024xf32> to vector<1024x1024xf32>
    %mul3A_319 = arith.mulf %div3A_314, %mul3A_318 : vector<1024x1024xf32>
    %get3A_320 = arith.constant 0 : index
    %get3A_321 = arith.constant 0 : index
    %get3A_322 = vector.load %arg10[%get3A_320, %get3A_321] : memref<1x1024xf32, #tpu.memory_space<vmem>>, vector<1x1024xf32>
    %add3A_323 = vector.broadcast %get3A_322 : vector<1x1024xf32> to vector<1024x1024xf32>
    %add3A_324 = arith.addf %mul3A_319, %add3A_323 : vector<1024x1024xf32>
    %max3A_325 = arith.constant 0.000000e+00 : f32
    %max3A_326 = vector.broadcast %max3A_325 : f32 to vector<1024x1024xf32>
    %max3A_327 = arith.maximumf %add3A_324, %max3A_326 : vector<1024x1024xf32>
    %get3A_328 = arith.constant 0 : index
    %get3A_329 = arith.constant 0 : index
    %get3A_330 = vector.load %arg11[%get3A_328, %get3A_329] : memref<1024x768xf32, #tpu.memory_space<vmem>>, vector<1024x768xf32>
    %dot_general3A_331 = arith.constant dense<0.000000e+00> : vector<1024x768xf32>
    %dot_general3A_332 = tpu.matmul %max3A_327, %get3A_330, %dot_general3A_331 {dimension_numbers = #tpu.dot_dimension_numbers<[1], [0], [0], [1], [0, 0, 1, 1], [], []>, transpose_lhs_hint = false} : vector<1024x1024xf32>, vector<1024x768xf32>, vector<1024x768xf32> -> vector<1024x768xf32>
    %get3A_333 = arith.constant 0 : index
    %get3A_334 = arith.constant 0 : index
    %get3A_335 = vector.load %arg12[%get3A_333, %get3A_334] : memref<1x768xf32, #tpu.memory_space<vmem>>, vector<1x768xf32>
    %add3A_336 = vector.broadcast %get3A_335 : vector<1x768xf32> to vector<1024x768xf32>
    %add3A_337 = arith.addf %dot_general3A_332, %add3A_336 : vector<1024x768xf32>
    %swap3A = arith.constant 0 : index
    %swap3A_338 = arith.constant 0 : index
    %swap3A_339 = vector.load %arg13[%swap3A, %swap3A_338] : memref<1024x768xf32, #tpu.memory_space<vmem>>, vector<1024x768xf32>
    tpu.vector_store %arg13[%swap3A, %swap3A_338], %add3A_337 {strides = array<i32>} : memref<1024x768xf32, #tpu.memory_space<vmem>>, vector<1024x768xf32>,
    return
  }
  func.func @transform_0(%arg0: i32) -> (i32, i32) {
    %c0_i32 = arith.constant 0 : i32
    %c0_i32_0 = arith.constant 0 : i32
    return %arg0, %c0_i32 : i32, i32
  }
  func.func @transform_1(%arg0: i32) -> (i32, i32) {
    %c0_i32 = arith.constant 0 : i32
    %c0_i32_0 = arith.constant 0 : i32
    return %c0_i32, %arg0 : i32, i32
  }
  func.func @transform_2(%arg0: i32) -> (i32, i32, i32) {
    %c0_i32 = arith.constant 0 : i32
    %c0_i32_0 = arith.constant 0 : i32
    %c0_i32_1 = arith.constant 0 : i32
    %c0_i32_2 = arith.constant 0 : i32
    return %c0_i32, %c0_i32_0, %c0_i32_1 : i32, i32, i32
  }
  func.func @transform_3(%arg0: i32) -> (i32, i32, i32) {
    %c0_i32 = arith.constant 0 : i32
    %c0_i32_0 = arith.constant 0 : i32
    %c0_i32_1 = arith.constant 0 : i32
    %c0_i32_2 = arith.constant 0 : i32
    return %c0_i32, %c0_i32_0, %c0_i32_1 : i32, i32, i32
  }
  func.func @transform_4(%arg0: i32) -> (i32, i32, i32) {
    %c0_i32 = arith.constant 0 : i32
    %c0_i32_0 = arith.constant 0 : i32
    %c0_i32_1 = arith.constant 0 : i32
    %c0_i32_2 = arith.constant 0 : i32
    return %c0_i32, %c0_i32_0, %c0_i32_1 : i32, i32, i32
  }
  func.func @transform_5(%arg0: i32) -> (i32, i32, i32) {
    %c0_i32 = arith.constant 0 : i32
    %c0_i32_0 = arith.constant 0 : i32
    %c0_i32_1 = arith.constant 0 : i32
    %c0_i32_2 = arith.constant 0 : i32
    return %c0_i32, %c0_i32_0, %c0_i32_1 : i32, i32, i32
  }
  func.func @transform_6(%arg0: i32) -> (i32, i32) {
    %c0_i32 = arith.constant 0 : i32
    %c0_i32_0 = arith.constant 0 : i32
    %c0_i32_1 = arith.constant 0 : i32
    return %c0_i32, %c0_i32_0 : i32, i32
  }
  func.func @transform_7(%arg0: i32) -> (i32, i32) {
    %c0_i32 = arith.constant 0 : i32
    %c0_i32_0 = arith.constant 0 : i32
    %c0_i32_1 = arith.constant 0 : i32
    return %c0_i32, %c0_i32_0 : i32, i32
  }
  func.func @transform_8(%arg0: i32) -> (i32, i32) {
    %c0_i32 = arith.constant 0 : i32
    %c0_i32_0 = arith.constant 0 : i32
    %c0_i32_1 = arith.constant 0 : i32
    return %c0_i32, %c0_i32_0 : i32, i32
  }
  func.func @transform_9(%arg0: i32) -> (i32, i32) {
    %c0_i32 = arith.constant 0 : i32
    %c0_i32_0 = arith.constant 0 : i32
    %c0_i32_1 = arith.constant 0 : i32
    return %c0_i32, %c0_i32_0 : i32, i32
  }
  func.func @transform_10(%arg0: i32) -> (i32, i32) {
    %c0_i32 = arith.constant 0 : i32
    %c0_i32_0 = arith.constant 0 : i32
    %c0_i32_1 = arith.constant 0 : i32
    return %c0_i32, %c0_i32_0 : i32, i32
  }
  func.func @transform_11(%arg0: i32) -> (i32, i32) {
    %c0_i32 = arith.constant 0 : i32
    %c0_i32_0 = arith.constant 0 : i32
    %c0_i32_1 = arith.constant 0 : i32
    return %c0_i32, %c0_i32_0 : i32, i32
  }
  func.func @transform_12(%arg0: i32) -> (i32, i32) {
    %c0_i32 = arith.constant 0 : i32
    %c0_i32_0 = arith.constant 0 : i32
    return %arg0, %c0_i32 : i32, i32
  }
}

</mosaic_0001>

<sc_bundles>
// kernel: kernel.5.cloned.1.call-start
scs
__scs_entry_jumppad:
0x0: {  	(pc) =	sbr.rel $0x88, $3  }
0x1: {  	(tag) =	ssettag $0x0;
	lr =	simm.s32 $0x1  }
0x2: {  	[smem:$0x3F94] =	sst lr;
	_ =	strace $0xD0000000  }
0x3: {  	_ = 	snop  }
0x4: {  	_ = 	snop  }
0x5: {  	_ = 	snop  }
0x6: {  	_ = 	snop  }
0x7: {  	_ = 	snop  }
__scs_overlays_trampoline_lowered:
0x8: {  	[smem:$0x3FA3] =	sst s0  }
0x9: {  	[smem:$0x3FA4] =	sst s1  }
0xa: {  	[smem:$0x3FA5] =	sst s2  }
0xb: {  	[smem:$0x3FA6] =	sst s3  }
0xc: {  	[smem:$0x3FA7] =	sst s4  }
0xd: {  	[smem:$0x3FA8] =	sst s5  }
0xe: {  	[smem:$0x3FA9] =	sst s6  }
0xf: {  	[smem:$0x3FAA] =	sst s7  }
0x10: {  	[smem:$0x3FAB] =	sst s8  }
0x11: {  	[smem:$0x3FAC] =	sst s9;
	s0 =	simm.s32 @!p0 $0x0  }
0x12: {  	s1 =	sld [smem:$0x3F92];
	s0 =	simm.s32 @p0 $0x1  }
0x13: {  	[smem:$0x3FAD] =	sst s0;
	s0 =	simm.s32 @!p1 $0x0  }
0x14: {  	s2 =	sld [smem:$0x3F91];
	s0 =	simm.s32 @p1 $0x1  }
0x15: {  	[smem:$0x3FAE] =	sst s0;
	s0 =	simm.s32 @!p2 $0x0  }
0x16: {  	s3 =	sld [smem:$0x3FDB];
	s0 =	simm.s32 @p2 $0x1  }
0x17: {  	s4 =	simm.s32 $0x1BF5;
	[smem:$0x3FB0] =	sst s0  }
0x18: {  	s0 =	sld [smem:$0x3F93];
	_ =	swait.ge [sflag:s4], $0x0  }
0x19: {  	s7 =	sld [smem:$0x3F94]  }
0x1a: {  	s8 =	sadd.s32 $0xFFFFE003, lr  }
0x1b: {  	s9 =	sadd.s32 $0xFFFFFEF7, lr;
	s5 =	simm.s32 $0xFFFFFFFF;
	p2 =	slt.u32 s8, $0xFFFFF086  }
0x1c: {  	p1 =	slt.u32 s9, $0xF7A;
	s5 =	simm.s32 @!p2 $0x0  }
0x1d: {  	s5 =	simm.s32 @p1 $0x1;
	p0 =	seq.s32 s7, s2  }
0x1e: {  	s7 =	smul.u32 @!p0 $0xF7A, s2;
	p2 =	seq.s32 @!p0 s5, $0x0  }
0x1f: {  	s9 =	smul.u32 $0xF7A, s1;
	s8 =	simm.s32 @!p0 $0x1BF5;
	p2 =	por !p2, p0  }
0x20: {  	[sflag:s8] =	ssyncset.s32 @!p0 $0xFFFFF086;
	s6 =	sadd.s32 @!p0 s3, s7;
	s7 =	simm.s32 @!p0 $0x108  }
0x21: {  	s3 =	sadd.s32 s3, s9;
	s6 =	sadd.s32 @!p0 $0x88, s6;
	s7 =	simm.s32 @p2 $0x1082  }
0x22: {  	[simem:s7], [sflag:s8] =	dma.local @!p0 [hbm:s6], $0xF7A  }
0x23: {  	s9 =	sor.u32 $0xD0000000, s2;
	s6 =	simm.s32 $0x108;
	_ =	swait.ge @!p0 [sflag:s8], $0x0  }
0x24: {  	s3 =	sadd.s32 $0x88, s3;
	s6 =	simm.s32 @!p1 $0x1082;
	[sflag:s4] =	ssyncset.s32 $0xFFFFF086  }
0x25: {  	[simem:s6], [sflag:s4] =	dma.local [hbm:s3], $0xF7A  }
0x26: {  	[smem:$0x3F94] =	sst s1;
	(tag) =	ssettag s2;
	_ =	strace s9  }
0x27: {  	s1 =	sld [smem:$0x3FA4]  }
0x28: {  	s2 =	sld [smem:$0x3FA5]  }
0x29: {  	s4 =	sld [smem:$0x3FA7]  }
0x2a: {  	p0 =	seq.s32 s5, $0x0;
	s5 =	sld [smem:$0x3FA8]  }
0x2b: {  	s6 =	sld [smem:$0x3FA9]  }
0x2c: {  	s7 =	sld [smem:$0x3FAA]  }
0x2d: {  	s3 =	simm.s32 $0x108;
	s8 =	sld [smem:$0x3FAB]  }
0x2e: {  	s3 =	simm.s32 @!p0 $0x1082;
	s9 =	sld [smem:$0x3FAC]  }
0x2f: {  	lr =	sadd.s32 s0, s3;
	s0 =	sld [smem:$0x3FA3]  }
0x30: {  	s3 =	sld [smem:$0x3FA6]  }
0x31: {  	[smem:$0x3FAF] =	sst s10  }
0x32: {  	s10 =	sld [smem:$0x3FAD];
	_ =	sdelay $0x3  }
0x33: {  	p0 =	seq.s32 s10, $0x1;
	s10 =	sld [smem:$0x3FAF];
	_ =	sdelay $0x3  }
0x34: {  	[smem:$0x3FAF] =	sst s10  }
0x35: {  	s10 =	sld [smem:$0x3FAE];
	_ =	sdelay $0x3  }
0x36: {  	p1 =	seq.s32 s10, $0x1;
	s10 =	sld [smem:$0x3FAF];
	_ =	sdelay $0x3  }
0x37: {  	[smem:$0x3FAF] =	sst s10  }
0x38: {  	s10 =	sld [smem:$0x3FB0]  }
0x39: {  	_ = 	snop;
	(pc) =	sbr.ind lr, $3  }
0x3a: {  	_ = 	snop  }
0x3b: {  	_ = 	snop  }
0x3c: {  	p2 =	seq.s32 s10, $0x1;
	s10 =	sld [smem:$0x3FAF]  }
0x3d: {  	_ =	shalt  }
0x3e: {  	_ =	shalt  }
0x3f: {  	_ =	shalt  }
0x40: {  	_ =	shalt  }
0x41: {  	_ =	shalt  }
0x42: {  	_ =	shalt  }
0x43: {  	_ =	shalt  }
0x44: {  	_ =	shalt  }
0x45: {  	_ =	shalt  }
0x46: {  	_ =	shalt  }
0x47: {  	_ =	shalt  }
0x48: {  	_ =	shalt  }
0x49: {  	_ =	shalt  }
0x4a: {  	_ =	shalt  }
0x4b: {  	_ =	shalt  }
0x4c: {  	_ =	shalt  }
0x4d: {  	_ =	shalt  }
0x4e: {  	_ =	shalt  }
0x4f: {  	_ =	shalt  }
0x50: {  	_ =	shalt  }
0x51: {  	_ =	shalt  }
0x52: {  	_ =	shalt  }
0x53: {  	_ =	shalt  }
0x54: {  	_ =	shalt  }
0x55: {  	_ =	shalt  }
0x56: {  	_ =	shalt  }
0x57: {  	_ =	shalt  }
0x58: {  	_ =	shalt  }
0x59: {  	_ =	shalt  }
0x5a: {  	_ =	shalt  }
0x5b: {  	_ =	shalt  }
0x5c: {  	_ =	shalt  }
0x5d: {  	_ =	shalt  }
0x5e: {  	_ =	shalt  }
0x5f: {  	_ =	shalt  }
0x60: {  	_ =	shalt  }
0x61: {  	_ =	shalt  }
0x62: {  	_ =	shalt  }
0x63: {  	_ =	shalt  }
0x64: {  	_ =	shalt  }
0x65: {  	_ =	shalt  }
0x66: {  	_ =	shalt  }
0x67: {  	_ =	shalt  }
0x68: {  	_ =	shalt  }
0x69: {  	_ =	shalt  }
0x6a: {  	_ =	shalt  }
0x6b: {  	_ =	shalt  }
0x6c: {  	_ =	shalt  }
0x6d: {  	_ =	shalt  }
0x6e: {  	_ =	shalt  }
0x6f: {  	_ =	shalt  }
0x70: {  	_ =	shalt  }
0x71: {  	_ =	shalt  }
0x72: {  	_ =	shalt  }
0x73: {  	_ =	shalt  }
0x74: {  	_ =	shalt  }
0x75: {  	_ =	shalt  }
0x76: {  	_ =	shalt  }
0x77: {  	_ =	shalt  }
0x78: {  	_ =	shalt  }
0x79: {  	_ =	shalt  }
0x7a: {  	_ =	shalt  }
0x7b: {  	_ =	shalt  }
0x7c: {  	_ =	shalt  }
0x7d: {  	_ =	shalt  }
0x7e: {  	_ =	shalt  }
0x7f: {  	_ =	shalt  }
0x80: {  	_ =	shalt  }
0x81: {  	_ =	shalt  }
0x82: {  	_ =	shalt  }
0x83: {  	_ =	shalt  }
0x84: {  	_ =	shalt  }
0x85: {  	_ =	shalt  }
0x86: {  	_ =	shalt  }
0x87: {  	_ =	shalt  }
.Lfunc_end0:
.L_simem_size_0:
called_computation_lowered:
.L_overlay_start_0:
0x88: {  	s2 =	sld [smem:$0x3FD9]  }
0x89: {  	s3 =	sld [smem:$0x3FFE];
	_ =	sdelay $0x1  }
0x8a: {  	s1 =	srdreg.scid  }
0x8b: {  	s0 =	sand.u32 $0x1, s1  }
0x8c: {  	s17 =	sshll.u32 s0, $0xA;
	s2 =	sadd.s32 s3, s2  }
0x8d: {  	s2 =	sadd.s32 s2, s17  }
0x8e: {  	[smem:$0x3FBB] =	sst s2  }
0x8f: {  	_ = 	snop  }
0x90: {  	s2 =	sld [smem:$0x3FD0];
	(tm) =	ssettm $0x1  }
0x91: {  	s18 =	sld [smem:$0x3FFB];
	_ =	sdelay $0x3  }
0x92: {  	_ =	strace s18  }
0x93: {  	s3 =	sld [smem:$0x3FFC];
	_ =	sdelay $0x3  }
0x94: {  	_ =	strace s3  }
0x95: {  	s3 =	sld [smem:$0x3FFD];
	_ =	sdelay $0x3  }
0x96: {  	_ =	strace s3  }
0x97: {  	_ =	strace $0x8FFFFFFF  }
0x98: {  	s19 =	sld [smem:$0x3FDB];
	_ =	sdelay $0x1  }
0x99: {  	s4 =	simm.s32 $_scs_section_size  }
0x9a: {  	s5 =	simm.s32 $_size__tile_overlayer_lowered;
	s6 =	simm.s32 $_tile_overlayer_lowered  }
0x9b: {  	s22 =	simm.s32 $0x1BFF;
	s21 =	sshll.u32 s6, $0x1;
	s3 =	sadd.s32 s4, s19  }
0x9c: {  	s7 =	simm.s32 $0x0;
	s20 =	sshll.u32 s5, $0x1;
	s5 =	sadd.s32 s21, s3  }
0x9d: {  	[timem:s7], [sflag:s22] =	dma.local [hbm:s5], s20  }
0x9e: {  	_ =	swait.ge [sflag:s22], s20  }
0x9f: {  	s4 =	ssub.s32 $0x0, s20;
	[sflag:s22] =	ssyncset.done $0x0  }
0xa0: {  	[sflag:s22] =	ssyncadd.s32 s4;
	_ =	sdelay $0x1  }
0xa1: {  	s23 =	simm.s32 $0x1B8B  }
0xa2: {  	_ =	swait.ge [sflag:s23], $0x1  }
0xa3: {  	[sflag:s23] =	ssyncset.done $0x0  }
0xa4: {  	s25 =	simm.s32 $0x1B8E;
	s24 =	sld [smem:$0x3FFE];
	[sflag:s23] =	ssyncadd.s32 $0xFFFFFFFF  }
0xa5: {  	s26 =	simm.s32 $execute0_lowered;
	[smem:$0x3FD2] =	sst s25  }
0xa6: {  	s5 =	sshll.u32 s26, $0x1;
	_ =	strace $0x80000046;
	[dreg:$0x1] =	wrdreg $0xFFFFFFFF  }
0xa7: {  	s28 =	simm.s32 $_size_execute0_lowered;
	s3 =	sadd.s32 s3, s5;
	[dreg:$0x0] =	wrdreg $0x0  }
0xa8: {  	s5 =	sshll.u32 s28, $0x1;
	[dreg:$0x2] =	wrdreg s3  }
0xa9: {  	[dreg:$0x3] =	wrdreg s5  }
0xaa: {  	[dreg:$0x4] =	wrdreg $0xC0  }
0xab: {  	_ =	task [dreg:s7], $0x5FFFF  }
0xac: {  	[dreg:$0x1] =	wrdreg $0xFFFFFFFF  }
0xad: {  	[dreg:$0x0] =	wrdreg $0x60  }
0xae: {  	[dreg:$0x2] =	wrdreg s2  }
0xaf: {  	[dreg:$0x3] =	wrdreg s24  }
0xb0: {  	[dreg:$0x4] =	wrdreg $0x9  }
0xb1: {  	_ =	task.clear_ibuf [dreg:s7], $0x5FFFF;
	_ =	strace $0x90000046  }
0xb2: {  	s29 =	simm.s32 $0x9;
	_ =	strace $0x80000048  }
0xb3: {  	_ =	swait.ge [sflag:s29], $0x1  }
0xb4: {  	[sflag:s29] =	ssyncadd.s32 $0xFFFFFFFF  }
0xb5: {  	_ =	strace $0x90000048  }
0xb6: {  	_ =	sfence  }
0xb7: {  	s30 =	sld [smem:$0x0];
	_ =	sdelay $0x2  }
0xb8: {  	s31 =	sshll.u32 s1, $0xD;
	s1 =	sshrl.u32 s1, $0x2  }
0xb9: {  	s3 =	sand.u32 $0x4000, s31;
	s1 =	sadd.s32 s1, s30  }
0xba: {  	s0 =	sor.u32 s3, s0;
	s1 =	sshll.u32 s1, $0x11  }
0xbb: {  	s0 =	sor.u32 s1, s0  }
0xbc: {  	s0 =	sadd.s32 $0x8F2B, s0  }
0xbd: {  	[sflag:s0] =	ssyncadd.remote.s32 $0x1  }
0xbe: {  	_ =	sfence.sel $0xFFFF  }
0xbf: {  	[dreg:$0x0] =	wrdreg $0xFFFFFFFF;
	(pc) =	sbr.abs _section_cstart, $3  }
0xc0: {  	[dreg:$0x1] =	wrdreg $0xFFFFFFFF  }
0xc1: {  	_ =	task.clear_ibuf [dreg:s7], $0x2FFFF;
	_ =	strace $0x9FFFFFFF  }
0xc2: {  	(tm) =	ssettm $0x7FFFFFFF  }
0xc3: {  	_ =	shalt  }
tec
execute0_lowered:
.L_overlay_start_1:
0x0: {  	(tag) =	ssettag $0x1  }
0x1: {  	s0 =	rddreg [dreg:$0x0]  }
0x2: {  	s3 =	rddreg [dreg:$0x1]  }
0x3: {  	s2 =	simm.s32 $0x0;
	s4 =	srdreg.scid;
	s1 =	stileid.u32  }
0x4: {  	s17 =	simm.s32 $0x80;
	s18 =	simm.s32 $0x100;
	s19 =	simm.s32 $0x180  }
0x5: {  	s20 =	simm.s32 $0x200;
	s21 =	simm.s32 $0x280;
	s28 =	simm.s32 $0x580  }
0x6: {  	s29 =	simm.s32 $0x600;
	s30 =	simm.s32 $0x680;
	s31 =	simm.s32 $0x700  }
0x7: {  	[smem:$0x7FF] =	sst s2;
	s4 =	sand.u32 $0x1, s4;
	s6 =	sshll.u32 s1, $0x8  }
0x8: {  	s14 =	sadd.s32 $0x2000, s3;
	s5 =	ssub.s32 $0x2, s4;
	s4 =	sshll.u32 s4, $0x7  }
0x9: {  	_ =	strace $0x80000047;
	s22 =	sshrl.u32 s5, $0x1;
	s7 =	sor.u32 s4, s6  }
0xa: {  	s15 =	ssub.s32 s5, s22;
	s23 =	sadd.s32 s0, s7;
	s8 =	sor.u32 $0x10, s7  }
0xb: {  	s9 =	sor.u32 $0x20, s7;
	s10 =	sor.u32 $0x30, s7;
	s11 =	sor.u32 $0x40, s7  }
0xc: {  	s12 =	sor.u32 $0x50, s7;
	s13 =	sor.u32 $0x60, s7;
	s16 =	sor.u32 $0x70, s7  }
0xd: {  	s7 =	sadd.s32 s14, s7;
	s22 =	simm.s32 $0x300;
	[dreg:$0x3] =	wrdreg s23  }
0xe: {  	s24 =	sadd.s32 s0, s8;
	s25 =	sadd.s32 s0, s9;
	s26 =	sadd.s32 s0, s10  }
0xf: {  	s3 =	sadd.s32 s0, s11;
	s4 =	sadd.s32 s0, s12;
	s5 =	sadd.s32 s0, s13  }
0x10: {  	s6 =	sadd.s32 s0, s16;
	s8 =	sadd.s32 s14, s8;
	s9 =	sadd.s32 s14, s9  }
0x11: {  	s10 =	sadd.s32 s14, s10;
	s11 =	sadd.s32 s14, s11;
	s12 =	sadd.s32 s14, s12  }
0x12: {  	s13 =	sadd.s32 s14, s13;
	s14 =	sadd.s32 s14, s16;
	[dreg:$0x4] =	wrdreg s24  }
0x13: {  	s15 =	smax.u32 s15, $0x1;
	s16 =	simm.s32 $0x1;
	[dreg:$0x5] =	wrdreg s25  }
0x14: {  	s23 =	simm.s32 $0x380;
	s0 =	simm.s32 $0x780;
	[dreg:$0x6] =	wrdreg s26  }
0x15: {  	s24 =	simm.s32 $0x400;
	s25 =	simm.s32 $0x480;
	s26 =	simm.s32 $0x500  }
.LBB2_1:
0x16: {  	s1 =	rddreg [dreg:$0x3]  }
0x17: {  	[tilespmem:s2], [sflag:$0x1] =	stream.linear.gather [hbm4b:s1+s2], $0x80, $0x38;
	[tilespmem:$0x800] =	vst v63  }
0x18: {  	_ =	swait.ge [sflag:s16], $0x80  }
0x19: {  	[sflag:s16] =	ssyncset.done $0x0  }
0x1a: {  	s1 =	rddreg [dreg:$0x4];
	[sflag:s16] =	ssyncadd.s32 $0xFFFFFF80  }
0x1b: {  	[tilespmem:s17], [sflag:$0x1] =	stream.linear.gather [hbm4b:s1+s2], $0x80, $0x38;
	[tilespmem:$0x800] =	vst v63  }
0x1c: {  	_ =	swait.ge [sflag:s16], $0x80  }
0x1d: {  	[sflag:s16] =	ssyncset.done $0x0  }
0x1e: {  	s1 =	rddreg [dreg:$0x5];
	[sflag:s16] =	ssyncadd.s32 $0xFFFFFF80  }
0x1f: {  	[tilespmem:s18], [sflag:$0x1] =	stream.linear.gather [hbm4b:s1+s2], $0x80, $0x38;
	[tilespmem:$0x800] =	vst v63  }
0x20: {  	_ =	swait.ge [sflag:s16], $0x80  }
0x21: {  	[sflag:s16] =	ssyncset.done $0x0  }
0x22: {  	s1 =	rddreg [dreg:$0x6];
	[sflag:s16] =	ssyncadd.s32 $0xFFFFFF80  }
0x23: {  	[tilespmem:s19], [sflag:$0x1] =	stream.linear.gather [hbm4b:s1+s2], $0x80, $0x38;
	[tilespmem:$0x800] =	vst v63  }
0x24: {  	_ =	swait.ge [sflag:s16], $0x80  }
0x25: {  	[sflag:s16] =	ssyncset.done $0x0  }
0x26: {  	[sflag:s16] =	ssyncadd.s32 $0xFFFFFF80  }
0x27: {  	[tilespmem:s20], [sflag:$0x1] =	stream.linear.gather [hbm4b:s3+s2], $0x80, $0x38;
	[tilespmem:$0x800] =	vst v63  }
0x28: {  	_ =	swait.ge [sflag:s16], $0x80  }
0x29: {  	[sflag:s16] =	ssyncset.done $0x0  }
0x2a: {  	[sflag:s16] =	ssyncadd.s32 $0xFFFFFF80  }
0x2b: {  	[tilespmem:s21], [sflag:$0x1] =	stream.linear.gather [hbm4b:s4+s2], $0x80, $0x38;
	[tilespmem:$0x800] =	vst v63  }
0x2c: {  	_ =	swait.ge [sflag:s16], $0x80  }
0x2d: {  	[sflag:s16] =	ssyncset.done $0x0  }
0x2e: {  	[sflag:s16] =	ssyncadd.s32 $0xFFFFFF80  }
0x2f: {  	[tilespmem:s22], [sflag:$0x1] =	stream.linear.gather [hbm4b:s5+s2], $0x80, $0x38;
	[tilespmem:$0x800] =	vst v63  }
0x30: {  	_ =	swait.ge [sflag:s16], $0x80  }
0x31: {  	[sflag:s16] =	ssyncset.done $0x0  }
0x32: {  	[sflag:s16] =	ssyncadd.s32 $0xFFFFFF80  }
0x33: {  	[tilespmem:s23], [sflag:$0x1] =	stream.linear.gather [hbm4b:s6+s2], $0x80, $0x38;
	[tilespmem:$0x800] =	vst v63  }
0x34: {  	_ =	swait.ge [sflag:s16], $0x80  }
0x35: {  	[sflag:s16] =	ssyncset.done $0x0  }
0x36: {  	[sflag:s16] =	ssyncadd.s32 $0xFFFFFF80  }
0x37: {  	v0 =	vld [tilespmem:$0x0]  }
0x38: {  	v1 =	vld [tilespmem:$0x80]  }
0x39: {  	v2 =	vld [tilespmem:$0x100]  }
0x3a: {  	v3 =	vld [tilespmem:$0x180]  }
0x3b: {  	v4 =	vld [tilespmem:$0x200]  }
0x3c: {  	v5 =	vld [tilespmem:$0x280]  }
0x3d: {  	v6 =	vld [tilespmem:$0x300];
	v8 =	vmax.f32 v0, v1  }
0x3e: {  	v9 =	vld [tilespmem:$0x380];
	v8 =	vmax.f32 v8, v2  }
0x3f: {  	v8 =	vmax.f32 v8, v3  }
0x40: {  	v8 =	vmax.f32 v8, v4  }
0x41: {  	v8 =	vmax.f32 v8, v5  }
0x42: {  	v8 =	vmax.f32 v8, v6  }
0x43: {  	v8 =	vmax.f32 v8, v9  }
0x44: {  	v0 =	vsub.f32 v0, v8  }
0x45: {  	v1 =	vsub.f32 v1, v8  }
0x46: {  	v0 =	vmul.f32 $1.442695020e+00, v0  }
0x47: {  	v2 =	vsub.f32 v2, v8;
	v1 =	vmul.f32 $1.442695020e+00, v1  }
0x48: {  	(erf) = vpow2.f32 v0  }
0x49: {  	v40 =	vsub.f32 v3, v8;
	v39 =	vmul.f32 $1.442695020e+00, v2;
	(erf) = vpow2.f32 v1;
	_ =	sdelay $0x1  }
0x4a: {  	v42 =	vsub.f32 v4, v8;
	v41 =	vmul.f32 $1.442695020e+00, v40;
	(erf) = vpow2.f32 v39;
	_ =	sdelay $0x1  }
0x4b: {  	v44 =	vsub.f32 v5, v8;
	v43 =	vmul.f32 $1.442695020e+00, v42;
	(erf) = vpow2.f32 v41;
	_ =	sdelay $0x1  }
0x4c: {  	v46 =	vsub.f32 v6, v8;
	v45 =	vmul.f32 $1.442695020e+00, v44;
	(erf) = vpow2.f32 v43;
	_ =	sdelay $0x1  }
0x4d: {  	v49 =	vsub.f32 v9, v8;
	v48 =	vmul.f32 $1.442695020e+00, v46;
	v47 =	vpop (erf);
	(erf) = vpow2.f32 v45  }
0x4e: {  	v50 =	vpop (erf)  }
0x4f: {  	v51 =	vmul.f32 $1.442695020e+00, v49;
	(erf) = vpow2.f32 v48;
	v52 =	vadd.f32 v50, v47  }
0x50: {  	v53 =	vpop (erf)  }
0x51: {  	(erf) = vpow2.f32 v51;
	v54 =	vadd.f32 v52, v53  }
0x52: {  	v55 =	vpop (erf)  }
0x53: {  	v0 =	vadd.f32 v54, v55  }
0x54: {  	v56 =	vpop (erf)  }
0x55: {  	v0 =	vadd.f32 v0, v56  }
0x56: {  	v57 =	vpop (erf)  }
0x57: {  	v0 =	vadd.f32 v0, v57  }
0x58: {  	v58 =	vpop (erf)  }
0x59: {  	v0 =	vadd.f32 v0, v58  }
0x5a: {  	v59 =	vpop (erf)  }
0x5b: {  	v0 =	vadd.f32 v0, v59;
	_ =	sdelay $0x1  }
0x5c: {  	(erf) = vrcp.f32 v0;
	_ =	sdelay $0x8  }
0x5d: {  	v0 =	vpop (erf)  }
0x5e: {  	v2 =	vmul.f32 v0, v47;
	v3 =	vmul.f32 v0, v50  }
0x5f: {  	v4 =	vmul.f32 v0, v53  }
0x60: {  	v1 =	vmul.f32 v0, v55;
	v10 =	vmax.f32 v2, v3  }
0x61: {  	v5 =	vmul.f32 v0, v56;
	v10 =	vmax.f32 v10, v4  }
0x62: {  	v6 =	vmul.f32 v0, v57;
	v10 =	vmax.f32 v10, v1  }
0x63: {  	v8 =	vmul.f32 v0, v58;
	v10 =	vmax.f32 v10, v5  }
0x64: {  	v0 =	vmul.f32 v0, v59;
	v60 =	vmax.f32 v10, v6  }
0x65: {  	v9 =	vmax.f32 v60, v8  }
0x66: {  	v9 =	vmax.f32 v9, v0  }
0x67: {  	v7 =	vimm.s32 $0x8;
	vm0 =	veq.f32 v0, v9  }
0x68: {  	vm8 =	veq.f32 v8, v9;
	v61 =	vsel vm0, $0x7, v7  }
0x69: {  	vm9 =	veq.f32 v6, v9;
	v10 =	vsel vm8, $0x6, v61  }
0x6a: {  	vm10 =	veq.f32 v5, v9;
	v10 =	vsel vm9, $0x5, v10  }
0x6b: {  	vm11 =	veq.f32 v1, v9;
	v10 =	vsel vm10, $0x4, v10  }
0x6c: {  	vm12 =	veq.f32 v4, v9;
	v10 =	vsel vm11, $0x3, v10  }
0x6d: {  	vm13 =	veq.f32 v3, v9;
	v10 =	vsel vm12, $0x2, v10  }
0x6e: {  	vm1 =	vne.f32 v2, v9;
	vm5 =	veq.f32 v2, v9;
	v10 =	vsel vm13, $0x1, v10  }
0x6f: {  	vm7 =	vmand vm1, vm13;
	v9 =	vsel vm5, $0x0, v10  }
0x70: {  	v62 =	vsel vm5, $0xFF61B1E6, v2;
	v11 =	vsel vm7, $0xFF61B1E6, v3;
	vm6 =	veq.s32 v9, $0x2  }
0x71: {  	v13 =	vmax.f32 v62, v11;
	vm4 =	veq.s32 v9, $0x3;
	v12 =	vsel vm6, $0xFF61B1E6, v4  }
0x72: {  	vm3 =	veq.s32 v9, $0x4;
	v14 =	vsel vm4, $0xFF61B1E6, v1;
	v13 =	vmax.f32 v13, v12  }
0x73: {  	vm2 =	veq.s32 v9, $0x5;
	v15 =	vsel vm3, $0xFF61B1E6, v5;
	v13 =	vmax.f32 v13, v14  }
0x74: {  	vm1 =	veq.s32 v9, $0x6;
	v16 =	vsel vm2, $0xFF61B1E6, v6;
	v13 =	vmax.f32 v13, v15  }
0x75: {  	vm0 =	veq.s32 v9, $0x7;
	v17 =	vsel vm1, $0xFF61B1E6, v8;
	v63 =	vmax.f32 v13, v16  }
0x76: {  	v18 =	vsel vm0, $0xFF61B1E6, v0;
	v9 =	vmax.f32 v63, v17  }
0x77: {  	v9 =	vmax.f32 v9, v18  }
0x78: {  	v7 =	vimm.s32 $0x8;
	vm8 =	veq.f32 v18, v9  }
0x79: {  	vm14 =	veq.f32 v17, v9;
	v13 =	vsel vm8, $0x7, v7  }
0x7a: {  	vm15 =	veq.f32 v16, v9;
	v13 =	vsel vm14, $0x6, v13  }
0x7b: {  	vm12 =	veq.f32 v15, v9;
	v13 =	vsel vm15, $0x5, v13  }
0x7c: {  	vm13 =	veq.f32 v14, v9;
	v13 =	vsel vm12, $0x4, v13  }
0x7d: {  	vm14 =	veq.f32 v12, v9;
	v13 =	vsel vm13, $0x3, v13  }
0x7e: {  	vm9 =	vne.f32 v62, v9;
	vm15 =	veq.f32 v11, v9;
	v12 =	vsel vm14, $0x2, v13  }
0x7f: {  	vm10 =	veq.f32 v62, v9;
	vm8 =	vmand vm9, vm15;
	v11 =	vsel vm15, $0x1, v12  }
0x80: {  	vm5 =	vmor vm5, vm10;
	vm7 =	vmor vm7, vm8;
	v9 =	vsel vm10, $0x0, v11  }
0x81: {  	v19 =	vnsel vm5, $0x0, v2;
	v20 =	vnsel vm7, $0x0, v3;
	vm12 =	veq.s32 v9, $0x2  }
0x82: {  	v21 =	vld [tilespmem:$0x10];
	v2 =	vadd.f32 v20, v19;
	vm5 =	vmor vm6, vm12  }
0x83: {  	v23 =	vld [tilespmem:$0x90];
	vm13 =	veq.s32 v9, $0x3;
	v22 =	vnsel vm5, $0x0, v4  }
0x84: {  	v24 =	vld [tilespmem:$0x110];
	vm4 =	vmor vm4, vm13;
	v2 =	vadd.f32 v22, v2  }
0x85: {  	v26 =	vld [tilespmem:$0x190];
	vm14 =	veq.s32 v9, $0x4;
	v25 =	vnsel vm4, $0x0, v1  }
0x86: {  	v27 =	vld [tilespmem:$0x210];
	vm3 =	vmor vm3, vm14;
	v2 =	vadd.f32 v2, v25  }
0x87: {  	v29 =	vld [tilespmem:$0x290];
	vm15 =	veq.s32 v9, $0x5;
	v28 =	vnsel vm3, $0x0, v5  }
0x88: {  	v30 =	vld [tilespmem:$0x310];
	v31 =	vmax.f32 v21, v23;
	vm2 =	vmor vm2, vm15;
	v2 =	vadd.f32 v2, v28  }
0x89: {  	v33 =	vld [tilespmem:$0x390];
	v13 =	vmax.f32 v31, v24;
	v32 =	vnsel vm2, $0x0, v6;
	vm5 =	veq.s32 v9, $0x6  }
0x8a: {  	v13 =	vmax.f32 v13, v26;
	vm1 =	vmor vm1, vm5;
	v2 =	vadd.f32 v2, v32  }
0x8b: {  	v35 =	vmax.f32 v13, v27;
	vm6 =	veq.s32 v9, $0x7;
	v34 =	vnsel vm1, $0x0, v8  }
0x8c: {  	v36 =	vmax.f32 v35, v29;
	vm0 =	vmor vm0, vm6;
	v2 =	vadd.f32 v2, v34  }
0x8d: {  	v38 =	vmax.f32 v36, v30;
	v37 =	vnsel vm0, $0x0, v0  }
0x8e: {  	v0 =	vmax.f32 v38, v33;
	v2 =	vadd.f32 v2, v37  }
0x8f: {  	v3 =	vsub.f32 v21, v0  }
0x90: {  	v4 =	vsub.f32 v23, v0;
	v2 =	vadd.f32 $9.999999710e-10, v2  }
0x91: {  	v3 =	vmul.f32 $1.442695020e+00, v3  }
0x92: {  	v40 =	vsub.f32 v24, v0;
	v39 =	vmul.f32 $1.442695020e+00, v4;
	(erf) = vrcp.f32 v2  }
0x93: {  	(erf) = vpow2.f32 v3  }
0x94: {  	v1 =	vsub.f32 v26, v0;
	v41 =	vmul.f32 $1.442695020e+00, v40;
	(erf) = vpow2.f32 v39;
	_ =	sdelay $0x1  }
0x95: {  	v42 =	vsub.f32 v27, v0;
	v1 =	vmul.f32 $1.442695020e+00, v1;
	(erf) = vpow2.f32 v41;
	_ =	sdelay $0x1  }
0x96: {  	v44 =	vsub.f32 v29, v0;
	v43 =	vmul.f32 $1.442695020e+00, v42;
	(erf) = vpow2.f32 v1;
	_ =	sdelay $0x1  }
0x97: {  	v46 =	vsub.f32 v30, v0;
	v45 =	vmul.f32 $1.442695020e+00, v44;
	(erf) = vpow2.f32 v43  }
0x98: {  	v47 =	vpop (erf)  }
0x99: {  	v0 =	vsub.f32 v33, v0;
	v49 =	vmul.f32 $1.442695020e+00, v46;
	v48 =	vpop (erf);
	(erf) = vpow2.f32 v45  }
0x9a: {  	v50 =	vpop (erf)  }
0x9b: {  	v0 =	vmul.f32 $1.442695020e+00, v0;
	(erf) = vpow2.f32 v49;
	v51 =	vadd.f32 v50, v48  }
0x9c: {  	v52 =	vpop (erf)  }
0x9d: {  	(erf) = vpow2.f32 v0;
	v53 =	vadd.f32 v51, v52  }
0x9e: {  	v54 =	vpop (erf)  }
0x9f: {  	v0 =	vadd.f32 v53, v54  }
0xa0: {  	v55 =	vpop (erf)  }
0xa1: {  	v0 =	vadd.f32 v0, v55  }
0xa2: {  	v56 =	vpop (erf)  }
0xa3: {  	v0 =	vadd.f32 v0, v56  }
0xa4: {  	v57 =	vpop (erf)  }
0xa5: {  	v0 =	vadd.f32 v0, v57  }
0xa6: {  	v58 =	vpop (erf)  }
0xa7: {  	v0 =	vadd.f32 v0, v58;
	_ =	sdelay $0x1  }
0xa8: {  	(erf) = vrcp.f32 v0;
	_ =	sdelay $0x8  }
0xa9: {  	v0 =	vpop (erf)  }
0xaa: {  	v3 =	vmul.f32 v0, v48;
	v2 =	vmul.f32 v0, v50  }
0xab: {  	v4 =	vmul.f32 v0, v52  }
0xac: {  	v1 =	vmul.f32 v0, v54;
	v59 =	vmax.f32 v3, v2  }
0xad: {  	v5 =	vmul.f32 v0, v55;
	v12 =	vmax.f32 v59, v4  }
0xae: {  	v6 =	vmul.f32 v0, v56;
	v12 =	vmax.f32 v12, v1  }
0xaf: {  	v60 =	vmul.f32 v0, v57;
	v61 =	vmax.f32 v12, v5  }
0xb0: {  	v0 =	vmul.f32 v0, v58;
	v10 =	vmax.f32 v61, v6  }
0xb1: {  	v10 =	vmax.f32 v10, v60  }
0xb2: {  	v10 =	vmax.f32 v10, v0  }
0xb3: {  	vm7 =	veq.f32 v0, v10  }
0xb4: {  	vm8 =	veq.f32 v60, v10;
	v62 =	vsel vm7, $0x7, v7  }
0xb5: {  	vm9 =	veq.f32 v6, v10;
	v11 =	vsel vm8, $0x6, v62  }
0xb6: {  	vm10 =	veq.f32 v5, v10;
	v11 =	vsel vm9, $0x5, v11  }
0xb7: {  	vm11 =	veq.f32 v1, v10;
	v11 =	vsel vm10, $0x4, v11  }
0xb8: {  	vm12 =	veq.f32 v4, v10;
	v11 =	vsel vm11, $0x3, v11  }
0xb9: {  	vm13 =	veq.f32 v2, v10;
	v11 =	vsel vm12, $0x2, v11  }
0xba: {  	vm14 =	vne.f32 v3, v10;
	vm5 =	veq.f32 v3, v10;
	v11 =	vsel vm13, $0x1, v11  }
0xbb: {  	vm7 =	vmand vm14, vm13;
	v10 =	vsel vm5, $0x0, v11  }
0xbc: {  	v63 =	vsel vm5, $0xFF61B1E6, v3;
	v21 =	vsel vm7, $0xFF61B1E6, v2;
	vm6 =	veq.s32 v10, $0x2  }
0xbd: {  	[tilespmem:$0x1FF10] =	vst v22;
	v23 =	vmax.f32 v63, v21;
	vm4 =	veq.s32 v10, $0x3;
	v22 =	vsel vm6, $0xFF61B1E6, v4  }
0xbe: {  	vm3 =	veq.s32 v10, $0x4;
	v24 =	vsel vm4, $0xFF61B1E6, v1;
	v14 =	vmax.f32 v23, v22  }
0xbf: {  	[tilespmem:$0x1FF20] =	vst v25;
	vm2 =	veq.s32 v10, $0x5;
	v25 =	vsel vm3, $0xFF61B1E6, v5;
	v14 =	vmax.f32 v14, v24  }
0xc0: {  	vm1 =	veq.s32 v10, $0x6;
	v18 =	vsel vm2, $0xFF61B1E6, v6;
	v14 =	vmax.f32 v14, v25  }
0xc1: {  	[tilespmem:$0x1FEE0] =	vst v19;
	vm0 =	veq.s32 v10, $0x7;
	v19 =	vsel vm1, $0xFF61B1E6, v60;
	v26 =	vmax.f32 v14, v18  }
0xc2: {  	v27 =	vsel vm0, $0xFF61B1E6, v0;
	v10 =	vmax.f32 v26, v19  }
0xc3: {  	v10 =	vmax.f32 v10, v27  }
0xc4: {  	vm15 =	veq.f32 v27, v10  }
0xc5: {  	vm12 =	veq.f32 v19, v10;
	v14 =	vsel vm15, $0x7, v7  }
0xc6: {  	vm13 =	veq.f32 v18, v10;
	v14 =	vsel vm12, $0x6, v14  }
0xc7: {  	vm14 =	veq.f32 v25, v10;
	v14 =	vsel vm13, $0x5, v14  }
0xc8: {  	vm15 =	veq.f32 v24, v10;
	v14 =	vsel vm14, $0x4, v14  }
0xc9: {  	vm12 =	veq.f32 v22, v10;
	v14 =	vsel vm15, $0x3, v14  }
0xca: {  	vm13 =	veq.f32 v21, v10;
	vm14 =	vne.f32 v63, v10;
	v13 =	vsel vm12, $0x2, v14  }
0xcb: {  	vm15 =	veq.f32 v63, v10;
	vm8 =	vmand vm14, vm13;
	v12 =	vsel vm13, $0x1, v13  }
0xcc: {  	[tilespmem:$0x1FF30] =	vst v28;
	vm5 =	vmor vm5, vm15;
	vm7 =	vmor vm7, vm8;
	v28 =	vsel vm15, $0x0, v12  }
0xcd: {  	v3 =	vnsel vm5, $0x0, v3;
	v2 =	vnsel vm7, $0x0, v2;
	vm12 =	veq.s32 v28, $0x2  }
0xce: {  	v31 =	vld [tilespmem:$0xA0];
	[tilespmem:$0x1FF80] =	vst v2;
	v2 =	vadd.f32 v2, v3;
	vm5 =	vmor vm6, vm12  }
0xcf: {  	v29 =	vld [tilespmem:$0x20];
	vm13 =	veq.s32 v28, $0x3;
	v30 =	vnsel vm5, $0x0, v4  }
0xd0: {  	[tilespmem:$0x1FF40] =	vst v32;
	v32 =	vld [tilespmem:$0x120];
	vm4 =	vmor vm4, vm13;
	v2 =	vadd.f32 v30, v2  }
0xd1: {  	[tilespmem:$0x1FF50] =	vst v34;
	v34 =	vld [tilespmem:$0x1A0];
	vm14 =	veq.s32 v28, $0x4;
	v33 =	vnsel vm4, $0x0, v1  }
0xd2: {  	v35 =	vld [tilespmem:$0x220];
	vm3 =	vmor vm3, vm14;
	v2 =	vadd.f32 v2, v33  }
0xd3: {  	[tilespmem:$0x1FF60] =	vst v37;
	v37 =	vld [tilespmem:$0x2A0];
	vm15 =	veq.s32 v28, $0x5;
	v36 =	vnsel vm3, $0x0, v5  }
0xd4: {  	[tilespmem:$0x1FF00] =	vst v20;
	v20 =	vld [tilespmem:$0x320];
	v21 =	vmax.f32 v29, v31;
	vm2 =	vmor vm2, vm15;
	v2 =	vadd.f32 v2, v36  }
0xd5: {  	v39 =	vld [tilespmem:$0x3A0];
	v21 =	vmax.f32 v21, v32;
	v38 =	vnsel vm2, $0x0, v6;
	vm5 =	veq.s32 v28, $0x6  }
0xd6: {  	v21 =	vmax.f32 v21, v34;
	vm1 =	vmor vm1, vm5;
	v2 =	vadd.f32 v2, v38  }
0xd7: {  	v41 =	vmax.f32 v21, v35;
	vm6 =	veq.s32 v28, $0x7;
	v40 =	vnsel vm1, $0x0, v60  }
0xd8: {  	v21 =	vmax.f32 v41, v37;
	vm0 =	vmor vm0, vm6;
	v2 =	vadd.f32 v2, v40  }
0xd9: {  	v42 =	vmax.f32 v21, v20;
	v17 =	vnsel vm0, $0x0, v0  }
0xda: {  	v0 =	vmax.f32 v42, v39;
	v2 =	vadd.f32 v2, v17  }
0xdb: {  	[tilespmem:$0x1FF70] =	vst v3;
	v3 =	vsub.f32 v29, v0  }
0xdc: {  	v4 =	vsub.f32 v31, v0;
	v2 =	vadd.f32 $9.999999710e-10, v2  }
0xdd: {  	v3 =	vmul.f32 $1.442695020e+00, v3  }
0xde: {  	v44 =	vsub.f32 v32, v0;
	v43 =	vmul.f32 $1.442695020e+00, v4;
	(erf) = vrcp.f32 v2  }
0xdf: {  	(erf) = vpow2.f32 v3  }
0xe0: {  	v1 =	vsub.f32 v34, v0;
	v45 =	vmul.f32 $1.442695020e+00, v44;
	(erf) = vpow2.f32 v43;
	_ =	sdelay $0x1  }
0xe1: {  	v46 =	vsub.f32 v35, v0;
	v1 =	vmul.f32 $1.442695020e+00, v1;
	(erf) = vpow2.f32 v45;
	_ =	sdelay $0x1  }
0xe2: {  	[tilespmem:$0x1FEF0] =	vst v47;
	v48 =	vsub.f32 v37, v0;
	v47 =	vmul.f32 $1.442695020e+00, v46;
	(erf) = vpow2.f32 v1;
	_ =	sdelay $0x1  }
0xe3: {  	v50 =	vsub.f32 v20, v0;
	v49 =	vmul.f32 $1.442695020e+00, v48;
	(erf) = vpow2.f32 v47  }
0xe4: {  	v18 =	vpop (erf)  }
0xe5: {  	v0 =	vsub.f32 v39, v0;
	v51 =	vmul.f32 $1.442695020e+00, v50;
	v3 =	vpop (erf);
	(erf) = vpow2.f32 v49  }
0xe6: {  	v52 =	vpop (erf)  }
0xe7: {  	v0 =	vmul.f32 $1.442695020e+00, v0;
	(erf) = vpow2.f32 v51;
	v53 =	vadd.f32 v52, v3  }
0xe8: {  	v54 =	vpop (erf)  }
0xe9: {  	(erf) = vpow2.f32 v0;
	v55 =	vadd.f32 v53, v54  }
0xea: {  	v56 =	vpop (erf)  }
0xeb: {  	v0 =	vadd.f32 v55, v56  }
0xec: {  	v57 =	vpop (erf)  }
0xed: {  	v0 =	vadd.f32 v0, v57  }
0xee: {  	v58 =	vpop (erf)  }
0xef: {  	v0 =	vadd.f32 v0, v58  }
0xf0: {  	v59 =	vpop (erf)  }
0xf1: {  	v0 =	vadd.f32 v0, v59  }
0xf2: {  	v60 =	vpop (erf)  }
0xf3: {  	v0 =	vadd.f32 v0, v60;
	_ =	sdelay $0x1  }
0xf4: {  	(erf) = vrcp.f32 v0;
	_ =	sdelay $0x8  }
0xf5: {  	v0 =	vpop (erf)  }
0xf6: {  	v3 =	vmul.f32 v0, v3;
	v2 =	vmul.f32 v0, v52  }
0xf7: {  	v4 =	vmul.f32 v0, v54  }
0xf8: {  	v1 =	vmul.f32 v0, v56;
	v61 =	vmax.f32 v3, v2  }
0xf9: {  	v5 =	vmul.f32 v0, v57;
	v21 =	vmax.f32 v61, v4  }
0xfa: {  	v6 =	vmul.f32 v0, v58;
	v21 =	vmax.f32 v21, v1  }
0xfb: {  	v25 =	vmul.f32 v0, v59;
	v62 =	vmax.f32 v21, v5  }
0xfc: {  	v0 =	vmul.f32 v0, v60;
	v19 =	vmax.f32 v62, v6  }
0xfd: {  	v19 =	vmax.f32 v19, v25  }
0xfe: {  	v19 =	vmax.f32 v19, v0  }
0xff: {  	v63 =	vimm.s32 $0x8;
	vm7 =	veq.f32 v0, v19  }
0x100: {  	vm8 =	veq.f32 v25, v19;
	v9 =	vsel vm7, $0x7, v63  }
0x101: {  	vm9 =	veq.f32 v6, v19;
	v20 =	vsel vm8, $0x6, v9  }
0x102: {  	vm10 =	veq.f32 v5, v19;
	v20 =	vsel vm9, $0x5, v20  }
0x103: {  	vm11 =	veq.f32 v1, v19;
	v20 =	vsel vm10, $0x4, v20  }
0x104: {  	vm12 =	veq.f32 v4, v19;
	v20 =	vsel vm11, $0x3, v20  }
0x105: {  	vm13 =	veq.f32 v2, v19;
	v20 =	vsel vm12, $0x2, v20  }
0x106: {  	vm14 =	vne.f32 v3, v19;
	vm5 =	veq.f32 v3, v19;
	v20 =	vsel vm13, $0x1, v20  }
0x107: {  	vm7 =	vmand vm14, vm13;
	v19 =	vsel vm5, $0x0, v20  }
0x108: {  	v10 =	vsel vm5, $0xFF61B1E6, v3;
	v11 =	vsel vm7, $0xFF61B1E6, v2;
	vm6 =	veq.s32 v19, $0x2  }
0x109: {  	v23 =	vmax.f32 v10, v11;
	vm4 =	veq.s32 v19, $0x3;
	v22 =	vsel vm6, $0xFF61B1E6, v4  }
0x10a: {  	vm3 =	veq.s32 v19, $0x4;
	v24 =	vsel vm4, $0xFF61B1E6, v1;
	v23 =	vmax.f32 v23, v22  }
0x10b: {  	vm2 =	veq.s32 v19, $0x5;
	v26 =	vsel vm3, $0xFF61B1E6, v5;
	v23 =	vmax.f32 v23, v24  }
0x10c: {  	vm1 =	veq.s32 v19, $0x6;
	v27 =	vsel vm2, $0xFF61B1E6, v6;
	v23 =	vmax.f32 v23, v26  }
0x10d: {  	vm0 =	veq.s32 v19, $0x7;
	v28 =	vsel vm1, $0xFF61B1E6, v25;
	v12 =	vmax.f32 v23, v27  }
0x10e: {  	v13 =	vsel vm0, $0xFF61B1E6, v0;
	v19 =	vmax.f32 v12, v28  }
0x10f: {  	v19 =	vmax.f32 v19, v13  }
0x110: {  	vm15 =	veq.f32 v13, v19  }
0x111: {  	vm12 =	veq.f32 v28, v19;
	v23 =	vsel vm15, $0x7, v63  }
0x112: {  	vm13 =	veq.f32 v27, v19;
	v23 =	vsel vm12, $0x6, v23  }
0x113: {  	vm14 =	veq.f32 v26, v19;
	v23 =	vsel vm13, $0x5, v23  }
0x114: {  	vm15 =	veq.f32 v24, v19;
	v23 =	vsel vm14, $0x4, v23  }
0x115: {  	vm12 =	veq.f32 v22, v19;
	v23 =	vsel vm15, $0x3, v23  }
0x116: {  	vm13 =	veq.f32 v11, v19;
	vm14 =	vne.f32 v10, v19;
	v22 =	vsel vm12, $0x2, v23  }
0x117: {  	vm15 =	veq.f32 v10, v19;
	vm8 =	vmand vm14, vm13;
	v21 =	vsel vm13, $0x1, v22  }
0x118: {  	vm5 =	vmor vm5, vm15;
	vm7 =	vmor vm7, vm8;
	v14 =	vsel vm15, $0x0, v21  }
0x119: {  	v2 =	vnsel vm7, $0x0, v2;
	v21 =	vnsel vm5, $0x0, v3;
	vm12 =	veq.s32 v14, $0x2  }
0x11a: {  	v15 =	vld [tilespmem:$0x30];
	[tilespmem:$0x1FFE0] =	vst v2;
	v2 =	vadd.f32 v2, v21;
	vm5 =	vmor vm6, vm12  }
0x11b: {  	v19 =	vld [tilespmem:$0xB0];
	vm13 =	veq.s32 v14, $0x3;
	v16 =	vnsel vm5, $0x0, v4  }
0x11c: {  	[tilespmem:$0x1FFA0] =	vst v33;
	v33 =	vld [tilespmem:$0x130];
	vm4 =	vmor vm4, vm13;
	v2 =	vadd.f32 v16, v2  }
0x11d: {  	v34 =	vld [tilespmem:$0x1B0];
	vm14 =	veq.s32 v14, $0x4;
	v22 =	vnsel vm4, $0x0, v1  }
0x11e: {  	v35 =	vld [tilespmem:$0x230];
	vm3 =	vmor vm3, vm14;
	v2 =	vadd.f32 v2, v22  }
0x11f: {  	[tilespmem:$0x1FFB0] =	vst v36;
	v36 =	vld [tilespmem:$0x2B0];
	vm15 =	veq.s32 v14, $0x5;
	v23 =	vnsel vm3, $0x0, v5  }
0x120: {  	[tilespmem:$0x1FF90] =	vst v30;
	v29 =	vld [tilespmem:$0x330];
	vm2 =	vmor vm2, vm15;
	v30 =	vmax.f32 v15, v19;
	v2 =	vadd.f32 v2, v23  }
0x121: {  	v37 =	vld [tilespmem:$0x3B0];
	v24 =	vnsel vm2, $0x0, v6;
	vm5 =	veq.s32 v14, $0x6;
	v30 =	vmax.f32 v30, v33  }
0x122: {  	vm1 =	vmor vm1, vm5;
	v30 =	vmax.f32 v30, v34;
	v2 =	vadd.f32 v2, v24  }
0x123: {  	[tilespmem:$0x1FFC0] =	vst v38;
	vm6 =	veq.s32 v14, $0x7;
	v25 =	vnsel vm1, $0x0, v25;
	v38 =	vmax.f32 v30, v35  }
0x124: {  	vm0 =	vmor vm0, vm6;
	v30 =	vmax.f32 v38, v36;
	v2 =	vadd.f32 v2, v25  }
0x125: {  	v26 =	vnsel vm0, $0x0, v0;
	v39 =	vmax.f32 v30, v29  }
0x126: {  	v0 =	vmax.f32 v39, v37;
	v2 =	vadd.f32 v2, v26  }
0x127: {  	v3 =	vsub.f32 v15, v0  }
0x128: {  	v4 =	vsub.f32 v19, v0;
	v2 =	vadd.f32 $9.999999710e-10, v2  }
0x129: {  	v3 =	vmul.f32 $1.442695020e+00, v3  }
0x12a: {  	[tilespmem:$0x1FFD0] =	vst v40;
	v41 =	vsub.f32 v33, v0;
	v40 =	vmul.f32 $1.442695020e+00, v4;
	(erf) = vrcp.f32 v2  }
0x12b: {  	(erf) = vpow2.f32 v3  }
0x12c: {  	v1 =	vsub.f32 v34, v0;
	v42 =	vmul.f32 $1.442695020e+00, v41;
	(erf) = vpow2.f32 v40;
	_ =	sdelay $0x1  }
0x12d: {  	v43 =	vsub.f32 v35, v0;
	v1 =	vmul.f32 $1.442695020e+00, v1;
	(erf) = vpow2.f32 v42;
	_ =	sdelay $0x1  }
0x12e: {  	v45 =	vsub.f32 v36, v0;
	v44 =	vmul.f32 $1.442695020e+00, v43;
	(erf) = vpow2.f32 v1;
	_ =	sdelay $0x1  }
0x12f: {  	v47 =	vsub.f32 v29, v0;
	v46 =	vmul.f32 $1.442695020e+00, v45;
	(erf) = vpow2.f32 v44  }
0x130: {  	v27 =	vpop (erf)  }
0x131: {  	v0 =	vsub.f32 v37, v0;
	v48 =	vmul.f32 $1.442695020e+00, v47;
	v3 =	vpop (erf);
	(erf) = vpow2.f32 v46  }
0x132: {  	v49 =	vpop (erf)  }
0x133: {  	v0 =	vmul.f32 $1.442695020e+00, v0;
	(erf) = vpow2.f32 v48;
	v50 =	vadd.f32 v49, v3  }
0x134: {  	v51 =	vpop (erf)  }
0x135: {  	(erf) = vpow2.f32 v0;
	v52 =	vadd.f32 v50, v51  }
0x136: {  	v53 =	vpop (erf)  }
0x137: {  	v0 =	vadd.f32 v52, v53  }
0x138: {  	v54 =	vpop (erf)  }
0x139: {  	v0 =	vadd.f32 v0, v54  }
0x13a: {  	v55 =	vpop (erf)  }
0x13b: {  	v0 =	vadd.f32 v0, v55  }
0x13c: {  	v56 =	vpop (erf)  }
0x13d: {  	v0 =	vadd.f32 v0, v56  }
0x13e: {  	v57 =	vpop (erf)  }
0x13f: {  	v0 =	vadd.f32 v0, v57;
	_ =	sdelay $0x1  }
0x140: {  	(erf) = vrcp.f32 v0;
	_ =	sdelay $0x8  }
0x141: {  	v0 =	vpop (erf)  }
0x142: {  	v3 =	vmul.f32 v0, v3;
	v2 =	vmul.f32 v0, v49  }
0x143: {  	v4 =	vmul.f32 v0, v51  }
0x144: {  	v1 =	vmul.f32 v0, v53;
	v58 =	vmax.f32 v3, v2  }
0x145: {  	v5 =	vmul.f32 v0, v54;
	v30 =	vmax.f32 v58, v4  }
0x146: {  	v6 =	vmul.f32 v0, v55;
	v30 =	vmax.f32 v30, v1  }
0x147: {  	v34 =	vmul.f32 v0, v56;
	v59 =	vmax.f32 v30, v5  }
0x148: {  	v0 =	vmul.f32 v0, v57;
	v28 =	vmax.f32 v59, v6  }
0x149: {  	v28 =	vmax.f32 v28, v34  }
0x14a: {  	v28 =	vmax.f32 v28, v0  }
0x14b: {  	v60 =	vimm.s32 $0x8;
	vm7 =	veq.f32 v0, v28  }
0x14c: {  	vm8 =	veq.f32 v34, v28;
	v61 =	vsel vm7, $0x7, v60  }
0x14d: {  	vm9 =	veq.f32 v6, v28;
	v29 =	vsel vm8, $0x6, v61  }
0x14e: {  	vm10 =	veq.f32 v5, v28;
	v29 =	vsel vm9, $0x5, v29  }
0x14f: {  	vm11 =	veq.f32 v1, v28;
	v29 =	vsel vm10, $0x4, v29  }
0x150: {  	vm12 =	veq.f32 v4, v28;
	v29 =	vsel vm11, $0x3, v29  }
0x151: {  	vm13 =	veq.f32 v2, v28;
	v29 =	vsel vm12, $0x2, v29  }
0x152: {  	vm14 =	vne.f32 v3, v28;
	vm5 =	veq.f32 v3, v28;
	v29 =	vsel vm13, $0x1, v29  }
0x153: {  	vm7 =	vmand vm14, vm13;
	v28 =	vsel vm5, $0x0, v29  }
0x154: {  	v62 =	vsel vm5, $0xFF61B1E6, v3;
	v63 =	vsel vm7, $0xFF61B1E6, v2;
	vm6 =	veq.s32 v28, $0x2  }
0x155: {  	v32 =	vmax.f32 v62, v63;
	vm4 =	veq.s32 v28, $0x3;
	v31 =	vsel vm6, $0xFF61B1E6, v4  }
0x156: {  	vm3 =	veq.s32 v28, $0x4;
	v33 =	vsel vm4, $0xFF61B1E6, v1;
	v32 =	vmax.f32 v32, v31  }
0x157: {  	vm2 =	veq.s32 v28, $0x5;
	v35 =	vsel vm3, $0xFF61B1E6, v5;
	v32 =	vmax.f32 v32, v33  }
0x158: {  	vm1 =	veq.s32 v28, $0x6;
	v36 =	vsel vm2, $0xFF61B1E6, v6;
	v32 =	vmax.f32 v32, v35  }
0x159: {  	vm0 =	veq.s32 v28, $0x7;
	v37 =	vsel vm1, $0xFF61B1E6, v34;
	v8 =	vmax.f32 v32, v36  }
0x15a: {  	v9 =	vsel vm0, $0xFF61B1E6, v0;
	v28 =	vmax.f32 v8, v37  }
0x15b: {  	v28 =	vmax.f32 v28, v9  }
0x15c: {  	vm15 =	veq.f32 v9, v28  }
0x15d: {  	vm12 =	veq.f32 v37, v28;
	v32 =	vsel vm15, $0x7, v60  }
0x15e: {  	vm13 =	veq.f32 v36, v28;
	v32 =	vsel vm12, $0x6, v32  }
0x15f: {  	vm14 =	veq.f32 v35, v28;
	v32 =	vsel vm13, $0x5, v32  }
0x160: {  	vm15 =	veq.f32 v33, v28;
	v32 =	vsel vm14, $0x4, v32  }
0x161: {  	vm12 =	veq.f32 v31, v28;
	v32 =	vsel vm15, $0x3, v32  }
0x162: {  	vm13 =	veq.f32 v63, v28;
	vm14 =	vne.f32 v62, v28;
	v31 =	vsel vm12, $0x2, v32  }
0x163: {  	vm15 =	veq.f32 v62, v28;
	vm8 =	vmand vm14, vm13;
	v30 =	vsel vm13, $0x1, v31  }
0x164: {  	vm5 =	vmor vm5, vm15;
	vm7 =	vmor vm7, vm8;
	v10 =	vsel vm15, $0x0, v30  }
0x165: {  	v28 =	vnsel vm7, $0x0, v2;
	v30 =	vnsel vm5, $0x0, v3;
	vm12 =	veq.s32 v10, $0x2  }
0x166: {  	v12 =	vld [tilespmem:$0xC0];
	v2 =	vadd.f32 v28, v30;
	vm5 =	vmor vm6, vm12  }
0x167: {  	v11 =	vld [tilespmem:$0x40];
	vm13 =	veq.s32 v10, $0x3;
	v29 =	vnsel vm5, $0x0, v4  }
0x168: {  	v13 =	vld [tilespmem:$0x140];
	vm4 =	vmor vm4, vm13;
	v2 =	vadd.f32 v29, v2  }
0x169: {  	v14 =	vld [tilespmem:$0x1C0];
	vm14 =	veq.s32 v10, $0x4;
	v31 =	vnsel vm4, $0x0, v1  }
0x16a: {  	v15 =	vld [tilespmem:$0x240];
	vm3 =	vmor vm3, vm14;
	v2 =	vadd.f32 v2, v31  }
0x16b: {  	[tilespmem:$0x1FFF0] =	vst v16;
	v16 =	vld [tilespmem:$0x2C0];
	vm15 =	veq.s32 v10, $0x5;
	v32 =	vnsel vm3, $0x0, v5  }
0x16c: {  	v38 =	vld [tilespmem:$0x340];
	v39 =	vmax.f32 v11, v12;
	vm2 =	vmor vm2, vm15;
	v2 =	vadd.f32 v2, v32  }
0x16d: {  	v19 =	vld [tilespmem:$0x3C0];
	v39 =	vmax.f32 v39, v13;
	v33 =	vnsel vm2, $0x0, v6;
	vm5 =	veq.s32 v10, $0x6  }
0x16e: {  	v39 =	vmax.f32 v39, v14;
	vm1 =	vmor vm1, vm5;
	v2 =	vadd.f32 v2, v33  }
0x16f: {  	v40 =	vmax.f32 v39, v15;
	vm6 =	veq.s32 v10, $0x7;
	v34 =	vnsel vm1, $0x0, v34  }
0x170: {  	v39 =	vmax.f32 v40, v16;
	vm0 =	vmor vm0, vm6;
	v2 =	vadd.f32 v2, v34  }
0x171: {  	v41 =	vmax.f32 v39, v38;
	v35 =	vnsel vm0, $0x0, v0  }
0x172: {  	v0 =	vmax.f32 v41, v19;
	v2 =	vadd.f32 v2, v35  }
0x173: {  	v3 =	vsub.f32 v11, v0  }
0x174: {  	v4 =	vsub.f32 v12, v0;
	v2 =	vadd.f32 $9.999999710e-10, v2  }
0x175: {  	v3 =	vmul.f32 $1.442695020e+00, v3  }
0x176: {  	v43 =	vsub.f32 v13, v0;
	v42 =	vmul.f32 $1.442695020e+00, v4;
	(erf) = vrcp.f32 v2  }
0x177: {  	(erf) = vpow2.f32 v3  }
0x178: {  	v1 =	vsub.f32 v14, v0;
	v44 =	vmul.f32 $1.442695020e+00, v43;
	(erf) = vpow2.f32 v42;
	_ =	sdelay $0x1  }
0x179: {  	v45 =	vsub.f32 v15, v0;
	v1 =	vmul.f32 $1.442695020e+00, v1;
	(erf) = vpow2.f32 v44;
	_ =	sdelay $0x1  }
0x17a: {  	v47 =	vsub.f32 v16, v0;
	v46 =	vmul.f32 $1.442695020e+00, v45;
	(erf) = vpow2.f32 v1;
	_ =	sdelay $0x1  }
0x17b: {  	v49 =	vsub.f32 v38, v0;
	v48 =	vmul.f32 $1.442695020e+00, v47;
	(erf) = vpow2.f32 v46  }
0x17c: {  	v36 =	vpop (erf)  }
0x17d: {  	v0 =	vsub.f32 v19, v0;
	v50 =	vmul.f32 $1.442695020e+00, v49;
	v3 =	vpop (erf);
	(erf) = vpow2.f32 v48  }
0x17e: {  	v51 =	vpop (erf)  }
0x17f: {  	v0 =	vmul.f32 $1.442695020e+00, v0;
	(erf) = vpow2.f32 v50;
	v52 =	vadd.f32 v51, v3  }
0x180: {  	v53 =	vpop (erf)  }
0x181: {  	(erf) = vpow2.f32 v0;
	v54 =	vadd.f32 v52, v53  }
0x182: {  	v55 =	vpop (erf)  }
0x183: {  	v0 =	vadd.f32 v54, v55  }
0x184: {  	v56 =	vpop (erf)  }
0x185: {  	v0 =	vadd.f32 v0, v56  }
0x186: {  	v57 =	vpop (erf)  }
0x187: {  	v0 =	vadd.f32 v0, v57  }
0x188: {  	v58 =	vpop (erf)  }
0x189: {  	v0 =	vadd.f32 v0, v58  }
0x18a: {  	v59 =	vpop (erf)  }
0x18b: {  	v0 =	vadd.f32 v0, v59;
	_ =	sdelay $0x1  }
0x18c: {  	(erf) = vrcp.f32 v0;
	_ =	sdelay $0x8  }
0x18d: {  	v0 =	vpop (erf)  }
0x18e: {  	v3 =	vmul.f32 v0, v3;
	v2 =	vmul.f32 v0, v51  }
0x18f: {  	v4 =	vmul.f32 v0, v53  }
0x190: {  	v1 =	vmul.f32 v0, v55;
	v60 =	vmax.f32 v3, v2  }
0x191: {  	v5 =	vmul.f32 v0, v56;
	v39 =	vmax.f32 v60, v4  }
0x192: {  	v6 =	vmul.f32 v0, v57;
	v39 =	vmax.f32 v39, v1  }
0x193: {  	v43 =	vmul.f32 v0, v58;
	v61 =	vmax.f32 v39, v5  }
0x194: {  	v0 =	vmul.f32 v0, v59;
	v37 =	vmax.f32 v61, v6  }
0x195: {  	v37 =	vmax.f32 v37, v43  }
0x196: {  	v37 =	vmax.f32 v37, v0  }
0x197: {  	v20 =	vimm.s32 $0x8;
	vm7 =	veq.f32 v0, v37  }
0x198: {  	vm8 =	veq.f32 v43, v37;
	v62 =	vsel vm7, $0x7, v20  }
0x199: {  	vm9 =	veq.f32 v6, v37;
	v38 =	vsel vm8, $0x6, v62  }
0x19a: {  	vm10 =	veq.f32 v5, v37;
	v38 =	vsel vm9, $0x5, v38  }
0x19b: {  	vm11 =	veq.f32 v1, v37;
	v38 =	vsel vm10, $0x4, v38  }
0x19c: {  	vm12 =	veq.f32 v4, v37;
	v38 =	vsel vm11, $0x3, v38  }
0x19d: {  	vm13 =	veq.f32 v2, v37;
	v38 =	vsel vm12, $0x2, v38  }
0x19e: {  	vm14 =	vne.f32 v3, v37;
	vm5 =	veq.f32 v3, v37;
	v38 =	vsel vm13, $0x1, v38  }
0x19f: {  	vm7 =	vmand vm14, vm13;
	v37 =	vsel vm5, $0x0, v38  }
0x1a0: {  	v63 =	vsel vm5, $0xFF61B1E6, v3;
	v7 =	vsel vm7, $0xFF61B1E6, v2;
	vm6 =	veq.s32 v37, $0x2  }
0x1a1: {  	v41 =	vmax.f32 v63, v7;
	vm4 =	veq.s32 v37, $0x3;
	v40 =	vsel vm6, $0xFF61B1E6, v4  }
0x1a2: {  	vm3 =	veq.s32 v37, $0x4;
	v42 =	vsel vm4, $0xFF61B1E6, v1;
	v41 =	vmax.f32 v41, v40  }
0x1a3: {  	vm2 =	veq.s32 v37, $0x5;
	v44 =	vsel vm3, $0xFF61B1E6, v5;
	v41 =	vmax.f32 v41, v42  }
0x1a4: {  	vm1 =	veq.s32 v37, $0x6;
	v45 =	vsel vm2, $0xFF61B1E6, v6;
	v41 =	vmax.f32 v41, v44  }
0x1a5: {  	vm0 =	veq.s32 v37, $0x7;
	v46 =	vsel vm1, $0xFF61B1E6, v43;
	v8 =	vmax.f32 v41, v45  }
0x1a6: {  	v9 =	vsel vm0, $0xFF61B1E6, v0;
	v37 =	vmax.f32 v8, v46  }
0x1a7: {  	v37 =	vmax.f32 v37, v9  }
0x1a8: {  	vm15 =	veq.f32 v9, v37  }
0x1a9: {  	vm12 =	veq.f32 v46, v37;
	v41 =	vsel vm15, $0x7, v20  }
0x1aa: {  	vm13 =	veq.f32 v45, v37;
	v41 =	vsel vm12, $0x6, v41  }
0x1ab: {  	vm14 =	veq.f32 v44, v37;
	v41 =	vsel vm13, $0x5, v41  }
0x1ac: {  	vm15 =	veq.f32 v42, v37;
	v41 =	vsel vm14, $0x4, v41  }
0x1ad: {  	vm12 =	veq.f32 v40, v37;
	v41 =	vsel vm15, $0x3, v41  }
0x1ae: {  	vm13 =	veq.f32 v7, v37;
	vm14 =	vne.f32 v63, v37;
	v40 =	vsel vm12, $0x2, v41  }
0x1af: {  	vm15 =	veq.f32 v63, v37;
	vm8 =	vmand vm14, vm13;
	v39 =	vsel vm13, $0x1, v40  }
0x1b0: {  	vm5 =	vmor vm5, vm15;
	vm7 =	vmor vm7, vm8;
	v10 =	vsel vm15, $0x0, v39  }
0x1b1: {  	v37 =	vnsel vm7, $0x0, v2;
	v39 =	vnsel vm5, $0x0, v3;
	vm12 =	veq.s32 v10, $0x2  }
0x1b2: {  	v11 =	vld [tilespmem:$0x50];
	v2 =	vadd.f32 v37, v39;
	vm5 =	vmor vm6, vm12  }
0x1b3: {  	v12 =	vld [tilespmem:$0xD0];
	vm13 =	veq.s32 v10, $0x3;
	v38 =	vnsel vm5, $0x0, v4  }
0x1b4: {  	v13 =	vld [tilespmem:$0x150];
	vm4 =	vmor vm4, vm13;
	v2 =	vadd.f32 v38, v2  }
0x1b5: {  	v14 =	vld [tilespmem:$0x1D0];
	vm14 =	veq.s32 v10, $0x4;
	v40 =	vnsel vm4, $0x0, v1  }
0x1b6: {  	v15 =	vld [tilespmem:$0x250];
	vm3 =	vmor vm3, vm14;
	v2 =	vadd.f32 v2, v40  }
0x1b7: {  	v16 =	vld [tilespmem:$0x2D0];
	vm15 =	veq.s32 v10, $0x5;
	v41 =	vnsel vm3, $0x0, v5  }
0x1b8: {  	v47 =	vld [tilespmem:$0x350];
	v48 =	vmax.f32 v11, v12;
	vm2 =	vmor vm2, vm15;
	v2 =	vadd.f32 v2, v41  }
0x1b9: {  	v19 =	vld [tilespmem:$0x3D0];
	v48 =	vmax.f32 v48, v13;
	v42 =	vnsel vm2, $0x0, v6;
	vm5 =	veq.s32 v10, $0x6  }
0x1ba: {  	v48 =	vmax.f32 v48, v14;
	vm1 =	vmor vm1, vm5;
	v2 =	vadd.f32 v2, v42  }
0x1bb: {  	v50 =	vmax.f32 v48, v15;
	vm6 =	veq.s32 v10, $0x7;
	v43 =	vnsel vm1, $0x0, v43  }
0x1bc: {  	v48 =	vmax.f32 v50, v16;
	vm0 =	vmor vm0, vm6;
	v2 =	vadd.f32 v2, v43  }
0x1bd: {  	v51 =	vmax.f32 v48, v47;
	v44 =	vnsel vm0, $0x0, v0  }
0x1be: {  	v0 =	vmax.f32 v51, v19;
	v2 =	vadd.f32 v2, v44  }
0x1bf: {  	v3 =	vsub.f32 v11, v0  }
0x1c0: {  	v4 =	vsub.f32 v12, v0;
	v2 =	vadd.f32 $9.999999710e-10, v2  }
0x1c1: {  	v3 =	vmul.f32 $1.442695020e+00, v3  }
0x1c2: {  	v53 =	vsub.f32 v13, v0;
	v52 =	vmul.f32 $1.442695020e+00, v4;
	(erf) = vrcp.f32 v2  }
0x1c3: {  	(erf) = vpow2.f32 v3  }
0x1c4: {  	v1 =	vsub.f32 v14, v0;
	v54 =	vmul.f32 $1.442695020e+00, v53;
	(erf) = vpow2.f32 v52;
	_ =	sdelay $0x1  }
0x1c5: {  	v55 =	vsub.f32 v15, v0;
	v1 =	vmul.f32 $1.442695020e+00, v1;
	(erf) = vpow2.f32 v54;
	_ =	sdelay $0x1  }
0x1c6: {  	v57 =	vsub.f32 v16, v0;
	v56 =	vmul.f32 $1.442695020e+00, v55;
	(erf) = vpow2.f32 v1;
	_ =	sdelay $0x1  }
0x1c7: {  	v59 =	vsub.f32 v47, v0;
	v58 =	vmul.f32 $1.442695020e+00, v57;
	(erf) = vpow2.f32 v56  }
0x1c8: {  	v45 =	vpop (erf)  }
0x1c9: {  	v0 =	vsub.f32 v19, v0;
	v60 =	vmul.f32 $1.442695020e+00, v59;
	v3 =	vpop (erf);
	(erf) = vpow2.f32 v58  }
0x1ca: {  	v61 =	vpop (erf)  }
0x1cb: {  	v0 =	vmul.f32 $1.442695020e+00, v0;
	(erf) = vpow2.f32 v60;
	v62 =	vadd.f32 v61, v3  }
0x1cc: {  	v63 =	vpop (erf)  }
0x1cd: {  	(erf) = vpow2.f32 v0;
	v8 =	vadd.f32 v62, v63  }
0x1ce: {  	v9 =	vpop (erf)  }
0x1cf: {  	v0 =	vadd.f32 v8, v9  }
0x1d0: {  	v10 =	vpop (erf)  }
0x1d1: {  	v0 =	vadd.f32 v0, v10  }
0x1d2: {  	v11 =	vpop (erf)  }
0x1d3: {  	v0 =	vadd.f32 v0, v11  }
0x1d4: {  	v12 =	vpop (erf)  }
0x1d5: {  	v0 =	vadd.f32 v0, v12  }
0x1d6: {  	v13 =	vpop (erf)  }
0x1d7: {  	v0 =	vadd.f32 v0, v13;
	_ =	sdelay $0x1  }
0x1d8: {  	(erf) = vrcp.f32 v0;
	_ =	sdelay $0x8  }
0x1d9: {  	v0 =	vpop (erf)  }
0x1da: {  	v3 =	vmul.f32 v0, v3;
	v2 =	vmul.f32 v0, v61  }
0x1db: {  	v4 =	vmul.f32 v0, v63  }
0x1dc: {  	v1 =	vmul.f32 v0, v9;
	v14 =	vmax.f32 v3, v2  }
0x1dd: {  	v5 =	vmul.f32 v0, v10;
	v48 =	vmax.f32 v14, v4  }
0x1de: {  	v6 =	vmul.f32 v0, v11;
	v48 =	vmax.f32 v48, v1  }
0x1df: {  	v52 =	vmul.f32 v0, v12;
	v15 =	vmax.f32 v48, v5  }
0x1e0: {  	v0 =	vmul.f32 v0, v13;
	v46 =	vmax.f32 v15, v6  }
0x1e1: {  	v46 =	vmax.f32 v46, v52  }
0x1e2: {  	v46 =	vmax.f32 v46, v0  }
0x1e3: {  	vm7 =	veq.f32 v0, v46  }
0x1e4: {  	vm8 =	veq.f32 v52, v46;
	v16 =	vsel vm7, $0x7, v20  }
0x1e5: {  	vm9 =	veq.f32 v6, v46;
	v47 =	vsel vm8, $0x6, v16  }
0x1e6: {  	vm10 =	veq.f32 v5, v46;
	v47 =	vsel vm9, $0x5, v47  }
0x1e7: {  	vm11 =	veq.f32 v1, v46;
	v47 =	vsel vm10, $0x4, v47  }
0x1e8: {  	vm12 =	veq.f32 v4, v46;
	v47 =	vsel vm11, $0x3, v47  }
0x1e9: {  	vm13 =	veq.f32 v2, v46;
	v47 =	vsel vm12, $0x2, v47  }
0x1ea: {  	vm14 =	vne.f32 v3, v46;
	vm5 =	veq.f32 v3, v46;
	v47 =	vsel vm13, $0x1, v47  }
0x1eb: {  	vm7 =	vmand vm14, vm13;
	v46 =	vsel vm5, $0x0, v47  }
0x1ec: {  	v19 =	vsel vm5, $0xFF61B1E6, v3;
	v57 =	vsel vm7, $0xFF61B1E6, v2;
	vm6 =	veq.s32 v46, $0x2  }
0x1ed: {  	v50 =	vmax.f32 v19, v57;
	vm4 =	veq.s32 v46, $0x3;
	v49 =	vsel vm6, $0xFF61B1E6, v4  }
0x1ee: {  	vm3 =	veq.s32 v46, $0x4;
	v51 =	vsel vm4, $0xFF61B1E6, v1;
	v50 =	vmax.f32 v50, v49  }
0x1ef: {  	vm2 =	veq.s32 v46, $0x5;
	v53 =	vsel vm3, $0xFF61B1E6, v5;
	v50 =	vmax.f32 v50, v51  }
0x1f0: {  	vm1 =	veq.s32 v46, $0x6;
	v54 =	vsel vm2, $0xFF61B1E6, v6;
	v50 =	vmax.f32 v50, v53  }
0x1f1: {  	vm0 =	veq.s32 v46, $0x7;
	v55 =	vsel vm1, $0xFF61B1E6, v52;
	v58 =	vmax.f32 v50, v54  }
0x1f2: {  	v59 =	vsel vm0, $0xFF61B1E6, v0;
	v46 =	vmax.f32 v58, v55  }
0x1f3: {  	v46 =	vmax.f32 v46, v59  }
0x1f4: {  	vm15 =	veq.f32 v59, v46  }
0x1f5: {  	vm12 =	veq.f32 v55, v46;
	v50 =	vsel vm15, $0x7, v20  }
0x1f6: {  	vm13 =	veq.f32 v54, v46;
	v50 =	vsel vm12, $0x6, v50  }
0x1f7: {  	vm14 =	veq.f32 v53, v46;
	v50 =	vsel vm13, $0x5, v50  }
0x1f8: {  	vm15 =	veq.f32 v51, v46;
	v50 =	vsel vm14, $0x4, v50  }
0x1f9: {  	vm12 =	veq.f32 v49, v46;
	v50 =	vsel vm15, $0x3, v50  }
0x1fa: {  	vm13 =	veq.f32 v57, v46;
	vm14 =	vne.f32 v19, v46;
	v49 =	vsel vm12, $0x2, v50  }
0x1fb: {  	vm15 =	veq.f32 v19, v46;
	vm8 =	vmand vm14, vm13;
	v48 =	vsel vm13, $0x1, v49  }
0x1fc: {  	vm5 =	vmor vm5, vm15;
	vm7 =	vmor vm7, vm8;
	v60 =	vsel vm15, $0x0, v48  }
0x1fd: {  	v47 =	vnsel vm5, $0x0, v3;
	v46 =	vnsel vm7, $0x0, v2;
	vm12 =	veq.s32 v60, $0x2  }
0x1fe: {  	v62 =	vld [tilespmem:$0xE0];
	v2 =	vadd.f32 v46, v47;
	vm5 =	vmor vm6, vm12  }
0x1ff: {  	v61 =	vld [tilespmem:$0x60];
	vm13 =	veq.s32 v60, $0x3;
	v48 =	vnsel vm5, $0x0, v4  }
0x200: {  	v63 =	vld [tilespmem:$0x160];
	vm4 =	vmor vm4, vm13;
	v2 =	vadd.f32 v48, v2  }
0x201: {  	v9 =	vld [tilespmem:$0x1E0];
	vm14 =	veq.s32 v60, $0x4;
	v49 =	vnsel vm4, $0x0, v1  }
0x202: {  	v10 =	vld [tilespmem:$0x260];
	vm3 =	vmor vm3, vm14;
	v2 =	vadd.f32 v2, v49  }
0x203: {  	v11 =	vld [tilespmem:$0x2E0];
	vm15 =	veq.s32 v60, $0x5;
	v50 =	vnsel vm3, $0x0, v5  }
0x204: {  	v56 =	vld [tilespmem:$0x360];
	v57 =	vmax.f32 v61, v62;
	vm2 =	vmor vm2, vm15;
	v2 =	vadd.f32 v2, v50  }
0x205: {  	v12 =	vld [tilespmem:$0x3E0];
	v57 =	vmax.f32 v57, v63;
	v51 =	vnsel vm2, $0x0, v6;
	vm5 =	veq.s32 v60, $0x6  }
0x206: {  	v57 =	vmax.f32 v57, v9;
	vm1 =	vmor vm1, vm5;
	v2 =	vadd.f32 v2, v51  }
0x207: {  	v13 =	vmax.f32 v57, v10;
	vm6 =	veq.s32 v60, $0x7;
	v52 =	vnsel vm1, $0x0, v52  }
0x208: {  	v57 =	vmax.f32 v13, v11;
	vm0 =	vmor vm0, vm6;
	v2 =	vadd.f32 v2, v52  }
0x209: {  	v14 =	vmax.f32 v57, v56;
	v53 =	vnsel vm0, $0x0, v0  }
0x20a: {  	v0 =	vmax.f32 v14, v12;
	v2 =	vadd.f32 v2, v53  }
0x20b: {  	v3 =	vsub.f32 v61, v0  }
0x20c: {  	v4 =	vsub.f32 v62, v0;
	v2 =	vadd.f32 $9.999999710e-10, v2  }
0x20d: {  	v3 =	vmul.f32 $1.442695020e+00, v3  }
0x20e: {  	v16 =	vsub.f32 v63, v0;
	v15 =	vmul.f32 $1.442695020e+00, v4;
	(erf) = vrcp.f32 v2  }
0x20f: {  	(erf) = vpow2.f32 v3  }
0x210: {  	v1 =	vsub.f32 v9, v0;
	v19 =	vmul.f32 $1.442695020e+00, v16;
	(erf) = vpow2.f32 v15;
	_ =	sdelay $0x1  }
0x211: {  	v54 =	vsub.f32 v10, v0;
	v1 =	vmul.f32 $1.442695020e+00, v1;
	(erf) = vpow2.f32 v19;
	_ =	sdelay $0x1  }
0x212: {  	v57 =	vsub.f32 v11, v0;
	v55 =	vmul.f32 $1.442695020e+00, v54;
	(erf) = vpow2.f32 v1;
	_ =	sdelay $0x1  }
0x213: {  	v59 =	vsub.f32 v56, v0;
	v58 =	vmul.f32 $1.442695020e+00, v57;
	(erf) = vpow2.f32 v55  }
0x214: {  	v54 =	vpop (erf)  }
0x215: {  	v0 =	vsub.f32 v12, v0;
	v60 =	vmul.f32 $1.442695020e+00, v59;
	v3 =	vpop (erf);
	(erf) = vpow2.f32 v58  }
0x216: {  	v61 =	vpop (erf)  }
0x217: {  	v0 =	vmul.f32 $1.442695020e+00, v0;
	(erf) = vpow2.f32 v60;
	v62 =	vadd.f32 v61, v3  }
0x218: {  	v63 =	vpop (erf)  }
0x219: {  	(erf) = vpow2.f32 v0;
	v9 =	vadd.f32 v62, v63  }
0x21a: {  	v10 =	vpop (erf)  }
0x21b: {  	v0 =	vadd.f32 v9, v10  }
0x21c: {  	v11 =	vpop (erf)  }
0x21d: {  	v0 =	vadd.f32 v0, v11  }
0x21e: {  	v12 =	vpop (erf)  }
0x21f: {  	v0 =	vadd.f32 v0, v12  }
0x220: {  	v13 =	vpop (erf)  }
0x221: {  	v0 =	vadd.f32 v0, v13  }
0x222: {  	v14 =	vpop (erf)  }
0x223: {  	v0 =	vadd.f32 v0, v14;
	_ =	sdelay $0x1  }
0x224: {  	(erf) = vrcp.f32 v0;
	_ =	sdelay $0x8  }
0x225: {  	v0 =	vpop (erf)  }
0x226: {  	v3 =	vmul.f32 v0, v3;
	v2 =	vmul.f32 v0, v61  }
0x227: {  	v4 =	vmul.f32 v0, v63  }
0x228: {  	v1 =	vmul.f32 v0, v10;
	v15 =	vmax.f32 v3, v2  }
0x229: {  	v5 =	vmul.f32 v0, v11;
	v57 =	vmax.f32 v15, v4  }
0x22a: {  	v8 =	vmul.f32 v0, v12;
	v57 =	vmax.f32 v57, v1  }
0x22b: {  	v61 =	vmul.f32 v0, v13;
	v16 =	vmax.f32 v57, v5  }
0x22c: {  	v19 =	vmul.f32 v0, v14;
	v55 =	vmax.f32 v16, v8  }
0x22d: {  	v55 =	vmax.f32 v55, v61  }
0x22e: {  	v55 =	vmax.f32 v55, v19  }
0x22f: {  	vm7 =	veq.f32 v19, v55  }
0x230: {  	vm8 =	veq.f32 v61, v55;
	v63 =	vsel vm7, $0x7, v20  }
0x231: {  	vm9 =	veq.f32 v8, v55;
	v56 =	vsel vm8, $0x6, v63  }
0x232: {  	vm10 =	veq.f32 v5, v55;
	v56 =	vsel vm9, $0x5, v56  }
0x233: {  	vm11 =	veq.f32 v1, v55;
	v56 =	vsel vm10, $0x4, v56  }
0x234: {  	vm12 =	veq.f32 v4, v55;
	v56 =	vsel vm11, $0x3, v56  }
0x235: {  	vm13 =	veq.f32 v2, v55;
	v56 =	vsel vm12, $0x2, v56  }
0x236: {  	vm14 =	vne.f32 v3, v55;
	vm6 =	veq.f32 v3, v55;
	v56 =	vsel vm13, $0x1, v56  }
0x237: {  	vm7 =	vmand vm14, vm13;
	v55 =	vsel vm6, $0x0, v56  }
0x238: {  	v0 =	vsel vm6, $0xFF61B1E6, v3;
	v10 =	vsel vm7, $0xFF61B1E6, v2;
	vm5 =	veq.s32 v55, $0x2  }
0x239: {  	v59 =	vmax.f32 v0, v10;
	vm4 =	veq.s32 v55, $0x3;
	v58 =	vsel vm5, $0xFF61B1E6, v4  }
0x23a: {  	vm3 =	veq.s32 v55, $0x4;
	v60 =	vsel vm4, $0xFF61B1E6, v1;
	v59 =	vmax.f32 v59, v58  }
0x23b: {  	vm2 =	veq.s32 v55, $0x5;
	v62 =	vsel vm3, $0xFF61B1E6, v5;
	v59 =	vmax.f32 v59, v60  }
0x23c: {  	vm1 =	veq.s32 v55, $0x6;
	v63 =	vsel vm2, $0xFF61B1E6, v8;
	v59 =	vmax.f32 v59, v62  }
0x23d: {  	vm0 =	veq.s32 v55, $0x7;
	v12 =	vsel vm1, $0xFF61B1E6, v61;
	v11 =	vmax.f32 v59, v63  }
0x23e: {  	v13 =	vsel vm0, $0xFF61B1E6, v19;
	v55 =	vmax.f32 v11, v12  }
0x23f: {  	v55 =	vmax.f32 v55, v13  }
0x240: {  	vm15 =	veq.f32 v13, v55  }
0x241: {  	vm12 =	veq.f32 v12, v55;
	v7 =	vsel vm15, $0x7, v20  }
0x242: {  	vm13 =	veq.f32 v63, v55;
	v7 =	vsel vm12, $0x6, v7  }
0x243: {  	vm14 =	veq.f32 v62, v55;
	v7 =	vsel vm13, $0x5, v7  }
0x244: {  	vm15 =	veq.f32 v60, v55;
	v7 =	vsel vm14, $0x4, v7  }
0x245: {  	vm12 =	veq.f32 v58, v55;
	v7 =	vsel vm15, $0x3, v7  }
0x246: {  	vm13 =	veq.f32 v10, v55;
	vm14 =	vne.f32 v0, v55;
	v7 =	vsel vm12, $0x2, v7  }
0x247: {  	vm15 =	veq.f32 v0, v55;
	vm8 =	vmand vm14, vm13;
	v7 =	vsel vm13, $0x1, v7  }
0x248: {  	vm6 =	vmor vm6, vm15;
	vm7 =	vmor vm7, vm8;
	v7 =	vsel vm15, $0x0, v7  }
0x249: {  	v56 =	vnsel vm6, $0x0, v3;
	v55 =	vnsel vm7, $0x0, v2;
	vm12 =	veq.s32 v7, $0x2  }
0x24a: {  	v14 =	vld [tilespmem:$0xF0];
	v2 =	vadd.f32 v55, v56;
	vm5 =	vmor vm5, vm12  }
0x24b: {  	v3 =	vld [tilespmem:$0x70];
	vm13 =	veq.s32 v7, $0x3;
	v57 =	vnsel vm5, $0x0, v4  }
0x24c: {  	v15 =	vld [tilespmem:$0x170];
	vm4 =	vmor vm4, vm13;
	v2 =	vadd.f32 v57, v2  }
0x24d: {  	vm14 =	veq.s32 v7, $0x4;
	v58 =	vnsel vm4, $0x0, v1;
	v1 =	vld [tilespmem:$0x1F0]  }
0x24e: {  	v62 =	vld [tilespmem:$0x270];
	vm3 =	vmor vm3, vm14;
	v2 =	vadd.f32 v2, v58  }
0x24f: {  	vm15 =	veq.s32 v7, $0x5;
	v59 =	vnsel vm3, $0x0, v5;
	v5 =	vld [tilespmem:$0x2F0]  }
0x250: {  	v6 =	vld [tilespmem:$0x370];
	vm2 =	vmor vm2, vm15;
	v12 =	vmax.f32 v3, v14;
	v2 =	vadd.f32 v2, v59  }
0x251: {  	v13 =	vld [tilespmem:$0x3F0];
	v60 =	vnsel vm2, $0x0, v8;
	vm5 =	veq.s32 v7, $0x6;
	v0 =	vmax.f32 v12, v15  }
0x252: {  	vm1 =	vmor vm1, vm5;
	v0 =	vmax.f32 v0, v1;
	v2 =	vadd.f32 v2, v60  }
0x253: {  	vm6 =	veq.s32 v7, $0x7;
	v61 =	vnsel vm1, $0x0, v61;
	v0 =	vmax.f32 v0, v62  }
0x254: {  	vm0 =	vmor vm0, vm6;
	v0 =	vmax.f32 v0, v5;
	v2 =	vadd.f32 v2, v61  }
0x255: {  	v19 =	vnsel vm0, $0x0, v19;
	v0 =	vmax.f32 v0, v6  }
0x256: {  	v0 =	vmax.f32 v0, v13;
	v2 =	vadd.f32 v2, v19  }
0x257: {  	v3 =	vsub.f32 v3, v0  }
0x258: {  	v4 =	vsub.f32 v14, v0;
	v2 =	vadd.f32 $9.999999710e-10, v2  }
0x259: {  	v3 =	vmul.f32 $1.442695020e+00, v3  }
0x25a: {  	v15 =	vsub.f32 v15, v0;
	v14 =	vmul.f32 $1.442695020e+00, v4;
	(erf) = vrcp.f32 v2  }
0x25b: {  	(erf) = vpow2.f32 v3  }
0x25c: {  	v1 =	vsub.f32 v1, v0;
	v16 =	vmul.f32 $1.442695020e+00, v15;
	(erf) = vpow2.f32 v14;
	_ =	sdelay $0x1  }
0x25d: {  	v63 =	vsub.f32 v62, v0;
	v1 =	vmul.f32 $1.442695020e+00, v1;
	(erf) = vpow2.f32 v16;
	_ =	sdelay $0x1  }
0x25e: {  	v7 =	vsub.f32 v5, v0;
	v4 =	vmul.f32 $1.442695020e+00, v63;
	(erf) = vpow2.f32 v1;
	_ =	sdelay $0x1  }
0x25f: {  	v10 =	vsub.f32 v6, v0;
	v9 =	vmul.f32 $1.442695020e+00, v7;
	(erf) = vpow2.f32 v4  }
0x260: {  	v63 =	vpop (erf)  }
0x261: {  	v0 =	vsub.f32 v13, v0;
	v11 =	vmul.f32 $1.442695020e+00, v10;
	(erf) = vpow2.f32 v9;
	v5 =	vpop (erf)  }
0x262: {  	v12 =	vpop (erf)  }
0x263: {  	v0 =	vmul.f32 $1.442695020e+00, v0;
	(erf) = vpow2.f32 v11;
	v13 =	vadd.f32 v12, v5  }
0x264: {  	v14 =	vpop (erf)  }
0x265: {  	(erf) = vpow2.f32 v0;
	v15 =	vadd.f32 v13, v14  }
0x266: {  	v1 =	vpop (erf)  }
0x267: {  	v0 =	vadd.f32 v15, v1  }
0x268: {  	v8 =	vpop (erf)  }
0x269: {  	v0 =	vadd.f32 v0, v8  }
0x26a: {  	v9 =	vpop (erf)  }
0x26b: {  	v0 =	vadd.f32 v0, v9  }
0x26c: {  	v16 =	vpop (erf)  }
0x26d: {  	v0 =	vadd.f32 v0, v16  }
0x26e: {  	v6 =	vpop (erf)  }
0x26f: {  	v0 =	vadd.f32 v0, v6;
	_ =	sdelay $0x1  }
0x270: {  	(erf) = vrcp.f32 v0;
	_ =	sdelay $0x8  }
0x271: {  	v0 =	vpop (erf)  }
0x272: {  	v10 =	vmul.f32 v0, v5;
	v11 =	vmul.f32 v0, v12  }
0x273: {  	v12 =	vmul.f32 v0, v14  }
0x274: {  	v13 =	vmul.f32 v0, v1;
	v7 =	vmax.f32 v10, v11  }
0x275: {  	v14 =	vmul.f32 v0, v8;
	v1 =	vmax.f32 v7, v12  }
0x276: {  	v9 =	vmul.f32 v0, v9;
	v1 =	vmax.f32 v1, v13  }
0x277: {  	v5 =	vld [tilespmem:$0x1FEE0];
	v1 =	vmax.f32 v1, v14  }
0x278: {  	v8 =	vmax.f32 v1, v9;
	v1 =	vld [tilespmem:$0x1FEF0]  }
0x279: {  	v7 =	vld [tilespmem:$0x1FF10];
	_ =	sdelay $0x1  }
0x27a: {  	v15 =	vmul.f32 v0, v16  }
0x27b: {  	v16 =	vmul.f32 v0, v6;
	v6 =	vld [tilespmem:$0x1FF00]  }
0x27c: {  	v2 =	vmul.f32 v1, v5;
	v5 =	vmax.f32 v8, v15;
	v8 =	vld [tilespmem:$0x1FF20]  }
0x27d: {  	v4 =	vmul.f32 v1, v7;
	v7 =	vld [tilespmem:$0x1FF40]  }
0x27e: {  	v3 =	vmax.f32 v5, v16;
	v5 =	vld [tilespmem:$0x1FF30]  }
0x27f: {  	[tilespmem:$0x400] =	vst v2;
	v2 =	vld [tilespmem:$0x1FF60]  }
0x280: {  	v62 =	vmul.f32 v1, v6;
	[tilespmem:$0x500] =	vst v4;
	v4 =	vld [tilespmem:$0x1FF70]  }
0x281: {  	v6 =	vmul.f32 v1, v8;
	v8 =	vld [tilespmem:$0x1FF50]  }
0x282: {  	[tilespmem:$0x480] =	vst v62;
	v62 =	vld [tilespmem:$0x1FF90];
	_ =	sdelay $0x2  }
0x283: {  	v7 =	vmul.f32 v1, v7;
	v5 =	vmul.f32 v1, v5  }
0x284: {  	v2 =	vmul.f32 v1, v2;
	v8 =	vmul.f32 v1, v8  }
0x285: {  	v1 =	vmul.f32 v18, v4;
	v4 =	vmul.f32 v18, v62;
	v62 =	vld [tilespmem:$0x1FFA0];
	_ =	sdelay $0x3  }
0x286: {  	[tilespmem:$0x580] =	vst v6;
	v6 =	vld [tilespmem:$0x1FF80]  }
0x287: {  	[tilespmem:$0x600] =	vst v5;
	v5 =	vmul.f32 v18, v62;
	v62 =	vld [tilespmem:$0x1FFB0];
	_ =	sdelay $0x1  }
0x288: {  	vm7 =	veq.f32 v16, v3;
	vm8 =	veq.f32 v15, v3;
	vm9 =	veq.f32 v9, v3  }
0x289: {  	vm10 =	veq.f32 v14, v3;
	vm11 =	veq.f32 v13, v3;
	vm12 =	veq.f32 v12, v3  }
0x28a: {  	vm13 =	veq.f32 v11, v3;
	vm14 =	vne.f32 v10, v3;
	vm3 =	veq.f32 v10, v3  }
0x28b: {  	v0 =	vsel vm7, $0x7, v20;
	v3 =	vmul.f32 v18, v6;
	v6 =	vmul.f32 v18, v62;
	v62 =	vld [tilespmem:$0x1FFC0]  }
0x28c: {  	v0 =	vsel vm8, $0x6, v0  }
0x28d: {  	v23 =	vmul.f32 v27, v23;
	v0 =	vsel vm9, $0x5, v0  }
0x28e: {  	v0 =	vsel vm10, $0x4, v0  }
0x28f: {  	v24 =	vmul.f32 v27, v24;
	[tilespmem:$0x620] =	vst v23;
	v23 =	vmul.f32 v36, v33;
	v0 =	vsel vm11, $0x3, v0  }
0x290: {  	v33 =	vmul.f32 v45, v40;
	v0 =	vsel vm12, $0x2, v0;
	[tilespmem:$0x700] =	vst v8;
	v8 =	vmul.f32 v18, v62;
	v62 =	vld [tilespmem:$0x1FFD0]  }
0x291: {  	v40 =	vmul.f32 v54, v47;
	v0 =	vsel vm13, $0x1, v0;
	[tilespmem:$0x780] =	vst v2;
	v2 =	vmul.f32 v18, v17  }
0x292: {  	v47 =	vmul.f32 v54, v52;
	vm7 =	vmand vm14, vm13;
	[tilespmem:$0x680] =	vst v7;
	v0 =	vsel vm3, $0x0, v0  }
0x293: {  	v52 =	vmul.f32 v63, v58;
	v17 =	vsel vm7, $0xFF61B1E6, v11;
	vm6 =	veq.s32 v0, $0x2;
	[tilespmem:$0x790] =	vst v2  }
0x294: {  	vm5 =	veq.s32 v0, $0x3;
	vm4 =	veq.s32 v0, $0x4;
	[tilespmem:$0x410] =	vst v1;
	v1 =	vsel vm3, $0xFF61B1E6, v10  }
0x295: {  	v7 =	vld [tilespmem:$0x1FFE0];
	[tilespmem:$0x490] =	vst v3;
	v3 =	vsel vm6, $0xFF61B1E6, v12;
	v62 =	vmul.f32 v18, v62;
	v18 =	vmax.f32 v1, v17  }
0x296: {  	vm2 =	veq.s32 v0, $0x5;
	[tilespmem:$0x510] =	vst v4;
	v4 =	vsel vm5, $0xFF61B1E6, v13;
	v18 =	vmax.f32 v18, v3  }
0x297: {  	vm1 =	veq.s32 v0, $0x6;
	[tilespmem:$0x590] =	vst v5;
	v5 =	vsel vm4, $0xFF61B1E6, v14;
	v18 =	vmax.f32 v18, v4  }
0x298: {  	vm0 =	veq.s32 v0, $0x7;
	[tilespmem:$0x610] =	vst v6;
	v6 =	vsel vm2, $0xFF61B1E6, v9;
	v18 =	vmax.f32 v18, v5  }
0x299: {  	v0 =	vsel vm1, $0xFF61B1E6, v15;
	[tilespmem:$0x690] =	vst v8;
	v8 =	vmax.f32 v18, v6;
	v18 =	vmul.f32 v27, v21  }
0x29a: {  	v2 =	vmul.f32 v27, v7;
	[tilespmem:$0x710] =	vst v62;
	v62 =	vsel vm0, $0xFF61B1E6, v16;
	v8 =	vmax.f32 v8, v0  }
0x29b: {  	v21 =	vmul.f32 v27, v22;
	v8 =	vmax.f32 v8, v62;
	[tilespmem:$0x420] =	vst v18;
	v18 =	vmul.f32 v36, v29  }
0x29c: {  	[tilespmem:$0x6A0] =	vst v24;
	v29 =	vmul.f32 v45, v39;
	vm15 =	veq.f32 v62, v8;
	vm12 =	veq.f32 v0, v8  }
0x29d: {  	[tilespmem:$0x6B0] =	vst v23;
	vm13 =	veq.f32 v6, v8;
	vm14 =	veq.f32 v5, v8;
	v22 =	vsel vm15, $0x7, v20  }
0x29e: {  	[tilespmem:$0x5C0] =	vst v33;
	v6 =	vmul.f32 v27, v26;
	vm15 =	veq.f32 v4, v8;
	v0 =	vsel vm12, $0x6, v22  }
0x29f: {  	[tilespmem:$0x450] =	vst v40;
	v20 =	vmul.f32 v36, v31;
	vm12 =	veq.f32 v3, v8;
	v0 =	vsel vm13, $0x5, v0  }
0x2a0: {  	[tilespmem:$0x750] =	vst v47;
	v22 =	vmul.f32 v36, v32;
	v32 =	vmul.f32 v45, v38;
	v0 =	vsel vm14, $0x4, v0  }
0x2a1: {  	[tilespmem:$0x5E0] =	vst v52;
	v38 =	vmul.f32 v45, v44;
	v44 =	vmul.f32 v54, v49;
	v0 =	vsel vm15, $0x3, v0  }
0x2a2: {  	[tilespmem:$0x4A0] =	vst v2;
	vm13 =	veq.f32 v17, v8;
	vm15 =	vne.f32 v1, v8;
	v0 =	vsel vm12, $0x2, v0  }
0x2a3: {  	[tilespmem:$0x5A0] =	vst v21;
	vm14 =	veq.f32 v1, v8;
	vm8 =	vmand vm15, vm13;
	v0 =	vsel vm13, $0x1, v0  }
0x2a4: {  	v62 =	vld [tilespmem:$0x1FFF0];
	[tilespmem:$0x530] =	vst v18;
	vm3 =	vmor vm3, vm14;
	vm9 =	vmor vm7, vm8;
	v0 =	vsel vm14, $0x0, v0  }
0x2a5: {  	[tilespmem:$0x440] =	vst v29;
	v21 =	vnsel vm3, $0x0, v10;
	v24 =	vnsel vm9, $0x0, v11;
	vm10 =	veq.s32 v0, $0x2  }
0x2a6: {  	[tilespmem:$0x7A0] =	vst v6;
	v49 =	vmul.f32 v63, v56;
	v26 =	vadd.f32 v24, v21;
	vm3 =	vmor vm6, vm10  }
0x2a7: {  	v17 =	vmul.f32 v36, v28;
	[tilespmem:$0x5B0] =	vst v20;
	vm11 =	veq.s32 v0, $0x3;
	v28 =	vnsel vm3, $0x0, v12  }
0x2a8: {  	v56 =	vmul.f32 v63, v19;
	[tilespmem:$0x630] =	vst v22;
	vm3 =	vmor vm5, vm11;
	v5 =	vadd.f32 v28, v26  }
0x2a9: {  	[tilespmem:$0x540] =	vst v32;
	v7 =	vmul.f32 v27, v62;
	vm12 =	veq.s32 v0, $0x4;
	v31 =	vnsel vm3, $0x0, v13  }
0x2aa: {  	[tilespmem:$0x7C0] =	vst v38;
	v62 =	vmul.f32 v27, v25;
	vm3 =	vmor vm4, vm12;
	v5 =	vadd.f32 v5, v31  }
0x2ab: {  	[tilespmem:$0x5D0] =	vst v44;
	v25 =	vmul.f32 v36, v34;
	vm13 =	veq.s32 v0, $0x5;
	v34 =	vnsel vm3, $0x0, v14  }
0x2ac: {  	[tilespmem:$0x460] =	vst v49;
	vm2 =	vmor vm2, vm13;
	v5 =	vadd.f32 v5, v34  }
0x2ad: {  	[tilespmem:$0x7E0] =	vst v56;
	vm14 =	veq.s32 v0, $0x6;
	v9 =	vnsel vm2, $0x0, v9  }
0x2ae: {  	[tilespmem:$0x4B0] =	vst v17;
	vm1 =	vmor vm1, vm14;
	v5 =	vadd.f32 v5, v9  }
0x2af: {  	[tilespmem:$0x520] =	vst v7;
	vm15 =	veq.s32 v0, $0x7;
	v39 =	vnsel vm1, $0x0, v15  }
0x2b0: {  	v27 =	vmul.f32 v36, v35;
	[tilespmem:$0x720] =	vst v62;
	vm0 =	vmor vm0, vm15;
	v5 =	vadd.f32 v5, v39  }
0x2b1: {  	v35 =	vmul.f32 v45, v41;
	[tilespmem:$0x730] =	vst v25;
	v41 =	vnsel vm0, $0x0, v16  }
0x2b2: {  	v7 =	vmul.f32 v36, v30;
	[tilespmem:$0x7B0] =	vst v27;
	v5 =	vadd.f32 v5, v41  }
0x2b3: {  	v30 =	vmul.f32 v45, v37;
	[tilespmem:$0x640] =	vst v35  }
0x2b4: {  	v36 =	vmul.f32 v45, v42;
	[tilespmem:$0x430] =	vst v7;
	v5 =	vadd.f32 $9.999999710e-10, v5  }
0x2b5: {  	v37 =	vmul.f32 v45, v43;
	[tilespmem:$0x4C0] =	vst v30  }
0x2b6: {  	v42 =	vmul.f32 v54, v46;
	[tilespmem:$0x6C0] =	vst v36;
	(erf) = vrcp.f32 v5  }
0x2b7: {  	v43 =	vmul.f32 v54, v48;
	[tilespmem:$0x740] =	vst v37  }
0x2b8: {  	v45 =	vmul.f32 v54, v50;
	[tilespmem:$0x4D0] =	vst v42  }
0x2b9: {  	v46 =	vmul.f32 v54, v51;
	[tilespmem:$0x550] =	vst v43  }
0x2ba: {  	v48 =	vmul.f32 v54, v53;
	[tilespmem:$0x650] =	vst v45  }
0x2bb: {  	v50 =	vmul.f32 v63, v55;
	[tilespmem:$0x6D0] =	vst v46  }
0x2bc: {  	v51 =	vmul.f32 v63, v57;
	[tilespmem:$0x7D0] =	vst v48  }
0x2bd: {  	v53 =	vmul.f32 v63, v59;
	[tilespmem:$0x4E0] =	vst v50  }
0x2be: {  	v54 =	vmul.f32 v63, v60;
	[tilespmem:$0x560] =	vst v51  }
0x2bf: {  	v55 =	vmul.f32 v63, v61;
	[tilespmem:$0x660] =	vst v53;
	v57 =	vpop (erf)  }
0x2c0: {  	[tilespmem:$0x6E0] =	vst v54;
	v1 =	vmul.f32 v57, v21  }
0x2c1: {  	[tilespmem:$0x760] =	vst v55;
	v58 =	vmul.f32 v57, v24  }
0x2c2: {  	v59 =	vmul.f32 v57, v28;
	[tilespmem:$0x470] =	vst v1  }
0x2c3: {  	v60 =	vmul.f32 v57, v31;
	[tilespmem:$0x4F0] =	vst v58  }
0x2c4: {  	v61 =	vmul.f32 v57, v34;
	[tilespmem:$0x570] =	vst v59  }
0x2c5: {  	v62 =	vmul.f32 v57, v9;
	[tilespmem:$0x5F0] =	vst v60  }
0x2c6: {  	v0 =	vmul.f32 v57, v39;
	[tilespmem:$0x670] =	vst v61  }
0x2c7: {  	v63 =	vmul.f32 v57, v41;
	[tilespmem:$0x6F0] =	vst v62  }
0x2c8: {  	[tilespmem:$0x770] =	vst v0  }
0x2c9: {  	[tilespmem:$0x7F0] =	vst v63  }
0x2ca: {  	[hbm4b:s7+s2] =	stream.linear.scatter [tilespmem:s24], [sflag:$0x1], $0x80, $0x38;
	[tilespmem:$0x800] =	vst v63  }
0x2cb: {  	_ =	swait.ge [sflag:s16], $0x80  }
0x2cc: {  	[sflag:s16] =	ssyncset.done $0x0  }
0x2cd: {  	[sflag:s16] =	ssyncadd.s32 $0xFFFFFF80  }
0x2ce: {  	[hbm4b:s8+s2] =	stream.linear.scatter [tilespmem:s25], [sflag:$0x1], $0x80, $0x38;
	[tilespmem:$0x800] =	vst v63  }
0x2cf: {  	_ =	swait.ge [sflag:s16], $0x80  }
0x2d0: {  	[sflag:s16] =	ssyncset.done $0x0  }
0x2d1: {  	[sflag:s16] =	ssyncadd.s32 $0xFFFFFF80  }
0x2d2: {  	[hbm4b:s9+s2] =	stream.linear.scatter [tilespmem:s26], [sflag:$0x1], $0x80, $0x38;
	[tilespmem:$0x800] =	vst v63  }
0x2d3: {  	_ =	swait.ge [sflag:s16], $0x80  }
0x2d4: {  	[sflag:s16] =	ssyncset.done $0x0  }
0x2d5: {  	[sflag:s16] =	ssyncadd.s32 $0xFFFFFF80  }
0x2d6: {  	[hbm4b:s10+s2] =	stream.linear.scatter [tilespmem:s28], [sflag:$0x1], $0x80, $0x38;
	[tilespmem:$0x800] =	vst v63  }
0x2d7: {  	_ =	swait.ge [sflag:s16], $0x80  }
0x2d8: {  	[sflag:s16] =	ssyncset.done $0x0  }
0x2d9: {  	[sflag:s16] =	ssyncadd.s32 $0xFFFFFF80  }
0x2da: {  	[hbm4b:s11+s2] =	stream.linear.scatter [tilespmem:s29], [sflag:$0x1], $0x80, $0x38;
	[tilespmem:$0x800] =	vst v63  }
0x2db: {  	_ =	swait.ge [sflag:s16], $0x80  }
0x2dc: {  	[sflag:s16] =	ssyncset.done $0x0  }
0x2dd: {  	[sflag:s16] =	ssyncadd.s32 $0xFFFFFF80  }
0x2de: {  	[hbm4b:s12+s2] =	stream.linear.scatter [tilespmem:s30], [sflag:$0x1], $0x80, $0x38;
	[tilespmem:$0x800] =	vst v63  }
0x2df: {  	_ =	swait.ge [sflag:s16], $0x80  }
0x2e0: {  	[sflag:s16] =	ssyncset.done $0x0  }
0x2e1: {  	[sflag:s16] =	ssyncadd.s32 $0xFFFFFF80  }
0x2e2: {  	[hbm4b:s13+s2] =	stream.linear.scatter [tilespmem:s31], [sflag:$0x1], $0x80, $0x38;
	[tilespmem:$0x800] =	vst v63  }
0x2e3: {  	_ =	swait.ge [sflag:s16], $0x80  }
0x2e4: {  	p0 =	sne.s32 s15, $0x1;
	[sflag:s16] =	ssyncset.done $0x0  }
.Ltmp0:
0x2e5: {  	[sflag:s16] =	ssyncadd.s32 $0xFFFFFF80;
	(pc) =	sbr.rel @p0 .LBB2_1-.Ltmp0, $4  }
0x2e6: {  	[hbm4b:s14+s2] =	stream.linear.scatter [tilespmem:s0], [sflag:$0x1], $0x80, $0x38;
	[tilespmem:$0x800] =	vst v63  }
0x2e7: {  	_ =	swait.ge [sflag:s16], $0x80  }
0x2e8: {  	[sflag:s16] =	ssyncset.done $0x0  }
0x2e9: {  	s15 =	sadd.s32 $0xFFFFFFFF, s15;
	[sflag:s16] =	ssyncadd.s32 $0xFFFFFF80  }
0x2ea: {  	_ =	sfence.sel $0x180000  }
0x2eb: {  	[bflag:$0x0] =	sbarrier.arrive $0xFFFF  }
0x2ec: {  	_ =	strace $0x90000047  }
0x2ed: {  	s0 =	stileid.u32;
	[bflag:$0x2] =	sbarrier.arrive $0xFFFF  }
0x2ee: {  	p0 =	sne.s32 s0, $0x0;
	s0 =	rddreg [dreg:$0x2]  }
0x2ef: {  	s0 =	sadd.s32 @!p0 $0x100000, s0  }
0x2f0: {  	[sflag:s0] =	ssyncadd.tile.s32 @!p0 $0x1;
	_ =	shalt  }
.Lfunc_end2:
_tile_overlayer_lowered:
.L_overlay_start_2:
0x2f1: {  	(tag) =	ssettag $0x2  }
0x2f2: {  	s0 =	rddreg [dreg:$0x0];
	s2 =	stileid.u32  }
0x2f3: {  	s1 =	rddreg [dreg:$0x1];
	p0 =	sne.s32 s2, $0x0  }
0x2f4: {  	s3 =	rddreg [dreg:$0x2];
	[bflag:$0x3] =	sbarrier.arrive $0xFFFF;
	s2 =	simm.s32 @!p0 $0x1C01  }
0x2f5: {  	[timem:s3], [sflag:s2] =	dma.local @!p0 [hbm:s0], s1  }
0x2f6: {  	s0 =	simm.s32 @!p0 $0x1  }
0x2f7: {  	_ =	swait.ge @!p0 [sflag:s0], s1  }
0x2f8: {  	s1 =	ssub.s32 @!p0 $0x0, s1;
	[sflag:s0] =	ssyncset.done @!p0 $0x0  }
0x2f9: {  	[sflag:s0] =	ssyncadd.s32 @!p0 s1  }
0x2fa: {  	[bflag:$0x3] =	sbarrier.arrive $0xFFFF  }
0x2fb: {  	_ =	shalt  }

</sc_bundles>
